<compile_context>
chip_gen: v7x
topology: tpu7x:2x2x1
jax: 0.10.2.dev20260603
libtpu: 0.0.44.dev20260713+nightly
codegen_flags: <defaults>
</compile_context>

<pallas_src>
import functools

import jax
import jax.numpy as jnp
from jax import lax
from jax.experimental import pallas as pl
from jax.experimental.pallas import tpu as pltpu
from jax.experimental.pallas import tpu_sc as plsc

_N = 10000
_E = 320000
_C = 32
_R_MAX = 5.0
_INV_AVG = 1.0 / 32.0

_NC = 2
_NS = 16
_NW = _NC * _NS
_EPW = _E // _NW
_K = 1000
_G = _EPW // _K
_KS = 200
_GS = _EPW // _KS
_NPAD = 10240
_RPS = _NPAD // _NS

_sc_mesh = plsc.VectorSubcoreMesh(core_axis_name="c", subcore_axis_name="s")


@functools.partial(
    pl.kernel,
    out_type=jax.ShapeDtypeStruct((_E,), jnp.float32),
    mesh=_sc_mesh,
    scratch_types=[
        pltpu.VMEM((_N, 4), jnp.float32),
        pltpu.VMEM((_K,), jnp.int32),
        pltpu.VMEM((_K,), jnp.int32),
        pltpu.VMEM((_K,), jnp.float32),
    ],
    compiler_params=pltpu.CompilerParams(use_tc_tiling_on_sc=False,
                                         needs_layout_passes=False),
)
def _edge_r2(pos_hbm, snd_hbm, rcv_hbm, r2_hbm, ptbl, isb, irb, r2b):
    wid = lax.axis_index("s") * _NC + lax.axis_index("c")
    pltpu.sync_copy(pos_hbm, ptbl)
    base = wid * _EPW

    def body(g, carry):
        off = base + g * _K
        pltpu.sync_copy(snd_hbm.at[pl.ds(off, _K)], isb)
        pltpu.sync_copy(rcv_hbm.at[pl.ds(off, _K)], irb)

        @plsc.parallel_loop(0, _K // 16, unroll=2)
        def _grp(t):
            sidx = isb[pl.ds(t * 16, 16)]
            ridx = irb[pl.ds(t * 16, 16)]
            r2 = None
            for c in range(3):
                cc = jnp.full((16,), c, jnp.int32)
                d = (plsc.load_gather(ptbl, [ridx, cc])
                     - plsc.load_gather(ptbl, [sidx, cc]))
                r2 = d * d if r2 is None else r2 + d * d
            r2b[pl.ds(t * 16, 16)] = r2

        pltpu.sync_copy(r2b, r2_hbm.at[pl.ds(off, _K)])
        return carry

    lax.fori_loop(0, _G, body, 0)


def _scatter_body(lane_off, tbl_hbm, m_hbm, snd_hbm, rcv_hbm, out_hbm,
                  is0, ir0, is1, ir1, rows0, rows1, mb0, mb1, zbuf, acc,
                  sg0, sg1, sm0, sm1, si0, si1):
    cid = lax.axis_index("c")
    sid = lax.axis_index("s")
    wid = sid * _NC + cid

    zero = jnp.zeros((16,), jnp.float32)

    @plsc.parallel_loop(0, _RPS, unroll=4)
    def _zb(i):
        zbuf[i, pl.ds(0, 16)] = zero
        zbuf[i, pl.ds(16, 16)] = zero

    pltpu.sync_copy(zbuf, acc.at[pl.ds(sid * _RPS, _RPS)])
    plsc.subcore_barrier()

    base = wid * _EPW

    def issue_idx(g, isb, irb, sem):
        off = base + g * _KS
        pltpu.async_copy(snd_hbm.at[pl.ds(off, _KS)], isb, sem)
        pltpu.async_copy(rcv_hbm.at[pl.ds(off, _KS)], irb, sem)

    def drain_idx(isb, irb, sem):
        pltpu.make_async_copy(snd_hbm.at[pl.ds(0, _KS)], isb, sem).wait()
        pltpu.make_async_copy(rcv_hbm.at[pl.ds(0, _KS)], irb, sem).wait()

    def issue_gm(g, isb, rowsb, mbb, semg, semm):
        off = base + g * _KS
        pltpu.async_copy(tbl_hbm.at[isb], rowsb, semg)
        pltpu.async_copy(
            m_hbm.at[pl.ds(off // 8, _KS // 8), :, pl.ds(lane_off, _C)],
            mbb, semm)

    def drain_gm(rowsb, mbb, semg, semm):
        pltpu.make_async_copy(tbl_hbm.at[pl.ds(0, _KS)], rowsb, semg).wait()
        pltpu.make_async_copy(
            m_hbm.at[pl.ds(0, _KS // 8), :, pl.ds(lane_off, _C)],
            mbb, semm).wait()

    def mul_scatter(rowsb, mbb, irb):
        @plsc.parallel_loop(0, _KS // 8, unroll=2)
        def _mul(t):
            for s in range(8):
                rr = t * 8 + s
                rowsb[rr, pl.ds(0, 16)] = rowsb[rr, pl.ds(0, 16)] * mbb[t, s, pl.ds(0, 16)]
                rowsb[rr, pl.ds(16, 16)] = rowsb[rr, pl.ds(16, 16)] * mbb[t, s, pl.ds(16, 16)]

        pltpu.sync_copy(rowsb, acc.at[irb], add=True)

    pltpu.sync_copy(snd_hbm.at[pl.ds(base, _KS)], is0)
    pltpu.sync_copy(rcv_hbm.at[pl.ds(base, _KS)], ir0)
    issue_gm(0, is0, rows0, mb0, sg0, sm0)
    issue_idx(1, is1, ir1, si1)

    def body(j, carry):
        not_last = j < _GS // 2 - 1
        drain_gm(rows0, mb0, sg0, sm0)
        drain_idx(is1, ir1, si1)
        issue_gm(2 * j + 1, is1, rows1, mb1, sg1, sm1)
        mul_scatter(rows0, mb0, ir0)

        @pl.when(not_last)
        def _():
            issue_idx(2 * j + 2, is0, ir0, si0)

        drain_gm(rows1, mb1, sg1, sm1)

        @pl.when(not_last)
        def _():
            drain_idx(is0, ir0, si0)
            issue_gm(2 * j + 2, is0, rows0, mb0, sg0, sm0)

        mul_scatter(rows1, mb1, ir1)

        @pl.when(not_last)
        def _():
            issue_idx(2 * j + 3, is1, ir1, si1)

        return carry

    lax.fori_loop(0, _GS // 2, body, 0)
    plsc.subcore_barrier()
    pltpu.sync_copy(acc.at[pl.ds(sid * _RPS, _RPS)],
                    out_hbm.at[cid, pl.ds(sid * _RPS, _RPS)])


def _make_scatter(lane_off):
    return pl.kernel(
        functools.partial(_scatter_body, lane_off),
        out_type=jax.ShapeDtypeStruct((_NC, _NPAD, _C), jnp.float32),
        mesh=_sc_mesh,
        scratch_types=[
            pltpu.VMEM((_KS,), jnp.int32),
            pltpu.VMEM((_KS,), jnp.int32),
            pltpu.VMEM((_KS,), jnp.int32),
            pltpu.VMEM((_KS,), jnp.int32),
            pltpu.VMEM((_KS, _C), jnp.float32),
            pltpu.VMEM((_KS, _C), jnp.float32),
            pltpu.VMEM((_KS // 8, 8, _C), jnp.float32),
            pltpu.VMEM((_KS // 8, 8, _C), jnp.float32),
            pltpu.VMEM((_RPS, _C), jnp.float32),
            pltpu.VMEM_SHARED((_NPAD, _C), jnp.float32),
            pltpu.SemaphoreType.DMA,
            pltpu.SemaphoreType.DMA,
            pltpu.SemaphoreType.DMA,
            pltpu.SemaphoreType.DMA,
            pltpu.SemaphoreType.DMA,
            pltpu.SemaphoreType.DMA,
        ],
        compiler_params=pltpu.CompilerParams(use_tc_tiling_on_sc=False),
    )


_scatter_a = _make_scatter(0)
_scatter_b = _make_scatter(_C)


def _silu(x):
    return x / (1.0 + jnp.exp(-x))


def _prep_body(na_ref, we_ref, out_ref):
    out_ref[...] = jnp.dot(na_ref[...], we_ref[...],
                           preferred_element_type=jnp.float32)


_T = 6400


def _mlp_body(r2_ref, w1at, w2at, w1bt, w2bt, w3cat, m_ref):
    r2t = r2_ref[...] + 1e-12
    rt = jnp.sqrt(r2t)
    x = rt * (1.0 / _R_MAX)
    x2 = x * x
    x4 = x2 * x2
    x5 = x4 * x
    env = 1.0 - 21.0 * x5 + 35.0 * x5 * x - 15.0 * x5 * x2
    env = jnp.where(x < 1.0, env, 0.0)
    scale = env * (jnp.sqrt(2.0 / _R_MAX) / rt)
    n = 1.0 + lax.broadcasted_iota(jnp.int32, (8, 1), 0).astype(jnp.float32)
    arg = n * ((jnp.pi / _R_MAX) * rt)
    ef = jnp.sin(arg) * scale

    ha = _silu(jnp.dot(w1at[...], ef, preferred_element_type=jnp.float32))
    ha = _silu(jnp.dot(w2at[...], ha, preferred_element_type=jnp.float32))
    hb = _silu(jnp.dot(w1bt[...], ef, preferred_element_type=jnp.float32))
    hb = _silu(jnp.dot(w2bt[...], hb, preferred_element_type=jnp.float32))
    hcat = jnp.concatenate([ha, hb], axis=0)
    mab = lax.dot_general(
        hcat, w3cat[...], (((0,), (0,)), ((), ())),
        preferred_element_type=jnp.float32)
    m_ref[:, :, pl.ds(0, 2 * _C)] = mab.reshape(_T // 8, 8, 2 * _C)


def _update_body(agg_ref, na_ref, wel_ref, ns_ref, out_ref):
    a = agg_ref[...]
    agg = a[0, :_N] + a[1, :_N]
    wel = jnp.dot(na_ref[...], wel_ref[...], preferred_element_type=jnp.float32)
    out_ref[...] = agg * _INV_AVG * wel + ns_ref[...]


def _final_body(aggb_ref, s1_ref, na_ref, welb_ref, wra_ref, wrb_ref, ae_ref,
                out_ref):
    a = aggb_ref[...]
    aggb = a[0, :_N] + a[1, :_N]
    na = na_ref[...]
    s1 = s1_ref[...]
    welb = jnp.dot(na, welb_ref[...], preferred_element_type=jnp.float32)
    s2 = aggb * _INV_AVG * welb + s1
    e0 = jnp.dot(na, ae_ref[...], preferred_element_type=jnp.float32)
    e1 = jnp.dot(s1, wra_ref[...], preferred_element_type=jnp.float32)
    e2 = jnp.dot(_silu(s2), wrb_ref[...], preferred_element_type=jnp.float32)
    out_ref[...] = jnp.sum(e0 + e1 + e2).reshape(1, 1)


def kernel(positions, node_attrs, W_embed, atomic_energies,
           Wr1_a, Wr2_a, Wr3_a, Welem_a, Wread_a,
           Wr1_b, Wr2_b, Wr3_b, Welem_b, Wread_b,
           edge_index, batch):
    sender = edge_index[0]
    receiver = edge_index[1]
    pos_pad = jnp.pad(positions, ((0, 0), (0, 1)))
    w3a = Wr3_a[:, :_C]
    w3b = Wr3_b[:, :_C]
    ae = atomic_energies.reshape(-1, 1)

    r2 = _edge_r2(pos_pad, sender, receiver)
    r2row = r2.reshape(1, _E)

    node_scalars = pl.pallas_call(
        _prep_body,
        out_shape=jax.ShapeDtypeStruct((_N, _C), jnp.float32),
    )(node_attrs, W_embed)

    z = jnp.zeros((64, _C), jnp.float32)
    w3cat = jnp.concatenate(
        [jnp.concatenate([w3a, z], axis=1),
         jnp.concatenate([z, w3b], axis=1)], axis=0)
    nt = _E // _T
    full = lambda shape: pl.BlockSpec(shape, lambda i: (0, 0))
    m_ab = pl.pallas_call(
        _mlp_body,
        grid=(nt,),
        in_specs=[
            pl.BlockSpec((1, _T), lambda i: (0, i)),
            full((64, 8)), full((64, 64)),
            full((64, 8)), full((64, 64)),
            full((128, 2 * _C)),
        ],
        out_specs=pl.BlockSpec((_T // 8, 8, 128), lambda i: (i, 0, 0)),
        out_shape=jax.ShapeDtypeStruct((_E // 8, 8, 128), jnp.float32),
        compiler_params=pltpu.CompilerParams(
            fuse_transposed_lhs_in_matmul=True),
    )(r2row, Wr1_a.T, Wr2_a.T, Wr1_b.T, Wr2_b.T, w3cat)

    agg_a = _scatter_a(node_scalars, m_ab, sender, receiver)

    s1 = pl.pallas_call(
        _update_body,
        out_shape=jax.ShapeDtypeStruct((_N, _C), jnp.float32),
    )(agg_a, node_attrs, Welem_a, node_scalars)

    agg_b = _scatter_b(s1, m_ab, sender, receiver)

    e = pl.pallas_call(
        _final_body,
        out_shape=jax.ShapeDtypeStruct((1, 1), jnp.float32),
    )(agg_b, s1, node_attrs, Welem_b, Wread_a, Wread_b, ae)

    return e[0]

# --- scband reference (transcript-rebuilt; emitter-appended) ---
"""Pipeline reference for scband-mace-30133490549677 (READ-ONLY COPY).

The authoritative reference and input builder live on the scoring server;
editing this copy changes nothing except your own understanding.
"""

import jax, jax.numpy as jnp
import numpy as np

N = 10000
E = 320000
NE = 10
C = 32
NB = 8
NSH = 4
R_MAX = 5.0
AVG_NEIGH = 32.0


def setup_inputs(seed: int = 0) -> dict:
    key = jax.random.key(seed)
    ks = jax.random.split(key, 20)
    positions = jax.random.normal(ks[0], (N, 3), dtype=jnp.float32) * 2.0
    node_attrs = jax.random.uniform(ks[1], (N, NE), dtype=jnp.float32)
    edge_index = jax.random.randint(ks[2], (2, E), 0, N)
    batch = jnp.zeros((N,), dtype=jnp.int32)
    s = 0.1
    W_embed = jax.random.normal(ks[3], (NE, C), dtype=jnp.float32) * s
    atomic_energies = jnp.linspace(-1.0, -10.0, NE).astype(jnp.float32)
    Wr1_a = jax.random.normal(ks[4], (NB, 64), dtype=jnp.float32) * s
    Wr2_a = jax.random.normal(ks[5], (64, 64), dtype=jnp.float32) * s
    Wr3_a = jax.random.normal(ks[6], (64, NSH * C), dtype=jnp.float32) * s
    Welem_a = jax.random.normal(ks[7], (NE, C), dtype=jnp.float32) * s
    Wread_a = jax.random.normal(ks[8], (C, 1), dtype=jnp.float32) * s
    Wr1_b = jax.random.normal(ks[9], (NB, 64), dtype=jnp.float32) * s
    Wr2_b = jax.random.normal(ks[10], (64, 64), dtype=jnp.float32) * s
    Wr3_b = jax.random.normal(ks[11], (64, NSH * C), dtype=jnp.float32) * s
    Welem_b = jax.random.normal(ks[12], (NE, C), dtype=jnp.float32) * s
    Wread_b = jax.random.normal(ks[13], (C, 1), dtype=jnp.float32) * s
    return {
        "positions": positions, "node_attrs": node_attrs,
        "W_embed": W_embed, "atomic_energies": atomic_energies,
        "Wr1_a": Wr1_a, "Wr2_a": Wr2_a, "Wr3_a": Wr3_a, "Welem_a": Welem_a, "Wread_a": Wread_a,
        "Wr1_b": Wr1_b, "Wr2_b": Wr2_b, "Wr3_b": Wr3_b, "Welem_b": Welem_b, "Wread_b": Wread_b,
        "edge_index": edge_index, "batch": batch,
    }


def _radial_embedding(r):
    n = jnp.arange(1, NB + 1, dtype=jnp.float32)
    bessel = jnp.sqrt(2.0 / R_MAX) * jnp.sin(n[None, :] * jnp.pi * r[:, None] / R_MAX) / r[:, None]
    x = r / R_MAX
    p = 5.0
    env = (1.0 - (p + 1.0) * (p + 2.0) / 2.0 * x ** p
           + p * (p + 2.0) * x ** (p + 1.0)
           - p * (p + 1.0) / 2.0 * x ** (p + 2.0))
    env = env * (x < 1.0).astype(jnp.float32)
    return bessel * env[:, None]


def _interaction(scalars, node_attrs, edge_feats, sh, sender, receiver, Wr1, Wr2, Wr3, Welem):
    h = jax.nn.silu(edge_feats @ Wr1)
    h = jax.nn.silu(h @ Wr2)
    tp_w = (h @ Wr3).reshape(-1, NSH, C)
    msg = tp_w * sh[:, :, None] * scalars[sender][:, None, :]
    agg = jax.ops.segment_sum(msg, receiver, num_segments=scalars.shape[0]) / AVG_NEIGH
    w_el = node_attrs @ Welem
    feats = agg * w_el[:, None, :]
    return feats[:, 0, :] + scalars


def reference(positions, node_attrs, W_embed, atomic_energies,
              Wr1_a, Wr2_a, Wr3_a, Welem_a, Wread_a,
              Wr1_b, Wr2_b, Wr3_b, Welem_b, Wread_b,
              edge_index, batch):
    sender = edge_index[0]
    receiver = edge_index[1]
    vec = positions[receiver] - positions[sender]
    r = jnp.sqrt(jnp.sum(vec * vec, axis=-1) + 1e-12)
    edge_feats = _radial_embedding(r)
    unit = vec / r[:, None]
    sh = jnp.concatenate([jnp.ones_like(r[:, None]), jnp.sqrt(3.0) * unit], axis=-1)
    node_scalars = node_attrs @ W_embed
    e0 = node_attrs @ atomic_energies
    s1 = _interaction(node_scalars, node_attrs, edge_feats, sh, sender, receiver, Wr1_a, Wr2_a, Wr3_a, Welem_a)
    e1 = (s1 @ Wread_a)[:, 0]
    s2 = _interaction(s1, node_attrs, edge_feats, sh, sender, receiver, Wr1_b, Wr2_b, Wr3_b, Welem_b)
    e2 = (jax.nn.silu(s2) @ Wread_b)[:, 0]
    node_energy = e0 + e1 + e2
    energy = jax.ops.segment_sum(node_energy, batch, num_segments=1)
    return energy

if __name__ == "__main__":
    import jax
    _d = setup_inputs()
    print(jax.jit(kernel)(*tuple(_d.values())))

</pallas_src>

<mosaic_0001>
#map = affine_map<(d0, d1) -> (0, 0)>
#map1 = affine_map<(d0, d1) -> (0, 0, 0)>
#map2 = affine_map<(d0, d1) -> (0)>
module attributes {stable_mosaic.version = 14 : i64} {
  func.func @_scatter_body(%arg0: i32, %arg1: i32, %arg2: memref<10000x32xf32, #tpu.memory_space<hbm>>, %arg3: memref<40000x8x128xf32, #tpu.memory_space<hbm>>, %arg4: memref<320000xi32, #tpu.memory_space<hbm>>, %arg5: memref<320000xi32, #tpu.memory_space<hbm>>, %arg6: memref<2x10240x32xf32, #tpu.memory_space<hbm>>, %arg7: memref<200xi32, #tpu.memory_space<vmem>>, %arg8: memref<200xi32, #tpu.memory_space<vmem>>, %arg9: memref<200xi32, #tpu.memory_space<vmem>>, %arg10: memref<200xi32, #tpu.memory_space<vmem>>, %arg11: memref<200x32xf32, #tpu.memory_space<vmem>>, %arg12: memref<200x32xf32, #tpu.memory_space<vmem>>, %arg13: memref<25x8x32xf32, #tpu.memory_space<vmem>>, %arg14: memref<25x8x32xf32, #tpu.memory_space<vmem>>, %arg15: memref<640x32xf32, #tpu.memory_space<vmem>>, %arg16: memref<10240x32xf32, #tpu.memory_space<vmem_shared>>, %arg17: memref<!tpu.dma_semaphore, #tpu.memory_space<semaphore_mem>>, %arg18: memref<!tpu.dma_semaphore, #tpu.memory_space<semaphore_mem>>, %arg19: memref<!tpu.dma_semaphore, #tpu.memory_space<semaphore_mem>>, %arg20: memref<!tpu.dma_semaphore, #tpu.memory_space<semaphore_mem>>, %arg21: memref<!tpu.dma_semaphore, #tpu.memory_space<semaphore_mem>>, %arg22: memref<!tpu.dma_semaphore, #tpu.memory_space<semaphore_mem>>) attributes {dimension_semantics = [#tpu.dimension_semantics<core_parallel>, #tpu.dimension_semantics<subcore_parallel>], iteration_bounds = array<i64: 2, 16>, scalar_prefetch = 0 : i64, scratch_operands = 16 : i64, tpu.core_type = #tpu.core_type<sc_vector_subcore>, window_params = [{transform_indices = #map}, {transform_indices = #map1}, {transform_indices = #map2}, {transform_indices = #map2}, {transform_indices = #map1}]} {
    %mul3A = arith.constant 2 : i32
    %mul3A_0 = arith.muli %arg1, %mul3A : i32
    %add3A = arith.addi %mul3A_0, %arg0 : i32
    %broadcast_in_dim3A = arith.constant 0.000000e+00 : f32
    %broadcast_in_dim3A_1 = vector.broadcast %broadcast_in_dim3A : f32 to vector<16xf32>
    %parallel_loop3A = arith.constant 0 : i32
    %parallel_loop3A_2 = arith.constant 640 : i32
    %parallel_loop3A_3 = arith.constant 1 : i32
    scf.for %parallel_loop3A_50 = %parallel_loop3A to %parallel_loop3A_2 step %parallel_loop3A_3  : i32 {
      %parallel_loop3A_51 = arith.index_cast %parallel_loop3A_50 : i32 to index
      %parallel_loop3A_52 = arith.constant 0 : index
      %parallel_loop3A_53 = tpu.vector_load %arg15[%parallel_loop3A_51, %parallel_loop3A_52] {strides = array<i32>} : memref<640x32xf32, #tpu.memory_space<vmem>>, vector<1x16xf32>,
      %parallel_loop3A_54 = vector.shape_cast %parallel_loop3A_53 : vector<1x16xf32> to vector<16xf32>
      %parallel_loop3A_55 = vector.shape_cast %broadcast_in_dim3A_1 : vector<16xf32> to vector<1x16xf32>
      tpu.vector_store %arg15[%parallel_loop3A_51, %parallel_loop3A_52], %parallel_loop3A_55 {strides = array<i32>} : memref<640x32xf32, #tpu.memory_space<vmem>>, vector<1x16xf32>,
      %parallel_loop3A_56 = arith.index_cast %parallel_loop3A_50 : i32 to index
      %parallel_loop3A_57 = arith.constant 16 : index
      %parallel_loop3A_58 = tpu.vector_load %arg15[%parallel_loop3A_56, %parallel_loop3A_57] {strides = array<i32>} : memref<640x32xf32, #tpu.memory_space<vmem>>, vector<1x16xf32>,
      %parallel_loop3A_59 = vector.shape_cast %parallel_loop3A_58 : vector<1x16xf32> to vector<16xf32>
      %parallel_loop3A_60 = vector.shape_cast %broadcast_in_dim3A_1 : vector<16xf32> to vector<1x16xf32>
      tpu.vector_store %arg15[%parallel_loop3A_56, %parallel_loop3A_57], %parallel_loop3A_60 {strides = array<i32>} : memref<640x32xf32, #tpu.memory_space<vmem>>, vector<1x16xf32>,
    } {sc.loop_unroll_factor = 4 : i64, sc.parallel_access}
    %mul3A_4 = arith.constant 640 : i32
    %mul3A_5 = arith.muli %arg1, %mul3A_4 : i32
    "tpu.region"() ({
      %run_scoped3A = tpu.sem_alloc : memref<!tpu.dma_semaphore, #tpu.memory_space<semaphore_mem>>
      %dma_start3A_50 = arith.constant 0 : i32
      %dma_start3A_51 = tpu.memref_slice %arg16[%mul3A_5, %dma_start3A_50] : memref<10240x32xf32, #tpu.memory_space<vmem_shared>> -> memref<640x32xf32, #tpu.memory_space<vmem_shared>>
      %dma_start3A_52 = arith.constant 0 : i32
      %dma_start3A_53 = tpu.memref_slice %arg16[%mul3A_5, %dma_start3A_52] : memref<10240x32xf32, #tpu.memory_space<vmem_shared>> -> memref<640x32xf32, #tpu.memory_space<vmem_shared>>
      tpu.enqueue_dma source(%arg15 : memref<640x32xf32, #tpu.memory_space<vmem>>) target(%dma_start3A_53 : memref<640x32xf32, #tpu.memory_space<vmem_shared>>) target_semaphore(%run_scoped3A : memref<!tpu.dma_semaphore, #tpu.memory_space<semaphore_mem>>)
      %dma_wait3A = arith.constant 0 : i32
      %dma_wait3A_54 = tpu.memref_slice %arg16[%mul3A_5, %dma_wait3A] : memref<10240x32xf32, #tpu.memory_space<vmem_shared>> -> memref<640x32xf32, #tpu.memory_space<vmem_shared>>
      %dma_wait3A_55 = arith.constant 0 : i32
      %dma_wait3A_56 = tpu.memref_slice %arg16[%mul3A_5, %dma_wait3A_55] : memref<10240x32xf32, #tpu.memory_space<vmem_shared>> -> memref<640x32xf32, #tpu.memory_space<vmem_shared>>
      tpu.wait_dma2 semaphore(%run_scoped3A : memref<!tpu.dma_semaphore, #tpu.memory_space<semaphore_mem>>) src(%arg15 : memref<640x32xf32, #tpu.memory_space<vmem>>) dst(%dma_wait3A_56 : memref<640x32xf32, #tpu.memory_space<vmem_shared>>)
      tpu.yield
    }) : () -> ()
    %barrier3A = arith.constant 0 : index
    tpu.barrier barrier_id(%barrier3A)
    %mul3A_6 = arith.constant 10000 : i32
    %mul3A_7 = arith.muli %add3A, %mul3A_6 : i32
    "tpu.region"() ({
      %run_scoped3A = tpu.sem_alloc : memref<!tpu.dma_semaphore, #tpu.memory_space<semaphore_mem>>
      %dma_start3A_50 = tpu.memref_slice %arg4[%mul3A_7] : memref<320000xi32, #tpu.memory_space<hbm>> -> memref<200xi32, #tpu.memory_space<hbm>>
      %dma_start3A_51 = tpu.memref_slice %arg4[%mul3A_7] : memref<320000xi32, #tpu.memory_space<hbm>> -> memref<200xi32, #tpu.memory_space<hbm>>
      tpu.enqueue_dma source(%dma_start3A_51 : memref<200xi32, #tpu.memory_space<hbm>>) target(%arg7 : memref<200xi32, #tpu.memory_space<vmem>>) target_semaphore(%run_scoped3A : memref<!tpu.dma_semaphore, #tpu.memory_space<semaphore_mem>>)
      %dma_wait3A = tpu.memref_slice %arg4[%mul3A_7] : memref<320000xi32, #tpu.memory_space<hbm>> -> memref<200xi32, #tpu.memory_space<hbm>>
      %dma_wait3A_52 = tpu.memref_slice %arg4[%mul3A_7] : memref<320000xi32, #tpu.memory_space<hbm>> -> memref<200xi32, #tpu.memory_space<hbm>>
      tpu.wait_dma2 semaphore(%run_scoped3A : memref<!tpu.dma_semaphore, #tpu.memory_space<semaphore_mem>>) src(%dma_wait3A_52 : memref<200xi32, #tpu.memory_space<hbm>>) dst(%arg7 : memref<200xi32, #tpu.memory_space<vmem>>)
      tpu.yield
    }) : () -> ()
    "tpu.region"() ({
      %run_scoped3A = tpu.sem_alloc : memref<!tpu.dma_semaphore, #tpu.memory_space<semaphore_mem>>
      %dma_start3A_50 = tpu.memref_slice %arg5[%mul3A_7] : memref<320000xi32, #tpu.memory_space<hbm>> -> memref<200xi32, #tpu.memory_space<hbm>>
      %dma_start3A_51 = tpu.memref_slice %arg5[%mul3A_7] : memref<320000xi32, #tpu.memory_space<hbm>> -> memref<200xi32, #tpu.memory_space<hbm>>
      tpu.enqueue_dma source(%dma_start3A_51 : memref<200xi32, #tpu.memory_space<hbm>>) target(%arg8 : memref<200xi32, #tpu.memory_space<vmem>>) target_semaphore(%run_scoped3A : memref<!tpu.dma_semaphore, #tpu.memory_space<semaphore_mem>>)
      %dma_wait3A = tpu.memref_slice %arg5[%mul3A_7] : memref<320000xi32, #tpu.memory_space<hbm>> -> memref<200xi32, #tpu.memory_space<hbm>>
      %dma_wait3A_52 = tpu.memref_slice %arg5[%mul3A_7] : memref<320000xi32, #tpu.memory_space<hbm>> -> memref<200xi32, #tpu.memory_space<hbm>>
      tpu.wait_dma2 semaphore(%run_scoped3A : memref<!tpu.dma_semaphore, #tpu.memory_space<semaphore_mem>>) src(%dma_wait3A_52 : memref<200xi32, #tpu.memory_space<hbm>>) dst(%arg8 : memref<200xi32, #tpu.memory_space<vmem>>)
      tpu.yield
    }) : () -> ()
    %add3A_8 = arith.constant 0 : i32
    %add3A_9 = arith.addi %mul3A_7, %add3A_8 : i32
    %dma_start3A = arith.constant 0 : i32
    %dma_start3A_10 = arith.constant 0 : i32
    %dma_start3A_11 = tpu.memref_slice %arg2[%dma_start3A, %dma_start3A_10] : memref<10000x32xf32, #tpu.memory_space<hbm>> -> memref<10000x32xf32, #tpu.memory_space<hbm>>
    tpu.enqueue_indirect_dma source(%dma_start3A_11 : memref<10000x32xf32, #tpu.memory_space<hbm>>) target(%arg11 : memref<200x32xf32, #tpu.memory_space<vmem>>) offsets(%arg7 : memref<200xi32, #tpu.memory_space<vmem>>) semaphore(%arg17 : memref<!tpu.dma_semaphore, #tpu.memory_space<semaphore_mem>>)
    %jit3A = arith.constant 8 : i32
    %div3A = arith.divsi %add3A_9, %jit3A : i32
    %sign3A = arith.constant 0 : i32
    %sign3A_12 = arith.cmpi sgt, %add3A_9, %sign3A : i32
    %sign3A_13 = arith.extui %sign3A_12 : i1 to i32
    %sign3A_14 = arith.constant 0 : i32
    %sign3A_15 = arith.cmpi slt, %add3A_9, %sign3A_14 : i32
    %sign3A_16 = arith.extui %sign3A_15 : i1 to i32
    %sign3A_17 = arith.subi %sign3A_13, %sign3A_16 : i32
    %sign3A_18 = arith.constant 0 : i32
    %sign3A_19 = arith.cmpi sgt, %jit3A, %sign3A_18 : i32
    %sign3A_20 = arith.extui %sign3A_19 : i1 to i32
    %sign3A_21 = arith.constant 0 : i32
    %sign3A_22 = arith.cmpi slt, %jit3A, %sign3A_21 : i32
    %sign3A_23 = arith.extui %sign3A_22 : i1 to i32
    %sign3A_24 = arith.subi %sign3A_20, %sign3A_23 : i32
    %ne3A = arith.cmpi ne, %sign3A_17, %sign3A_24 : i32
    %rem3A = arith.remsi %add3A_9, %jit3A : i32
    %ne3A_25 = arith.constant 0 : i32
    %ne3A_26 = arith.cmpi ne, %rem3A, %ne3A_25 : i32
    %and3A = arith.andi %ne3A, %ne3A_26 : i1
    %sub3A = arith.constant 1 : i32
    %sub3A_27 = arith.subi %div3A, %sub3A : i32
    %select_n3A = arith.select %and3A, %sub3A_27, %div3A : i32
    %dma_start3A_28 = arith.constant 0 : i32
    %dma_start3A_29 = arith.constant 0 : i32
    %dma_start3A_30 = tpu.memref_slice %arg3[%select_n3A, %dma_start3A_28, %dma_start3A_29] : memref<40000x8x128xf32, #tpu.memory_space<hbm>> -> memref<25x8x32xf32, #tpu.memory_space<hbm>>
    %dma_start3A_31 = arith.constant 0 : i32
    %dma_start3A_32 = arith.constant 0 : i32
    %dma_start3A_33 = tpu.memref_slice %arg3[%select_n3A, %dma_start3A_31, %dma_start3A_32] : memref<40000x8x128xf32, #tpu.memory_space<hbm>> -> memref<25x8x32xf32, #tpu.memory_space<hbm>>
    tpu.enqueue_dma source(%dma_start3A_33 : memref<25x8x32xf32, #tpu.memory_space<hbm>>) target(%arg13 : memref<25x8x32xf32, #tpu.memory_space<vmem>>) target_semaphore(%arg19 : memref<!tpu.dma_semaphore, #tpu.memory_space<semaphore_mem>>)
    %add3A_34 = arith.constant 200 : i32
    %add3A_35 = arith.addi %mul3A_7, %add3A_34 : i32
    %dma_start3A_36 = tpu.memref_slice %arg4[%add3A_35] : memref<320000xi32, #tpu.memory_space<hbm>> -> memref<200xi32, #tpu.memory_space<hbm>>
    %dma_start3A_37 = tpu.memref_slice %arg4[%add3A_35] : memref<320000xi32, #tpu.memory_space<hbm>> -> memref<200xi32, #tpu.memory_space<hbm>>
    tpu.enqueue_dma source(%dma_start3A_37 : memref<200xi32, #tpu.memory_space<hbm>>) target(%arg9 : memref<200xi32, #tpu.memory_space<vmem>>) target_semaphore(%arg22 : memref<!tpu.dma_semaphore, #tpu.memory_space<semaphore_mem>>)
    %dma_start3A_38 = tpu.memref_slice %arg5[%add3A_35] : memref<320000xi32, #tpu.memory_space<hbm>> -> memref<200xi32, #tpu.memory_space<hbm>>
    %dma_start3A_39 = tpu.memref_slice %arg5[%add3A_35] : memref<320000xi32, #tpu.memory_space<hbm>> -> memref<200xi32, #tpu.memory_space<hbm>>
    tpu.enqueue_dma source(%dma_start3A_39 : memref<200xi32, #tpu.memory_space<hbm>>) target(%arg10 : memref<200xi32, #tpu.memory_space<vmem>>) target_semaphore(%arg22 : memref<!tpu.dma_semaphore, #tpu.memory_space<semaphore_mem>>)
    %scan3A = arith.constant 0 : i32
    %scan3A_40 = arith.constant 0 : i32
    %scan3A_41 = arith.constant 25 : i32
    %scan3A_42 = arith.addi %scan3A_40, %scan3A_41 : i32
    %scan3A_43 = arith.constant 1 : i32
    scf.for %scan3A_50 = %scan3A_40 to %scan3A_42 step %scan3A_43  : i32 {
      %lt3A = arith.constant 24 : i32
      %lt3A_51 = arith.cmpi slt, %scan3A_50, %lt3A : i32
      %dma_wait3A = arith.constant 0 : i32
      %dma_wait3A_52 = arith.constant 0 : i32
      %dma_wait3A_53 = tpu.memref_slice %arg2[%dma_wait3A, %dma_wait3A_52] : memref<10000x32xf32, #tpu.memory_space<hbm>> -> memref<200x32xf32, #tpu.memory_space<hbm>>
      %dma_wait3A_54 = arith.constant 0 : i32
      %dma_wait3A_55 = arith.constant 0 : i32
      %dma_wait3A_56 = tpu.memref_slice %arg2[%dma_wait3A_54, %dma_wait3A_55] : memref<10000x32xf32, #tpu.memory_space<hbm>> -> memref<200x32xf32, #tpu.memory_space<hbm>>
      tpu.wait_dma2 semaphore(%arg17 : memref<!tpu.dma_semaphore, #tpu.memory_space<semaphore_mem>>) src(%dma_wait3A_56 : memref<200x32xf32, #tpu.memory_space<hbm>>) dst(%arg11 : memref<200x32xf32, #tpu.memory_space<vmem>>)
      %dma_wait3A_57 = arith.constant 0 : i32
      %dma_wait3A_58 = arith.constant 0 : i32
      %dma_wait3A_59 = arith.constant 0 : i32
      %dma_wait3A_60 = tpu.memref_slice %arg3[%dma_wait3A_57, %dma_wait3A_58, %dma_wait3A_59] : memref<40000x8x128xf32, #tpu.memory_space<hbm>> -> memref<25x8x32xf32, #tpu.memory_space<hbm>>
      %dma_wait3A_61 = arith.constant 0 : i32
      %dma_wait3A_62 = arith.constant 0 : i32
      %dma_wait3A_63 = arith.constant 0 : i32
      %dma_wait3A_64 = tpu.memref_slice %arg3[%dma_wait3A_61, %dma_wait3A_62, %dma_wait3A_63] : memref<40000x8x128xf32, #tpu.memory_space<hbm>> -> memref<25x8x32xf32, #tpu.memory_space<hbm>>
      tpu.wait_dma2 semaphore(%arg19 : memref<!tpu.dma_semaphore, #tpu.memory_space<semaphore_mem>>) src(%dma_wait3A_64 : memref<25x8x32xf32, #tpu.memory_space<hbm>>) dst(%arg13 : memref<25x8x32xf32, #tpu.memory_space<vmem>>)
      %dma_wait3A_65 = arith.constant 0 : i32
      %dma_wait3A_66 = tpu.memref_slice %arg4[%dma_wait3A_65] : memref<320000xi32, #tpu.memory_space<hbm>> -> memref<200xi32, #tpu.memory_space<hbm>>
      %dma_wait3A_67 = arith.constant 0 : i32
      %dma_wait3A_68 = tpu.memref_slice %arg4[%dma_wait3A_67] : memref<320000xi32, #tpu.memory_space<hbm>> -> memref<200xi32, #tpu.memory_space<hbm>>
      tpu.wait_dma2 semaphore(%arg22 : memref<!tpu.dma_semaphore, #tpu.memory_space<semaphore_mem>>) src(%dma_wait3A_68 : memref<200xi32, #tpu.memory_space<hbm>>) dst(%arg9 : memref<200xi32, #tpu.memory_space<vmem>>)
      %dma_wait3A_69 = arith.constant 0 : i32
      %dma_wait3A_70 = tpu.memref_slice %arg5[%dma_wait3A_69] : memref<320000xi32, #tpu.memory_space<hbm>> -> memref<200xi32, #tpu.memory_space<hbm>>
      %dma_wait3A_71 = arith.constant 0 : i32
      %dma_wait3A_72 = tpu.memref_slice %arg5[%dma_wait3A_71] : memref<320000xi32, #tpu.memory_space<hbm>> -> memref<200xi32, #tpu.memory_space<hbm>>
      tpu.wait_dma2 semaphore(%arg22 : memref<!tpu.dma_semaphore, #tpu.memory_space<semaphore_mem>>) src(%dma_wait3A_72 : memref<200xi32, #tpu.memory_space<hbm>>) dst(%arg10 : memref<200xi32, #tpu.memory_space<vmem>>)
      %mul3A_73 = arith.constant 2 : i32
      %mul3A_74 = arith.muli %mul3A_73, %scan3A_50 : i32
      %add3A_75 = arith.constant 1 : i32
      %add3A_76 = arith.addi %mul3A_74, %add3A_75 : i32
      %mul3A_77 = arith.constant 200 : i32
      %mul3A_78 = arith.muli %add3A_76, %mul3A_77 : i32
      %add3A_79 = arith.addi %mul3A_7, %mul3A_78 : i32
      %dma_start3A_80 = arith.constant 0 : i32
      %dma_start3A_81 = arith.constant 0 : i32
      %dma_start3A_82 = tpu.memref_slice %arg2[%dma_start3A_80, %dma_start3A_81] : memref<10000x32xf32, #tpu.memory_space<hbm>> -> memref<10000x32xf32, #tpu.memory_space<hbm>>
      tpu.enqueue_indirect_dma source(%dma_start3A_82 : memref<10000x32xf32, #tpu.memory_space<hbm>>) target(%arg12 : memref<200x32xf32, #tpu.memory_space<vmem>>) offsets(%arg9 : memref<200xi32, #tpu.memory_space<vmem>>) semaphore(%arg18 : memref<!tpu.dma_semaphore, #tpu.memory_space<semaphore_mem>>)
      %jit3A_83 = arith.constant 8 : i32
      %div3A_84 = arith.divsi %add3A_79, %jit3A_83 : i32
      %sign3A_85 = arith.constant 0 : i32
      %sign3A_86 = arith.cmpi sgt, %add3A_79, %sign3A_85 : i32
      %sign3A_87 = arith.extui %sign3A_86 : i1 to i32
      %sign3A_88 = arith.constant 0 : i32
      %sign3A_89 = arith.cmpi slt, %add3A_79, %sign3A_88 : i32
      %sign3A_90 = arith.extui %sign3A_89 : i1 to i32
      %sign3A_91 = arith.subi %sign3A_87, %sign3A_90 : i32
      %sign3A_92 = arith.constant 0 : i32
      %sign3A_93 = arith.cmpi sgt, %jit3A_83, %sign3A_92 : i32
      %sign3A_94 = arith.extui %sign3A_93 : i1 to i32
      %sign3A_95 = arith.constant 0 : i32
      %sign3A_96 = arith.cmpi slt, %jit3A_83, %sign3A_95 : i32
      %sign3A_97 = arith.extui %sign3A_96 : i1 to i32
      %sign3A_98 = arith.subi %sign3A_94, %sign3A_97 : i32
      %ne3A_99 = arith.cmpi ne, %sign3A_91, %sign3A_98 : i32
      %rem3A_100 = arith.remsi %add3A_79, %jit3A_83 : i32
      %ne3A_101 = arith.constant 0 : i32
      %ne3A_102 = arith.cmpi ne, %rem3A_100, %ne3A_101 : i32
      %and3A_103 = arith.andi %ne3A_99, %ne3A_102 : i1
      %sub3A_104 = arith.constant 1 : i32
      %sub3A_105 = arith.subi %div3A_84, %sub3A_104 : i32
      %select_n3A_106 = arith.select %and3A_103, %sub3A_105, %div3A_84 : i32
      %dma_start3A_107 = arith.constant 0 : i32
      %dma_start3A_108 = arith.constant 0 : i32
      %dma_start3A_109 = tpu.memref_slice %arg3[%select_n3A_106, %dma_start3A_107, %dma_start3A_108] : memref<40000x8x128xf32, #tpu.memory_space<hbm>> -> memref<25x8x32xf32, #tpu.memory_space<hbm>>
      %dma_start3A_110 = arith.constant 0 : i32
      %dma_start3A_111 = arith.constant 0 : i32
      %dma_start3A_112 = tpu.memref_slice %arg3[%select_n3A_106, %dma_start3A_110, %dma_start3A_111] : memref<40000x8x128xf32, #tpu.memory_space<hbm>> -> memref<25x8x32xf32, #tpu.memory_space<hbm>>
      tpu.enqueue_dma source(%dma_start3A_112 : memref<25x8x32xf32, #tpu.memory_space<hbm>>) target(%arg14 : memref<25x8x32xf32, #tpu.memory_space<vmem>>) target_semaphore(%arg20 : memref<!tpu.dma_semaphore, #tpu.memory_space<semaphore_mem>>)
      %parallel_loop3A_113 = arith.constant 0 : i32
      %parallel_loop3A_114 = arith.constant 25 : i32
      %parallel_loop3A_115 = arith.constant 1 : i32
      scf.for %parallel_loop3A_140 = %parallel_loop3A_113 to %parallel_loop3A_114 step %parallel_loop3A_115  : i32 {
        %parallel_loop3A_141 = arith.constant 8 : i32
        %parallel_loop3A_142 = arith.muli %parallel_loop3A_140, %parallel_loop3A_141 : i32
        %parallel_loop3A_143 = arith.constant 0 : i32
        %parallel_loop3A_144 = arith.addi %parallel_loop3A_142, %parallel_loop3A_143 : i32
        %parallel_loop3A_145 = arith.index_cast %parallel_loop3A_144 : i32 to index
        %parallel_loop3A_146 = arith.constant 0 : index
        %parallel_loop3A_147 = tpu.vector_load %arg11[%parallel_loop3A_145, %parallel_loop3A_146] {strides = array<i32>} : memref<200x32xf32, #tpu.memory_space<vmem>>, vector<1x16xf32>,
        %parallel_loop3A_148 = vector.shape_cast %parallel_loop3A_147 : vector<1x16xf32> to vector<16xf32>
        %parallel_loop3A_149 = arith.constant 0 : i32
        %parallel_loop3A_150 = arith.index_cast %parallel_loop3A_140 : i32 to index
        %parallel_loop3A_151 = arith.index_cast %parallel_loop3A_149 : i32 to index
        %parallel_loop3A_152 = arith.constant 0 : index
        %parallel_loop3A_153 = tpu.vector_load %arg13[%parallel_loop3A_150, %parallel_loop3A_151, %parallel_loop3A_152] {strides = array<i32>} : memref<25x8x32xf32, #tpu.memory_space<vmem>>, vector<1x1x16xf32>,
        %parallel_loop3A_154 = vector.shape_cast %parallel_loop3A_153 : vector<1x1x16xf32> to vector<16xf32>
        %parallel_loop3A_155 = arith.mulf %parallel_loop3A_148, %parallel_loop3A_154 : vector<16xf32>
        %parallel_loop3A_156 = arith.index_cast %parallel_loop3A_144 : i32 to index
        %parallel_loop3A_157 = arith.constant 0 : index
        %parallel_loop3A_158 = tpu.vector_load %arg11[%parallel_loop3A_156, %parallel_loop3A_157] {strides = array<i32>} : memref<200x32xf32, #tpu.memory_space<vmem>>, vector<1x16xf32>,
        %parallel_loop3A_159 = vector.shape_cast %parallel_loop3A_158 : vector<1x16xf32> to vector<16xf32>
        %parallel_loop3A_160 = vector.shape_cast %parallel_loop3A_155 : vector<16xf32> to vector<1x16xf32>
        tpu.vector_store %arg11[%parallel_loop3A_156, %parallel_loop3A_157], %parallel_loop3A_160 {strides = array<i32>} : memref<200x32xf32, #tpu.memory_space<vmem>>, vector<1x16xf32>,
        %parallel_loop3A_161 = arith.index_cast %parallel_loop3A_144 : i32 to index
        %parallel_loop3A_162 = arith.constant 16 : index
        %parallel_loop3A_163 = tpu.vector_load %arg11[%parallel_loop3A_161, %parallel_loop3A_162] {strides = array<i32>} : memref<200x32xf32, #tpu.memory_space<vmem>>, vector<1x16xf32>,
        %parallel_loop3A_164 = vector.shape_cast %parallel_loop3A_163 : vector<1x16xf32> to vector<16xf32>
        %parallel_loop3A_165 = arith.constant 0 : i32
        %parallel_loop3A_166 = arith.index_cast %parallel_loop3A_140 : i32 to index
        %parallel_loop3A_167 = arith.index_cast %parallel_loop3A_165 : i32 to index
        %parallel_loop3A_168 = arith.constant 16 : index
        %parallel_loop3A_169 = tpu.vector_load %arg13[%parallel_loop3A_166, %parallel_loop3A_167, %parallel_loop3A_168] {strides = array<i32>} : memref<25x8x32xf32, #tpu.memory_space<vmem>>, vector<1x1x16xf32>,
        %parallel_loop3A_170 = vector.shape_cast %parallel_loop3A_169 : vector<1x1x16xf32> to vector<16xf32>
        %parallel_loop3A_171 = arith.mulf %parallel_loop3A_164, %parallel_loop3A_170 : vector<16xf32>
        %parallel_loop3A_172 = arith.index_cast %parallel_loop3A_144 : i32 to index
        %parallel_loop3A_173 = arith.constant 16 : index
        %parallel_loop3A_174 = tpu.vector_load %arg11[%parallel_loop3A_172, %parallel_loop3A_173] {strides = array<i32>} : memref<200x32xf32, #tpu.memory_space<vmem>>, vector<1x16xf32>,
        %parallel_loop3A_175 = vector.shape_cast %parallel_loop3A_174 : vector<1x16xf32> to vector<16xf32>
        %parallel_loop3A_176 = vector.shape_cast %parallel_loop3A_171 : vector<16xf32> to vector<1x16xf32>
        tpu.vector_store %arg11[%parallel_loop3A_172, %parallel_loop3A_173], %parallel_loop3A_176 {strides = array<i32>} : memref<200x32xf32, #tpu.memory_space<vmem>>, vector<1x16xf32>,
        %parallel_loop3A_177 = arith.constant 8 : i32
        %parallel_loop3A_178 = arith.muli %parallel_loop3A_140, %parallel_loop3A_177 : i32
        %parallel_loop3A_179 = arith.constant 1 : i32
        %parallel_loop3A_180 = arith.addi %parallel_loop3A_178, %parallel_loop3A_179 : i32
        %parallel_loop3A_181 = arith.index_cast %parallel_loop3A_180 : i32 to index
        %parallel_loop3A_182 = arith.constant 0 : index
        %parallel_loop3A_183 = tpu.vector_load %arg11[%parallel_loop3A_181, %parallel_loop3A_182] {strides = array<i32>} : memref<200x32xf32, #tpu.memory_space<vmem>>, vector<1x16xf32>,
        %parallel_loop3A_184 = vector.shape_cast %parallel_loop3A_183 : vector<1x16xf32> to vector<16xf32>
        %parallel_loop3A_185 = arith.constant 1 : i32
        %parallel_loop3A_186 = arith.index_cast %parallel_loop3A_140 : i32 to index
        %parallel_loop3A_187 = arith.index_cast %parallel_loop3A_185 : i32 to index
        %parallel_loop3A_188 = arith.constant 0 : index
        %parallel_loop3A_189 = tpu.vector_load %arg13[%parallel_loop3A_186, %parallel_loop3A_187, %parallel_loop3A_188] {strides = array<i32>} : memref<25x8x32xf32, #tpu.memory_space<vmem>>, vector<1x1x16xf32>,
        %parallel_loop3A_190 = vector.shape_cast %parallel_loop3A_189 : vector<1x1x16xf32> to vector<16xf32>
        %parallel_loop3A_191 = arith.mulf %parallel_loop3A_184, %parallel_loop3A_190 : vector<16xf32>
        %parallel_loop3A_192 = arith.index_cast %parallel_loop3A_180 : i32 to index
        %parallel_loop3A_193 = arith.constant 0 : index
        %parallel_loop3A_194 = tpu.vector_load %arg11[%parallel_loop3A_192, %parallel_loop3A_193] {strides = array<i32>} : memref<200x32xf32, #tpu.memory_space<vmem>>, vector<1x16xf32>,
        %parallel_loop3A_195 = vector.shape_cast %parallel_loop3A_194 : vector<1x16xf32> to vector<16xf32>
        %parallel_loop3A_196 = vector.shape_cast %parallel_loop3A_191 : vector<16xf32> to vector<1x16xf32>
        tpu.vector_store %arg11[%parallel_loop3A_192, %parallel_loop3A_193], %parallel_loop3A_196 {strides = array<i32>} : memref<200x32xf32, #tpu.memory_space<vmem>>, vector<1x16xf32>,
        %parallel_loop3A_197 = arith.index_cast %parallel_loop3A_180 : i32 to index
        %parallel_loop3A_198 = arith.constant 16 : index
        %parallel_loop3A_199 = tpu.vector_load %arg11[%parallel_loop3A_197, %parallel_loop3A_198] {strides = array<i32>} : memref<200x32xf32, #tpu.memory_space<vmem>>, vector<1x16xf32>,
        %parallel_loop3A_200 = vector.shape_cast %parallel_loop3A_199 : vector<1x16xf32> to vector<16xf32>
        %parallel_loop3A_201 = arith.constant 1 : i32
        %parallel_loop3A_202 = arith.index_cast %parallel_loop3A_140 : i32 to index
        %parallel_loop3A_203 = arith.index_cast %parallel_loop3A_201 : i32 to index
        %parallel_loop3A_204 = arith.constant 16 : index
        %parallel_loop3A_205 = tpu.vector_load %arg13[%parallel_loop3A_202, %parallel_loop3A_203, %parallel_loop3A_204] {strides = array<i32>} : memref<25x8x32xf32, #tpu.memory_space<vmem>>, vector<1x1x16xf32>,
        %parallel_loop3A_206 = vector.shape_cast %parallel_loop3A_205 : vector<1x1x16xf32> to vector<16xf32>
        %parallel_loop3A_207 = arith.mulf %parallel_loop3A_200, %parallel_loop3A_206 : vector<16xf32>
        %parallel_loop3A_208 = arith.index_cast %parallel_loop3A_180 : i32 to index
        %parallel_loop3A_209 = arith.constant 16 : index
        %parallel_loop3A_210 = tpu.vector_load %arg11[%parallel_loop3A_208, %parallel_loop3A_209] {strides = array<i32>} : memref<200x32xf32, #tpu.memory_space<vmem>>, vector<1x16xf32>,
        %parallel_loop3A_211 = vector.shape_cast %parallel_loop3A_210 : vector<1x16xf32> to vector<16xf32>
        %parallel_loop3A_212 = vector.shape_cast %parallel_loop3A_207 : vector<16xf32> to vector<1x16xf32>
        tpu.vector_store %arg11[%parallel_loop3A_208, %parallel_loop3A_209], %parallel_loop3A_212 {strides = array<i32>} : memref<200x32xf32, #tpu.memory_space<vmem>>, vector<1x16xf32>,
        %parallel_loop3A_213 = arith.constant 8 : i32
        %parallel_loop3A_214 = arith.muli %parallel_loop3A_140, %parallel_loop3A_213 : i32
        %parallel_loop3A_215 = arith.constant 2 : i32
        %parallel_loop3A_216 = arith.addi %parallel_loop3A_214, %parallel_loop3A_215 : i32
        %parallel_loop3A_217 = arith.index_cast %parallel_loop3A_216 : i32 to index
        %parallel_loop3A_218 = arith.constant 0 : index
        %parallel_loop3A_219 = tpu.vector_load %arg11[%parallel_loop3A_217, %parallel_loop3A_218] {strides = array<i32>} : memref<200x32xf32, #tpu.memory_space<vmem>>, vector<1x16xf32>,
        %parallel_loop3A_220 = vector.shape_cast %parallel_loop3A_219 : vector<1x16xf32> to vector<16xf32>
        %parallel_loop3A_221 = arith.constant 2 : i32
        %parallel_loop3A_222 = arith.index_cast %parallel_loop3A_140 : i32 to index
        %parallel_loop3A_223 = arith.index_cast %parallel_loop3A_221 : i32 to index
        %parallel_loop3A_224 = arith.constant 0 : index
        %parallel_loop3A_225 = tpu.vector_load %arg13[%parallel_loop3A_222, %parallel_loop3A_223, %parallel_loop3A_224] {strides = array<i32>} : memref<25x8x32xf32, #tpu.memory_space<vmem>>, vector<1x1x16xf32>,
        %parallel_loop3A_226 = vector.shape_cast %parallel_loop3A_225 : vector<1x1x16xf32> to vector<16xf32>
        %parallel_loop3A_227 = arith.mulf %parallel_loop3A_220, %parallel_loop3A_226 : vector<16xf32>
        %parallel_loop3A_228 = arith.index_cast %parallel_loop3A_216 : i32 to index
        %parallel_loop3A_229 = arith.constant 0 : index
        %parallel_loop3A_230 = tpu.vector_load %arg11[%parallel_loop3A_228, %parallel_loop3A_229] {strides = array<i32>} : memref<200x32xf32, #tpu.memory_space<vmem>>, vector<1x16xf32>,
        %parallel_loop3A_231 = vector.shape_cast %parallel_loop3A_230 : vector<1x16xf32> to vector<16xf32>
        %parallel_loop3A_232 = vector.shape_cast %parallel_loop3A_227 : vector<16xf32> to vector<1x16xf32>
        tpu.vector_store %arg11[%parallel_loop3A_228, %parallel_loop3A_229], %parallel_loop3A_232 {strides = array<i32>} : memref<200x32xf32, #tpu.memory_space<vmem>>, vector<1x16xf32>,
        %parallel_loop3A_233 = arith.index_cast %parallel_loop3A_216 : i32 to index
        %parallel_loop3A_234 = arith.constant 16 : index
        %parallel_loop3A_235 = tpu.vector_load %arg11[%parallel_loop3A_233, %parallel_loop3A_234] {strides = array<i32>} : memref<200x32xf32, #tpu.memory_space<vmem>>, vector<1x16xf32>,
        %parallel_loop3A_236 = vector.shape_cast %parallel_loop3A_235 : vector<1x16xf32> to vector<16xf32>
        %parallel_loop3A_237 = arith.constant 2 : i32
        %parallel_loop3A_238 = arith.index_cast %parallel_loop3A_140 : i32 to index
        %parallel_loop3A_239 = arith.index_cast %parallel_loop3A_237 : i32 to index
        %parallel_loop3A_240 = arith.constant 16 : index
        %parallel_loop3A_241 = tpu.vector_load %arg13[%parallel_loop3A_238, %parallel_loop3A_239, %parallel_loop3A_240] {strides = array<i32>} : memref<25x8x32xf32, #tpu.memory_space<vmem>>, vector<1x1x16xf32>,
        %parallel_loop3A_242 = vector.shape_cast %parallel_loop3A_241 : vector<1x1x16xf32> to vector<16xf32>
        %parallel_loop3A_243 = arith.mulf %parallel_loop3A_236, %parallel_loop3A_242 : vector<16xf32>
        %parallel_loop3A_244 = arith.index_cast %parallel_loop3A_216 : i32 to index
        %parallel_loop3A_245 = arith.constant 16 : index
        %parallel_loop3A_246 = tpu.vector_load %arg11[%parallel_loop3A_244, %parallel_loop3A_245] {strides = array<i32>} : memref<200x32xf32, #tpu.memory_space<vmem>>, vector<1x16xf32>,
        %parallel_loop3A_247 = vector.shape_cast %parallel_loop3A_246 : vector<1x16xf32> to vector<16xf32>
        %parallel_loop3A_248 = vector.shape_cast %parallel_loop3A_243 : vector<16xf32> to vector<1x16xf32>
        tpu.vector_store %arg11[%parallel_loop3A_244, %parallel_loop3A_245], %parallel_loop3A_248 {strides = array<i32>} : memref<200x32xf32, #tpu.memory_space<vmem>>, vector<1x16xf32>,
        %parallel_loop3A_249 = arith.constant 8 : i32
        %parallel_loop3A_250 = arith.muli %parallel_loop3A_140, %parallel_loop3A_249 : i32
        %parallel_loop3A_251 = arith.constant 3 : i32
        %parallel_loop3A_252 = arith.addi %parallel_loop3A_250, %parallel_loop3A_251 : i32
        %parallel_loop3A_253 = arith.index_cast %parallel_loop3A_252 : i32 to index
        %parallel_loop3A_254 = arith.constant 0 : index
        %parallel_loop3A_255 = tpu.vector_load %arg11[%parallel_loop3A_253, %parallel_loop3A_254] {strides = array<i32>} : memref<200x32xf32, #tpu.memory_space<vmem>>, vector<1x16xf32>,
        %parallel_loop3A_256 = vector.shape_cast %parallel_loop3A_255 : vector<1x16xf32> to vector<16xf32>
        %parallel_loop3A_257 = arith.constant 3 : i32
        %parallel_loop3A_258 = arith.index_cast %parallel_loop3A_140 : i32 to index
        %parallel_loop3A_259 = arith.index_cast %parallel_loop3A_257 : i32 to index
        %parallel_loop3A_260 = arith.constant 0 : index
        %parallel_loop3A_261 = tpu.vector_load %arg13[%parallel_loop3A_258, %parallel_loop3A_259, %parallel_loop3A_260] {strides = array<i32>} : memref<25x8x32xf32, #tpu.memory_space<vmem>>, vector<1x1x16xf32>,
        %parallel_loop3A_262 = vector.shape_cast %parallel_loop3A_261 : vector<1x1x16xf32> to vector<16xf32>
        %parallel_loop3A_263 = arith.mulf %parallel_loop3A_256, %parallel_loop3A_262 : vector<16xf32>
        %parallel_loop3A_264 = arith.index_cast %parallel_loop3A_252 : i32 to index
        %parallel_loop3A_265 = arith.constant 0 : index
        %parallel_loop3A_266 = tpu.vector_load %arg11[%parallel_loop3A_264, %parallel_loop3A_265] {strides = array<i32>} : memref<200x32xf32, #tpu.memory_space<vmem>>, vector<1x16xf32>,
        %parallel_loop3A_267 = vector.shape_cast %parallel_loop3A_266 : vector<1x16xf32> to vector<16xf32>
        %parallel_loop3A_268 = vector.shape_cast %parallel_loop3A_263 : vector<16xf32> to vector<1x16xf32>
        tpu.vector_store %arg11[%parallel_loop3A_264, %parallel_loop3A_265], %parallel_loop3A_268 {strides = array<i32>} : memref<200x32xf32, #tpu.memory_space<vmem>>, vector<1x16xf32>,
        %parallel_loop3A_269 = arith.index_cast %parallel_loop3A_252 : i32 to index
        %parallel_loop3A_270 = arith.constant 16 : index
        %parallel_loop3A_271 = tpu.vector_load %arg11[%parallel_loop3A_269, %parallel_loop3A_270] {strides = array<i32>} : memref<200x32xf32, #tpu.memory_space<vmem>>, vector<1x16xf32>,
        %parallel_loop3A_272 = vector.shape_cast %parallel_loop3A_271 : vector<1x16xf32> to vector<16xf32>
        %parallel_loop3A_273 = arith.constant 3 : i32
        %parallel_loop3A_274 = arith.index_cast %parallel_loop3A_140 : i32 to index
        %parallel_loop3A_275 = arith.index_cast %parallel_loop3A_273 : i32 to index
        %parallel_loop3A_276 = arith.constant 16 : index
        %parallel_loop3A_277 = tpu.vector_load %arg13[%parallel_loop3A_274, %parallel_loop3A_275, %parallel_loop3A_276] {strides = array<i32>} : memref<25x8x32xf32, #tpu.memory_space<vmem>>, vector<1x1x16xf32>,
        %parallel_loop3A_278 = vector.shape_cast %parallel_loop3A_277 : vector<1x1x16xf32> to vector<16xf32>
        %parallel_loop3A_279 = arith.mulf %parallel_loop3A_272, %parallel_loop3A_278 : vector<16xf32>
        %parallel_loop3A_280 = arith.index_cast %parallel_loop3A_252 : i32 to index
        %parallel_loop3A_281 = arith.constant 16 : index
        %parallel_loop3A_282 = tpu.vector_load %arg11[%parallel_loop3A_280, %parallel_loop3A_281] {strides = array<i32>} : memref<200x32xf32, #tpu.memory_space<vmem>>, vector<1x16xf32>,
        %parallel_loop3A_283 = vector.shape_cast %parallel_loop3A_282 : vector<1x16xf32> to vector<16xf32>
        %parallel_loop3A_284 = vector.shape_cast %parallel_loop3A_279 : vector<16xf32> to vector<1x16xf32>
        tpu.vector_store %arg11[%parallel_loop3A_280, %parallel_loop3A_281], %parallel_loop3A_284 {strides = array<i32>} : memref<200x32xf32, #tpu.memory_space<vmem>>, vector<1x16xf32>,
        %parallel_loop3A_285 = arith.constant 8 : i32
        %parallel_loop3A_286 = arith.muli %parallel_loop3A_140, %parallel_loop3A_285 : i32
        %parallel_loop3A_287 = arith.constant 4 : i32
        %parallel_loop3A_288 = arith.addi %parallel_loop3A_286, %parallel_loop3A_287 : i32
        %parallel_loop3A_289 = arith.index_cast %parallel_loop3A_288 : i32 to index
        %parallel_loop3A_290 = arith.constant 0 : index
        %parallel_loop3A_291 = tpu.vector_load %arg11[%parallel_loop3A_289, %parallel_loop3A_290] {strides = array<i32>} : memref<200x32xf32, #tpu.memory_space<vmem>>, vector<1x16xf32>,
        %parallel_loop3A_292 = vector.shape_cast %parallel_loop3A_291 : vector<1x16xf32> to vector<16xf32>
        %parallel_loop3A_293 = arith.constant 4 : i32
        %parallel_loop3A_294 = arith.index_cast %parallel_loop3A_140 : i32 to index
        %parallel_loop3A_295 = arith.index_cast %parallel_loop3A_293 : i32 to index
        %parallel_loop3A_296 = arith.constant 0 : index
        %parallel_loop3A_297 = tpu.vector_load %arg13[%parallel_loop3A_294, %parallel_loop3A_295, %parallel_loop3A_296] {strides = array<i32>} : memref<25x8x32xf32, #tpu.memory_space<vmem>>, vector<1x1x16xf32>,
        %parallel_loop3A_298 = vector.shape_cast %parallel_loop3A_297 : vector<1x1x16xf32> to vector<16xf32>
        %parallel_loop3A_299 = arith.mulf %parallel_loop3A_292, %parallel_loop3A_298 : vector<16xf32>
        %parallel_loop3A_300 = arith.index_cast %parallel_loop3A_288 : i32 to index
        %parallel_loop3A_301 = arith.constant 0 : index
        %parallel_loop3A_302 = tpu.vector_load %arg11[%parallel_loop3A_300, %parallel_loop3A_301] {strides = array<i32>} : memref<200x32xf32, #tpu.memory_space<vmem>>, vector<1x16xf32>,
        %parallel_loop3A_303 = vector.shape_cast %parallel_loop3A_302 : vector<1x16xf32> to vector<16xf32>
        %parallel_loop3A_304 = vector.shape_cast %parallel_loop3A_299 : vector<16xf32> to vector<1x16xf32>
        tpu.vector_store %arg11[%parallel_loop3A_300, %parallel_loop3A_301], %parallel_loop3A_304 {strides = array<i32>} : memref<200x32xf32, #tpu.memory_space<vmem>>, vector<1x16xf32>,
        %parallel_loop3A_305 = arith.index_cast %parallel_loop3A_288 : i32 to index
        %parallel_loop3A_306 = arith.constant 16 : index
        %parallel_loop3A_307 = tpu.vector_load %arg11[%parallel_loop3A_305, %parallel_loop3A_306] {strides = array<i32>} : memref<200x32xf32, #tpu.memory_space<vmem>>, vector<1x16xf32>,
        %parallel_loop3A_308 = vector.shape_cast %parallel_loop3A_307 : vector<1x16xf32> to vector<16xf32>
        %parallel_loop3A_309 = arith.constant 4 : i32
        %parallel_loop3A_310 = arith.index_cast %parallel_loop3A_140 : i32 to index
        %parallel_loop3A_311 = arith.index_cast %parallel_loop3A_309 : i32 to index
        %parallel_loop3A_312 = arith.constant 16 : index
        %parallel_loop3A_313 = tpu.vector_load %arg13[%parallel_loop3A_310, %parallel_loop3A_311, %parallel_loop3A_312] {strides = array<i32>} : memref<25x8x32xf32, #tpu.memory_space<vmem>>, vector<1x1x16xf32>,
        %parallel_loop3A_314 = vector.shape_cast %parallel_loop3A_313 : vector<1x1x16xf32> to vector<16xf32>
        %parallel_loop3A_315 = arith.mulf %parallel_loop3A_308, %parallel_loop3A_314 : vector<16xf32>
        %parallel_loop3A_316 = arith.index_cast %parallel_loop3A_288 : i32 to index
        %parallel_loop3A_317 = arith.constant 16 : index
        %parallel_loop3A_318 = tpu.vector_load %arg11[%parallel_loop3A_316, %parallel_loop3A_317] {strides = array<i32>} : memref<200x32xf32, #tpu.memory_space<vmem>>, vector<1x16xf32>,
        %parallel_loop3A_319 = vector.shape_cast %parallel_loop3A_318 : vector<1x16xf32> to vector<16xf32>
        %parallel_loop3A_320 = vector.shape_cast %parallel_loop3A_315 : vector<16xf32> to vector<1x16xf32>
        tpu.vector_store %arg11[%parallel_loop3A_316, %parallel_loop3A_317], %parallel_loop3A_320 {strides = array<i32>} : memref<200x32xf32, #tpu.memory_space<vmem>>, vector<1x16xf32>,
        %parallel_loop3A_321 = arith.constant 8 : i32
        %parallel_loop3A_322 = arith.muli %parallel_loop3A_140, %parallel_loop3A_321 : i32
        %parallel_loop3A_323 = arith.constant 5 : i32
        %parallel_loop3A_324 = arith.addi %parallel_loop3A_322, %parallel_loop3A_323 : i32
        %parallel_loop3A_325 = arith.index_cast %parallel_loop3A_324 : i32 to index
        %parallel_loop3A_326 = arith.constant 0 : index
        %parallel_loop3A_327 = tpu.vector_load %arg11[%parallel_loop3A_325, %parallel_loop3A_326] {strides = array<i32>} : memref<200x32xf32, #tpu.memory_space<vmem>>, vector<1x16xf32>,
        %parallel_loop3A_328 = vector.shape_cast %parallel_loop3A_327 : vector<1x16xf32> to vector<16xf32>
        %parallel_loop3A_329 = arith.constant 5 : i32
        %parallel_loop3A_330 = arith.index_cast %parallel_loop3A_140 : i32 to index
        %parallel_loop3A_331 = arith.index_cast %parallel_loop3A_329 : i32 to index
        %parallel_loop3A_332 = arith.constant 0 : index
        %parallel_loop3A_333 = tpu.vector_load %arg13[%parallel_loop3A_330, %parallel_loop3A_331, %parallel_loop3A_332] {strides = array<i32>} : memref<25x8x32xf32, #tpu.memory_space<vmem>>, vector<1x1x16xf32>,
        %parallel_loop3A_334 = vector.shape_cast %parallel_loop3A_333 : vector<1x1x16xf32> to vector<16xf32>
        %parallel_loop3A_335 = arith.mulf %parallel_loop3A_328, %parallel_loop3A_334 : vector<16xf32>
        %parallel_loop3A_336 = arith.index_cast %parallel_loop3A_324 : i32 to index
        %parallel_loop3A_337 = arith.constant 0 : index
        %parallel_loop3A_338 = tpu.vector_load %arg11[%parallel_loop3A_336, %parallel_loop3A_337] {strides = array<i32>} : memref<200x32xf32, #tpu.memory_space<vmem>>, vector<1x16xf32>,
        %parallel_loop3A_339 = vector.shape_cast %parallel_loop3A_338 : vector<1x16xf32> to vector<16xf32>
        %parallel_loop3A_340 = vector.shape_cast %parallel_loop3A_335 : vector<16xf32> to vector<1x16xf32>
        tpu.vector_store %arg11[%parallel_loop3A_336, %parallel_loop3A_337], %parallel_loop3A_340 {strides = array<i32>} : memref<200x32xf32, #tpu.memory_space<vmem>>, vector<1x16xf32>,
        %parallel_loop3A_341 = arith.index_cast %parallel_loop3A_324 : i32 to index
        %parallel_loop3A_342 = arith.constant 16 : index
        %parallel_loop3A_343 = tpu.vector_load %arg11[%parallel_loop3A_341, %parallel_loop3A_342] {strides = array<i32>} : memref<200x32xf32, #tpu.memory_space<vmem>>, vector<1x16xf32>,
        %parallel_loop3A_344 = vector.shape_cast %parallel_loop3A_343 : vector<1x16xf32> to vector<16xf32>
        %parallel_loop3A_345 = arith.constant 5 : i32
        %parallel_loop3A_346 = arith.index_cast %parallel_loop3A_140 : i32 to index
        %parallel_loop3A_347 = arith.index_cast %parallel_loop3A_345 : i32 to index
        %parallel_loop3A_348 = arith.constant 16 : index
        %parallel_loop3A_349 = tpu.vector_load %arg13[%parallel_loop3A_346, %parallel_loop3A_347, %parallel_loop3A_348] {strides = array<i32>} : memref<25x8x32xf32, #tpu.memory_space<vmem>>, vector<1x1x16xf32>,
        %parallel_loop3A_350 = vector.shape_cast %parallel_loop3A_349 : vector<1x1x16xf32> to vector<16xf32>
        %parallel_loop3A_351 = arith.mulf %parallel_loop3A_344, %parallel_loop3A_350 : vector<16xf32>
        %parallel_loop3A_352 = arith.index_cast %parallel_loop3A_324 : i32 to index
        %parallel_loop3A_353 = arith.constant 16 : index
        %parallel_loop3A_354 = tpu.vector_load %arg11[%parallel_loop3A_352, %parallel_loop3A_353] {strides = array<i32>} : memref<200x32xf32, #tpu.memory_space<vmem>>, vector<1x16xf32>,
        %parallel_loop3A_355 = vector.shape_cast %parallel_loop3A_354 : vector<1x16xf32> to vector<16xf32>
        %parallel_loop3A_356 = vector.shape_cast %parallel_loop3A_351 : vector<16xf32> to vector<1x16xf32>
        tpu.vector_store %arg11[%parallel_loop3A_352, %parallel_loop3A_353], %parallel_loop3A_356 {strides = array<i32>} : memref<200x32xf32, #tpu.memory_space<vmem>>, vector<1x16xf32>,
        %parallel_loop3A_357 = arith.constant 8 : i32
        %parallel_loop3A_358 = arith.muli %parallel_loop3A_140, %parallel_loop3A_357 : i32
        %parallel_loop3A_359 = arith.constant 6 : i32
        %parallel_loop3A_360 = arith.addi %parallel_loop3A_358, %parallel_loop3A_359 : i32
        %parallel_loop3A_361 = arith.index_cast %parallel_loop3A_360 : i32 to index
        %parallel_loop3A_362 = arith.constant 0 : index
        %parallel_loop3A_363 = tpu.vector_load %arg11[%parallel_loop3A_361, %parallel_loop3A_362] {strides = array<i32>} : memref<200x32xf32, #tpu.memory_space<vmem>>, vector<1x16xf32>,
        %parallel_loop3A_364 = vector.shape_cast %parallel_loop3A_363 : vector<1x16xf32> to vector<16xf32>
        %parallel_loop3A_365 = arith.constant 6 : i32
        %parallel_loop3A_366 = arith.index_cast %parallel_loop3A_140 : i32 to index
        %parallel_loop3A_367 = arith.index_cast %parallel_loop3A_365 : i32 to index
        %parallel_loop3A_368 = arith.constant 0 : index
        %parallel_loop3A_369 = tpu.vector_load %arg13[%parallel_loop3A_366, %parallel_loop3A_367, %parallel_loop3A_368] {strides = array<i32>} : memref<25x8x32xf32, #tpu.memory_space<vmem>>, vector<1x1x16xf32>,
        %parallel_loop3A_370 = vector.shape_cast %parallel_loop3A_369 : vector<1x1x16xf32> to vector<16xf32>
        %parallel_loop3A_371 = arith.mulf %parallel_loop3A_364, %parallel_loop3A_370 : vector<16xf32>
        %parallel_loop3A_372 = arith.index_cast %parallel_loop3A_360 : i32 to index
        %parallel_loop3A_373 = arith.constant 0 : index
        %parallel_loop3A_374 = tpu.vector_load %arg11[%parallel_loop3A_372, %parallel_loop3A_373] {strides = array<i32>} : memref<200x32xf32, #tpu.memory_space<vmem>>, vector<1x16xf32>,
        %parallel_loop3A_375 = vector.shape_cast %parallel_loop3A_374 : vector<1x16xf32> to vector<16xf32>
        %parallel_loop3A_376 = vector.shape_cast %parallel_loop3A_371 : vector<16xf32> to vector<1x16xf32>
        tpu.vector_store %arg11[%parallel_loop3A_372, %parallel_loop3A_373], %parallel_loop3A_376 {strides = array<i32>} : memref<200x32xf32, #tpu.memory_space<vmem>>, vector<1x16xf32>,
        %parallel_loop3A_377 = arith.index_cast %parallel_loop3A_360 : i32 to index
        %parallel_loop3A_378 = arith.constant 16 : index
        %parallel_loop3A_379 = tpu.vector_load %arg11[%parallel_loop3A_377, %parallel_loop3A_378] {strides = array<i32>} : memref<200x32xf32, #tpu.memory_space<vmem>>, vector<1x16xf32>,
        %parallel_loop3A_380 = vector.shape_cast %parallel_loop3A_379 : vector<1x16xf32> to vector<16xf32>
        %parallel_loop3A_381 = arith.constant 6 : i32
        %parallel_loop3A_382 = arith.index_cast %parallel_loop3A_140 : i32 to index
        %parallel_loop3A_383 = arith.index_cast %parallel_loop3A_381 : i32 to index
        %parallel_loop3A_384 = arith.constant 16 : index
        %parallel_loop3A_385 = tpu.vector_load %arg13[%parallel_loop3A_382, %parallel_loop3A_383, %parallel_loop3A_384] {strides = array<i32>} : memref<25x8x32xf32, #tpu.memory_space<vmem>>, vector<1x1x16xf32>,
        %parallel_loop3A_386 = vector.shape_cast %parallel_loop3A_385 : vector<1x1x16xf32> to vector<16xf32>
        %parallel_loop3A_387 = arith.mulf %parallel_loop3A_380, %parallel_loop3A_386 : vector<16xf32>
        %parallel_loop3A_388 = arith.index_cast %parallel_loop3A_360 : i32 to index
        %parallel_loop3A_389 = arith.constant 16 : index
        %parallel_loop3A_390 = tpu.vector_load %arg11[%parallel_loop3A_388, %parallel_loop3A_389] {strides = array<i32>} : memref<200x32xf32, #tpu.memory_space<vmem>>, vector<1x16xf32>,
        %parallel_loop3A_391 = vector.shape_cast %parallel_loop3A_390 : vector<1x16xf32> to vector<16xf32>
        %parallel_loop3A_392 = vector.shape_cast %parallel_loop3A_387 : vector<16xf32> to vector<1x16xf32>
        tpu.vector_store %arg11[%parallel_loop3A_388, %parallel_loop3A_389], %parallel_loop3A_392 {strides = array<i32>} : memref<200x32xf32, #tpu.memory_space<vmem>>, vector<1x16xf32>,
        %parallel_loop3A_393 = arith.constant 8 : i32
        %parallel_loop3A_394 = arith.muli %parallel_loop3A_140, %parallel_loop3A_393 : i32
        %parallel_loop3A_395 = arith.constant 7 : i32
        %parallel_loop3A_396 = arith.addi %parallel_loop3A_394, %parallel_loop3A_395 : i32
        %parallel_loop3A_397 = arith.index_cast %parallel_loop3A_396 : i32 to index
        %parallel_loop3A_398 = arith.constant 0 : index
        %parallel_loop3A_399 = tpu.vector_load %arg11[%parallel_loop3A_397, %parallel_loop3A_398] {strides = array<i32>} : memref<200x32xf32, #tpu.memory_space<vmem>>, vector<1x16xf32>,
        %parallel_loop3A_400 = vector.shape_cast %parallel_loop3A_399 : vector<1x16xf32> to vector<16xf32>
        %parallel_loop3A_401 = arith.constant 7 : i32
        %parallel_loop3A_402 = arith.index_cast %parallel_loop3A_140 : i32 to index
        %parallel_loop3A_403 = arith.index_cast %parallel_loop3A_401 : i32 to index
        %parallel_loop3A_404 = arith.constant 0 : index
        %parallel_loop3A_405 = tpu.vector_load %arg13[%parallel_loop3A_402, %parallel_loop3A_403, %parallel_loop3A_404] {strides = array<i32>} : memref<25x8x32xf32, #tpu.memory_space<vmem>>, vector<1x1x16xf32>,
        %parallel_loop3A_406 = vector.shape_cast %parallel_loop3A_405 : vector<1x1x16xf32> to vector<16xf32>
        %parallel_loop3A_407 = arith.mulf %parallel_loop3A_400, %parallel_loop3A_406 : vector<16xf32>
        %parallel_loop3A_408 = arith.index_cast %parallel_loop3A_396 : i32 to index
        %parallel_loop3A_409 = arith.constant 0 : index
        %parallel_loop3A_410 = tpu.vector_load %arg11[%parallel_loop3A_408, %parallel_loop3A_409] {strides = array<i32>} : memref<200x32xf32, #tpu.memory_space<vmem>>, vector<1x16xf32>,
        %parallel_loop3A_411 = vector.shape_cast %parallel_loop3A_410 : vector<1x16xf32> to vector<16xf32>
        %parallel_loop3A_412 = vector.shape_cast %parallel_loop3A_407 : vector<16xf32> to vector<1x16xf32>
        tpu.vector_store %arg11[%parallel_loop3A_408, %parallel_loop3A_409], %parallel_loop3A_412 {strides = array<i32>} : memref<200x32xf32, #tpu.memory_space<vmem>>, vector<1x16xf32>,
        %parallel_loop3A_413 = arith.index_cast %parallel_loop3A_396 : i32 to index
        %parallel_loop3A_414 = arith.constant 16 : index
        %parallel_loop3A_415 = tpu.vector_load %arg11[%parallel_loop3A_413, %parallel_loop3A_414] {strides = array<i32>} : memref<200x32xf32, #tpu.memory_space<vmem>>, vector<1x16xf32>,
        %parallel_loop3A_416 = vector.shape_cast %parallel_loop3A_415 : vector<1x16xf32> to vector<16xf32>
        %parallel_loop3A_417 = arith.constant 7 : i32
        %parallel_loop3A_418 = arith.index_cast %parallel_loop3A_140 : i32 to index
        %parallel_loop3A_419 = arith.index_cast %parallel_loop3A_417 : i32 to index
        %parallel_loop3A_420 = arith.constant 16 : index
        %parallel_loop3A_421 = tpu.vector_load %arg13[%parallel_loop3A_418, %parallel_loop3A_419, %parallel_loop3A_420] {strides = array<i32>} : memref<25x8x32xf32, #tpu.memory_space<vmem>>, vector<1x1x16xf32>,
        %parallel_loop3A_422 = vector.shape_cast %parallel_loop3A_421 : vector<1x1x16xf32> to vector<16xf32>
        %parallel_loop3A_423 = arith.mulf %parallel_loop3A_416, %parallel_loop3A_422 : vector<16xf32>
        %parallel_loop3A_424 = arith.index_cast %parallel_loop3A_396 : i32 to index
        %parallel_loop3A_425 = arith.constant 16 : index
        %parallel_loop3A_426 = tpu.vector_load %arg11[%parallel_loop3A_424, %parallel_loop3A_425] {strides = array<i32>} : memref<200x32xf32, #tpu.memory_space<vmem>>, vector<1x16xf32>,
        %parallel_loop3A_427 = vector.shape_cast %parallel_loop3A_426 : vector<1x16xf32> to vector<16xf32>
        %parallel_loop3A_428 = vector.shape_cast %parallel_loop3A_423 : vector<16xf32> to vector<1x16xf32>
        tpu.vector_store %arg11[%parallel_loop3A_424, %parallel_loop3A_425], %parallel_loop3A_428 {strides = array<i32>} : memref<200x32xf32, #tpu.memory_space<vmem>>, vector<1x16xf32>,
      } {sc.loop_unroll_factor = 2 : i64, sc.parallel_access}
      "tpu.region"() ({
        %run_scoped3A = tpu.sem_alloc : memref<!tpu.dma_semaphore, #tpu.memory_space<semaphore_mem>>
        %dma_start3A_140 = arith.constant 0 : i32
        %dma_start3A_141 = arith.constant 0 : i32
        %dma_start3A_142 = tpu.memref_slice %arg16[%dma_start3A_140, %dma_start3A_141] : memref<10240x32xf32, #tpu.memory_space<vmem_shared>> -> memref<10240x32xf32, #tpu.memory_space<vmem_shared>>
        tpu.enqueue_indirect_dma source(%arg11 : memref<200x32xf32, #tpu.memory_space<vmem>>) target(%dma_start3A_142 : memref<10240x32xf32, #tpu.memory_space<vmem_shared>>) offsets(%arg8 : memref<200xi32, #tpu.memory_space<vmem>>) semaphore(%run_scoped3A : memref<!tpu.dma_semaphore, #tpu.memory_space<semaphore_mem>>) {add = true}
        %dma_wait3A_143 = arith.constant 0 : i32
        %dma_wait3A_144 = arith.constant 0 : i32
        %dma_wait3A_145 = tpu.memref_slice %arg16[%dma_wait3A_143, %dma_wait3A_144] : memref<10240x32xf32, #tpu.memory_space<vmem_shared>> -> memref<10240x32xf32, #tpu.memory_space<vmem_shared>>
        tpu.wait_indirect_dma semaphore(%run_scoped3A : memref<!tpu.dma_semaphore, #tpu.memory_space<semaphore_mem>>) src(%arg11 : memref<200x32xf32, #tpu.memory_space<vmem>>) dst(%dma_wait3A_145 : memref<10240x32xf32, #tpu.memory_space<vmem_shared>>)
        tpu.yield
      }) : () -> ()
      %convert_element_type3A = arith.extui %lt3A_51 : i1 to i32
      %cond3A = arith.constant 0 : i32
      %cond3A_116 = arith.cmpi ne, %convert_element_type3A, %cond3A : i32
      scf.if %cond3A_116 {
        %mul3A_140 = arith.constant 2 : i32
        %mul3A_141 = arith.muli %mul3A_140, %scan3A_50 : i32
        %add3A_142 = arith.constant 2 : i32
        %add3A_143 = arith.addi %mul3A_141, %add3A_142 : i32
        %mul3A_144 = arith.constant 200 : i32
        %mul3A_145 = arith.muli %add3A_143, %mul3A_144 : i32
        %add3A_146 = arith.addi %mul3A_7, %mul3A_145 : i32
        %dma_start3A_147 = tpu.memref_slice %arg4[%add3A_146] : memref<320000xi32, #tpu.memory_space<hbm>> -> memref<200xi32, #tpu.memory_space<hbm>>
        %dma_start3A_148 = tpu.memref_slice %arg4[%add3A_146] : memref<320000xi32, #tpu.memory_space<hbm>> -> memref<200xi32, #tpu.memory_space<hbm>>
        tpu.enqueue_dma source(%dma_start3A_148 : memref<200xi32, #tpu.memory_space<hbm>>) target(%arg7 : memref<200xi32, #tpu.memory_space<vmem>>) target_semaphore(%arg21 : memref<!tpu.dma_semaphore, #tpu.memory_space<semaphore_mem>>)
        %dma_start3A_149 = tpu.memref_slice %arg5[%add3A_146] : memref<320000xi32, #tpu.memory_space<hbm>> -> memref<200xi32, #tpu.memory_space<hbm>>
        %dma_start3A_150 = tpu.memref_slice %arg5[%add3A_146] : memref<320000xi32, #tpu.memory_space<hbm>> -> memref<200xi32, #tpu.memory_space<hbm>>
        tpu.enqueue_dma source(%dma_start3A_150 : memref<200xi32, #tpu.memory_space<hbm>>) target(%arg8 : memref<200xi32, #tpu.memory_space<vmem>>) target_semaphore(%arg21 : memref<!tpu.dma_semaphore, #tpu.memory_space<semaphore_mem>>)
      } else {
      }
      %dma_wait3A_117 = arith.constant 0 : i32
      %dma_wait3A_118 = arith.constant 0 : i32
      %dma_wait3A_119 = tpu.memref_slice %arg2[%dma_wait3A_117, %dma_wait3A_118] : memref<10000x32xf32, #tpu.memory_space<hbm>> -> memref<200x32xf32, #tpu.memory_space<hbm>>
      %dma_wait3A_120 = arith.constant 0 : i32
      %dma_wait3A_121 = arith.constant 0 : i32
      %dma_wait3A_122 = tpu.memref_slice %arg2[%dma_wait3A_120, %dma_wait3A_121] : memref<10000x32xf32, #tpu.memory_space<hbm>> -> memref<200x32xf32, #tpu.memory_space<hbm>>
      tpu.wait_dma2 semaphore(%arg18 : memref<!tpu.dma_semaphore, #tpu.memory_space<semaphore_mem>>) src(%dma_wait3A_122 : memref<200x32xf32, #tpu.memory_space<hbm>>) dst(%arg12 : memref<200x32xf32, #tpu.memory_space<vmem>>)
      %dma_wait3A_123 = arith.constant 0 : i32
      %dma_wait3A_124 = arith.constant 0 : i32
      %dma_wait3A_125 = arith.constant 0 : i32
      %dma_wait3A_126 = tpu.memref_slice %arg3[%dma_wait3A_123, %dma_wait3A_124, %dma_wait3A_125] : memref<40000x8x128xf32, #tpu.memory_space<hbm>> -> memref<25x8x32xf32, #tpu.memory_space<hbm>>
      %dma_wait3A_127 = arith.constant 0 : i32
      %dma_wait3A_128 = arith.constant 0 : i32
      %dma_wait3A_129 = arith.constant 0 : i32
      %dma_wait3A_130 = tpu.memref_slice %arg3[%dma_wait3A_127, %dma_wait3A_128, %dma_wait3A_129] : memref<40000x8x128xf32, #tpu.memory_space<hbm>> -> memref<25x8x32xf32, #tpu.memory_space<hbm>>
      tpu.wait_dma2 semaphore(%arg20 : memref<!tpu.dma_semaphore, #tpu.memory_space<semaphore_mem>>) src(%dma_wait3A_130 : memref<25x8x32xf32, #tpu.memory_space<hbm>>) dst(%arg14 : memref<25x8x32xf32, #tpu.memory_space<vmem>>)
      %convert_element_type3A_131 = arith.extui %lt3A_51 : i1 to i32
      %cond3A_132 = arith.constant 0 : i32
      %cond3A_133 = arith.cmpi ne, %convert_element_type3A_131, %cond3A_132 : i32
      scf.if %cond3A_133 {
        %dma_wait3A_140 = arith.constant 0 : i32
        %dma_wait3A_141 = tpu.memref_slice %arg4[%dma_wait3A_140] : memref<320000xi32, #tpu.memory_space<hbm>> -> memref<200xi32, #tpu.memory_space<hbm>>
        %dma_wait3A_142 = arith.constant 0 : i32
        %dma_wait3A_143 = tpu.memref_slice %arg4[%dma_wait3A_142] : memref<320000xi32, #tpu.memory_space<hbm>> -> memref<200xi32, #tpu.memory_space<hbm>>
        tpu.wait_dma2 semaphore(%arg21 : memref<!tpu.dma_semaphore, #tpu.memory_space<semaphore_mem>>) src(%dma_wait3A_143 : memref<200xi32, #tpu.memory_space<hbm>>) dst(%arg7 : memref<200xi32, #tpu.memory_space<vmem>>)
        %dma_wait3A_144 = arith.constant 0 : i32
        %dma_wait3A_145 = tpu.memref_slice %arg5[%dma_wait3A_144] : memref<320000xi32, #tpu.memory_space<hbm>> -> memref<200xi32, #tpu.memory_space<hbm>>
        %dma_wait3A_146 = arith.constant 0 : i32
        %dma_wait3A_147 = tpu.memref_slice %arg5[%dma_wait3A_146] : memref<320000xi32, #tpu.memory_space<hbm>> -> memref<200xi32, #tpu.memory_space<hbm>>
        tpu.wait_dma2 semaphore(%arg21 : memref<!tpu.dma_semaphore, #tpu.memory_space<semaphore_mem>>) src(%dma_wait3A_147 : memref<200xi32, #tpu.memory_space<hbm>>) dst(%arg8 : memref<200xi32, #tpu.memory_space<vmem>>)
        %mul3A_148 = arith.constant 2 : i32
        %mul3A_149 = arith.muli %mul3A_148, %scan3A_50 : i32
        %add3A_150 = arith.constant 2 : i32
        %add3A_151 = arith.addi %mul3A_149, %add3A_150 : i32
        %mul3A_152 = arith.constant 200 : i32
        %mul3A_153 = arith.muli %add3A_151, %mul3A_152 : i32
        %add3A_154 = arith.addi %mul3A_7, %mul3A_153 : i32
        %dma_start3A_155 = arith.constant 0 : i32
        %dma_start3A_156 = arith.constant 0 : i32
        %dma_start3A_157 = tpu.memref_slice %arg2[%dma_start3A_155, %dma_start3A_156] : memref<10000x32xf32, #tpu.memory_space<hbm>> -> memref<10000x32xf32, #tpu.memory_space<hbm>>
        tpu.enqueue_indirect_dma source(%dma_start3A_157 : memref<10000x32xf32, #tpu.memory_space<hbm>>) target(%arg11 : memref<200x32xf32, #tpu.memory_space<vmem>>) offsets(%arg7 : memref<200xi32, #tpu.memory_space<vmem>>) semaphore(%arg17 : memref<!tpu.dma_semaphore, #tpu.memory_space<semaphore_mem>>)
        %jit3A_158 = arith.constant 8 : i32
        %div3A_159 = arith.divsi %add3A_154, %jit3A_158 : i32
        %sign3A_160 = arith.constant 0 : i32
        %sign3A_161 = arith.cmpi sgt, %add3A_154, %sign3A_160 : i32
        %sign3A_162 = arith.extui %sign3A_161 : i1 to i32
        %sign3A_163 = arith.constant 0 : i32
        %sign3A_164 = arith.cmpi slt, %add3A_154, %sign3A_163 : i32
        %sign3A_165 = arith.extui %sign3A_164 : i1 to i32
        %sign3A_166 = arith.subi %sign3A_162, %sign3A_165 : i32
        %sign3A_167 = arith.constant 0 : i32
        %sign3A_168 = arith.cmpi sgt, %jit3A_158, %sign3A_167 : i32
        %sign3A_169 = arith.extui %sign3A_168 : i1 to i32
        %sign3A_170 = arith.constant 0 : i32
        %sign3A_171 = arith.cmpi slt, %jit3A_158, %sign3A_170 : i32
        %sign3A_172 = arith.extui %sign3A_171 : i1 to i32
        %sign3A_173 = arith.subi %sign3A_169, %sign3A_172 : i32
        %ne3A_174 = arith.cmpi ne, %sign3A_166, %sign3A_173 : i32
        %rem3A_175 = arith.remsi %add3A_154, %jit3A_158 : i32
        %ne3A_176 = arith.constant 0 : i32
        %ne3A_177 = arith.cmpi ne, %rem3A_175, %ne3A_176 : i32
        %and3A_178 = arith.andi %ne3A_174, %ne3A_177 : i1
        %sub3A_179 = arith.constant 1 : i32
        %sub3A_180 = arith.subi %div3A_159, %sub3A_179 : i32
        %select_n3A_181 = arith.select %and3A_178, %sub3A_180, %div3A_159 : i32
        %dma_start3A_182 = arith.constant 0 : i32
        %dma_start3A_183 = arith.constant 0 : i32
        %dma_start3A_184 = tpu.memref_slice %arg3[%select_n3A_181, %dma_start3A_182, %dma_start3A_183] : memref<40000x8x128xf32, #tpu.memory_space<hbm>> -> memref<25x8x32xf32, #tpu.memory_space<hbm>>
        %dma_start3A_185 = arith.constant 0 : i32
        %dma_start3A_186 = arith.constant 0 : i32
        %dma_start3A_187 = tpu.memref_slice %arg3[%select_n3A_181, %dma_start3A_185, %dma_start3A_186] : memref<40000x8x128xf32, #tpu.memory_space<hbm>> -> memref<25x8x32xf32, #tpu.memory_space<hbm>>
        tpu.enqueue_dma source(%dma_start3A_187 : memref<25x8x32xf32, #tpu.memory_space<hbm>>) target(%arg13 : memref<25x8x32xf32, #tpu.memory_space<vmem>>) target_semaphore(%arg19 : memref<!tpu.dma_semaphore, #tpu.memory_space<semaphore_mem>>)
      } else {
      }
      %parallel_loop3A_134 = arith.constant 0 : i32
      %parallel_loop3A_135 = arith.constant 25 : i32
      %parallel_loop3A_136 = arith.constant 1 : i32
      scf.for %parallel_loop3A_140 = %parallel_loop3A_134 to %parallel_loop3A_135 step %parallel_loop3A_136  : i32 {
        %parallel_loop3A_141 = arith.constant 8 : i32
        %parallel_loop3A_142 = arith.muli %parallel_loop3A_140, %parallel_loop3A_141 : i32
        %parallel_loop3A_143 = arith.constant 0 : i32
        %parallel_loop3A_144 = arith.addi %parallel_loop3A_142, %parallel_loop3A_143 : i32
        %parallel_loop3A_145 = arith.index_cast %parallel_loop3A_144 : i32 to index
        %parallel_loop3A_146 = arith.constant 0 : index
        %parallel_loop3A_147 = tpu.vector_load %arg12[%parallel_loop3A_145, %parallel_loop3A_146] {strides = array<i32>} : memref<200x32xf32, #tpu.memory_space<vmem>>, vector<1x16xf32>,
        %parallel_loop3A_148 = vector.shape_cast %parallel_loop3A_147 : vector<1x16xf32> to vector<16xf32>
        %parallel_loop3A_149 = arith.constant 0 : i32
        %parallel_loop3A_150 = arith.index_cast %parallel_loop3A_140 : i32 to index
        %parallel_loop3A_151 = arith.index_cast %parallel_loop3A_149 : i32 to index
        %parallel_loop3A_152 = arith.constant 0 : index
        %parallel_loop3A_153 = tpu.vector_load %arg14[%parallel_loop3A_150, %parallel_loop3A_151, %parallel_loop3A_152] {strides = array<i32>} : memref<25x8x32xf32, #tpu.memory_space<vmem>>, vector<1x1x16xf32>,
        %parallel_loop3A_154 = vector.shape_cast %parallel_loop3A_153 : vector<1x1x16xf32> to vector<16xf32>
        %parallel_loop3A_155 = arith.mulf %parallel_loop3A_148, %parallel_loop3A_154 : vector<16xf32>
        %parallel_loop3A_156 = arith.index_cast %parallel_loop3A_144 : i32 to index
        %parallel_loop3A_157 = arith.constant 0 : index
        %parallel_loop3A_158 = tpu.vector_load %arg12[%parallel_loop3A_156, %parallel_loop3A_157] {strides = array<i32>} : memref<200x32xf32, #tpu.memory_space<vmem>>, vector<1x16xf32>,
        %parallel_loop3A_159 = vector.shape_cast %parallel_loop3A_158 : vector<1x16xf32> to vector<16xf32>
        %parallel_loop3A_160 = vector.shape_cast %parallel_loop3A_155 : vector<16xf32> to vector<1x16xf32>
        tpu.vector_store %arg12[%parallel_loop3A_156, %parallel_loop3A_157], %parallel_loop3A_160 {strides = array<i32>} : memref<200x32xf32, #tpu.memory_space<vmem>>, vector<1x16xf32>,
        %parallel_loop3A_161 = arith.index_cast %parallel_loop3A_144 : i32 to index
        %parallel_loop3A_162 = arith.constant 16 : index
        %parallel_loop3A_163 = tpu.vector_load %arg12[%parallel_loop3A_161, %parallel_loop3A_162] {strides = array<i32>} : memref<200x32xf32, #tpu.memory_space<vmem>>, vector<1x16xf32>,
        %parallel_loop3A_164 = vector.shape_cast %parallel_loop3A_163 : vector<1x16xf32> to vector<16xf32>
        %parallel_loop3A_165 = arith.constant 0 : i32
        %parallel_loop3A_166 = arith.index_cast %parallel_loop3A_140 : i32 to index
        %parallel_loop3A_167 = arith.index_cast %parallel_loop3A_165 : i32 to index
        %parallel_loop3A_168 = arith.constant 16 : index
        %parallel_loop3A_169 = tpu.vector_load %arg14[%parallel_loop3A_166, %parallel_loop3A_167, %parallel_loop3A_168] {strides = array<i32>} : memref<25x8x32xf32, #tpu.memory_space<vmem>>, vector<1x1x16xf32>,
        %parallel_loop3A_170 = vector.shape_cast %parallel_loop3A_169 : vector<1x1x16xf32> to vector<16xf32>
        %parallel_loop3A_171 = arith.mulf %parallel_loop3A_164, %parallel_loop3A_170 : vector<16xf32>
        %parallel_loop3A_172 = arith.index_cast %parallel_loop3A_144 : i32 to index
        %parallel_loop3A_173 = arith.constant 16 : index
        %parallel_loop3A_174 = tpu.vector_load %arg12[%parallel_loop3A_172, %parallel_loop3A_173] {strides = array<i32>} : memref<200x32xf32, #tpu.memory_space<vmem>>, vector<1x16xf32>,
        %parallel_loop3A_175 = vector.shape_cast %parallel_loop3A_174 : vector<1x16xf32> to vector<16xf32>
        %parallel_loop3A_176 = vector.shape_cast %parallel_loop3A_171 : vector<16xf32> to vector<1x16xf32>
        tpu.vector_store %arg12[%parallel_loop3A_172, %parallel_loop3A_173], %parallel_loop3A_176 {strides = array<i32>} : memref<200x32xf32, #tpu.memory_space<vmem>>, vector<1x16xf32>,
        %parallel_loop3A_177 = arith.constant 8 : i32
        %parallel_loop3A_178 = arith.muli %parallel_loop3A_140, %parallel_loop3A_177 : i32
        %parallel_loop3A_179 = arith.constant 1 : i32
        %parallel_loop3A_180 = arith.addi %parallel_loop3A_178, %parallel_loop3A_179 : i32
        %parallel_loop3A_181 = arith.index_cast %parallel_loop3A_180 : i32 to index
        %parallel_loop3A_182 = arith.constant 0 : index
        %parallel_loop3A_183 = tpu.vector_load %arg12[%parallel_loop3A_181, %parallel_loop3A_182] {strides = array<i32>} : memref<200x32xf32, #tpu.memory_space<vmem>>, vector<1x16xf32>,
        %parallel_loop3A_184 = vector.shape_cast %parallel_loop3A_183 : vector<1x16xf32> to vector<16xf32>
        %parallel_loop3A_185 = arith.constant 1 : i32
        %parallel_loop3A_186 = arith.index_cast %parallel_loop3A_140 : i32 to index
        %parallel_loop3A_187 = arith.index_cast %parallel_loop3A_185 : i32 to index
        %parallel_loop3A_188 = arith.constant 0 : index
        %parallel_loop3A_189 = tpu.vector_load %arg14[%parallel_loop3A_186, %parallel_loop3A_187, %parallel_loop3A_188] {strides = array<i32>} : memref<25x8x32xf32, #tpu.memory_space<vmem>>, vector<1x1x16xf32>,
        %parallel_loop3A_190 = vector.shape_cast %parallel_loop3A_189 : vector<1x1x16xf32> to vector<16xf32>
        %parallel_loop3A_191 = arith.mulf %parallel_loop3A_184, %parallel_loop3A_190 : vector<16xf32>
        %parallel_loop3A_192 = arith.index_cast %parallel_loop3A_180 : i32 to index
        %parallel_loop3A_193 = arith.constant 0 : index
        %parallel_loop3A_194 = tpu.vector_load %arg12[%parallel_loop3A_192, %parallel_loop3A_193] {strides = array<i32>} : memref<200x32xf32, #tpu.memory_space<vmem>>, vector<1x16xf32>,
        %parallel_loop3A_195 = vector.shape_cast %parallel_loop3A_194 : vector<1x16xf32> to vector<16xf32>
        %parallel_loop3A_196 = vector.shape_cast %parallel_loop3A_191 : vector<16xf32> to vector<1x16xf32>
        tpu.vector_store %arg12[%parallel_loop3A_192, %parallel_loop3A_193], %parallel_loop3A_196 {strides = array<i32>} : memref<200x32xf32, #tpu.memory_space<vmem>>, vector<1x16xf32>,
        %parallel_loop3A_197 = arith.index_cast %parallel_loop3A_180 : i32 to index
        %parallel_loop3A_198 = arith.constant 16 : index
        %parallel_loop3A_199 = tpu.vector_load %arg12[%parallel_loop3A_197, %parallel_loop3A_198] {strides = array<i32>} : memref<200x32xf32, #tpu.memory_space<vmem>>, vector<1x16xf32>,
        %parallel_loop3A_200 = vector.shape_cast %parallel_loop3A_199 : vector<1x16xf32> to vector<16xf32>
        %parallel_loop3A_201 = arith.constant 1 : i32
        %parallel_loop3A_202 = arith.index_cast %parallel_loop3A_140 : i32 to index
        %parallel_loop3A_203 = arith.index_cast %parallel_loop3A_201 : i32 to index
        %parallel_loop3A_204 = arith.constant 16 : index
        %parallel_loop3A_205 = tpu.vector_load %arg14[%parallel_loop3A_202, %parallel_loop3A_203, %parallel_loop3A_204] {strides = array<i32>} : memref<25x8x32xf32, #tpu.memory_space<vmem>>, vector<1x1x16xf32>,
        %parallel_loop3A_206 = vector.shape_cast %parallel_loop3A_205 : vector<1x1x16xf32> to vector<16xf32>
        %parallel_loop3A_207 = arith.mulf %parallel_loop3A_200, %parallel_loop3A_206 : vector<16xf32>
        %parallel_loop3A_208 = arith.index_cast %parallel_loop3A_180 : i32 to index
        %parallel_loop3A_209 = arith.constant 16 : index
        %parallel_loop3A_210 = tpu.vector_load %arg12[%parallel_loop3A_208, %parallel_loop3A_209] {strides = array<i32>} : memref<200x32xf32, #tpu.memory_space<vmem>>, vector<1x16xf32>,
        %parallel_loop3A_211 = vector.shape_cast %parallel_loop3A_210 : vector<1x16xf32> to vector<16xf32>
        %parallel_loop3A_212 = vector.shape_cast %parallel_loop3A_207 : vector<16xf32> to vector<1x16xf32>
        tpu.vector_store %arg12[%parallel_loop3A_208, %parallel_loop3A_209], %parallel_loop3A_212 {strides = array<i32>} : memref<200x32xf32, #tpu.memory_space<vmem>>, vector<1x16xf32>,
        %parallel_loop3A_213 = arith.constant 8 : i32
        %parallel_loop3A_214 = arith.muli %parallel_loop3A_140, %parallel_loop3A_213 : i32
        %parallel_loop3A_215 = arith.constant 2 : i32
        %parallel_loop3A_216 = arith.addi %parallel_loop3A_214, %parallel_loop3A_215 : i32
        %parallel_loop3A_217 = arith.index_cast %parallel_loop3A_216 : i32 to index
        %parallel_loop3A_218 = arith.constant 0 : index
        %parallel_loop3A_219 = tpu.vector_load %arg12[%parallel_loop3A_217, %parallel_loop3A_218] {strides = array<i32>} : memref<200x32xf32, #tpu.memory_space<vmem>>, vector<1x16xf32>,
        %parallel_loop3A_220 = vector.shape_cast %parallel_loop3A_219 : vector<1x16xf32> to vector<16xf32>
        %parallel_loop3A_221 = arith.constant 2 : i32
        %parallel_loop3A_222 = arith.index_cast %parallel_loop3A_140 : i32 to index
        %parallel_loop3A_223 = arith.index_cast %parallel_loop3A_221 : i32 to index
        %parallel_loop3A_224 = arith.constant 0 : index
        %parallel_loop3A_225 = tpu.vector_load %arg14[%parallel_loop3A_222, %parallel_loop3A_223, %parallel_loop3A_224] {strides = array<i32>} : memref<25x8x32xf32, #tpu.memory_space<vmem>>, vector<1x1x16xf32>,
        %parallel_loop3A_226 = vector.shape_cast %parallel_loop3A_225 : vector<1x1x16xf32> to vector<16xf32>
        %parallel_loop3A_227 = arith.mulf %parallel_loop3A_220, %parallel_loop3A_226 : vector<16xf32>
        %parallel_loop3A_228 = arith.index_cast %parallel_loop3A_216 : i32 to index
        %parallel_loop3A_229 = arith.constant 0 : index
        %parallel_loop3A_230 = tpu.vector_load %arg12[%parallel_loop3A_228, %parallel_loop3A_229] {strides = array<i32>} : memref<200x32xf32, #tpu.memory_space<vmem>>, vector<1x16xf32>,
        %parallel_loop3A_231 = vector.shape_cast %parallel_loop3A_230 : vector<1x16xf32> to vector<16xf32>
        %parallel_loop3A_232 = vector.shape_cast %parallel_loop3A_227 : vector<16xf32> to vector<1x16xf32>
        tpu.vector_store %arg12[%parallel_loop3A_228, %parallel_loop3A_229], %parallel_loop3A_232 {strides = array<i32>} : memref<200x32xf32, #tpu.memory_space<vmem>>, vector<1x16xf32>,
        %parallel_loop3A_233 = arith.index_cast %parallel_loop3A_216 : i32 to index
        %parallel_loop3A_234 = arith.constant 16 : index
        %parallel_loop3A_235 = tpu.vector_load %arg12[%parallel_loop3A_233, %parallel_loop3A_234] {strides = array<i32>} : memref<200x32xf32, #tpu.memory_space<vmem>>, vector<1x16xf32>,
        %parallel_loop3A_236 = vector.shape_cast %parallel_loop3A_235 : vector<1x16xf32> to vector<16xf32>
        %parallel_loop3A_237 = arith.constant 2 : i32
        %parallel_loop3A_238 = arith.index_cast %parallel_loop3A_140 : i32 to index
        %parallel_loop3A_239 = arith.index_cast %parallel_loop3A_237 : i32 to index
        %parallel_loop3A_240 = arith.constant 16 : index
        %parallel_loop3A_241 = tpu.vector_load %arg14[%parallel_loop3A_238, %parallel_loop3A_239, %parallel_loop3A_240] {strides = array<i32>} : memref<25x8x32xf32, #tpu.memory_space<vmem>>, vector<1x1x16xf32>,
        %parallel_loop3A_242 = vector.shape_cast %parallel_loop3A_241 : vector<1x1x16xf32> to vector<16xf32>
        %parallel_loop3A_243 = arith.mulf %parallel_loop3A_236, %parallel_loop3A_242 : vector<16xf32>
        %parallel_loop3A_244 = arith.index_cast %parallel_loop3A_216 : i32 to index
        %parallel_loop3A_245 = arith.constant 16 : index
        %parallel_loop3A_246 = tpu.vector_load %arg12[%parallel_loop3A_244, %parallel_loop3A_245] {strides = array<i32>} : memref<200x32xf32, #tpu.memory_space<vmem>>, vector<1x16xf32>,
        %parallel_loop3A_247 = vector.shape_cast %parallel_loop3A_246 : vector<1x16xf32> to vector<16xf32>
        %parallel_loop3A_248 = vector.shape_cast %parallel_loop3A_243 : vector<16xf32> to vector<1x16xf32>
        tpu.vector_store %arg12[%parallel_loop3A_244, %parallel_loop3A_245], %parallel_loop3A_248 {strides = array<i32>} : memref<200x32xf32, #tpu.memory_space<vmem>>, vector<1x16xf32>,
        %parallel_loop3A_249 = arith.constant 8 : i32
        %parallel_loop3A_250 = arith.muli %parallel_loop3A_140, %parallel_loop3A_249 : i32
        %parallel_loop3A_251 = arith.constant 3 : i32
        %parallel_loop3A_252 = arith.addi %parallel_loop3A_250, %parallel_loop3A_251 : i32
        %parallel_loop3A_253 = arith.index_cast %parallel_loop3A_252 : i32 to index
        %parallel_loop3A_254 = arith.constant 0 : index
        %parallel_loop3A_255 = tpu.vector_load %arg12[%parallel_loop3A_253, %parallel_loop3A_254] {strides = array<i32>} : memref<200x32xf32, #tpu.memory_space<vmem>>, vector<1x16xf32>,
        %parallel_loop3A_256 = vector.shape_cast %parallel_loop3A_255 : vector<1x16xf32> to vector<16xf32>
        %parallel_loop3A_257 = arith.constant 3 : i32
        %parallel_loop3A_258 = arith.index_cast %parallel_loop3A_140 : i32 to index
        %parallel_loop3A_259 = arith.index_cast %parallel_loop3A_257 : i32 to index
        %parallel_loop3A_260 = arith.constant 0 : index
        %parallel_loop3A_261 = tpu.vector_load %arg14[%parallel_loop3A_258, %parallel_loop3A_259, %parallel_loop3A_260] {strides = array<i32>} : memref<25x8x32xf32, #tpu.memory_space<vmem>>, vector<1x1x16xf32>,
        %parallel_loop3A_262 = vector.shape_cast %parallel_loop3A_261 : vector<1x1x16xf32> to vector<16xf32>
        %parallel_loop3A_263 = arith.mulf %parallel_loop3A_256, %parallel_loop3A_262 : vector<16xf32>
        %parallel_loop3A_264 = arith.index_cast %parallel_loop3A_252 : i32 to index
        %parallel_loop3A_265 = arith.constant 0 : index
        %parallel_loop3A_266 = tpu.vector_load %arg12[%parallel_loop3A_264, %parallel_loop3A_265] {strides = array<i32>} : memref<200x32xf32, #tpu.memory_space<vmem>>, vector<1x16xf32>,
        %parallel_loop3A_267 = vector.shape_cast %parallel_loop3A_266 : vector<1x16xf32> to vector<16xf32>
        %parallel_loop3A_268 = vector.shape_cast %parallel_loop3A_263 : vector<16xf32> to vector<1x16xf32>
        tpu.vector_store %arg12[%parallel_loop3A_264, %parallel_loop3A_265], %parallel_loop3A_268 {strides = array<i32>} : memref<200x32xf32, #tpu.memory_space<vmem>>, vector<1x16xf32>,
        %parallel_loop3A_269 = arith.index_cast %parallel_loop3A_252 : i32 to index
        %parallel_loop3A_270 = arith.constant 16 : index
        %parallel_loop3A_271 = tpu.vector_load %arg12[%parallel_loop3A_269, %parallel_loop3A_270] {strides = array<i32>} : memref<200x32xf32, #tpu.memory_space<vmem>>, vector<1x16xf32>,
        %parallel_loop3A_272 = vector.shape_cast %parallel_loop3A_271 : vector<1x16xf32> to vector<16xf32>
        %parallel_loop3A_273 = arith.constant 3 : i32
        %parallel_loop3A_274 = arith.index_cast %parallel_loop3A_140 : i32 to index
        %parallel_loop3A_275 = arith.index_cast %parallel_loop3A_273 : i32 to index
        %parallel_loop3A_276 = arith.constant 16 : index
        %parallel_loop3A_277 = tpu.vector_load %arg14[%parallel_loop3A_274, %parallel_loop3A_275, %parallel_loop3A_276] {strides = array<i32>} : memref<25x8x32xf32, #tpu.memory_space<vmem>>, vector<1x1x16xf32>,
        %parallel_loop3A_278 = vector.shape_cast %parallel_loop3A_277 : vector<1x1x16xf32> to vector<16xf32>
        %parallel_loop3A_279 = arith.mulf %parallel_loop3A_272, %parallel_loop3A_278 : vector<16xf32>
        %parallel_loop3A_280 = arith.index_cast %parallel_loop3A_252 : i32 to index
        %parallel_loop3A_281 = arith.constant 16 : index
        %parallel_loop3A_282 = tpu.vector_load %arg12[%parallel_loop3A_280, %parallel_loop3A_281] {strides = array<i32>} : memref<200x32xf32, #tpu.memory_space<vmem>>, vector<1x16xf32>,
        %parallel_loop3A_283 = vector.shape_cast %parallel_loop3A_282 : vector<1x16xf32> to vector<16xf32>
        %parallel_loop3A_284 = vector.shape_cast %parallel_loop3A_279 : vector<16xf32> to vector<1x16xf32>
        tpu.vector_store %arg12[%parallel_loop3A_280, %parallel_loop3A_281], %parallel_loop3A_284 {strides = array<i32>} : memref<200x32xf32, #tpu.memory_space<vmem>>, vector<1x16xf32>,
        %parallel_loop3A_285 = arith.constant 8 : i32
        %parallel_loop3A_286 = arith.muli %parallel_loop3A_140, %parallel_loop3A_285 : i32
        %parallel_loop3A_287 = arith.constant 4 : i32
        %parallel_loop3A_288 = arith.addi %parallel_loop3A_286, %parallel_loop3A_287 : i32
        %parallel_loop3A_289 = arith.index_cast %parallel_loop3A_288 : i32 to index
        %parallel_loop3A_290 = arith.constant 0 : index
        %parallel_loop3A_291 = tpu.vector_load %arg12[%parallel_loop3A_289, %parallel_loop3A_290] {strides = array<i32>} : memref<200x32xf32, #tpu.memory_space<vmem>>, vector<1x16xf32>,
        %parallel_loop3A_292 = vector.shape_cast %parallel_loop3A_291 : vector<1x16xf32> to vector<16xf32>
        %parallel_loop3A_293 = arith.constant 4 : i32
        %parallel_loop3A_294 = arith.index_cast %parallel_loop3A_140 : i32 to index
        %parallel_loop3A_295 = arith.index_cast %parallel_loop3A_293 : i32 to index
        %parallel_loop3A_296 = arith.constant 0 : index
        %parallel_loop3A_297 = tpu.vector_load %arg14[%parallel_loop3A_294, %parallel_loop3A_295, %parallel_loop3A_296] {strides = array<i32>} : memref<25x8x32xf32, #tpu.memory_space<vmem>>, vector<1x1x16xf32>,
        %parallel_loop3A_298 = vector.shape_cast %parallel_loop3A_297 : vector<1x1x16xf32> to vector<16xf32>
        %parallel_loop3A_299 = arith.mulf %parallel_loop3A_292, %parallel_loop3A_298 : vector<16xf32>
        %parallel_loop3A_300 = arith.index_cast %parallel_loop3A_288 : i32 to index
        %parallel_loop3A_301 = arith.constant 0 : index
        %parallel_loop3A_302 = tpu.vector_load %arg12[%parallel_loop3A_300, %parallel_loop3A_301] {strides = array<i32>} : memref<200x32xf32, #tpu.memory_space<vmem>>, vector<1x16xf32>,
        %parallel_loop3A_303 = vector.shape_cast %parallel_loop3A_302 : vector<1x16xf32> to vector<16xf32>
        %parallel_loop3A_304 = vector.shape_cast %parallel_loop3A_299 : vector<16xf32> to vector<1x16xf32>
        tpu.vector_store %arg12[%parallel_loop3A_300, %parallel_loop3A_301], %parallel_loop3A_304 {strides = array<i32>} : memref<200x32xf32, #tpu.memory_space<vmem>>, vector<1x16xf32>,
        %parallel_loop3A_305 = arith.index_cast %parallel_loop3A_288 : i32 to index
        %parallel_loop3A_306 = arith.constant 16 : index
        %parallel_loop3A_307 = tpu.vector_load %arg12[%parallel_loop3A_305, %parallel_loop3A_306] {strides = array<i32>} : memref<200x32xf32, #tpu.memory_space<vmem>>, vector<1x16xf32>,
        %parallel_loop3A_308 = vector.shape_cast %parallel_loop3A_307 : vector<1x16xf32> to vector<16xf32>
        %parallel_loop3A_309 = arith.constant 4 : i32
        %parallel_loop3A_310 = arith.index_cast %parallel_loop3A_140 : i32 to index
        %parallel_loop3A_311 = arith.index_cast %parallel_loop3A_309 : i32 to index
        %parallel_loop3A_312 = arith.constant 16 : index
        %parallel_loop3A_313 = tpu.vector_load %arg14[%parallel_loop3A_310, %parallel_loop3A_311, %parallel_loop3A_312] {strides = array<i32>} : memref<25x8x32xf32, #tpu.memory_space<vmem>>, vector<1x1x16xf32>,
        %parallel_loop3A_314 = vector.shape_cast %parallel_loop3A_313 : vector<1x1x16xf32> to vector<16xf32>
        %parallel_loop3A_315 = arith.mulf %parallel_loop3A_308, %parallel_loop3A_314 : vector<16xf32>
        %parallel_loop3A_316 = arith.index_cast %parallel_loop3A_288 : i32 to index
        %parallel_loop3A_317 = arith.constant 16 : index
        %parallel_loop3A_318 = tpu.vector_load %arg12[%parallel_loop3A_316, %parallel_loop3A_317] {strides = array<i32>} : memref<200x32xf32, #tpu.memory_space<vmem>>, vector<1x16xf32>,
        %parallel_loop3A_319 = vector.shape_cast %parallel_loop3A_318 : vector<1x16xf32> to vector<16xf32>
        %parallel_loop3A_320 = vector.shape_cast %parallel_loop3A_315 : vector<16xf32> to vector<1x16xf32>
        tpu.vector_store %arg12[%parallel_loop3A_316, %parallel_loop3A_317], %parallel_loop3A_320 {strides = array<i32>} : memref<200x32xf32, #tpu.memory_space<vmem>>, vector<1x16xf32>,
        %parallel_loop3A_321 = arith.constant 8 : i32
        %parallel_loop3A_322 = arith.muli %parallel_loop3A_140, %parallel_loop3A_321 : i32
        %parallel_loop3A_323 = arith.constant 5 : i32
        %parallel_loop3A_324 = arith.addi %parallel_loop3A_322, %parallel_loop3A_323 : i32
        %parallel_loop3A_325 = arith.index_cast %parallel_loop3A_324 : i32 to index
        %parallel_loop3A_326 = arith.constant 0 : index
        %parallel_loop3A_327 = tpu.vector_load %arg12[%parallel_loop3A_325, %parallel_loop3A_326] {strides = array<i32>} : memref<200x32xf32, #tpu.memory_space<vmem>>, vector<1x16xf32>,
        %parallel_loop3A_328 = vector.shape_cast %parallel_loop3A_327 : vector<1x16xf32> to vector<16xf32>
        %parallel_loop3A_329 = arith.constant 5 : i32
        %parallel_loop3A_330 = arith.index_cast %parallel_loop3A_140 : i32 to index
        %parallel_loop3A_331 = arith.index_cast %parallel_loop3A_329 : i32 to index
        %parallel_loop3A_332 = arith.constant 0 : index
        %parallel_loop3A_333 = tpu.vector_load %arg14[%parallel_loop3A_330, %parallel_loop3A_331, %parallel_loop3A_332] {strides = array<i32>} : memref<25x8x32xf32, #tpu.memory_space<vmem>>, vector<1x1x16xf32>,
        %parallel_loop3A_334 = vector.shape_cast %parallel_loop3A_333 : vector<1x1x16xf32> to vector<16xf32>
        %parallel_loop3A_335 = arith.mulf %parallel_loop3A_328, %parallel_loop3A_334 : vector<16xf32>
        %parallel_loop3A_336 = arith.index_cast %parallel_loop3A_324 : i32 to index
        %parallel_loop3A_337 = arith.constant 0 : index
        %parallel_loop3A_338 = tpu.vector_load %arg12[%parallel_loop3A_336, %parallel_loop3A_337] {strides = array<i32>} : memref<200x32xf32, #tpu.memory_space<vmem>>, vector<1x16xf32>,
        %parallel_loop3A_339 = vector.shape_cast %parallel_loop3A_338 : vector<1x16xf32> to vector<16xf32>
        %parallel_loop3A_340 = vector.shape_cast %parallel_loop3A_335 : vector<16xf32> to vector<1x16xf32>
        tpu.vector_store %arg12[%parallel_loop3A_336, %parallel_loop3A_337], %parallel_loop3A_340 {strides = array<i32>} : memref<200x32xf32, #tpu.memory_space<vmem>>, vector<1x16xf32>,
        %parallel_loop3A_341 = arith.index_cast %parallel_loop3A_324 : i32 to index
        %parallel_loop3A_342 = arith.constant 16 : index
        %parallel_loop3A_343 = tpu.vector_load %arg12[%parallel_loop3A_341, %parallel_loop3A_342] {strides = array<i32>} : memref<200x32xf32, #tpu.memory_space<vmem>>, vector<1x16xf32>,
        %parallel_loop3A_344 = vector.shape_cast %parallel_loop3A_343 : vector<1x16xf32> to vector<16xf32>
        %parallel_loop3A_345 = arith.constant 5 : i32
        %parallel_loop3A_346 = arith.index_cast %parallel_loop3A_140 : i32 to index
        %parallel_loop3A_347 = arith.index_cast %parallel_loop3A_345 : i32 to index
        %parallel_loop3A_348 = arith.constant 16 : index
        %parallel_loop3A_349 = tpu.vector_load %arg14[%parallel_loop3A_346, %parallel_loop3A_347, %parallel_loop3A_348] {strides = array<i32>} : memref<25x8x32xf32, #tpu.memory_space<vmem>>, vector<1x1x16xf32>,
        %parallel_loop3A_350 = vector.shape_cast %parallel_loop3A_349 : vector<1x1x16xf32> to vector<16xf32>
        %parallel_loop3A_351 = arith.mulf %parallel_loop3A_344, %parallel_loop3A_350 : vector<16xf32>
        %parallel_loop3A_352 = arith.index_cast %parallel_loop3A_324 : i32 to index
        %parallel_loop3A_353 = arith.constant 16 : index
        %parallel_loop3A_354 = tpu.vector_load %arg12[%parallel_loop3A_352, %parallel_loop3A_353] {strides = array<i32>} : memref<200x32xf32, #tpu.memory_space<vmem>>, vector<1x16xf32>,
        %parallel_loop3A_355 = vector.shape_cast %parallel_loop3A_354 : vector<1x16xf32> to vector<16xf32>
        %parallel_loop3A_356 = vector.shape_cast %parallel_loop3A_351 : vector<16xf32> to vector<1x16xf32>
        tpu.vector_store %arg12[%parallel_loop3A_352, %parallel_loop3A_353], %parallel_loop3A_356 {strides = array<i32>} : memref<200x32xf32, #tpu.memory_space<vmem>>, vector<1x16xf32>,
        %parallel_loop3A_357 = arith.constant 8 : i32
        %parallel_loop3A_358 = arith.muli %parallel_loop3A_140, %parallel_loop3A_357 : i32
        %parallel_loop3A_359 = arith.constant 6 : i32
        %parallel_loop3A_360 = arith.addi %parallel_loop3A_358, %parallel_loop3A_359 : i32
        %parallel_loop3A_361 = arith.index_cast %parallel_loop3A_360 : i32 to index
        %parallel_loop3A_362 = arith.constant 0 : index
        %parallel_loop3A_363 = tpu.vector_load %arg12[%parallel_loop3A_361, %parallel_loop3A_362] {strides = array<i32>} : memref<200x32xf32, #tpu.memory_space<vmem>>, vector<1x16xf32>,
        %parallel_loop3A_364 = vector.shape_cast %parallel_loop3A_363 : vector<1x16xf32> to vector<16xf32>
        %parallel_loop3A_365 = arith.constant 6 : i32
        %parallel_loop3A_366 = arith.index_cast %parallel_loop3A_140 : i32 to index
        %parallel_loop3A_367 = arith.index_cast %parallel_loop3A_365 : i32 to index
        %parallel_loop3A_368 = arith.constant 0 : index
        %parallel_loop3A_369 = tpu.vector_load %arg14[%parallel_loop3A_366, %parallel_loop3A_367, %parallel_loop3A_368] {strides = array<i32>} : memref<25x8x32xf32, #tpu.memory_space<vmem>>, vector<1x1x16xf32>,
        %parallel_loop3A_370 = vector.shape_cast %parallel_loop3A_369 : vector<1x1x16xf32> to vector<16xf32>
        %parallel_loop3A_371 = arith.mulf %parallel_loop3A_364, %parallel_loop3A_370 : vector<16xf32>
        %parallel_loop3A_372 = arith.index_cast %parallel_loop3A_360 : i32 to index
        %parallel_loop3A_373 = arith.constant 0 : index
        %parallel_loop3A_374 = tpu.vector_load %arg12[%parallel_loop3A_372, %parallel_loop3A_373] {strides = array<i32>} : memref<200x32xf32, #tpu.memory_space<vmem>>, vector<1x16xf32>,
        %parallel_loop3A_375 = vector.shape_cast %parallel_loop3A_374 : vector<1x16xf32> to vector<16xf32>
        %parallel_loop3A_376 = vector.shape_cast %parallel_loop3A_371 : vector<16xf32> to vector<1x16xf32>
        tpu.vector_store %arg12[%parallel_loop3A_372, %parallel_loop3A_373], %parallel_loop3A_376 {strides = array<i32>} : memref<200x32xf32, #tpu.memory_space<vmem>>, vector<1x16xf32>,
        %parallel_loop3A_377 = arith.index_cast %parallel_loop3A_360 : i32 to index
        %parallel_loop3A_378 = arith.constant 16 : index
        %parallel_loop3A_379 = tpu.vector_load %arg12[%parallel_loop3A_377, %parallel_loop3A_378] {strides = array<i32>} : memref<200x32xf32, #tpu.memory_space<vmem>>, vector<1x16xf32>,
        %parallel_loop3A_380 = vector.shape_cast %parallel_loop3A_379 : vector<1x16xf32> to vector<16xf32>
        %parallel_loop3A_381 = arith.constant 6 : i32
        %parallel_loop3A_382 = arith.index_cast %parallel_loop3A_140 : i32 to index
        %parallel_loop3A_383 = arith.index_cast %parallel_loop3A_381 : i32 to index
        %parallel_loop3A_384 = arith.constant 16 : index
        %parallel_loop3A_385 = tpu.vector_load %arg14[%parallel_loop3A_382, %parallel_loop3A_383, %parallel_loop3A_384] {strides = array<i32>} : memref<25x8x32xf32, #tpu.memory_space<vmem>>, vector<1x1x16xf32>,
        %parallel_loop3A_386 = vector.shape_cast %parallel_loop3A_385 : vector<1x1x16xf32> to vector<16xf32>
        %parallel_loop3A_387 = arith.mulf %parallel_loop3A_380, %parallel_loop3A_386 : vector<16xf32>
        %parallel_loop3A_388 = arith.index_cast %parallel_loop3A_360 : i32 to index
        %parallel_loop3A_389 = arith.constant 16 : index
        %parallel_loop3A_390 = tpu.vector_load %arg12[%parallel_loop3A_388, %parallel_loop3A_389] {strides = array<i32>} : memref<200x32xf32, #tpu.memory_space<vmem>>, vector<1x16xf32>,
        %parallel_loop3A_391 = vector.shape_cast %parallel_loop3A_390 : vector<1x16xf32> to vector<16xf32>
        %parallel_loop3A_392 = vector.shape_cast %parallel_loop3A_387 : vector<16xf32> to vector<1x16xf32>
        tpu.vector_store %arg12[%parallel_loop3A_388, %parallel_loop3A_389], %parallel_loop3A_392 {strides = array<i32>} : memref<200x32xf32, #tpu.memory_space<vmem>>, vector<1x16xf32>,
        %parallel_loop3A_393 = arith.constant 8 : i32
        %parallel_loop3A_394 = arith.muli %parallel_loop3A_140, %parallel_loop3A_393 : i32
        %parallel_loop3A_395 = arith.constant 7 : i32
        %parallel_loop3A_396 = arith.addi %parallel_loop3A_394, %parallel_loop3A_395 : i32
        %parallel_loop3A_397 = arith.index_cast %parallel_loop3A_396 : i32 to index
        %parallel_loop3A_398 = arith.constant 0 : index
        %parallel_loop3A_399 = tpu.vector_load %arg12[%parallel_loop3A_397, %parallel_loop3A_398] {strides = array<i32>} : memref<200x32xf32, #tpu.memory_space<vmem>>, vector<1x16xf32>,
        %parallel_loop3A_400 = vector.shape_cast %parallel_loop3A_399 : vector<1x16xf32> to vector<16xf32>
        %parallel_loop3A_401 = arith.constant 7 : i32
        %parallel_loop3A_402 = arith.index_cast %parallel_loop3A_140 : i32 to index
        %parallel_loop3A_403 = arith.index_cast %parallel_loop3A_401 : i32 to index
        %parallel_loop3A_404 = arith.constant 0 : index
        %parallel_loop3A_405 = tpu.vector_load %arg14[%parallel_loop3A_402, %parallel_loop3A_403, %parallel_loop3A_404] {strides = array<i32>} : memref<25x8x32xf32, #tpu.memory_space<vmem>>, vector<1x1x16xf32>,
        %parallel_loop3A_406 = vector.shape_cast %parallel_loop3A_405 : vector<1x1x16xf32> to vector<16xf32>
        %parallel_loop3A_407 = arith.mulf %parallel_loop3A_400, %parallel_loop3A_406 : vector<16xf32>
        %parallel_loop3A_408 = arith.index_cast %parallel_loop3A_396 : i32 to index
        %parallel_loop3A_409 = arith.constant 0 : index
        %parallel_loop3A_410 = tpu.vector_load %arg12[%parallel_loop3A_408, %parallel_loop3A_409] {strides = array<i32>} : memref<200x32xf32, #tpu.memory_space<vmem>>, vector<1x16xf32>,
        %parallel_loop3A_411 = vector.shape_cast %parallel_loop3A_410 : vector<1x16xf32> to vector<16xf32>
        %parallel_loop3A_412 = vector.shape_cast %parallel_loop3A_407 : vector<16xf32> to vector<1x16xf32>
        tpu.vector_store %arg12[%parallel_loop3A_408, %parallel_loop3A_409], %parallel_loop3A_412 {strides = array<i32>} : memref<200x32xf32, #tpu.memory_space<vmem>>, vector<1x16xf32>,
        %parallel_loop3A_413 = arith.index_cast %parallel_loop3A_396 : i32 to index
        %parallel_loop3A_414 = arith.constant 16 : index
        %parallel_loop3A_415 = tpu.vector_load %arg12[%parallel_loop3A_413, %parallel_loop3A_414] {strides = array<i32>} : memref<200x32xf32, #tpu.memory_space<vmem>>, vector<1x16xf32>,
        %parallel_loop3A_416 = vector.shape_cast %parallel_loop3A_415 : vector<1x16xf32> to vector<16xf32>
        %parallel_loop3A_417 = arith.constant 7 : i32
        %parallel_loop3A_418 = arith.index_cast %parallel_loop3A_140 : i32 to index
        %parallel_loop3A_419 = arith.index_cast %parallel_loop3A_417 : i32 to index
        %parallel_loop3A_420 = arith.constant 16 : index
        %parallel_loop3A_421 = tpu.vector_load %arg14[%parallel_loop3A_418, %parallel_loop3A_419, %parallel_loop3A_420] {strides = array<i32>} : memref<25x8x32xf32, #tpu.memory_space<vmem>>, vector<1x1x16xf32>,
        %parallel_loop3A_422 = vector.shape_cast %parallel_loop3A_421 : vector<1x1x16xf32> to vector<16xf32>
        %parallel_loop3A_423 = arith.mulf %parallel_loop3A_416, %parallel_loop3A_422 : vector<16xf32>
        %parallel_loop3A_424 = arith.index_cast %parallel_loop3A_396 : i32 to index
        %parallel_loop3A_425 = arith.constant 16 : index
        %parallel_loop3A_426 = tpu.vector_load %arg12[%parallel_loop3A_424, %parallel_loop3A_425] {strides = array<i32>} : memref<200x32xf32, #tpu.memory_space<vmem>>, vector<1x16xf32>,
        %parallel_loop3A_427 = vector.shape_cast %parallel_loop3A_426 : vector<1x16xf32> to vector<16xf32>
        %parallel_loop3A_428 = vector.shape_cast %parallel_loop3A_423 : vector<16xf32> to vector<1x16xf32>
        tpu.vector_store %arg12[%parallel_loop3A_424, %parallel_loop3A_425], %parallel_loop3A_428 {strides = array<i32>} : memref<200x32xf32, #tpu.memory_space<vmem>>, vector<1x16xf32>,
      } {sc.loop_unroll_factor = 2 : i64, sc.parallel_access}
      "tpu.region"() ({
        %run_scoped3A = tpu.sem_alloc : memref<!tpu.dma_semaphore, #tpu.memory_space<semaphore_mem>>
        %dma_start3A_140 = arith.constant 0 : i32
        %dma_start3A_141 = arith.constant 0 : i32
        %dma_start3A_142 = tpu.memref_slice %arg16[%dma_start3A_140, %dma_start3A_141] : memref<10240x32xf32, #tpu.memory_space<vmem_shared>> -> memref<10240x32xf32, #tpu.memory_space<vmem_shared>>
        tpu.enqueue_indirect_dma source(%arg12 : memref<200x32xf32, #tpu.memory_space<vmem>>) target(%dma_start3A_142 : memref<10240x32xf32, #tpu.memory_space<vmem_shared>>) offsets(%arg10 : memref<200xi32, #tpu.memory_space<vmem>>) semaphore(%run_scoped3A : memref<!tpu.dma_semaphore, #tpu.memory_space<semaphore_mem>>) {add = true}
        %dma_wait3A_143 = arith.constant 0 : i32
        %dma_wait3A_144 = arith.constant 0 : i32
        %dma_wait3A_145 = tpu.memref_slice %arg16[%dma_wait3A_143, %dma_wait3A_144] : memref<10240x32xf32, #tpu.memory_space<vmem_shared>> -> memref<10240x32xf32, #tpu.memory_space<vmem_shared>>
        tpu.wait_indirect_dma semaphore(%run_scoped3A : memref<!tpu.dma_semaphore, #tpu.memory_space<semaphore_mem>>) src(%arg12 : memref<200x32xf32, #tpu.memory_space<vmem>>) dst(%dma_wait3A_145 : memref<10240x32xf32, #tpu.memory_space<vmem_shared>>)
        tpu.yield
      }) : () -> ()
      %convert_element_type3A_137 = arith.extui %lt3A_51 : i1 to i32
      %cond3A_138 = arith.constant 0 : i32
      %cond3A_139 = arith.cmpi ne, %convert_element_type3A_137, %cond3A_138 : i32
      scf.if %cond3A_139 {
        %mul3A_140 = arith.constant 2 : i32
        %mul3A_141 = arith.muli %mul3A_140, %scan3A_50 : i32
        %add3A_142 = arith.constant 3 : i32
        %add3A_143 = arith.addi %mul3A_141, %add3A_142 : i32
        %mul3A_144 = arith.constant 200 : i32
        %mul3A_145 = arith.muli %add3A_143, %mul3A_144 : i32
        %add3A_146 = arith.addi %mul3A_7, %mul3A_145 : i32
        %dma_start3A_147 = tpu.memref_slice %arg4[%add3A_146] : memref<320000xi32, #tpu.memory_space<hbm>> -> memref<200xi32, #tpu.memory_space<hbm>>
        %dma_start3A_148 = tpu.memref_slice %arg4[%add3A_146] : memref<320000xi32, #tpu.memory_space<hbm>> -> memref<200xi32, #tpu.memory_space<hbm>>
        tpu.enqueue_dma source(%dma_start3A_148 : memref<200xi32, #tpu.memory_space<hbm>>) target(%arg9 : memref<200xi32, #tpu.memory_space<vmem>>) target_semaphore(%arg22 : memref<!tpu.dma_semaphore, #tpu.memory_space<semaphore_mem>>)
        %dma_start3A_149 = tpu.memref_slice %arg5[%add3A_146] : memref<320000xi32, #tpu.memory_space<hbm>> -> memref<200xi32, #tpu.memory_space<hbm>>
        %dma_start3A_150 = tpu.memref_slice %arg5[%add3A_146] : memref<320000xi32, #tpu.memory_space<hbm>> -> memref<200xi32, #tpu.memory_space<hbm>>
        tpu.enqueue_dma source(%dma_start3A_150 : memref<200xi32, #tpu.memory_space<hbm>>) target(%arg10 : memref<200xi32, #tpu.memory_space<vmem>>) target_semaphore(%arg22 : memref<!tpu.dma_semaphore, #tpu.memory_space<semaphore_mem>>)
      } else {
      }
    }
    %scan3A_44 = arith.constant 25 : i32
    %barrier3A_45 = arith.constant 0 : index
    tpu.barrier barrier_id(%barrier3A_45)
    %mul3A_46 = arith.constant 640 : i32
    %mul3A_47 = arith.muli %arg1, %mul3A_46 : i32
    %mul3A_48 = arith.constant 640 : i32
    %mul3A_49 = arith.muli %arg1, %mul3A_48 : i32
    "tpu.region"() ({
      %run_scoped3A = tpu.sem_alloc : memref<!tpu.dma_semaphore, #tpu.memory_space<semaphore_mem>>
      %dma_start3A_50 = arith.constant 0 : i32
      %dma_start3A_51 = tpu.memref_slice %arg6[%arg0, %mul3A_49, %dma_start3A_50] : memref<2x10240x32xf32, #tpu.memory_space<hbm>> -> memref<1x640x32xf32, #tpu.memory_space<hbm>>
      %dma_start3A_52 = tpu.memref_squeeze %dma_start3A_51 : memref<1x640x32xf32, #tpu.memory_space<hbm>> -> memref<640x32xf32, #tpu.memory_space<hbm>>
      %dma_start3A_53 = arith.constant 0 : i32
      %dma_start3A_54 = tpu.memref_slice %arg16[%mul3A_47, %dma_start3A_53] : memref<10240x32xf32, #tpu.memory_space<vmem_shared>> -> memref<640x32xf32, #tpu.memory_space<vmem_shared>>
      tpu.enqueue_dma source(%dma_start3A_54 : memref<640x32xf32, #tpu.memory_space<vmem_shared>>) target(%dma_start3A_52 : memref<640x32xf32, #tpu.memory_space<hbm>>) target_semaphore(%run_scoped3A : memref<!tpu.dma_semaphore, #tpu.memory_space<semaphore_mem>>)
      %dma_wait3A = arith.constant 0 : i32
      %dma_wait3A_55 = tpu.memref_slice %arg6[%arg0, %mul3A_49, %dma_wait3A] : memref<2x10240x32xf32, #tpu.memory_space<hbm>> -> memref<1x640x32xf32, #tpu.memory_space<hbm>>
      %dma_wait3A_56 = tpu.memref_squeeze %dma_wait3A_55 : memref<1x640x32xf32, #tpu.memory_space<hbm>> -> memref<640x32xf32, #tpu.memory_space<hbm>>
      %dma_wait3A_57 = arith.constant 0 : i32
      %dma_wait3A_58 = tpu.memref_slice %arg16[%mul3A_47, %dma_wait3A_57] : memref<10240x32xf32, #tpu.memory_space<vmem_shared>> -> memref<640x32xf32, #tpu.memory_space<vmem_shared>>
      tpu.wait_dma2 semaphore(%run_scoped3A : memref<!tpu.dma_semaphore, #tpu.memory_space<semaphore_mem>>) src(%dma_wait3A_58 : memref<640x32xf32, #tpu.memory_space<vmem_shared>>) dst(%dma_wait3A_56 : memref<640x32xf32, #tpu.memory_space<hbm>>)
      tpu.yield
    }) : () -> ()
    return
  }
}

#map = affine_map<(d0, d1) -> (0, 0)>
#map1 = affine_map<(d0, d1) -> (0, 0, 0)>
#map2 = affine_map<(d0, d1) -> (0)>
module attributes {stable_mosaic.version = 14 : i64} {
  func.func @_scatter_body(%arg0: i32, %arg1: i32, %arg2: memref<10000x32xf32, #tpu.memory_space<hbm>>, %arg3: memref<40000x8x128xf32, #tpu.memory_space<hbm>>, %arg4: memref<320000xi32, #tpu.memory_space<hbm>>, %arg5: memref<320000xi32, #tpu.memory_space<hbm>>, %arg6: memref<2x10240x32xf32, #tpu.memory_space<hbm>>, %arg7: memref<200xi32, #tpu.memory_space<vmem>>, %arg8: memref<200xi32, #tpu.memory_space<vmem>>, %arg9: memref<200xi32, #tpu.memory_space<vmem>>, %arg10: memref<200xi32, #tpu.memory_space<vmem>>, %arg11: memref<200x32xf32, #tpu.memory_space<vmem>>, %arg12: memref<200x32xf32, #tpu.memory_space<vmem>>, %arg13: memref<25x8x32xf32, #tpu.memory_space<vmem>>, %arg14: memref<25x8x32xf32, #tpu.memory_space<vmem>>, %arg15: memref<640x32xf32, #tpu.memory_space<vmem>>, %arg16: memref<10240x32xf32, #tpu.memory_space<vmem_shared>>, %arg17: memref<!tpu.dma_semaphore, #tpu.memory_space<semaphore_mem>>, %arg18: memref<!tpu.dma_semaphore, #tpu.memory_space<semaphore_mem>>, %arg19: memref<!tpu.dma_semaphore, #tpu.memory_space<semaphore_mem>>, %arg20: memref<!tpu.dma_semaphore, #tpu.memory_space<semaphore_mem>>, %arg21: memref<!tpu.dma_semaphore, #tpu.memory_space<semaphore_mem>>, %arg22: memref<!tpu.dma_semaphore, #tpu.memory_space<semaphore_mem>>) attributes {dimension_semantics = [#tpu.dimension_semantics<core_parallel>, #tpu.dimension_semantics<subcore_parallel>], iteration_bounds = array<i64: 2, 16>, scalar_prefetch = 0 : i64, scratch_operands = 16 : i64, tpu.core_type = #tpu.core_type<sc_vector_subcore>, window_params = [{transform_indices = #map}, {transform_indices = #map1}, {transform_indices = #map2}, {transform_indices = #map2}, {transform_indices = #map1}]} {
    %mul3A = arith.constant 2 : i32
    %mul3A_0 = arith.muli %arg1, %mul3A : i32
    %add3A = arith.addi %mul3A_0, %arg0 : i32
    %broadcast_in_dim3A = arith.constant 0.000000e+00 : f32
    %broadcast_in_dim3A_1 = vector.broadcast %broadcast_in_dim3A : f32 to vector<16xf32>
    %parallel_loop3A = arith.constant 0 : i32
    %parallel_loop3A_2 = arith.constant 640 : i32
    %parallel_loop3A_3 = arith.constant 1 : i32
    scf.for %parallel_loop3A_50 = %parallel_loop3A to %parallel_loop3A_2 step %parallel_loop3A_3  : i32 {
      %parallel_loop3A_51 = arith.index_cast %parallel_loop3A_50 : i32 to index
      %parallel_loop3A_52 = arith.constant 0 : index
      %parallel_loop3A_53 = tpu.vector_load %arg15[%parallel_loop3A_51, %parallel_loop3A_52] {strides = array<i32>} : memref<640x32xf32, #tpu.memory_space<vmem>>, vector<1x16xf32>,
      %parallel_loop3A_54 = vector.shape_cast %parallel_loop3A_53 : vector<1x16xf32> to vector<16xf32>
      %parallel_loop3A_55 = vector.shape_cast %broadcast_in_dim3A_1 : vector<16xf32> to vector<1x16xf32>
      tpu.vector_store %arg15[%parallel_loop3A_51, %parallel_loop3A_52], %parallel_loop3A_55 {strides = array<i32>} : memref<640x32xf32, #tpu.memory_space<vmem>>, vector<1x16xf32>,
      %parallel_loop3A_56 = arith.index_cast %parallel_loop3A_50 : i32 to index
      %parallel_loop3A_57 = arith.constant 16 : index
      %parallel_loop3A_58 = tpu.vector_load %arg15[%parallel_loop3A_56, %parallel_loop3A_57] {strides = array<i32>} : memref<640x32xf32, #tpu.memory_space<vmem>>, vector<1x16xf32>,
      %parallel_loop3A_59 = vector.shape_cast %parallel_loop3A_58 : vector<1x16xf32> to vector<16xf32>
      %parallel_loop3A_60 = vector.shape_cast %broadcast_in_dim3A_1 : vector<16xf32> to vector<1x16xf32>
      tpu.vector_store %arg15[%parallel_loop3A_56, %parallel_loop3A_57], %parallel_loop3A_60 {strides = array<i32>} : memref<640x32xf32, #tpu.memory_space<vmem>>, vector<1x16xf32>,
    } {sc.loop_unroll_factor = 4 : i64, sc.parallel_access}
    %mul3A_4 = arith.constant 640 : i32
    %mul3A_5 = arith.muli %arg1, %mul3A_4 : i32
    "tpu.region"() ({
      %run_scoped3A = tpu.sem_alloc : memref<!tpu.dma_semaphore, #tpu.memory_space<semaphore_mem>>
      %dma_start3A_50 = arith.constant 0 : i32
      %dma_start3A_51 = tpu.memref_slice %arg16[%mul3A_5, %dma_start3A_50] : memref<10240x32xf32, #tpu.memory_space<vmem_shared>> -> memref<640x32xf32, #tpu.memory_space<vmem_shared>>
      %dma_start3A_52 = arith.constant 0 : i32
      %dma_start3A_53 = tpu.memref_slice %arg16[%mul3A_5, %dma_start3A_52] : memref<10240x32xf32, #tpu.memory_space<vmem_shared>> -> memref<640x32xf32, #tpu.memory_space<vmem_shared>>
      tpu.enqueue_dma source(%arg15 : memref<640x32xf32, #tpu.memory_space<vmem>>) target(%dma_start3A_53 : memref<640x32xf32, #tpu.memory_space<vmem_shared>>) target_semaphore(%run_scoped3A : memref<!tpu.dma_semaphore, #tpu.memory_space<semaphore_mem>>)
      %dma_wait3A = arith.constant 0 : i32
      %dma_wait3A_54 = tpu.memref_slice %arg16[%mul3A_5, %dma_wait3A] : memref<10240x32xf32, #tpu.memory_space<vmem_shared>> -> memref<640x32xf32, #tpu.memory_space<vmem_shared>>
      %dma_wait3A_55 = arith.constant 0 : i32
      %dma_wait3A_56 = tpu.memref_slice %arg16[%mul3A_5, %dma_wait3A_55] : memref<10240x32xf32, #tpu.memory_space<vmem_shared>> -> memref<640x32xf32, #tpu.memory_space<vmem_shared>>
      tpu.wait_dma2 semaphore(%run_scoped3A : memref<!tpu.dma_semaphore, #tpu.memory_space<semaphore_mem>>) src(%arg15 : memref<640x32xf32, #tpu.memory_space<vmem>>) dst(%dma_wait3A_56 : memref<640x32xf32, #tpu.memory_space<vmem_shared>>)
      tpu.yield
    }) : () -> ()
    %barrier3A = arith.constant 0 : index
    tpu.barrier barrier_id(%barrier3A)
    %mul3A_6 = arith.constant 10000 : i32
    %mul3A_7 = arith.muli %add3A, %mul3A_6 : i32
    "tpu.region"() ({
      %run_scoped3A = tpu.sem_alloc : memref<!tpu.dma_semaphore, #tpu.memory_space<semaphore_mem>>
      %dma_start3A_50 = tpu.memref_slice %arg4[%mul3A_7] : memref<320000xi32, #tpu.memory_space<hbm>> -> memref<200xi32, #tpu.memory_space<hbm>>
      %dma_start3A_51 = tpu.memref_slice %arg4[%mul3A_7] : memref<320000xi32, #tpu.memory_space<hbm>> -> memref<200xi32, #tpu.memory_space<hbm>>
      tpu.enqueue_dma source(%dma_start3A_51 : memref<200xi32, #tpu.memory_space<hbm>>) target(%arg7 : memref<200xi32, #tpu.memory_space<vmem>>) target_semaphore(%run_scoped3A : memref<!tpu.dma_semaphore, #tpu.memory_space<semaphore_mem>>)
      %dma_wait3A = tpu.memref_slice %arg4[%mul3A_7] : memref<320000xi32, #tpu.memory_space<hbm>> -> memref<200xi32, #tpu.memory_space<hbm>>
      %dma_wait3A_52 = tpu.memref_slice %arg4[%mul3A_7] : memref<320000xi32, #tpu.memory_space<hbm>> -> memref<200xi32, #tpu.memory_space<hbm>>
      tpu.wait_dma2 semaphore(%run_scoped3A : memref<!tpu.dma_semaphore, #tpu.memory_space<semaphore_mem>>) src(%dma_wait3A_52 : memref<200xi32, #tpu.memory_space<hbm>>) dst(%arg7 : memref<200xi32, #tpu.memory_space<vmem>>)
      tpu.yield
    }) : () -> ()
    "tpu.region"() ({
      %run_scoped3A = tpu.sem_alloc : memref<!tpu.dma_semaphore, #tpu.memory_space<semaphore_mem>>
      %dma_start3A_50 = tpu.memref_slice %arg5[%mul3A_7] : memref<320000xi32, #tpu.memory_space<hbm>> -> memref<200xi32, #tpu.memory_space<hbm>>
      %dma_start3A_51 = tpu.memref_slice %arg5[%mul3A_7] : memref<320000xi32, #tpu.memory_space<hbm>> -> memref<200xi32, #tpu.memory_space<hbm>>
      tpu.enqueue_dma source(%dma_start3A_51 : memref<200xi32, #tpu.memory_space<hbm>>) target(%arg8 : memref<200xi32, #tpu.memory_space<vmem>>) target_semaphore(%run_scoped3A : memref<!tpu.dma_semaphore, #tpu.memory_space<semaphore_mem>>)
      %dma_wait3A = tpu.memref_slice %arg5[%mul3A_7] : memref<320000xi32, #tpu.memory_space<hbm>> -> memref<200xi32, #tpu.memory_space<hbm>>
      %dma_wait3A_52 = tpu.memref_slice %arg5[%mul3A_7] : memref<320000xi32, #tpu.memory_space<hbm>> -> memref<200xi32, #tpu.memory_space<hbm>>
      tpu.wait_dma2 semaphore(%run_scoped3A : memref<!tpu.dma_semaphore, #tpu.memory_space<semaphore_mem>>) src(%dma_wait3A_52 : memref<200xi32, #tpu.memory_space<hbm>>) dst(%arg8 : memref<200xi32, #tpu.memory_space<vmem>>)
      tpu.yield
    }) : () -> ()
    %add3A_8 = arith.constant 0 : i32
    %add3A_9 = arith.addi %mul3A_7, %add3A_8 : i32
    %dma_start3A = arith.constant 0 : i32
    %dma_start3A_10 = arith.constant 0 : i32
    %dma_start3A_11 = tpu.memref_slice %arg2[%dma_start3A, %dma_start3A_10] : memref<10000x32xf32, #tpu.memory_space<hbm>> -> memref<10000x32xf32, #tpu.memory_space<hbm>>
    tpu.enqueue_indirect_dma source(%dma_start3A_11 : memref<10000x32xf32, #tpu.memory_space<hbm>>) target(%arg11 : memref<200x32xf32, #tpu.memory_space<vmem>>) offsets(%arg7 : memref<200xi32, #tpu.memory_space<vmem>>) semaphore(%arg17 : memref<!tpu.dma_semaphore, #tpu.memory_space<semaphore_mem>>)
    %jit3A = arith.constant 8 : i32
    %div3A = arith.divsi %add3A_9, %jit3A : i32
    %sign3A = arith.constant 0 : i32
    %sign3A_12 = arith.cmpi sgt, %add3A_9, %sign3A : i32
    %sign3A_13 = arith.extui %sign3A_12 : i1 to i32
    %sign3A_14 = arith.constant 0 : i32
    %sign3A_15 = arith.cmpi slt, %add3A_9, %sign3A_14 : i32
    %sign3A_16 = arith.extui %sign3A_15 : i1 to i32
    %sign3A_17 = arith.subi %sign3A_13, %sign3A_16 : i32
    %sign3A_18 = arith.constant 0 : i32
    %sign3A_19 = arith.cmpi sgt, %jit3A, %sign3A_18 : i32
    %sign3A_20 = arith.extui %sign3A_19 : i1 to i32
    %sign3A_21 = arith.constant 0 : i32
    %sign3A_22 = arith.cmpi slt, %jit3A, %sign3A_21 : i32
    %sign3A_23 = arith.extui %sign3A_22 : i1 to i32
    %sign3A_24 = arith.subi %sign3A_20, %sign3A_23 : i32
    %ne3A = arith.cmpi ne, %sign3A_17, %sign3A_24 : i32
    %rem3A = arith.remsi %add3A_9, %jit3A : i32
    %ne3A_25 = arith.constant 0 : i32
    %ne3A_26 = arith.cmpi ne, %rem3A, %ne3A_25 : i32
    %and3A = arith.andi %ne3A, %ne3A_26 : i1
    %sub3A = arith.constant 1 : i32
    %sub3A_27 = arith.subi %div3A, %sub3A : i32
    %select_n3A = arith.select %and3A, %sub3A_27, %div3A : i32
    %dma_start3A_28 = arith.constant 0 : i32
    %dma_start3A_29 = arith.constant 32 : i32
    %dma_start3A_30 = tpu.memref_slice %arg3[%select_n3A, %dma_start3A_28, %dma_start3A_29] : memref<40000x8x128xf32, #tpu.memory_space<hbm>> -> memref<25x8x32xf32, #tpu.memory_space<hbm>>
    %dma_start3A_31 = arith.constant 0 : i32
    %dma_start3A_32 = arith.constant 32 : i32
    %dma_start3A_33 = tpu.memref_slice %arg3[%select_n3A, %dma_start3A_31, %dma_start3A_32] : memref<40000x8x128xf32, #tpu.memory_space<hbm>> -> memref<25x8x32xf32, #tpu.memory_space<hbm>>
    tpu.enqueue_dma source(%dma_start3A_33 : memref<25x8x32xf32, #tpu.memory_space<hbm>>) target(%arg13 : memref<25x8x32xf32, #tpu.memory_space<vmem>>) target_semaphore(%arg19 : memref<!tpu.dma_semaphore, #tpu.memory_space<semaphore_mem>>)
    %add3A_34 = arith.constant 200 : i32
    %add3A_35 = arith.addi %mul3A_7, %add3A_34 : i32
    %dma_start3A_36 = tpu.memref_slice %arg4[%add3A_35] : memref<320000xi32, #tpu.memory_space<hbm>> -> memref<200xi32, #tpu.memory_space<hbm>>
    %dma_start3A_37 = tpu.memref_slice %arg4[%add3A_35] : memref<320000xi32, #tpu.memory_space<hbm>> -> memref<200xi32, #tpu.memory_space<hbm>>
    tpu.enqueue_dma source(%dma_start3A_37 : memref<200xi32, #tpu.memory_space<hbm>>) target(%arg9 : memref<200xi32, #tpu.memory_space<vmem>>) target_semaphore(%arg22 : memref<!tpu.dma_semaphore, #tpu.memory_space<semaphore_mem>>)
    %dma_start3A_38 = tpu.memref_slice %arg5[%add3A_35] : memref<320000xi32, #tpu.memory_space<hbm>> -> memref<200xi32, #tpu.memory_space<hbm>>
    %dma_start3A_39 = tpu.memref_slice %arg5[%add3A_35] : memref<320000xi32, #tpu.memory_space<hbm>> -> memref<200xi32, #tpu.memory_space<hbm>>
    tpu.enqueue_dma source(%dma_start3A_39 : memref<200xi32, #tpu.memory_space<hbm>>) target(%arg10 : memref<200xi32, #tpu.memory_space<vmem>>) target_semaphore(%arg22 : memref<!tpu.dma_semaphore, #tpu.memory_space<semaphore_mem>>)
    %scan3A = arith.constant 0 : i32
    %scan3A_40 = arith.constant 0 : i32
    %scan3A_41 = arith.constant 25 : i32
    %scan3A_42 = arith.addi %scan3A_40, %scan3A_41 : i32
    %scan3A_43 = arith.constant 1 : i32
    scf.for %scan3A_50 = %scan3A_40 to %scan3A_42 step %scan3A_43  : i32 {
      %lt3A = arith.constant 24 : i32
      %lt3A_51 = arith.cmpi slt, %scan3A_50, %lt3A : i32
      %dma_wait3A = arith.constant 0 : i32
      %dma_wait3A_52 = arith.constant 0 : i32
      %dma_wait3A_53 = tpu.memref_slice %arg2[%dma_wait3A, %dma_wait3A_52] : memref<10000x32xf32, #tpu.memory_space<hbm>> -> memref<200x32xf32, #tpu.memory_space<hbm>>
      %dma_wait3A_54 = arith.constant 0 : i32
      %dma_wait3A_55 = arith.constant 0 : i32
      %dma_wait3A_56 = tpu.memref_slice %arg2[%dma_wait3A_54, %dma_wait3A_55] : memref<10000x32xf32, #tpu.memory_space<hbm>> -> memref<200x32xf32, #tpu.memory_space<hbm>>
      tpu.wait_dma2 semaphore(%arg17 : memref<!tpu.dma_semaphore, #tpu.memory_space<semaphore_mem>>) src(%dma_wait3A_56 : memref<200x32xf32, #tpu.memory_space<hbm>>) dst(%arg11 : memref<200x32xf32, #tpu.memory_space<vmem>>)
      %dma_wait3A_57 = arith.constant 0 : i32
      %dma_wait3A_58 = arith.constant 0 : i32
      %dma_wait3A_59 = arith.constant 32 : i32
      %dma_wait3A_60 = tpu.memref_slice %arg3[%dma_wait3A_57, %dma_wait3A_58, %dma_wait3A_59] : memref<40000x8x128xf32, #tpu.memory_space<hbm>> -> memref<25x8x32xf32, #tpu.memory_space<hbm>>
      %dma_wait3A_61 = arith.constant 0 : i32
      %dma_wait3A_62 = arith.constant 0 : i32
      %dma_wait3A_63 = arith.constant 32 : i32
      %dma_wait3A_64 = tpu.memref_slice %arg3[%dma_wait3A_61, %dma_wait3A_62, %dma_wait3A_63] : memref<40000x8x128xf32, #tpu.memory_space<hbm>> -> memref<25x8x32xf32, #tpu.memory_space<hbm>>
      tpu.wait_dma2 semaphore(%arg19 : memref<!tpu.dma_semaphore, #tpu.memory_space<semaphore_mem>>) src(%dma_wait3A_64 : memref<25x8x32xf32, #tpu.memory_space<hbm>>) dst(%arg13 : memref<25x8x32xf32, #tpu.memory_space<vmem>>)
      %dma_wait3A_65 = arith.constant 0 : i32
      %dma_wait3A_66 = tpu.memref_slice %arg4[%dma_wait3A_65] : memref<320000xi32, #tpu.memory_space<hbm>> -> memref<200xi32, #tpu.memory_space<hbm>>
      %dma_wait3A_67 = arith.constant 0 : i32
      %dma_wait3A_68 = tpu.memref_slice %arg4[%dma_wait3A_67] : memref<320000xi32, #tpu.memory_space<hbm>> -> memref<200xi32, #tpu.memory_space<hbm>>
      tpu.wait_dma2 semaphore(%arg22 : memref<!tpu.dma_semaphore, #tpu.memory_space<semaphore_mem>>) src(%dma_wait3A_68 : memref<200xi32, #tpu.memory_space<hbm>>) dst(%arg9 : memref<200xi32, #tpu.memory_space<vmem>>)
      %dma_wait3A_69 = arith.constant 0 : i32
      %dma_wait3A_70 = tpu.memref_slice %arg5[%dma_wait3A_69] : memref<320000xi32, #tpu.memory_space<hbm>> -> memref<200xi32, #tpu.memory_space<hbm>>
      %dma_wait3A_71 = arith.constant 0 : i32
      %dma_wait3A_72 = tpu.memref_slice %arg5[%dma_wait3A_71] : memref<320000xi32, #tpu.memory_space<hbm>> -> memref<200xi32, #tpu.memory_space<hbm>>
      tpu.wait_dma2 semaphore(%arg22 : memref<!tpu.dma_semaphore, #tpu.memory_space<semaphore_mem>>) src(%dma_wait3A_72 : memref<200xi32, #tpu.memory_space<hbm>>) dst(%arg10 : memref<200xi32, #tpu.memory_space<vmem>>)
      %mul3A_73 = arith.constant 2 : i32
      %mul3A_74 = arith.muli %mul3A_73, %scan3A_50 : i32
      %add3A_75 = arith.constant 1 : i32
      %add3A_76 = arith.addi %mul3A_74, %add3A_75 : i32
      %mul3A_77 = arith.constant 200 : i32
      %mul3A_78 = arith.muli %add3A_76, %mul3A_77 : i32
      %add3A_79 = arith.addi %mul3A_7, %mul3A_78 : i32
      %dma_start3A_80 = arith.constant 0 : i32
      %dma_start3A_81 = arith.constant 0 : i32
      %dma_start3A_82 = tpu.memref_slice %arg2[%dma_start3A_80, %dma_start3A_81] : memref<10000x32xf32, #tpu.memory_space<hbm>> -> memref<10000x32xf32, #tpu.memory_space<hbm>>
      tpu.enqueue_indirect_dma source(%dma_start3A_82 : memref<10000x32xf32, #tpu.memory_space<hbm>>) target(%arg12 : memref<200x32xf32, #tpu.memory_space<vmem>>) offsets(%arg9 : memref<200xi32, #tpu.memory_space<vmem>>) semaphore(%arg18 : memref<!tpu.dma_semaphore, #tpu.memory_space<semaphore_mem>>)
      %jit3A_83 = arith.constant 8 : i32
      %div3A_84 = arith.divsi %add3A_79, %jit3A_83 : i32
      %sign3A_85 = arith.constant 0 : i32
      %sign3A_86 = arith.cmpi sgt, %add3A_79, %sign3A_85 : i32
      %sign3A_87 = arith.extui %sign3A_86 : i1 to i32
      %sign3A_88 = arith.constant 0 : i32
      %sign3A_89 = arith.cmpi slt, %add3A_79, %sign3A_88 : i32
      %sign3A_90 = arith.extui %sign3A_89 : i1 to i32
      %sign3A_91 = arith.subi %sign3A_87, %sign3A_90 : i32
      %sign3A_92 = arith.constant 0 : i32
      %sign3A_93 = arith.cmpi sgt, %jit3A_83, %sign3A_92 : i32
      %sign3A_94 = arith.extui %sign3A_93 : i1 to i32
      %sign3A_95 = arith.constant 0 : i32
      %sign3A_96 = arith.cmpi slt, %jit3A_83, %sign3A_95 : i32
      %sign3A_97 = arith.extui %sign3A_96 : i1 to i32
      %sign3A_98 = arith.subi %sign3A_94, %sign3A_97 : i32
      %ne3A_99 = arith.cmpi ne, %sign3A_91, %sign3A_98 : i32
      %rem3A_100 = arith.remsi %add3A_79, %jit3A_83 : i32
      %ne3A_101 = arith.constant 0 : i32
      %ne3A_102 = arith.cmpi ne, %rem3A_100, %ne3A_101 : i32
      %and3A_103 = arith.andi %ne3A_99, %ne3A_102 : i1
      %sub3A_104 = arith.constant 1 : i32
      %sub3A_105 = arith.subi %div3A_84, %sub3A_104 : i32
      %select_n3A_106 = arith.select %and3A_103, %sub3A_105, %div3A_84 : i32
      %dma_start3A_107 = arith.constant 0 : i32
      %dma_start3A_108 = arith.constant 32 : i32
      %dma_start3A_109 = tpu.memref_slice %arg3[%select_n3A_106, %dma_start3A_107, %dma_start3A_108] : memref<40000x8x128xf32, #tpu.memory_space<hbm>> -> memref<25x8x32xf32, #tpu.memory_space<hbm>>
      %dma_start3A_110 = arith.constant 0 : i32
      %dma_start3A_111 = arith.constant 32 : i32
      %dma_start3A_112 = tpu.memref_slice %arg3[%select_n3A_106, %dma_start3A_110, %dma_start3A_111] : memref<40000x8x128xf32, #tpu.memory_space<hbm>> -> memref<25x8x32xf32, #tpu.memory_space<hbm>>
      tpu.enqueue_dma source(%dma_start3A_112 : memref<25x8x32xf32, #tpu.memory_space<hbm>>) target(%arg14 : memref<25x8x32xf32, #tpu.memory_space<vmem>>) target_semaphore(%arg20 : memref<!tpu.dma_semaphore, #tpu.memory_space<semaphore_mem>>)
      %parallel_loop3A_113 = arith.constant 0 : i32
      %parallel_loop3A_114 = arith.constant 25 : i32
      %parallel_loop3A_115 = arith.constant 1 : i32
      scf.for %parallel_loop3A_140 = %parallel_loop3A_113 to %parallel_loop3A_114 step %parallel_loop3A_115  : i32 {
        %parallel_loop3A_141 = arith.constant 8 : i32
        %parallel_loop3A_142 = arith.muli %parallel_loop3A_140, %parallel_loop3A_141 : i32
        %parallel_loop3A_143 = arith.constant 0 : i32
        %parallel_loop3A_144 = arith.addi %parallel_loop3A_142, %parallel_loop3A_143 : i32
        %parallel_loop3A_145 = arith.index_cast %parallel_loop3A_144 : i32 to index
        %parallel_loop3A_146 = arith.constant 0 : index
        %parallel_loop3A_147 = tpu.vector_load %arg11[%parallel_loop3A_145, %parallel_loop3A_146] {strides = array<i32>} : memref<200x32xf32, #tpu.memory_space<vmem>>, vector<1x16xf32>,
        %parallel_loop3A_148 = vector.shape_cast %parallel_loop3A_147 : vector<1x16xf32> to vector<16xf32>
        %parallel_loop3A_149 = arith.constant 0 : i32
        %parallel_loop3A_150 = arith.index_cast %parallel_loop3A_140 : i32 to index
        %parallel_loop3A_151 = arith.index_cast %parallel_loop3A_149 : i32 to index
        %parallel_loop3A_152 = arith.constant 0 : index
        %parallel_loop3A_153 = tpu.vector_load %arg13[%parallel_loop3A_150, %parallel_loop3A_151, %parallel_loop3A_152] {strides = array<i32>} : memref<25x8x32xf32, #tpu.memory_space<vmem>>, vector<1x1x16xf32>,
        %parallel_loop3A_154 = vector.shape_cast %parallel_loop3A_153 : vector<1x1x16xf32> to vector<16xf32>
        %parallel_loop3A_155 = arith.mulf %parallel_loop3A_148, %parallel_loop3A_154 : vector<16xf32>
        %parallel_loop3A_156 = arith.index_cast %parallel_loop3A_144 : i32 to index
        %parallel_loop3A_157 = arith.constant 0 : index
        %parallel_loop3A_158 = tpu.vector_load %arg11[%parallel_loop3A_156, %parallel_loop3A_157] {strides = array<i32>} : memref<200x32xf32, #tpu.memory_space<vmem>>, vector<1x16xf32>,
        %parallel_loop3A_159 = vector.shape_cast %parallel_loop3A_158 : vector<1x16xf32> to vector<16xf32>
        %parallel_loop3A_160 = vector.shape_cast %parallel_loop3A_155 : vector<16xf32> to vector<1x16xf32>
        tpu.vector_store %arg11[%parallel_loop3A_156, %parallel_loop3A_157], %parallel_loop3A_160 {strides = array<i32>} : memref<200x32xf32, #tpu.memory_space<vmem>>, vector<1x16xf32>,
        %parallel_loop3A_161 = arith.index_cast %parallel_loop3A_144 : i32 to index
        %parallel_loop3A_162 = arith.constant 16 : index
        %parallel_loop3A_163 = tpu.vector_load %arg11[%parallel_loop3A_161, %parallel_loop3A_162] {strides = array<i32>} : memref<200x32xf32, #tpu.memory_space<vmem>>, vector<1x16xf32>,
        %parallel_loop3A_164 = vector.shape_cast %parallel_loop3A_163 : vector<1x16xf32> to vector<16xf32>
        %parallel_loop3A_165 = arith.constant 0 : i32
        %parallel_loop3A_166 = arith.index_cast %parallel_loop3A_140 : i32 to index
        %parallel_loop3A_167 = arith.index_cast %parallel_loop3A_165 : i32 to index
        %parallel_loop3A_168 = arith.constant 16 : index
        %parallel_loop3A_169 = tpu.vector_load %arg13[%parallel_loop3A_166, %parallel_loop3A_167, %parallel_loop3A_168] {strides = array<i32>} : memref<25x8x32xf32, #tpu.memory_space<vmem>>, vector<1x1x16xf32>,
        %parallel_loop3A_170 = vector.shape_cast %parallel_loop3A_169 : vector<1x1x16xf32> to vector<16xf32>
        %parallel_loop3A_171 = arith.mulf %parallel_loop3A_164, %parallel_loop3A_170 : vector<16xf32>
        %parallel_loop3A_172 = arith.index_cast %parallel_loop3A_144 : i32 to index
        %parallel_loop3A_173 = arith.constant 16 : index
        %parallel_loop3A_174 = tpu.vector_load %arg11[%parallel_loop3A_172, %parallel_loop3A_173] {strides = array<i32>} : memref<200x32xf32, #tpu.memory_space<vmem>>, vector<1x16xf32>,
        %parallel_loop3A_175 = vector.shape_cast %parallel_loop3A_174 : vector<1x16xf32> to vector<16xf32>
        %parallel_loop3A_176 = vector.shape_cast %parallel_loop3A_171 : vector<16xf32> to vector<1x16xf32>
        tpu.vector_store %arg11[%parallel_loop3A_172, %parallel_loop3A_173], %parallel_loop3A_176 {strides = array<i32>} : memref<200x32xf32, #tpu.memory_space<vmem>>, vector<1x16xf32>,
        %parallel_loop3A_177 = arith.constant 8 : i32
        %parallel_loop3A_178 = arith.muli %parallel_loop3A_140, %parallel_loop3A_177 : i32
        %parallel_loop3A_179 = arith.constant 1 : i32
        %parallel_loop3A_180 = arith.addi %parallel_loop3A_178, %parallel_loop3A_179 : i32
        %parallel_loop3A_181 = arith.index_cast %parallel_loop3A_180 : i32 to index
        %parallel_loop3A_182 = arith.constant 0 : index
        %parallel_loop3A_183 = tpu.vector_load %arg11[%parallel_loop3A_181, %parallel_loop3A_182] {strides = array<i32>} : memref<200x32xf32, #tpu.memory_space<vmem>>, vector<1x16xf32>,
        %parallel_loop3A_184 = vector.shape_cast %parallel_loop3A_183 : vector<1x16xf32> to vector<16xf32>
        %parallel_loop3A_185 = arith.constant 1 : i32
        %parallel_loop3A_186 = arith.index_cast %parallel_loop3A_140 : i32 to index
        %parallel_loop3A_187 = arith.index_cast %parallel_loop3A_185 : i32 to index
        %parallel_loop3A_188 = arith.constant 0 : index
        %parallel_loop3A_189 = tpu.vector_load %arg13[%parallel_loop3A_186, %parallel_loop3A_187, %parallel_loop3A_188] {strides = array<i32>} : memref<25x8x32xf32, #tpu.memory_space<vmem>>, vector<1x1x16xf32>,
        %parallel_loop3A_190 = vector.shape_cast %parallel_loop3A_189 : vector<1x1x16xf32> to vector<16xf32>
        %parallel_loop3A_191 = arith.mulf %parallel_loop3A_184, %parallel_loop3A_190 : vector<16xf32>
        %parallel_loop3A_192 = arith.index_cast %parallel_loop3A_180 : i32 to index
        %parallel_loop3A_193 = arith.constant 0 : index
        %parallel_loop3A_194 = tpu.vector_load %arg11[%parallel_loop3A_192, %parallel_loop3A_193] {strides = array<i32>} : memref<200x32xf32, #tpu.memory_space<vmem>>, vector<1x16xf32>,
        %parallel_loop3A_195 = vector.shape_cast %parallel_loop3A_194 : vector<1x16xf32> to vector<16xf32>
        %parallel_loop3A_196 = vector.shape_cast %parallel_loop3A_191 : vector<16xf32> to vector<1x16xf32>
        tpu.vector_store %arg11[%parallel_loop3A_192, %parallel_loop3A_193], %parallel_loop3A_196 {strides = array<i32>} : memref<200x32xf32, #tpu.memory_space<vmem>>, vector<1x16xf32>,
        %parallel_loop3A_197 = arith.index_cast %parallel_loop3A_180 : i32 to index
        %parallel_loop3A_198 = arith.constant 16 : index
        %parallel_loop3A_199 = tpu.vector_load %arg11[%parallel_loop3A_197, %parallel_loop3A_198] {strides = array<i32>} : memref<200x32xf32, #tpu.memory_space<vmem>>, vector<1x16xf32>,
        %parallel_loop3A_200 = vector.shape_cast %parallel_loop3A_199 : vector<1x16xf32> to vector<16xf32>
        %parallel_loop3A_201 = arith.constant 1 : i32
        %parallel_loop3A_202 = arith.index_cast %parallel_loop3A_140 : i32 to index
        %parallel_loop3A_203 = arith.index_cast %parallel_loop3A_201 : i32 to index
        %parallel_loop3A_204 = arith.constant 16 : index
        %parallel_loop3A_205 = tpu.vector_load %arg13[%parallel_loop3A_202, %parallel_loop3A_203, %parallel_loop3A_204] {strides = array<i32>} : memref<25x8x32xf32, #tpu.memory_space<vmem>>, vector<1x1x16xf32>,
        %parallel_loop3A_206 = vector.shape_cast %parallel_loop3A_205 : vector<1x1x16xf32> to vector<16xf32>
        %parallel_loop3A_207 = arith.mulf %parallel_loop3A_200, %parallel_loop3A_206 : vector<16xf32>
        %parallel_loop3A_208 = arith.index_cast %parallel_loop3A_180 : i32 to index
        %parallel_loop3A_209 = arith.constant 16 : index
        %parallel_loop3A_210 = tpu.vector_load %arg11[%parallel_loop3A_208, %parallel_loop3A_209] {strides = array<i32>} : memref<200x32xf32, #tpu.memory_space<vmem>>, vector<1x16xf32>,
        %parallel_loop3A_211 = vector.shape_cast %parallel_loop3A_210 : vector<1x16xf32> to vector<16xf32>
        %parallel_loop3A_212 = vector.shape_cast %parallel_loop3A_207 : vector<16xf32> to vector<1x16xf32>
        tpu.vector_store %arg11[%parallel_loop3A_208, %parallel_loop3A_209], %parallel_loop3A_212 {strides = array<i32>} : memref<200x32xf32, #tpu.memory_space<vmem>>, vector<1x16xf32>,
        %parallel_loop3A_213 = arith.constant 8 : i32
        %parallel_loop3A_214 = arith.muli %parallel_loop3A_140, %parallel_loop3A_213 : i32
        %parallel_loop3A_215 = arith.constant 2 : i32
        %parallel_loop3A_216 = arith.addi %parallel_loop3A_214, %parallel_loop3A_215 : i32
        %parallel_loop3A_217 = arith.index_cast %parallel_loop3A_216 : i32 to index
        %parallel_loop3A_218 = arith.constant 0 : index
        %parallel_loop3A_219 = tpu.vector_load %arg11[%parallel_loop3A_217, %parallel_loop3A_218] {strides = array<i32>} : memref<200x32xf32, #tpu.memory_space<vmem>>, vector<1x16xf32>,
        %parallel_loop3A_220 = vector.shape_cast %parallel_loop3A_219 : vector<1x16xf32> to vector<16xf32>
        %parallel_loop3A_221 = arith.constant 2 : i32
        %parallel_loop3A_222 = arith.index_cast %parallel_loop3A_140 : i32 to index
        %parallel_loop3A_223 = arith.index_cast %parallel_loop3A_221 : i32 to index
        %parallel_loop3A_224 = arith.constant 0 : index
        %parallel_loop3A_225 = tpu.vector_load %arg13[%parallel_loop3A_222, %parallel_loop3A_223, %parallel_loop3A_224] {strides = array<i32>} : memref<25x8x32xf32, #tpu.memory_space<vmem>>, vector<1x1x16xf32>,
        %parallel_loop3A_226 = vector.shape_cast %parallel_loop3A_225 : vector<1x1x16xf32> to vector<16xf32>
        %parallel_loop3A_227 = arith.mulf %parallel_loop3A_220, %parallel_loop3A_226 : vector<16xf32>
        %parallel_loop3A_228 = arith.index_cast %parallel_loop3A_216 : i32 to index
        %parallel_loop3A_229 = arith.constant 0 : index
        %parallel_loop3A_230 = tpu.vector_load %arg11[%parallel_loop3A_228, %parallel_loop3A_229] {strides = array<i32>} : memref<200x32xf32, #tpu.memory_space<vmem>>, vector<1x16xf32>,
        %parallel_loop3A_231 = vector.shape_cast %parallel_loop3A_230 : vector<1x16xf32> to vector<16xf32>
        %parallel_loop3A_232 = vector.shape_cast %parallel_loop3A_227 : vector<16xf32> to vector<1x16xf32>
        tpu.vector_store %arg11[%parallel_loop3A_228, %parallel_loop3A_229], %parallel_loop3A_232 {strides = array<i32>} : memref<200x32xf32, #tpu.memory_space<vmem>>, vector<1x16xf32>,
        %parallel_loop3A_233 = arith.index_cast %parallel_loop3A_216 : i32 to index
        %parallel_loop3A_234 = arith.constant 16 : index
        %parallel_loop3A_235 = tpu.vector_load %arg11[%parallel_loop3A_233, %parallel_loop3A_234] {strides = array<i32>} : memref<200x32xf32, #tpu.memory_space<vmem>>, vector<1x16xf32>,
        %parallel_loop3A_236 = vector.shape_cast %parallel_loop3A_235 : vector<1x16xf32> to vector<16xf32>
        %parallel_loop3A_237 = arith.constant 2 : i32
        %parallel_loop3A_238 = arith.index_cast %parallel_loop3A_140 : i32 to index
        %parallel_loop3A_239 = arith.index_cast %parallel_loop3A_237 : i32 to index
        %parallel_loop3A_240 = arith.constant 16 : index
        %parallel_loop3A_241 = tpu.vector_load %arg13[%parallel_loop3A_238, %parallel_loop3A_239, %parallel_loop3A_240] {strides = array<i32>} : memref<25x8x32xf32, #tpu.memory_space<vmem>>, vector<1x1x16xf32>,
        %parallel_loop3A_242 = vector.shape_cast %parallel_loop3A_241 : vector<1x1x16xf32> to vector<16xf32>
        %parallel_loop3A_243 = arith.mulf %parallel_loop3A_236, %parallel_loop3A_242 : vector<16xf32>
        %parallel_loop3A_244 = arith.index_cast %parallel_loop3A_216 : i32 to index
        %parallel_loop3A_245 = arith.constant 16 : index
        %parallel_loop3A_246 = tpu.vector_load %arg11[%parallel_loop3A_244, %parallel_loop3A_245] {strides = array<i32>} : memref<200x32xf32, #tpu.memory_space<vmem>>, vector<1x16xf32>,
        %parallel_loop3A_247 = vector.shape_cast %parallel_loop3A_246 : vector<1x16xf32> to vector<16xf32>
        %parallel_loop3A_248 = vector.shape_cast %parallel_loop3A_243 : vector<16xf32> to vector<1x16xf32>
        tpu.vector_store %arg11[%parallel_loop3A_244, %parallel_loop3A_245], %parallel_loop3A_248 {strides = array<i32>} : memref<200x32xf32, #tpu.memory_space<vmem>>, vector<1x16xf32>,
        %parallel_loop3A_249 = arith.constant 8 : i32
        %parallel_loop3A_250 = arith.muli %parallel_loop3A_140, %parallel_loop3A_249 : i32
        %parallel_loop3A_251 = arith.constant 3 : i32
        %parallel_loop3A_252 = arith.addi %parallel_loop3A_250, %parallel_loop3A_251 : i32
        %parallel_loop3A_253 = arith.index_cast %parallel_loop3A_252 : i32 to index
        %parallel_loop3A_254 = arith.constant 0 : index
        %parallel_loop3A_255 = tpu.vector_load %arg11[%parallel_loop3A_253, %parallel_loop3A_254] {strides = array<i32>} : memref<200x32xf32, #tpu.memory_space<vmem>>, vector<1x16xf32>,
        %parallel_loop3A_256 = vector.shape_cast %parallel_loop3A_255 : vector<1x16xf32> to vector<16xf32>
        %parallel_loop3A_257 = arith.constant 3 : i32
        %parallel_loop3A_258 = arith.index_cast %parallel_loop3A_140 : i32 to index
        %parallel_loop3A_259 = arith.index_cast %parallel_loop3A_257 : i32 to index
        %parallel_loop3A_260 = arith.constant 0 : index
        %parallel_loop3A_261 = tpu.vector_load %arg13[%parallel_loop3A_258, %parallel_loop3A_259, %parallel_loop3A_260] {strides = array<i32>} : memref<25x8x32xf32, #tpu.memory_space<vmem>>, vector<1x1x16xf32>,
        %parallel_loop3A_262 = vector.shape_cast %parallel_loop3A_261 : vector<1x1x16xf32> to vector<16xf32>
        %parallel_loop3A_263 = arith.mulf %parallel_loop3A_256, %parallel_loop3A_262 : vector<16xf32>
        %parallel_loop3A_264 = arith.index_cast %parallel_loop3A_252 : i32 to index
        %parallel_loop3A_265 = arith.constant 0 : index
        %parallel_loop3A_266 = tpu.vector_load %arg11[%parallel_loop3A_264, %parallel_loop3A_265] {strides = array<i32>} : memref<200x32xf32, #tpu.memory_space<vmem>>, vector<1x16xf32>,
        %parallel_loop3A_267 = vector.shape_cast %parallel_loop3A_266 : vector<1x16xf32> to vector<16xf32>
        %parallel_loop3A_268 = vector.shape_cast %parallel_loop3A_263 : vector<16xf32> to vector<1x16xf32>
        tpu.vector_store %arg11[%parallel_loop3A_264, %parallel_loop3A_265], %parallel_loop3A_268 {strides = array<i32>} : memref<200x32xf32, #tpu.memory_space<vmem>>, vector<1x16xf32>,
        %parallel_loop3A_269 = arith.index_cast %parallel_loop3A_252 : i32 to index
        %parallel_loop3A_270 = arith.constant 16 : index
        %parallel_loop3A_271 = tpu.vector_load %arg11[%parallel_loop3A_269, %parallel_loop3A_270] {strides = array<i32>} : memref<200x32xf32, #tpu.memory_space<vmem>>, vector<1x16xf32>,
        %parallel_loop3A_272 = vector.shape_cast %parallel_loop3A_271 : vector<1x16xf32> to vector<16xf32>
        %parallel_loop3A_273 = arith.constant 3 : i32
        %parallel_loop3A_274 = arith.index_cast %parallel_loop3A_140 : i32 to index
        %parallel_loop3A_275 = arith.index_cast %parallel_loop3A_273 : i32 to index
        %parallel_loop3A_276 = arith.constant 16 : index
        %parallel_loop3A_277 = tpu.vector_load %arg13[%parallel_loop3A_274, %parallel_loop3A_275, %parallel_loop3A_276] {strides = array<i32>} : memref<25x8x32xf32, #tpu.memory_space<vmem>>, vector<1x1x16xf32>,
        %parallel_loop3A_278 = vector.shape_cast %parallel_loop3A_277 : vector<1x1x16xf32> to vector<16xf32>
        %parallel_loop3A_279 = arith.mulf %parallel_loop3A_272, %parallel_loop3A_278 : vector<16xf32>
        %parallel_loop3A_280 = arith.index_cast %parallel_loop3A_252 : i32 to index
        %parallel_loop3A_281 = arith.constant 16 : index
        %parallel_loop3A_282 = tpu.vector_load %arg11[%parallel_loop3A_280, %parallel_loop3A_281] {strides = array<i32>} : memref<200x32xf32, #tpu.memory_space<vmem>>, vector<1x16xf32>,
        %parallel_loop3A_283 = vector.shape_cast %parallel_loop3A_282 : vector<1x16xf32> to vector<16xf32>
        %parallel_loop3A_284 = vector.shape_cast %parallel_loop3A_279 : vector<16xf32> to vector<1x16xf32>
        tpu.vector_store %arg11[%parallel_loop3A_280, %parallel_loop3A_281], %parallel_loop3A_284 {strides = array<i32>} : memref<200x32xf32, #tpu.memory_space<vmem>>, vector<1x16xf32>,
        %parallel_loop3A_285 = arith.constant 8 : i32
        %parallel_loop3A_286 = arith.muli %parallel_loop3A_140, %parallel_loop3A_285 : i32
        %parallel_loop3A_287 = arith.constant 4 : i32
        %parallel_loop3A_288 = arith.addi %parallel_loop3A_286, %parallel_loop3A_287 : i32
        %parallel_loop3A_289 = arith.index_cast %parallel_loop3A_288 : i32 to index
        %parallel_loop3A_290 = arith.constant 0 : index
        %parallel_loop3A_291 = tpu.vector_load %arg11[%parallel_loop3A_289, %parallel_loop3A_290] {strides = array<i32>} : memref<200x32xf32, #tpu.memory_space<vmem>>, vector<1x16xf32>,
        %parallel_loop3A_292 = vector.shape_cast %parallel_loop3A_291 : vector<1x16xf32> to vector<16xf32>
        %parallel_loop3A_293 = arith.constant 4 : i32
        %parallel_loop3A_294 = arith.index_cast %parallel_loop3A_140 : i32 to index
        %parallel_loop3A_295 = arith.index_cast %parallel_loop3A_293 : i32 to index
        %parallel_loop3A_296 = arith.constant 0 : index
        %parallel_loop3A_297 = tpu.vector_load %arg13[%parallel_loop3A_294, %parallel_loop3A_295, %parallel_loop3A_296] {strides = array<i32>} : memref<25x8x32xf32, #tpu.memory_space<vmem>>, vector<1x1x16xf32>,
        %parallel_loop3A_298 = vector.shape_cast %parallel_loop3A_297 : vector<1x1x16xf32> to vector<16xf32>
        %parallel_loop3A_299 = arith.mulf %parallel_loop3A_292, %parallel_loop3A_298 : vector<16xf32>
        %parallel_loop3A_300 = arith.index_cast %parallel_loop3A_288 : i32 to index
        %parallel_loop3A_301 = arith.constant 0 : index
        %parallel_loop3A_302 = tpu.vector_load %arg11[%parallel_loop3A_300, %parallel_loop3A_301] {strides = array<i32>} : memref<200x32xf32, #tpu.memory_space<vmem>>, vector<1x16xf32>,
        %parallel_loop3A_303 = vector.shape_cast %parallel_loop3A_302 : vector<1x16xf32> to vector<16xf32>
        %parallel_loop3A_304 = vector.shape_cast %parallel_loop3A_299 : vector<16xf32> to vector<1x16xf32>
        tpu.vector_store %arg11[%parallel_loop3A_300, %parallel_loop3A_301], %parallel_loop3A_304 {strides = array<i32>} : memref<200x32xf32, #tpu.memory_space<vmem>>, vector<1x16xf32>,
        %parallel_loop3A_305 = arith.index_cast %parallel_loop3A_288 : i32 to index
        %parallel_loop3A_306 = arith.constant 16 : index
        %parallel_loop3A_307 = tpu.vector_load %arg11[%parallel_loop3A_305, %parallel_loop3A_306] {strides = array<i32>} : memref<200x32xf32, #tpu.memory_space<vmem>>, vector<1x16xf32>,
        %parallel_loop3A_308 = vector.shape_cast %parallel_loop3A_307 : vector<1x16xf32> to vector<16xf32>
        %parallel_loop3A_309 = arith.constant 4 : i32
        %parallel_loop3A_310 = arith.index_cast %parallel_loop3A_140 : i32 to index
        %parallel_loop3A_311 = arith.index_cast %parallel_loop3A_309 : i32 to index
        %parallel_loop3A_312 = arith.constant 16 : index
        %parallel_loop3A_313 = tpu.vector_load %arg13[%parallel_loop3A_310, %parallel_loop3A_311, %parallel_loop3A_312] {strides = array<i32>} : memref<25x8x32xf32, #tpu.memory_space<vmem>>, vector<1x1x16xf32>,
        %parallel_loop3A_314 = vector.shape_cast %parallel_loop3A_313 : vector<1x1x16xf32> to vector<16xf32>
        %parallel_loop3A_315 = arith.mulf %parallel_loop3A_308, %parallel_loop3A_314 : vector<16xf32>
        %parallel_loop3A_316 = arith.index_cast %parallel_loop3A_288 : i32 to index
        %parallel_loop3A_317 = arith.constant 16 : index
        %parallel_loop3A_318 = tpu.vector_load %arg11[%parallel_loop3A_316, %parallel_loop3A_317] {strides = array<i32>} : memref<200x32xf32, #tpu.memory_space<vmem>>, vector<1x16xf32>,
        %parallel_loop3A_319 = vector.shape_cast %parallel_loop3A_318 : vector<1x16xf32> to vector<16xf32>
        %parallel_loop3A_320 = vector.shape_cast %parallel_loop3A_315 : vector<16xf32> to vector<1x16xf32>
        tpu.vector_store %arg11[%parallel_loop3A_316, %parallel_loop3A_317], %parallel_loop3A_320 {strides = array<i32>} : memref<200x32xf32, #tpu.memory_space<vmem>>, vector<1x16xf32>,
        %parallel_loop3A_321 = arith.constant 8 : i32
        %parallel_loop3A_322 = arith.muli %parallel_loop3A_140, %parallel_loop3A_321 : i32
        %parallel_loop3A_323 = arith.constant 5 : i32
        %parallel_loop3A_324 = arith.addi %parallel_loop3A_322, %parallel_loop3A_323 : i32
        %parallel_loop3A_325 = arith.index_cast %parallel_loop3A_324 : i32 to index
        %parallel_loop3A_326 = arith.constant 0 : index
        %parallel_loop3A_327 = tpu.vector_load %arg11[%parallel_loop3A_325, %parallel_loop3A_326] {strides = array<i32>} : memref<200x32xf32, #tpu.memory_space<vmem>>, vector<1x16xf32>,
        %parallel_loop3A_328 = vector.shape_cast %parallel_loop3A_327 : vector<1x16xf32> to vector<16xf32>
        %parallel_loop3A_329 = arith.constant 5 : i32
        %parallel_loop3A_330 = arith.index_cast %parallel_loop3A_140 : i32 to index
        %parallel_loop3A_331 = arith.index_cast %parallel_loop3A_329 : i32 to index
        %parallel_loop3A_332 = arith.constant 0 : index
        %parallel_loop3A_333 = tpu.vector_load %arg13[%parallel_loop3A_330, %parallel_loop3A_331, %parallel_loop3A_332] {strides = array<i32>} : memref<25x8x32xf32, #tpu.memory_space<vmem>>, vector<1x1x16xf32>,
        %parallel_loop3A_334 = vector.shape_cast %parallel_loop3A_333 : vector<1x1x16xf32> to vector<16xf32>
        %parallel_loop3A_335 = arith.mulf %parallel_loop3A_328, %parallel_loop3A_334 : vector<16xf32>
        %parallel_loop3A_336 = arith.index_cast %parallel_loop3A_324 : i32 to index
        %parallel_loop3A_337 = arith.constant 0 : index
        %parallel_loop3A_338 = tpu.vector_load %arg11[%parallel_loop3A_336, %parallel_loop3A_337] {strides = array<i32>} : memref<200x32xf32, #tpu.memory_space<vmem>>, vector<1x16xf32>,
        %parallel_loop3A_339 = vector.shape_cast %parallel_loop3A_338 : vector<1x16xf32> to vector<16xf32>
        %parallel_loop3A_340 = vector.shape_cast %parallel_loop3A_335 : vector<16xf32> to vector<1x16xf32>
        tpu.vector_store %arg11[%parallel_loop3A_336, %parallel_loop3A_337], %parallel_loop3A_340 {strides = array<i32>} : memref<200x32xf32, #tpu.memory_space<vmem>>, vector<1x16xf32>,
        %parallel_loop3A_341 = arith.index_cast %parallel_loop3A_324 : i32 to index
        %parallel_loop3A_342 = arith.constant 16 : index
        %parallel_loop3A_343 = tpu.vector_load %arg11[%parallel_loop3A_341, %parallel_loop3A_342] {strides = array<i32>} : memref<200x32xf32, #tpu.memory_space<vmem>>, vector<1x16xf32>,
        %parallel_loop3A_344 = vector.shape_cast %parallel_loop3A_343 : vector<1x16xf32> to vector<16xf32>
        %parallel_loop3A_345 = arith.constant 5 : i32
        %parallel_loop3A_346 = arith.index_cast %parallel_loop3A_140 : i32 to index
        %parallel_loop3A_347 = arith.index_cast %parallel_loop3A_345 : i32 to index
        %parallel_loop3A_348 = arith.constant 16 : index
        %parallel_loop3A_349 = tpu.vector_load %arg13[%parallel_loop3A_346, %parallel_loop3A_347, %parallel_loop3A_348] {strides = array<i32>} : memref<25x8x32xf32, #tpu.memory_space<vmem>>, vector<1x1x16xf32>,
        %parallel_loop3A_350 = vector.shape_cast %parallel_loop3A_349 : vector<1x1x16xf32> to vector<16xf32>
        %parallel_loop3A_351 = arith.mulf %parallel_loop3A_344, %parallel_loop3A_350 : vector<16xf32>
        %parallel_loop3A_352 = arith.index_cast %parallel_loop3A_324 : i32 to index
        %parallel_loop3A_353 = arith.constant 16 : index
        %parallel_loop3A_354 = tpu.vector_load %arg11[%parallel_loop3A_352, %parallel_loop3A_353] {strides = array<i32>} : memref<200x32xf32, #tpu.memory_space<vmem>>, vector<1x16xf32>,
        %parallel_loop3A_355 = vector.shape_cast %parallel_loop3A_354 : vector<1x16xf32> to vector<16xf32>
        %parallel_loop3A_356 = vector.shape_cast %parallel_loop3A_351 : vector<16xf32> to vector<1x16xf32>
        tpu.vector_store %arg11[%parallel_loop3A_352, %parallel_loop3A_353], %parallel_loop3A_356 {strides = array<i32>} : memref<200x32xf32, #tpu.memory_space<vmem>>, vector<1x16xf32>,
        %parallel_loop3A_357 = arith.constant 8 : i32
        %parallel_loop3A_358 = arith.muli %parallel_loop3A_140, %parallel_loop3A_357 : i32
        %parallel_loop3A_359 = arith.constant 6 : i32
        %parallel_loop3A_360 = arith.addi %parallel_loop3A_358, %parallel_loop3A_359 : i32
        %parallel_loop3A_361 = arith.index_cast %parallel_loop3A_360 : i32 to index
        %parallel_loop3A_362 = arith.constant 0 : index
        %parallel_loop3A_363 = tpu.vector_load %arg11[%parallel_loop3A_361, %parallel_loop3A_362] {strides = array<i32>} : memref<200x32xf32, #tpu.memory_space<vmem>>, vector<1x16xf32>,
        %parallel_loop3A_364 = vector.shape_cast %parallel_loop3A_363 : vector<1x16xf32> to vector<16xf32>
        %parallel_loop3A_365 = arith.constant 6 : i32
        %parallel_loop3A_366 = arith.index_cast %parallel_loop3A_140 : i32 to index
        %parallel_loop3A_367 = arith.index_cast %parallel_loop3A_365 : i32 to index
        %parallel_loop3A_368 = arith.constant 0 : index
        %parallel_loop3A_369 = tpu.vector_load %arg13[%parallel_loop3A_366, %parallel_loop3A_367, %parallel_loop3A_368] {strides = array<i32>} : memref<25x8x32xf32, #tpu.memory_space<vmem>>, vector<1x1x16xf32>,
        %parallel_loop3A_370 = vector.shape_cast %parallel_loop3A_369 : vector<1x1x16xf32> to vector<16xf32>
        %parallel_loop3A_371 = arith.mulf %parallel_loop3A_364, %parallel_loop3A_370 : vector<16xf32>
        %parallel_loop3A_372 = arith.index_cast %parallel_loop3A_360 : i32 to index
        %parallel_loop3A_373 = arith.constant 0 : index
        %parallel_loop3A_374 = tpu.vector_load %arg11[%parallel_loop3A_372, %parallel_loop3A_373] {strides = array<i32>} : memref<200x32xf32, #tpu.memory_space<vmem>>, vector<1x16xf32>,
        %parallel_loop3A_375 = vector.shape_cast %parallel_loop3A_374 : vector<1x16xf32> to vector<16xf32>
        %parallel_loop3A_376 = vector.shape_cast %parallel_loop3A_371 : vector<16xf32> to vector<1x16xf32>
        tpu.vector_store %arg11[%parallel_loop3A_372, %parallel_loop3A_373], %parallel_loop3A_376 {strides = array<i32>} : memref<200x32xf32, #tpu.memory_space<vmem>>, vector<1x16xf32>,
        %parallel_loop3A_377 = arith.index_cast %parallel_loop3A_360 : i32 to index
        %parallel_loop3A_378 = arith.constant 16 : index
        %parallel_loop3A_379 = tpu.vector_load %arg11[%parallel_loop3A_377, %parallel_loop3A_378] {strides = array<i32>} : memref<200x32xf32, #tpu.memory_space<vmem>>, vector<1x16xf32>,
        %parallel_loop3A_380 = vector.shape_cast %parallel_loop3A_379 : vector<1x16xf32> to vector<16xf32>
        %parallel_loop3A_381 = arith.constant 6 : i32
        %parallel_loop3A_382 = arith.index_cast %parallel_loop3A_140 : i32 to index
        %parallel_loop3A_383 = arith.index_cast %parallel_loop3A_381 : i32 to index
        %parallel_loop3A_384 = arith.constant 16 : index
        %parallel_loop3A_385 = tpu.vector_load %arg13[%parallel_loop3A_382, %parallel_loop3A_383, %parallel_loop3A_384] {strides = array<i32>} : memref<25x8x32xf32, #tpu.memory_space<vmem>>, vector<1x1x16xf32>,
        %parallel_loop3A_386 = vector.shape_cast %parallel_loop3A_385 : vector<1x1x16xf32> to vector<16xf32>
        %parallel_loop3A_387 = arith.mulf %parallel_loop3A_380, %parallel_loop3A_386 : vector<16xf32>
        %parallel_loop3A_388 = arith.index_cast %parallel_loop3A_360 : i32 to index
        %parallel_loop3A_389 = arith.constant 16 : index
        %parallel_loop3A_390 = tpu.vector_load %arg11[%parallel_loop3A_388, %parallel_loop3A_389] {strides = array<i32>} : memref<200x32xf32, #tpu.memory_space<vmem>>, vector<1x16xf32>,
        %parallel_loop3A_391 = vector.shape_cast %parallel_loop3A_390 : vector<1x16xf32> to vector<16xf32>
        %parallel_loop3A_392 = vector.shape_cast %parallel_loop3A_387 : vector<16xf32> to vector<1x16xf32>
        tpu.vector_store %arg11[%parallel_loop3A_388, %parallel_loop3A_389], %parallel_loop3A_392 {strides = array<i32>} : memref<200x32xf32, #tpu.memory_space<vmem>>, vector<1x16xf32>,
        %parallel_loop3A_393 = arith.constant 8 : i32
        %parallel_loop3A_394 = arith.muli %parallel_loop3A_140, %parallel_loop3A_393 : i32
        %parallel_loop3A_395 = arith.constant 7 : i32
        %parallel_loop3A_396 = arith.addi %parallel_loop3A_394, %parallel_loop3A_395 : i32
        %parallel_loop3A_397 = arith.index_cast %parallel_loop3A_396 : i32 to index
        %parallel_loop3A_398 = arith.constant 0 : index
        %parallel_loop3A_399 = tpu.vector_load %arg11[%parallel_loop3A_397, %parallel_loop3A_398] {strides = array<i32>} : memref<200x32xf32, #tpu.memory_space<vmem>>, vector<1x16xf32>,
        %parallel_loop3A_400 = vector.shape_cast %parallel_loop3A_399 : vector<1x16xf32> to vector<16xf32>
        %parallel_loop3A_401 = arith.constant 7 : i32
        %parallel_loop3A_402 = arith.index_cast %parallel_loop3A_140 : i32 to index
        %parallel_loop3A_403 = arith.index_cast %parallel_loop3A_401 : i32 to index
        %parallel_loop3A_404 = arith.constant 0 : index
        %parallel_loop3A_405 = tpu.vector_load %arg13[%parallel_loop3A_402, %parallel_loop3A_403, %parallel_loop3A_404] {strides = array<i32>} : memref<25x8x32xf32, #tpu.memory_space<vmem>>, vector<1x1x16xf32>,
        %parallel_loop3A_406 = vector.shape_cast %parallel_loop3A_405 : vector<1x1x16xf32> to vector<16xf32>
        %parallel_loop3A_407 = arith.mulf %parallel_loop3A_400, %parallel_loop3A_406 : vector<16xf32>
        %parallel_loop3A_408 = arith.index_cast %parallel_loop3A_396 : i32 to index
        %parallel_loop3A_409 = arith.constant 0 : index
        %parallel_loop3A_410 = tpu.vector_load %arg11[%parallel_loop3A_408, %parallel_loop3A_409] {strides = array<i32>} : memref<200x32xf32, #tpu.memory_space<vmem>>, vector<1x16xf32>,
        %parallel_loop3A_411 = vector.shape_cast %parallel_loop3A_410 : vector<1x16xf32> to vector<16xf32>
        %parallel_loop3A_412 = vector.shape_cast %parallel_loop3A_407 : vector<16xf32> to vector<1x16xf32>
        tpu.vector_store %arg11[%parallel_loop3A_408, %parallel_loop3A_409], %parallel_loop3A_412 {strides = array<i32>} : memref<200x32xf32, #tpu.memory_space<vmem>>, vector<1x16xf32>,
        %parallel_loop3A_413 = arith.index_cast %parallel_loop3A_396 : i32 to index
        %parallel_loop3A_414 = arith.constant 16 : index
        %parallel_loop3A_415 = tpu.vector_load %arg11[%parallel_loop3A_413, %parallel_loop3A_414] {strides = array<i32>} : memref<200x32xf32, #tpu.memory_space<vmem>>, vector<1x16xf32>,
        %parallel_loop3A_416 = vector.shape_cast %parallel_loop3A_415 : vector<1x16xf32> to vector<16xf32>
        %parallel_loop3A_417 = arith.constant 7 : i32
        %parallel_loop3A_418 = arith.index_cast %parallel_loop3A_140 : i32 to index
        %parallel_loop3A_419 = arith.index_cast %parallel_loop3A_417 : i32 to index
        %parallel_loop3A_420 = arith.constant 16 : index
        %parallel_loop3A_421 = tpu.vector_load %arg13[%parallel_loop3A_418, %parallel_loop3A_419, %parallel_loop3A_420] {strides = array<i32>} : memref<25x8x32xf32, #tpu.memory_space<vmem>>, vector<1x1x16xf32>,
        %parallel_loop3A_422 = vector.shape_cast %parallel_loop3A_421 : vector<1x1x16xf32> to vector<16xf32>
        %parallel_loop3A_423 = arith.mulf %parallel_loop3A_416, %parallel_loop3A_422 : vector<16xf32>
        %parallel_loop3A_424 = arith.index_cast %parallel_loop3A_396 : i32 to index
        %parallel_loop3A_425 = arith.constant 16 : index
        %parallel_loop3A_426 = tpu.vector_load %arg11[%parallel_loop3A_424, %parallel_loop3A_425] {strides = array<i32>} : memref<200x32xf32, #tpu.memory_space<vmem>>, vector<1x16xf32>,
        %parallel_loop3A_427 = vector.shape_cast %parallel_loop3A_426 : vector<1x16xf32> to vector<16xf32>
        %parallel_loop3A_428 = vector.shape_cast %parallel_loop3A_423 : vector<16xf32> to vector<1x16xf32>
        tpu.vector_store %arg11[%parallel_loop3A_424, %parallel_loop3A_425], %parallel_loop3A_428 {strides = array<i32>} : memref<200x32xf32, #tpu.memory_space<vmem>>, vector<1x16xf32>,
      } {sc.loop_unroll_factor = 2 : i64, sc.parallel_access}
      "tpu.region"() ({
        %run_scoped3A = tpu.sem_alloc : memref<!tpu.dma_semaphore, #tpu.memory_space<semaphore_mem>>
        %dma_start3A_140 = arith.constant 0 : i32
        %dma_start3A_141 = arith.constant 0 : i32
        %dma_start3A_142 = tpu.memref_slice %arg16[%dma_start3A_140, %dma_start3A_141] : memref<10240x32xf32, #tpu.memory_space<vmem_shared>> -> memref<10240x32xf32, #tpu.memory_space<vmem_shared>>
        tpu.enqueue_indirect_dma source(%arg11 : memref<200x32xf32, #tpu.memory_space<vmem>>) target(%dma_start3A_142 : memref<10240x32xf32, #tpu.memory_space<vmem_shared>>) offsets(%arg8 : memref<200xi32, #tpu.memory_space<vmem>>) semaphore(%run_scoped3A : memref<!tpu.dma_semaphore, #tpu.memory_space<semaphore_mem>>) {add = true}
        %dma_wait3A_143 = arith.constant 0 : i32
        %dma_wait3A_144 = arith.constant 0 : i32
        %dma_wait3A_145 = tpu.memref_slice %arg16[%dma_wait3A_143, %dma_wait3A_144] : memref<10240x32xf32, #tpu.memory_space<vmem_shared>> -> memref<10240x32xf32, #tpu.memory_space<vmem_shared>>
        tpu.wait_indirect_dma semaphore(%run_scoped3A : memref<!tpu.dma_semaphore, #tpu.memory_space<semaphore_mem>>) src(%arg11 : memref<200x32xf32, #tpu.memory_space<vmem>>) dst(%dma_wait3A_145 : memref<10240x32xf32, #tpu.memory_space<vmem_shared>>)
        tpu.yield
      }) : () -> ()
      %convert_element_type3A = arith.extui %lt3A_51 : i1 to i32
      %cond3A = arith.constant 0 : i32
      %cond3A_116 = arith.cmpi ne, %convert_element_type3A, %cond3A : i32
      scf.if %cond3A_116 {
        %mul3A_140 = arith.constant 2 : i32
        %mul3A_141 = arith.muli %mul3A_140, %scan3A_50 : i32
        %add3A_142 = arith.constant 2 : i32
        %add3A_143 = arith.addi %mul3A_141, %add3A_142 : i32
        %mul3A_144 = arith.constant 200 : i32
        %mul3A_145 = arith.muli %add3A_143, %mul3A_144 : i32
        %add3A_146 = arith.addi %mul3A_7, %mul3A_145 : i32
        %dma_start3A_147 = tpu.memref_slice %arg4[%add3A_146] : memref<320000xi32, #tpu.memory_space<hbm>> -> memref<200xi32, #tpu.memory_space<hbm>>
        %dma_start3A_148 = tpu.memref_slice %arg4[%add3A_146] : memref<320000xi32, #tpu.memory_space<hbm>> -> memref<200xi32, #tpu.memory_space<hbm>>
        tpu.enqueue_dma source(%dma_start3A_148 : memref<200xi32, #tpu.memory_space<hbm>>) target(%arg7 : memref<200xi32, #tpu.memory_space<vmem>>) target_semaphore(%arg21 : memref<!tpu.dma_semaphore, #tpu.memory_space<semaphore_mem>>)
        %dma_start3A_149 = tpu.memref_slice %arg5[%add3A_146] : memref<320000xi32, #tpu.memory_space<hbm>> -> memref<200xi32, #tpu.memory_space<hbm>>
        %dma_start3A_150 = tpu.memref_slice %arg5[%add3A_146] : memref<320000xi32, #tpu.memory_space<hbm>> -> memref<200xi32, #tpu.memory_space<hbm>>
        tpu.enqueue_dma source(%dma_start3A_150 : memref<200xi32, #tpu.memory_space<hbm>>) target(%arg8 : memref<200xi32, #tpu.memory_space<vmem>>) target_semaphore(%arg21 : memref<!tpu.dma_semaphore, #tpu.memory_space<semaphore_mem>>)
      } else {
      }
      %dma_wait3A_117 = arith.constant 0 : i32
      %dma_wait3A_118 = arith.constant 0 : i32
      %dma_wait3A_119 = tpu.memref_slice %arg2[%dma_wait3A_117, %dma_wait3A_118] : memref<10000x32xf32, #tpu.memory_space<hbm>> -> memref<200x32xf32, #tpu.memory_space<hbm>>
      %dma_wait3A_120 = arith.constant 0 : i32
      %dma_wait3A_121 = arith.constant 0 : i32
      %dma_wait3A_122 = tpu.memref_slice %arg2[%dma_wait3A_120, %dma_wait3A_121] : memref<10000x32xf32, #tpu.memory_space<hbm>> -> memref<200x32xf32, #tpu.memory_space<hbm>>
      tpu.wait_dma2 semaphore(%arg18 : memref<!tpu.dma_semaphore, #tpu.memory_space<semaphore_mem>>) src(%dma_wait3A_122 : memref<200x32xf32, #tpu.memory_space<hbm>>) dst(%arg12 : memref<200x32xf32, #tpu.memory_space<vmem>>)
      %dma_wait3A_123 = arith.constant 0 : i32
      %dma_wait3A_124 = arith.constant 0 : i32
      %dma_wait3A_125 = arith.constant 32 : i32
      %dma_wait3A_126 = tpu.memref_slice %arg3[%dma_wait3A_123, %dma_wait3A_124, %dma_wait3A_125] : memref<40000x8x128xf32, #tpu.memory_space<hbm>> -> memref<25x8x32xf32, #tpu.memory_space<hbm>>
      %dma_wait3A_127 = arith.constant 0 : i32
      %dma_wait3A_128 = arith.constant 0 : i32
      %dma_wait3A_129 = arith.constant 32 : i32
      %dma_wait3A_130 = tpu.memref_slice %arg3[%dma_wait3A_127, %dma_wait3A_128, %dma_wait3A_129] : memref<40000x8x128xf32, #tpu.memory_space<hbm>> -> memref<25x8x32xf32, #tpu.memory_space<hbm>>
      tpu.wait_dma2 semaphore(%arg20 : memref<!tpu.dma_semaphore, #tpu.memory_space<semaphore_mem>>) src(%dma_wait3A_130 : memref<25x8x32xf32, #tpu.memory_space<hbm>>) dst(%arg14 : memref<25x8x32xf32, #tpu.memory_space<vmem>>)
      %convert_element_type3A_131 = arith.extui %lt3A_51 : i1 to i32
      %cond3A_132 = arith.constant 0 : i32
      %cond3A_133 = arith.cmpi ne, %convert_element_type3A_131, %cond3A_132 : i32
      scf.if %cond3A_133 {
        %dma_wait3A_140 = arith.constant 0 : i32
        %dma_wait3A_141 = tpu.memref_slice %arg4[%dma_wait3A_140] : memref<320000xi32, #tpu.memory_space<hbm>> -> memref<200xi32, #tpu.memory_space<hbm>>
        %dma_wait3A_142 = arith.constant 0 : i32
        %dma_wait3A_143 = tpu.memref_slice %arg4[%dma_wait3A_142] : memref<320000xi32, #tpu.memory_space<hbm>> -> memref<200xi32, #tpu.memory_space<hbm>>
        tpu.wait_dma2 semaphore(%arg21 : memref<!tpu.dma_semaphore, #tpu.memory_space<semaphore_mem>>) src(%dma_wait3A_143 : memref<200xi32, #tpu.memory_space<hbm>>) dst(%arg7 : memref<200xi32, #tpu.memory_space<vmem>>)
        %dma_wait3A_144 = arith.constant 0 : i32
        %dma_wait3A_145 = tpu.memref_slice %arg5[%dma_wait3A_144] : memref<320000xi32, #tpu.memory_space<hbm>> -> memref<200xi32, #tpu.memory_space<hbm>>
        %dma_wait3A_146 = arith.constant 0 : i32
        %dma_wait3A_147 = tpu.memref_slice %arg5[%dma_wait3A_146] : memref<320000xi32, #tpu.memory_space<hbm>> -> memref<200xi32, #tpu.memory_space<hbm>>
        tpu.wait_dma2 semaphore(%arg21 : memref<!tpu.dma_semaphore, #tpu.memory_space<semaphore_mem>>) src(%dma_wait3A_147 : memref<200xi32, #tpu.memory_space<hbm>>) dst(%arg8 : memref<200xi32, #tpu.memory_space<vmem>>)
        %mul3A_148 = arith.constant 2 : i32
        %mul3A_149 = arith.muli %mul3A_148, %scan3A_50 : i32
        %add3A_150 = arith.constant 2 : i32
        %add3A_151 = arith.addi %mul3A_149, %add3A_150 : i32
        %mul3A_152 = arith.constant 200 : i32
        %mul3A_153 = arith.muli %add3A_151, %mul3A_152 : i32
        %add3A_154 = arith.addi %mul3A_7, %mul3A_153 : i32
        %dma_start3A_155 = arith.constant 0 : i32
        %dma_start3A_156 = arith.constant 0 : i32
        %dma_start3A_157 = tpu.memref_slice %arg2[%dma_start3A_155, %dma_start3A_156] : memref<10000x32xf32, #tpu.memory_space<hbm>> -> memref<10000x32xf32, #tpu.memory_space<hbm>>
        tpu.enqueue_indirect_dma source(%dma_start3A_157 : memref<10000x32xf32, #tpu.memory_space<hbm>>) target(%arg11 : memref<200x32xf32, #tpu.memory_space<vmem>>) offsets(%arg7 : memref<200xi32, #tpu.memory_space<vmem>>) semaphore(%arg17 : memref<!tpu.dma_semaphore, #tpu.memory_space<semaphore_mem>>)
        %jit3A_158 = arith.constant 8 : i32
        %div3A_159 = arith.divsi %add3A_154, %jit3A_158 : i32
        %sign3A_160 = arith.constant 0 : i32
        %sign3A_161 = arith.cmpi sgt, %add3A_154, %sign3A_160 : i32
        %sign3A_162 = arith.extui %sign3A_161 : i1 to i32
        %sign3A_163 = arith.constant 0 : i32
        %sign3A_164 = arith.cmpi slt, %add3A_154, %sign3A_163 : i32
        %sign3A_165 = arith.extui %sign3A_164 : i1 to i32
        %sign3A_166 = arith.subi %sign3A_162, %sign3A_165 : i32
        %sign3A_167 = arith.constant 0 : i32
        %sign3A_168 = arith.cmpi sgt, %jit3A_158, %sign3A_167 : i32
        %sign3A_169 = arith.extui %sign3A_168 : i1 to i32
        %sign3A_170 = arith.constant 0 : i32
        %sign3A_171 = arith.cmpi slt, %jit3A_158, %sign3A_170 : i32
        %sign3A_172 = arith.extui %sign3A_171 : i1 to i32
        %sign3A_173 = arith.subi %sign3A_169, %sign3A_172 : i32
        %ne3A_174 = arith.cmpi ne, %sign3A_166, %sign3A_173 : i32
        %rem3A_175 = arith.remsi %add3A_154, %jit3A_158 : i32
        %ne3A_176 = arith.constant 0 : i32
        %ne3A_177 = arith.cmpi ne, %rem3A_175, %ne3A_176 : i32
        %and3A_178 = arith.andi %ne3A_174, %ne3A_177 : i1
        %sub3A_179 = arith.constant 1 : i32
        %sub3A_180 = arith.subi %div3A_159, %sub3A_179 : i32
        %select_n3A_181 = arith.select %and3A_178, %sub3A_180, %div3A_159 : i32
        %dma_start3A_182 = arith.constant 0 : i32
        %dma_start3A_183 = arith.constant 32 : i32
        %dma_start3A_184 = tpu.memref_slice %arg3[%select_n3A_181, %dma_start3A_182, %dma_start3A_183] : memref<40000x8x128xf32, #tpu.memory_space<hbm>> -> memref<25x8x32xf32, #tpu.memory_space<hbm>>
        %dma_start3A_185 = arith.constant 0 : i32
        %dma_start3A_186 = arith.constant 32 : i32
        %dma_start3A_187 = tpu.memref_slice %arg3[%select_n3A_181, %dma_start3A_185, %dma_start3A_186] : memref<40000x8x128xf32, #tpu.memory_space<hbm>> -> memref<25x8x32xf32, #tpu.memory_space<hbm>>
        tpu.enqueue_dma source(%dma_start3A_187 : memref<25x8x32xf32, #tpu.memory_space<hbm>>) target(%arg13 : memref<25x8x32xf32, #tpu.memory_space<vmem>>) target_semaphore(%arg19 : memref<!tpu.dma_semaphore, #tpu.memory_space<semaphore_mem>>)
      } else {
      }
      %parallel_loop3A_134 = arith.constant 0 : i32
      %parallel_loop3A_135 = arith.constant 25 : i32
      %parallel_loop3A_136 = arith.constant 1 : i32
      scf.for %parallel_loop3A_140 = %parallel_loop3A_134 to %parallel_loop3A_135 step %parallel_loop3A_136  : i32 {
        %parallel_loop3A_141 = arith.constant 8 : i32
        %parallel_loop3A_142 = arith.muli %parallel_loop3A_140, %parallel_loop3A_141 : i32
        %parallel_loop3A_143 = arith.constant 0 : i32
        %parallel_loop3A_144 = arith.addi %parallel_loop3A_142, %parallel_loop3A_143 : i32
        %parallel_loop3A_145 = arith.index_cast %parallel_loop3A_144 : i32 to index
        %parallel_loop3A_146 = arith.constant 0 : index
        %parallel_loop3A_147 = tpu.vector_load %arg12[%parallel_loop3A_145, %parallel_loop3A_146] {strides = array<i32>} : memref<200x32xf32, #tpu.memory_space<vmem>>, vector<1x16xf32>,
        %parallel_loop3A_148 = vector.shape_cast %parallel_loop3A_147 : vector<1x16xf32> to vector<16xf32>
        %parallel_loop3A_149 = arith.constant 0 : i32
        %parallel_loop3A_150 = arith.index_cast %parallel_loop3A_140 : i32 to index
        %parallel_loop3A_151 = arith.index_cast %parallel_loop3A_149 : i32 to index
        %parallel_loop3A_152 = arith.constant 0 : index
        %parallel_loop3A_153 = tpu.vector_load %arg14[%parallel_loop3A_150, %parallel_loop3A_151, %parallel_loop3A_152] {strides = array<i32>} : memref<25x8x32xf32, #tpu.memory_space<vmem>>, vector<1x1x16xf32>,
        %parallel_loop3A_154 = vector.shape_cast %parallel_loop3A_153 : vector<1x1x16xf32> to vector<16xf32>
        %parallel_loop3A_155 = arith.mulf %parallel_loop3A_148, %parallel_loop3A_154 : vector<16xf32>
        %parallel_loop3A_156 = arith.index_cast %parallel_loop3A_144 : i32 to index
        %parallel_loop3A_157 = arith.constant 0 : index
        %parallel_loop3A_158 = tpu.vector_load %arg12[%parallel_loop3A_156, %parallel_loop3A_157] {strides = array<i32>} : memref<200x32xf32, #tpu.memory_space<vmem>>, vector<1x16xf32>,
        %parallel_loop3A_159 = vector.shape_cast %parallel_loop3A_158 : vector<1x16xf32> to vector<16xf32>
        %parallel_loop3A_160 = vector.shape_cast %parallel_loop3A_155 : vector<16xf32> to vector<1x16xf32>
        tpu.vector_store %arg12[%parallel_loop3A_156, %parallel_loop3A_157], %parallel_loop3A_160 {strides = array<i32>} : memref<200x32xf32, #tpu.memory_space<vmem>>, vector<1x16xf32>,
        %parallel_loop3A_161 = arith.index_cast %parallel_loop3A_144 : i32 to index
        %parallel_loop3A_162 = arith.constant 16 : index
        %parallel_loop3A_163 = tpu.vector_load %arg12[%parallel_loop3A_161, %parallel_loop3A_162] {strides = array<i32>} : memref<200x32xf32, #tpu.memory_space<vmem>>, vector<1x16xf32>,
        %parallel_loop3A_164 = vector.shape_cast %parallel_loop3A_163 : vector<1x16xf32> to vector<16xf32>
        %parallel_loop3A_165 = arith.constant 0 : i32
        %parallel_loop3A_166 = arith.index_cast %parallel_loop3A_140 : i32 to index
        %parallel_loop3A_167 = arith.index_cast %parallel_loop3A_165 : i32 to index
        %parallel_loop3A_168 = arith.constant 16 : index
        %parallel_loop3A_169 = tpu.vector_load %arg14[%parallel_loop3A_166, %parallel_loop3A_167, %parallel_loop3A_168] {strides = array<i32>} : memref<25x8x32xf32, #tpu.memory_space<vmem>>, vector<1x1x16xf32>,
        %parallel_loop3A_170 = vector.shape_cast %parallel_loop3A_169 : vector<1x1x16xf32> to vector<16xf32>
        %parallel_loop3A_171 = arith.mulf %parallel_loop3A_164, %parallel_loop3A_170 : vector<16xf32>
        %parallel_loop3A_172 = arith.index_cast %parallel_loop3A_144 : i32 to index
        %parallel_loop3A_173 = arith.constant 16 : index
        %parallel_loop3A_174 = tpu.vector_load %arg12[%parallel_loop3A_172, %parallel_loop3A_173] {strides = array<i32>} : memref<200x32xf32, #tpu.memory_space<vmem>>, vector<1x16xf32>,
        %parallel_loop3A_175 = vector.shape_cast %parallel_loop3A_174 : vector<1x16xf32> to vector<16xf32>
        %parallel_loop3A_176 = vector.shape_cast %parallel_loop3A_171 : vector<16xf32> to vector<1x16xf32>
        tpu.vector_store %arg12[%parallel_loop3A_172, %parallel_loop3A_173], %parallel_loop3A_176 {strides = array<i32>} : memref<200x32xf32, #tpu.memory_space<vmem>>, vector<1x16xf32>,
        %parallel_loop3A_177 = arith.constant 8 : i32
        %parallel_loop3A_178 = arith.muli %parallel_loop3A_140, %parallel_loop3A_177 : i32
        %parallel_loop3A_179 = arith.constant 1 : i32
        %parallel_loop3A_180 = arith.addi %parallel_loop3A_178, %parallel_loop3A_179 : i32
        %parallel_loop3A_181 = arith.index_cast %parallel_loop3A_180 : i32 to index
        %parallel_loop3A_182 = arith.constant 0 : index
        %parallel_loop3A_183 = tpu.vector_load %arg12[%parallel_loop3A_181, %parallel_loop3A_182] {strides = array<i32>} : memref<200x32xf32, #tpu.memory_space<vmem>>, vector<1x16xf32>,
        %parallel_loop3A_184 = vector.shape_cast %parallel_loop3A_183 : vector<1x16xf32> to vector<16xf32>
        %parallel_loop3A_185 = arith.constant 1 : i32
        %parallel_loop3A_186 = arith.index_cast %parallel_loop3A_140 : i32 to index
        %parallel_loop3A_187 = arith.index_cast %parallel_loop3A_185 : i32 to index
        %parallel_loop3A_188 = arith.constant 0 : index
        %parallel_loop3A_189 = tpu.vector_load %arg14[%parallel_loop3A_186, %parallel_loop3A_187, %parallel_loop3A_188] {strides = array<i32>} : memref<25x8x32xf32, #tpu.memory_space<vmem>>, vector<1x1x16xf32>,
        %parallel_loop3A_190 = vector.shape_cast %parallel_loop3A_189 : vector<1x1x16xf32> to vector<16xf32>
        %parallel_loop3A_191 = arith.mulf %parallel_loop3A_184, %parallel_loop3A_190 : vector<16xf32>
        %parallel_loop3A_192 = arith.index_cast %parallel_loop3A_180 : i32 to index
        %parallel_loop3A_193 = arith.constant 0 : index
        %parallel_loop3A_194 = tpu.vector_load %arg12[%parallel_loop3A_192, %parallel_loop3A_193] {strides = array<i32>} : memref<200x32xf32, #tpu.memory_space<vmem>>, vector<1x16xf32>,
        %parallel_loop3A_195 = vector.shape_cast %parallel_loop3A_194 : vector<1x16xf32> to vector<16xf32>
        %parallel_loop3A_196 = vector.shape_cast %parallel_loop3A_191 : vector<16xf32> to vector<1x16xf32>
        tpu.vector_store %arg12[%parallel_loop3A_192, %parallel_loop3A_193], %parallel_loop3A_196 {strides = array<i32>} : memref<200x32xf32, #tpu.memory_space<vmem>>, vector<1x16xf32>,
        %parallel_loop3A_197 = arith.index_cast %parallel_loop3A_180 : i32 to index
        %parallel_loop3A_198 = arith.constant 16 : index
        %parallel_loop3A_199 = tpu.vector_load %arg12[%parallel_loop3A_197, %parallel_loop3A_198] {strides = array<i32>} : memref<200x32xf32, #tpu.memory_space<vmem>>, vector<1x16xf32>,
        %parallel_loop3A_200 = vector.shape_cast %parallel_loop3A_199 : vector<1x16xf32> to vector<16xf32>
        %parallel_loop3A_201 = arith.constant 1 : i32
        %parallel_loop3A_202 = arith.index_cast %parallel_loop3A_140 : i32 to index
        %parallel_loop3A_203 = arith.index_cast %parallel_loop3A_201 : i32 to index
        %parallel_loop3A_204 = arith.constant 16 : index
        %parallel_loop3A_205 = tpu.vector_load %arg14[%parallel_loop3A_202, %parallel_loop3A_203, %parallel_loop3A_204] {strides = array<i32>} : memref<25x8x32xf32, #tpu.memory_space<vmem>>, vector<1x1x16xf32>,
        %parallel_loop3A_206 = vector.shape_cast %parallel_loop3A_205 : vector<1x1x16xf32> to vector<16xf32>
        %parallel_loop3A_207 = arith.mulf %parallel_loop3A_200, %parallel_loop3A_206 : vector<16xf32>
        %parallel_loop3A_208 = arith.index_cast %parallel_loop3A_180 : i32 to index
        %parallel_loop3A_209 = arith.constant 16 : index
        %parallel_loop3A_210 = tpu.vector_load %arg12[%parallel_loop3A_208, %parallel_loop3A_209] {strides = array<i32>} : memref<200x32xf32, #tpu.memory_space<vmem>>, vector<1x16xf32>,
        %parallel_loop3A_211 = vector.shape_cast %parallel_loop3A_210 : vector<1x16xf32> to vector<16xf32>
        %parallel_loop3A_212 = vector.shape_cast %parallel_loop3A_207 : vector<16xf32> to vector<1x16xf32>
        tpu.vector_store %arg12[%parallel_loop3A_208, %parallel_loop3A_209], %parallel_loop3A_212 {strides = array<i32>} : memref<200x32xf32, #tpu.memory_space<vmem>>, vector<1x16xf32>,
        %parallel_loop3A_213 = arith.constant 8 : i32
        %parallel_loop3A_214 = arith.muli %parallel_loop3A_140, %parallel_loop3A_213 : i32
        %parallel_loop3A_215 = arith.constant 2 : i32
        %parallel_loop3A_216 = arith.addi %parallel_loop3A_214, %parallel_loop3A_215 : i32
        %parallel_loop3A_217 = arith.index_cast %parallel_loop3A_216 : i32 to index
        %parallel_loop3A_218 = arith.constant 0 : index
        %parallel_loop3A_219 = tpu.vector_load %arg12[%parallel_loop3A_217, %parallel_loop3A_218] {strides = array<i32>} : memref<200x32xf32, #tpu.memory_space<vmem>>, vector<1x16xf32>,
        %parallel_loop3A_220 = vector.shape_cast %parallel_loop3A_219 : vector<1x16xf32> to vector<16xf32>
        %parallel_loop3A_221 = arith.constant 2 : i32
        %parallel_loop3A_222 = arith.index_cast %parallel_loop3A_140 : i32 to index
        %parallel_loop3A_223 = arith.index_cast %parallel_loop3A_221 : i32 to index
        %parallel_loop3A_224 = arith.constant 0 : index
        %parallel_loop3A_225 = tpu.vector_load %arg14[%parallel_loop3A_222, %parallel_loop3A_223, %parallel_loop3A_224] {strides = array<i32>} : memref<25x8x32xf32, #tpu.memory_space<vmem>>, vector<1x1x16xf32>,
        %parallel_loop3A_226 = vector.shape_cast %parallel_loop3A_225 : vector<1x1x16xf32> to vector<16xf32>
        %parallel_loop3A_227 = arith.mulf %parallel_loop3A_220, %parallel_loop3A_226 : vector<16xf32>
        %parallel_loop3A_228 = arith.index_cast %parallel_loop3A_216 : i32 to index
        %parallel_loop3A_229 = arith.constant 0 : index
        %parallel_loop3A_230 = tpu.vector_load %arg12[%parallel_loop3A_228, %parallel_loop3A_229] {strides = array<i32>} : memref<200x32xf32, #tpu.memory_space<vmem>>, vector<1x16xf32>,
        %parallel_loop3A_231 = vector.shape_cast %parallel_loop3A_230 : vector<1x16xf32> to vector<16xf32>
        %parallel_loop3A_232 = vector.shape_cast %parallel_loop3A_227 : vector<16xf32> to vector<1x16xf32>
        tpu.vector_store %arg12[%parallel_loop3A_228, %parallel_loop3A_229], %parallel_loop3A_232 {strides = array<i32>} : memref<200x32xf32, #tpu.memory_space<vmem>>, vector<1x16xf32>,
        %parallel_loop3A_233 = arith.index_cast %parallel_loop3A_216 : i32 to index
        %parallel_loop3A_234 = arith.constant 16 : index
        %parallel_loop3A_235 = tpu.vector_load %arg12[%parallel_loop3A_233, %parallel_loop3A_234] {strides = array<i32>} : memref<200x32xf32, #tpu.memory_space<vmem>>, vector<1x16xf32>,
        %parallel_loop3A_236 = vector.shape_cast %parallel_loop3A_235 : vector<1x16xf32> to vector<16xf32>
        %parallel_loop3A_237 = arith.constant 2 : i32
        %parallel_loop3A_238 = arith.index_cast %parallel_loop3A_140 : i32 to index
        %parallel_loop3A_239 = arith.index_cast %parallel_loop3A_237 : i32 to index
        %parallel_loop3A_240 = arith.constant 16 : index
        %parallel_loop3A_241 = tpu.vector_load %arg14[%parallel_loop3A_238, %parallel_loop3A_239, %parallel_loop3A_240] {strides = array<i32>} : memref<25x8x32xf32, #tpu.memory_space<vmem>>, vector<1x1x16xf32>,
        %parallel_loop3A_242 = vector.shape_cast %parallel_loop3A_241 : vector<1x1x16xf32> to vector<16xf32>
        %parallel_loop3A_243 = arith.mulf %parallel_loop3A_236, %parallel_loop3A_242 : vector<16xf32>
        %parallel_loop3A_244 = arith.index_cast %parallel_loop3A_216 : i32 to index
        %parallel_loop3A_245 = arith.constant 16 : index
        %parallel_loop3A_246 = tpu.vector_load %arg12[%parallel_loop3A_244, %parallel_loop3A_245] {strides = array<i32>} : memref<200x32xf32, #tpu.memory_space<vmem>>, vector<1x16xf32>,
        %parallel_loop3A_247 = vector.shape_cast %parallel_loop3A_246 : vector<1x16xf32> to vector<16xf32>
        %parallel_loop3A_248 = vector.shape_cast %parallel_loop3A_243 : vector<16xf32> to vector<1x16xf32>
        tpu.vector_store %arg12[%parallel_loop3A_244, %parallel_loop3A_245], %parallel_loop3A_248 {strides = array<i32>} : memref<200x32xf32, #tpu.memory_space<vmem>>, vector<1x16xf32>,
        %parallel_loop3A_249 = arith.constant 8 : i32
        %parallel_loop3A_250 = arith.muli %parallel_loop3A_140, %parallel_loop3A_249 : i32
        %parallel_loop3A_251 = arith.constant 3 : i32
        %parallel_loop3A_252 = arith.addi %parallel_loop3A_250, %parallel_loop3A_251 : i32
        %parallel_loop3A_253 = arith.index_cast %parallel_loop3A_252 : i32 to index
        %parallel_loop3A_254 = arith.constant 0 : index
        %parallel_loop3A_255 = tpu.vector_load %arg12[%parallel_loop3A_253, %parallel_loop3A_254] {strides = array<i32>} : memref<200x32xf32, #tpu.memory_space<vmem>>, vector<1x16xf32>,
        %parallel_loop3A_256 = vector.shape_cast %parallel_loop3A_255 : vector<1x16xf32> to vector<16xf32>
        %parallel_loop3A_257 = arith.constant 3 : i32
        %parallel_loop3A_258 = arith.index_cast %parallel_loop3A_140 : i32 to index
        %parallel_loop3A_259 = arith.index_cast %parallel_loop3A_257 : i32 to index
        %parallel_loop3A_260 = arith.constant 0 : index
        %parallel_loop3A_261 = tpu.vector_load %arg14[%parallel_loop3A_258, %parallel_loop3A_259, %parallel_loop3A_260] {strides = array<i32>} : memref<25x8x32xf32, #tpu.memory_space<vmem>>, vector<1x1x16xf32>,
        %parallel_loop3A_262 = vector.shape_cast %parallel_loop3A_261 : vector<1x1x16xf32> to vector<16xf32>
        %parallel_loop3A_263 = arith.mulf %parallel_loop3A_256, %parallel_loop3A_262 : vector<16xf32>
        %parallel_loop3A_264 = arith.index_cast %parallel_loop3A_252 : i32 to index
        %parallel_loop3A_265 = arith.constant 0 : index
        %parallel_loop3A_266 = tpu.vector_load %arg12[%parallel_loop3A_264, %parallel_loop3A_265] {strides = array<i32>} : memref<200x32xf32, #tpu.memory_space<vmem>>, vector<1x16xf32>,
        %parallel_loop3A_267 = vector.shape_cast %parallel_loop3A_266 : vector<1x16xf32> to vector<16xf32>
        %parallel_loop3A_268 = vector.shape_cast %parallel_loop3A_263 : vector<16xf32> to vector<1x16xf32>
        tpu.vector_store %arg12[%parallel_loop3A_264, %parallel_loop3A_265], %parallel_loop3A_268 {strides = array<i32>} : memref<200x32xf32, #tpu.memory_space<vmem>>, vector<1x16xf32>,
        %parallel_loop3A_269 = arith.index_cast %parallel_loop3A_252 : i32 to index
        %parallel_loop3A_270 = arith.constant 16 : index
        %parallel_loop3A_271 = tpu.vector_load %arg12[%parallel_loop3A_269, %parallel_loop3A_270] {strides = array<i32>} : memref<200x32xf32, #tpu.memory_space<vmem>>, vector<1x16xf32>,
        %parallel_loop3A_272 = vector.shape_cast %parallel_loop3A_271 : vector<1x16xf32> to vector<16xf32>
        %parallel_loop3A_273 = arith.constant 3 : i32
        %parallel_loop3A_274 = arith.index_cast %parallel_loop3A_140 : i32 to index
        %parallel_loop3A_275 = arith.index_cast %parallel_loop3A_273 : i32 to index
        %parallel_loop3A_276 = arith.constant 16 : index
        %parallel_loop3A_277 = tpu.vector_load %arg14[%parallel_loop3A_274, %parallel_loop3A_275, %parallel_loop3A_276] {strides = array<i32>} : memref<25x8x32xf32, #tpu.memory_space<vmem>>, vector<1x1x16xf32>,
        %parallel_loop3A_278 = vector.shape_cast %parallel_loop3A_277 : vector<1x1x16xf32> to vector<16xf32>
        %parallel_loop3A_279 = arith.mulf %parallel_loop3A_272, %parallel_loop3A_278 : vector<16xf32>
        %parallel_loop3A_280 = arith.index_cast %parallel_loop3A_252 : i32 to index
        %parallel_loop3A_281 = arith.constant 16 : index
        %parallel_loop3A_282 = tpu.vector_load %arg12[%parallel_loop3A_280, %parallel_loop3A_281] {strides = array<i32>} : memref<200x32xf32, #tpu.memory_space<vmem>>, vector<1x16xf32>,
        %parallel_loop3A_283 = vector.shape_cast %parallel_loop3A_282 : vector<1x16xf32> to vector<16xf32>
        %parallel_loop3A_284 = vector.shape_cast %parallel_loop3A_279 : vector<16xf32> to vector<1x16xf32>
        tpu.vector_store %arg12[%parallel_loop3A_280, %parallel_loop3A_281], %parallel_loop3A_284 {strides = array<i32>} : memref<200x32xf32, #tpu.memory_space<vmem>>, vector<1x16xf32>,
        %parallel_loop3A_285 = arith.constant 8 : i32
        %parallel_loop3A_286 = arith.muli %parallel_loop3A_140, %parallel_loop3A_285 : i32
        %parallel_loop3A_287 = arith.constant 4 : i32
        %parallel_loop3A_288 = arith.addi %parallel_loop3A_286, %parallel_loop3A_287 : i32
        %parallel_loop3A_289 = arith.index_cast %parallel_loop3A_288 : i32 to index
        %parallel_loop3A_290 = arith.constant 0 : index
        %parallel_loop3A_291 = tpu.vector_load %arg12[%parallel_loop3A_289, %parallel_loop3A_290] {strides = array<i32>} : memref<200x32xf32, #tpu.memory_space<vmem>>, vector<1x16xf32>,
        %parallel_loop3A_292 = vector.shape_cast %parallel_loop3A_291 : vector<1x16xf32> to vector<16xf32>
        %parallel_loop3A_293 = arith.constant 4 : i32
        %parallel_loop3A_294 = arith.index_cast %parallel_loop3A_140 : i32 to index
        %parallel_loop3A_295 = arith.index_cast %parallel_loop3A_293 : i32 to index
        %parallel_loop3A_296 = arith.constant 0 : index
        %parallel_loop3A_297 = tpu.vector_load %arg14[%parallel_loop3A_294, %parallel_loop3A_295, %parallel_loop3A_296] {strides = array<i32>} : memref<25x8x32xf32, #tpu.memory_space<vmem>>, vector<1x1x16xf32>,
        %parallel_loop3A_298 = vector.shape_cast %parallel_loop3A_297 : vector<1x1x16xf32> to vector<16xf32>
        %parallel_loop3A_299 = arith.mulf %parallel_loop3A_292, %parallel_loop3A_298 : vector<16xf32>
        %parallel_loop3A_300 = arith.index_cast %parallel_loop3A_288 : i32 to index
        %parallel_loop3A_301 = arith.constant 0 : index
        %parallel_loop3A_302 = tpu.vector_load %arg12[%parallel_loop3A_300, %parallel_loop3A_301] {strides = array<i32>} : memref<200x32xf32, #tpu.memory_space<vmem>>, vector<1x16xf32>,
        %parallel_loop3A_303 = vector.shape_cast %parallel_loop3A_302 : vector<1x16xf32> to vector<16xf32>
        %parallel_loop3A_304 = vector.shape_cast %parallel_loop3A_299 : vector<16xf32> to vector<1x16xf32>
        tpu.vector_store %arg12[%parallel_loop3A_300, %parallel_loop3A_301], %parallel_loop3A_304 {strides = array<i32>} : memref<200x32xf32, #tpu.memory_space<vmem>>, vector<1x16xf32>,
        %parallel_loop3A_305 = arith.index_cast %parallel_loop3A_288 : i32 to index
        %parallel_loop3A_306 = arith.constant 16 : index
        %parallel_loop3A_307 = tpu.vector_load %arg12[%parallel_loop3A_305, %parallel_loop3A_306] {strides = array<i32>} : memref<200x32xf32, #tpu.memory_space<vmem>>, vector<1x16xf32>,
        %parallel_loop3A_308 = vector.shape_cast %parallel_loop3A_307 : vector<1x16xf32> to vector<16xf32>
        %parallel_loop3A_309 = arith.constant 4 : i32
        %parallel_loop3A_310 = arith.index_cast %parallel_loop3A_140 : i32 to index
        %parallel_loop3A_311 = arith.index_cast %parallel_loop3A_309 : i32 to index
        %parallel_loop3A_312 = arith.constant 16 : index
        %parallel_loop3A_313 = tpu.vector_load %arg14[%parallel_loop3A_310, %parallel_loop3A_311, %parallel_loop3A_312] {strides = array<i32>} : memref<25x8x32xf32, #tpu.memory_space<vmem>>, vector<1x1x16xf32>,
        %parallel_loop3A_314 = vector.shape_cast %parallel_loop3A_313 : vector<1x1x16xf32> to vector<16xf32>
        %parallel_loop3A_315 = arith.mulf %parallel_loop3A_308, %parallel_loop3A_314 : vector<16xf32>
        %parallel_loop3A_316 = arith.index_cast %parallel_loop3A_288 : i32 to index
        %parallel_loop3A_317 = arith.constant 16 : index
        %parallel_loop3A_318 = tpu.vector_load %arg12[%parallel_loop3A_316, %parallel_loop3A_317] {strides = array<i32>} : memref<200x32xf32, #tpu.memory_space<vmem>>, vector<1x16xf32>,
        %parallel_loop3A_319 = vector.shape_cast %parallel_loop3A_318 : vector<1x16xf32> to vector<16xf32>
        %parallel_loop3A_320 = vector.shape_cast %parallel_loop3A_315 : vector<16xf32> to vector<1x16xf32>
        tpu.vector_store %arg12[%parallel_loop3A_316, %parallel_loop3A_317], %parallel_loop3A_320 {strides = array<i32>} : memref<200x32xf32, #tpu.memory_space<vmem>>, vector<1x16xf32>,
        %parallel_loop3A_321 = arith.constant 8 : i32
        %parallel_loop3A_322 = arith.muli %parallel_loop3A_140, %parallel_loop3A_321 : i32
        %parallel_loop3A_323 = arith.constant 5 : i32
        %parallel_loop3A_324 = arith.addi %parallel_loop3A_322, %parallel_loop3A_323 : i32
        %parallel_loop3A_325 = arith.index_cast %parallel_loop3A_324 : i32 to index
        %parallel_loop3A_326 = arith.constant 0 : index
        %parallel_loop3A_327 = tpu.vector_load %arg12[%parallel_loop3A_325, %parallel_loop3A_326] {strides = array<i32>} : memref<200x32xf32, #tpu.memory_space<vmem>>, vector<1x16xf32>,
        %parallel_loop3A_328 = vector.shape_cast %parallel_loop3A_327 : vector<1x16xf32> to vector<16xf32>
        %parallel_loop3A_329 = arith.constant 5 : i32
        %parallel_loop3A_330 = arith.index_cast %parallel_loop3A_140 : i32 to index
        %parallel_loop3A_331 = arith.index_cast %parallel_loop3A_329 : i32 to index
        %parallel_loop3A_332 = arith.constant 0 : index
        %parallel_loop3A_333 = tpu.vector_load %arg14[%parallel_loop3A_330, %parallel_loop3A_331, %parallel_loop3A_332] {strides = array<i32>} : memref<25x8x32xf32, #tpu.memory_space<vmem>>, vector<1x1x16xf32>,
        %parallel_loop3A_334 = vector.shape_cast %parallel_loop3A_333 : vector<1x1x16xf32> to vector<16xf32>
        %parallel_loop3A_335 = arith.mulf %parallel_loop3A_328, %parallel_loop3A_334 : vector<16xf32>
        %parallel_loop3A_336 = arith.index_cast %parallel_loop3A_324 : i32 to index
        %parallel_loop3A_337 = arith.constant 0 : index
        %parallel_loop3A_338 = tpu.vector_load %arg12[%parallel_loop3A_336, %parallel_loop3A_337] {strides = array<i32>} : memref<200x32xf32, #tpu.memory_space<vmem>>, vector<1x16xf32>,
        %parallel_loop3A_339 = vector.shape_cast %parallel_loop3A_338 : vector<1x16xf32> to vector<16xf32>
        %parallel_loop3A_340 = vector.shape_cast %parallel_loop3A_335 : vector<16xf32> to vector<1x16xf32>
        tpu.vector_store %arg12[%parallel_loop3A_336, %parallel_loop3A_337], %parallel_loop3A_340 {strides = array<i32>} : memref<200x32xf32, #tpu.memory_space<vmem>>, vector<1x16xf32>,
        %parallel_loop3A_341 = arith.index_cast %parallel_loop3A_324 : i32 to index
        %parallel_loop3A_342 = arith.constant 16 : index
        %parallel_loop3A_343 = tpu.vector_load %arg12[%parallel_loop3A_341, %parallel_loop3A_342] {strides = array<i32>} : memref<200x32xf32, #tpu.memory_space<vmem>>, vector<1x16xf32>,
        %parallel_loop3A_344 = vector.shape_cast %parallel_loop3A_343 : vector<1x16xf32> to vector<16xf32>
        %parallel_loop3A_345 = arith.constant 5 : i32
        %parallel_loop3A_346 = arith.index_cast %parallel_loop3A_140 : i32 to index
        %parallel_loop3A_347 = arith.index_cast %parallel_loop3A_345 : i32 to index
        %parallel_loop3A_348 = arith.constant 16 : index
        %parallel_loop3A_349 = tpu.vector_load %arg14[%parallel_loop3A_346, %parallel_loop3A_347, %parallel_loop3A_348] {strides = array<i32>} : memref<25x8x32xf32, #tpu.memory_space<vmem>>, vector<1x1x16xf32>,
        %parallel_loop3A_350 = vector.shape_cast %parallel_loop3A_349 : vector<1x1x16xf32> to vector<16xf32>
        %parallel_loop3A_351 = arith.mulf %parallel_loop3A_344, %parallel_loop3A_350 : vector<16xf32>
        %parallel_loop3A_352 = arith.index_cast %parallel_loop3A_324 : i32 to index
        %parallel_loop3A_353 = arith.constant 16 : index
        %parallel_loop3A_354 = tpu.vector_load %arg12[%parallel_loop3A_352, %parallel_loop3A_353] {strides = array<i32>} : memref<200x32xf32, #tpu.memory_space<vmem>>, vector<1x16xf32>,
        %parallel_loop3A_355 = vector.shape_cast %parallel_loop3A_354 : vector<1x16xf32> to vector<16xf32>
        %parallel_loop3A_356 = vector.shape_cast %parallel_loop3A_351 : vector<16xf32> to vector<1x16xf32>
        tpu.vector_store %arg12[%parallel_loop3A_352, %parallel_loop3A_353], %parallel_loop3A_356 {strides = array<i32>} : memref<200x32xf32, #tpu.memory_space<vmem>>, vector<1x16xf32>,
        %parallel_loop3A_357 = arith.constant 8 : i32
        %parallel_loop3A_358 = arith.muli %parallel_loop3A_140, %parallel_loop3A_357 : i32
        %parallel_loop3A_359 = arith.constant 6 : i32
        %parallel_loop3A_360 = arith.addi %parallel_loop3A_358, %parallel_loop3A_359 : i32
        %parallel_loop3A_361 = arith.index_cast %parallel_loop3A_360 : i32 to index
        %parallel_loop3A_362 = arith.constant 0 : index
        %parallel_loop3A_363 = tpu.vector_load %arg12[%parallel_loop3A_361, %parallel_loop3A_362] {strides = array<i32>} : memref<200x32xf32, #tpu.memory_space<vmem>>, vector<1x16xf32>,
        %parallel_loop3A_364 = vector.shape_cast %parallel_loop3A_363 : vector<1x16xf32> to vector<16xf32>
        %parallel_loop3A_365 = arith.constant 6 : i32
        %parallel_loop3A_366 = arith.index_cast %parallel_loop3A_140 : i32 to index
        %parallel_loop3A_367 = arith.index_cast %parallel_loop3A_365 : i32 to index
        %parallel_loop3A_368 = arith.constant 0 : index
        %parallel_loop3A_369 = tpu.vector_load %arg14[%parallel_loop3A_366, %parallel_loop3A_367, %parallel_loop3A_368] {strides = array<i32>} : memref<25x8x32xf32, #tpu.memory_space<vmem>>, vector<1x1x16xf32>,
        %parallel_loop3A_370 = vector.shape_cast %parallel_loop3A_369 : vector<1x1x16xf32> to vector<16xf32>
        %parallel_loop3A_371 = arith.mulf %parallel_loop3A_364, %parallel_loop3A_370 : vector<16xf32>
        %parallel_loop3A_372 = arith.index_cast %parallel_loop3A_360 : i32 to index
        %parallel_loop3A_373 = arith.constant 0 : index
        %parallel_loop3A_374 = tpu.vector_load %arg12[%parallel_loop3A_372, %parallel_loop3A_373] {strides = array<i32>} : memref<200x32xf32, #tpu.memory_space<vmem>>, vector<1x16xf32>,
        %parallel_loop3A_375 = vector.shape_cast %parallel_loop3A_374 : vector<1x16xf32> to vector<16xf32>
        %parallel_loop3A_376 = vector.shape_cast %parallel_loop3A_371 : vector<16xf32> to vector<1x16xf32>
        tpu.vector_store %arg12[%parallel_loop3A_372, %parallel_loop3A_373], %parallel_loop3A_376 {strides = array<i32>} : memref<200x32xf32, #tpu.memory_space<vmem>>, vector<1x16xf32>,
        %parallel_loop3A_377 = arith.index_cast %parallel_loop3A_360 : i32 to index
        %parallel_loop3A_378 = arith.constant 16 : index
        %parallel_loop3A_379 = tpu.vector_load %arg12[%parallel_loop3A_377, %parallel_loop3A_378] {strides = array<i32>} : memref<200x32xf32, #tpu.memory_space<vmem>>, vector<1x16xf32>,
        %parallel_loop3A_380 = vector.shape_cast %parallel_loop3A_379 : vector<1x16xf32> to vector<16xf32>
        %parallel_loop3A_381 = arith.constant 6 : i32
        %parallel_loop3A_382 = arith.index_cast %parallel_loop3A_140 : i32 to index
        %parallel_loop3A_383 = arith.index_cast %parallel_loop3A_381 : i32 to index
        %parallel_loop3A_384 = arith.constant 16 : index
        %parallel_loop3A_385 = tpu.vector_load %arg14[%parallel_loop3A_382, %parallel_loop3A_383, %parallel_loop3A_384] {strides = array<i32>} : memref<25x8x32xf32, #tpu.memory_space<vmem>>, vector<1x1x16xf32>,
        %parallel_loop3A_386 = vector.shape_cast %parallel_loop3A_385 : vector<1x1x16xf32> to vector<16xf32>
        %parallel_loop3A_387 = arith.mulf %parallel_loop3A_380, %parallel_loop3A_386 : vector<16xf32>
        %parallel_loop3A_388 = arith.index_cast %parallel_loop3A_360 : i32 to index
        %parallel_loop3A_389 = arith.constant 16 : index
        %parallel_loop3A_390 = tpu.vector_load %arg12[%parallel_loop3A_388, %parallel_loop3A_389] {strides = array<i32>} : memref<200x32xf32, #tpu.memory_space<vmem>>, vector<1x16xf32>,
        %parallel_loop3A_391 = vector.shape_cast %parallel_loop3A_390 : vector<1x16xf32> to vector<16xf32>
        %parallel_loop3A_392 = vector.shape_cast %parallel_loop3A_387 : vector<16xf32> to vector<1x16xf32>
        tpu.vector_store %arg12[%parallel_loop3A_388, %parallel_loop3A_389], %parallel_loop3A_392 {strides = array<i32>} : memref<200x32xf32, #tpu.memory_space<vmem>>, vector<1x16xf32>,
        %parallel_loop3A_393 = arith.constant 8 : i32
        %parallel_loop3A_394 = arith.muli %parallel_loop3A_140, %parallel_loop3A_393 : i32
        %parallel_loop3A_395 = arith.constant 7 : i32
        %parallel_loop3A_396 = arith.addi %parallel_loop3A_394, %parallel_loop3A_395 : i32
        %parallel_loop3A_397 = arith.index_cast %parallel_loop3A_396 : i32 to index
        %parallel_loop3A_398 = arith.constant 0 : index
        %parallel_loop3A_399 = tpu.vector_load %arg12[%parallel_loop3A_397, %parallel_loop3A_398] {strides = array<i32>} : memref<200x32xf32, #tpu.memory_space<vmem>>, vector<1x16xf32>,
        %parallel_loop3A_400 = vector.shape_cast %parallel_loop3A_399 : vector<1x16xf32> to vector<16xf32>
        %parallel_loop3A_401 = arith.constant 7 : i32
        %parallel_loop3A_402 = arith.index_cast %parallel_loop3A_140 : i32 to index
        %parallel_loop3A_403 = arith.index_cast %parallel_loop3A_401 : i32 to index
        %parallel_loop3A_404 = arith.constant 0 : index
        %parallel_loop3A_405 = tpu.vector_load %arg14[%parallel_loop3A_402, %parallel_loop3A_403, %parallel_loop3A_404] {strides = array<i32>} : memref<25x8x32xf32, #tpu.memory_space<vmem>>, vector<1x1x16xf32>,
        %parallel_loop3A_406 = vector.shape_cast %parallel_loop3A_405 : vector<1x1x16xf32> to vector<16xf32>
        %parallel_loop3A_407 = arith.mulf %parallel_loop3A_400, %parallel_loop3A_406 : vector<16xf32>
        %parallel_loop3A_408 = arith.index_cast %parallel_loop3A_396 : i32 to index
        %parallel_loop3A_409 = arith.constant 0 : index
        %parallel_loop3A_410 = tpu.vector_load %arg12[%parallel_loop3A_408, %parallel_loop3A_409] {strides = array<i32>} : memref<200x32xf32, #tpu.memory_space<vmem>>, vector<1x16xf32>,
        %parallel_loop3A_411 = vector.shape_cast %parallel_loop3A_410 : vector<1x16xf32> to vector<16xf32>
        %parallel_loop3A_412 = vector.shape_cast %parallel_loop3A_407 : vector<16xf32> to vector<1x16xf32>
        tpu.vector_store %arg12[%parallel_loop3A_408, %parallel_loop3A_409], %parallel_loop3A_412 {strides = array<i32>} : memref<200x32xf32, #tpu.memory_space<vmem>>, vector<1x16xf32>,
        %parallel_loop3A_413 = arith.index_cast %parallel_loop3A_396 : i32 to index
        %parallel_loop3A_414 = arith.constant 16 : index
        %parallel_loop3A_415 = tpu.vector_load %arg12[%parallel_loop3A_413, %parallel_loop3A_414] {strides = array<i32>} : memref<200x32xf32, #tpu.memory_space<vmem>>, vector<1x16xf32>,
        %parallel_loop3A_416 = vector.shape_cast %parallel_loop3A_415 : vector<1x16xf32> to vector<16xf32>
        %parallel_loop3A_417 = arith.constant 7 : i32
        %parallel_loop3A_418 = arith.index_cast %parallel_loop3A_140 : i32 to index
        %parallel_loop3A_419 = arith.index_cast %parallel_loop3A_417 : i32 to index
        %parallel_loop3A_420 = arith.constant 16 : index
        %parallel_loop3A_421 = tpu.vector_load %arg14[%parallel_loop3A_418, %parallel_loop3A_419, %parallel_loop3A_420] {strides = array<i32>} : memref<25x8x32xf32, #tpu.memory_space<vmem>>, vector<1x1x16xf32>,
        %parallel_loop3A_422 = vector.shape_cast %parallel_loop3A_421 : vector<1x1x16xf32> to vector<16xf32>
        %parallel_loop3A_423 = arith.mulf %parallel_loop3A_416, %parallel_loop3A_422 : vector<16xf32>
        %parallel_loop3A_424 = arith.index_cast %parallel_loop3A_396 : i32 to index
        %parallel_loop3A_425 = arith.constant 16 : index
        %parallel_loop3A_426 = tpu.vector_load %arg12[%parallel_loop3A_424, %parallel_loop3A_425] {strides = array<i32>} : memref<200x32xf32, #tpu.memory_space<vmem>>, vector<1x16xf32>,
        %parallel_loop3A_427 = vector.shape_cast %parallel_loop3A_426 : vector<1x16xf32> to vector<16xf32>
        %parallel_loop3A_428 = vector.shape_cast %parallel_loop3A_423 : vector<16xf32> to vector<1x16xf32>
        tpu.vector_store %arg12[%parallel_loop3A_424, %parallel_loop3A_425], %parallel_loop3A_428 {strides = array<i32>} : memref<200x32xf32, #tpu.memory_space<vmem>>, vector<1x16xf32>,
      } {sc.loop_unroll_factor = 2 : i64, sc.parallel_access}
      "tpu.region"() ({
        %run_scoped3A = tpu.sem_alloc : memref<!tpu.dma_semaphore, #tpu.memory_space<semaphore_mem>>
        %dma_start3A_140 = arith.constant 0 : i32
        %dma_start3A_141 = arith.constant 0 : i32
        %dma_start3A_142 = tpu.memref_slice %arg16[%dma_start3A_140, %dma_start3A_141] : memref<10240x32xf32, #tpu.memory_space<vmem_shared>> -> memref<10240x32xf32, #tpu.memory_space<vmem_shared>>
        tpu.enqueue_indirect_dma source(%arg12 : memref<200x32xf32, #tpu.memory_space<vmem>>) target(%dma_start3A_142 : memref<10240x32xf32, #tpu.memory_space<vmem_shared>>) offsets(%arg10 : memref<200xi32, #tpu.memory_space<vmem>>) semaphore(%run_scoped3A : memref<!tpu.dma_semaphore, #tpu.memory_space<semaphore_mem>>) {add = true}
        %dma_wait3A_143 = arith.constant 0 : i32
        %dma_wait3A_144 = arith.constant 0 : i32
        %dma_wait3A_145 = tpu.memref_slice %arg16[%dma_wait3A_143, %dma_wait3A_144] : memref<10240x32xf32, #tpu.memory_space<vmem_shared>> -> memref<10240x32xf32, #tpu.memory_space<vmem_shared>>
        tpu.wait_indirect_dma semaphore(%run_scoped3A : memref<!tpu.dma_semaphore, #tpu.memory_space<semaphore_mem>>) src(%arg12 : memref<200x32xf32, #tpu.memory_space<vmem>>) dst(%dma_wait3A_145 : memref<10240x32xf32, #tpu.memory_space<vmem_shared>>)
        tpu.yield
      }) : () -> ()
      %convert_element_type3A_137 = arith.extui %lt3A_51 : i1 to i32
      %cond3A_138 = arith.constant 0 : i32
      %cond3A_139 = arith.cmpi ne, %convert_element_type3A_137, %cond3A_138 : i32
      scf.if %cond3A_139 {
        %mul3A_140 = arith.constant 2 : i32
        %mul3A_141 = arith.muli %mul3A_140, %scan3A_50 : i32
        %add3A_142 = arith.constant 3 : i32
        %add3A_143 = arith.addi %mul3A_141, %add3A_142 : i32
        %mul3A_144 = arith.constant 200 : i32
        %mul3A_145 = arith.muli %add3A_143, %mul3A_144 : i32
        %add3A_146 = arith.addi %mul3A_7, %mul3A_145 : i32
        %dma_start3A_147 = tpu.memref_slice %arg4[%add3A_146] : memref<320000xi32, #tpu.memory_space<hbm>> -> memref<200xi32, #tpu.memory_space<hbm>>
        %dma_start3A_148 = tpu.memref_slice %arg4[%add3A_146] : memref<320000xi32, #tpu.memory_space<hbm>> -> memref<200xi32, #tpu.memory_space<hbm>>
        tpu.enqueue_dma source(%dma_start3A_148 : memref<200xi32, #tpu.memory_space<hbm>>) target(%arg9 : memref<200xi32, #tpu.memory_space<vmem>>) target_semaphore(%arg22 : memref<!tpu.dma_semaphore, #tpu.memory_space<semaphore_mem>>)
        %dma_start3A_149 = tpu.memref_slice %arg5[%add3A_146] : memref<320000xi32, #tpu.memory_space<hbm>> -> memref<200xi32, #tpu.memory_space<hbm>>
        %dma_start3A_150 = tpu.memref_slice %arg5[%add3A_146] : memref<320000xi32, #tpu.memory_space<hbm>> -> memref<200xi32, #tpu.memory_space<hbm>>
        tpu.enqueue_dma source(%dma_start3A_150 : memref<200xi32, #tpu.memory_space<hbm>>) target(%arg10 : memref<200xi32, #tpu.memory_space<vmem>>) target_semaphore(%arg22 : memref<!tpu.dma_semaphore, #tpu.memory_space<semaphore_mem>>)
      } else {
      }
    }
    %scan3A_44 = arith.constant 25 : i32
    %barrier3A_45 = arith.constant 0 : index
    tpu.barrier barrier_id(%barrier3A_45)
    %mul3A_46 = arith.constant 640 : i32
    %mul3A_47 = arith.muli %arg1, %mul3A_46 : i32
    %mul3A_48 = arith.constant 640 : i32
    %mul3A_49 = arith.muli %arg1, %mul3A_48 : i32
    "tpu.region"() ({
      %run_scoped3A = tpu.sem_alloc : memref<!tpu.dma_semaphore, #tpu.memory_space<semaphore_mem>>
      %dma_start3A_50 = arith.constant 0 : i32
      %dma_start3A_51 = tpu.memref_slice %arg6[%arg0, %mul3A_49, %dma_start3A_50] : memref<2x10240x32xf32, #tpu.memory_space<hbm>> -> memref<1x640x32xf32, #tpu.memory_space<hbm>>
      %dma_start3A_52 = tpu.memref_squeeze %dma_start3A_51 : memref<1x640x32xf32, #tpu.memory_space<hbm>> -> memref<640x32xf32, #tpu.memory_space<hbm>>
      %dma_start3A_53 = arith.constant 0 : i32
      %dma_start3A_54 = tpu.memref_slice %arg16[%mul3A_47, %dma_start3A_53] : memref<10240x32xf32, #tpu.memory_space<vmem_shared>> -> memref<640x32xf32, #tpu.memory_space<vmem_shared>>
      tpu.enqueue_dma source(%dma_start3A_54 : memref<640x32xf32, #tpu.memory_space<vmem_shared>>) target(%dma_start3A_52 : memref<640x32xf32, #tpu.memory_space<hbm>>) target_semaphore(%run_scoped3A : memref<!tpu.dma_semaphore, #tpu.memory_space<semaphore_mem>>)
      %dma_wait3A = arith.constant 0 : i32
      %dma_wait3A_55 = tpu.memref_slice %arg6[%arg0, %mul3A_49, %dma_wait3A] : memref<2x10240x32xf32, #tpu.memory_space<hbm>> -> memref<1x640x32xf32, #tpu.memory_space<hbm>>
      %dma_wait3A_56 = tpu.memref_squeeze %dma_wait3A_55 : memref<1x640x32xf32, #tpu.memory_space<hbm>> -> memref<640x32xf32, #tpu.memory_space<hbm>>
      %dma_wait3A_57 = arith.constant 0 : i32
      %dma_wait3A_58 = tpu.memref_slice %arg16[%mul3A_47, %dma_wait3A_57] : memref<10240x32xf32, #tpu.memory_space<vmem_shared>> -> memref<640x32xf32, #tpu.memory_space<vmem_shared>>
      tpu.wait_dma2 semaphore(%run_scoped3A : memref<!tpu.dma_semaphore, #tpu.memory_space<semaphore_mem>>) src(%dma_wait3A_58 : memref<640x32xf32, #tpu.memory_space<vmem_shared>>) dst(%dma_wait3A_56 : memref<640x32xf32, #tpu.memory_space<hbm>>)
      tpu.yield
    }) : () -> ()
    return
  }
}

#map = affine_map<(d0, d1) -> (0, 0)>
#map1 = affine_map<(d0, d1) -> (0)>
module attributes {stable_mosaic.version = 14 : i64} {
  func.func @_edge_r2(%arg0: i32, %arg1: i32, %arg2: memref<10000x4xf32, #tpu.memory_space<hbm>>, %arg3: memref<320000xi32, #tpu.memory_space<hbm>>, %arg4: memref<320000xi32, #tpu.memory_space<hbm>>, %arg5: memref<320000xf32, #tpu.memory_space<hbm>>, %arg6: memref<10000x4xf32, #tpu.memory_space<vmem>>, %arg7: memref<1000xi32, #tpu.memory_space<vmem>>, %arg8: memref<1000xi32, #tpu.memory_space<vmem>>, %arg9: memref<1000xf32, #tpu.memory_space<vmem>>) attributes {dimension_semantics = [#tpu.dimension_semantics<core_parallel>, #tpu.dimension_semantics<subcore_parallel>], iteration_bounds = array<i64: 2, 16>, scalar_prefetch = 0 : i64, scratch_operands = 4 : i64, tpu.core_type = #tpu.core_type<sc_vector_subcore>, window_params = [{transform_indices = #map}, {transform_indices = #map1}, {transform_indices = #map1}, {transform_indices = #map1}]} {
    %mul3A = arith.constant 2 : i32
    %mul3A_0 = arith.muli %arg1, %mul3A : i32
    %add3A = arith.addi %mul3A_0, %arg0 : i32
    "tpu.region"() ({
      %run_scoped3A = tpu.sem_alloc : memref<!tpu.dma_semaphore, #tpu.memory_space<semaphore_mem>>
      tpu.enqueue_dma source(%arg2 : memref<10000x4xf32, #tpu.memory_space<hbm>>) target(%arg6 : memref<10000x4xf32, #tpu.memory_space<vmem>>) target_semaphore(%run_scoped3A : memref<!tpu.dma_semaphore, #tpu.memory_space<semaphore_mem>>)
      tpu.wait_dma2 semaphore(%run_scoped3A : memref<!tpu.dma_semaphore, #tpu.memory_space<semaphore_mem>>) src(%arg2 : memref<10000x4xf32, #tpu.memory_space<hbm>>) dst(%arg6 : memref<10000x4xf32, #tpu.memory_space<vmem>>)
      tpu.yield
    }) : () -> ()
    %mul3A_1 = arith.constant 10000 : i32
    %mul3A_2 = arith.muli %add3A, %mul3A_1 : i32
    %scan3A = arith.constant 0 : i32
    %scan3A_3 = arith.constant 0 : i32
    %scan3A_4 = arith.constant 10 : i32
    %scan3A_5 = arith.addi %scan3A_3, %scan3A_4 : i32
    %scan3A_6 = arith.constant 1 : i32
    scf.for %scan3A_8 = %scan3A_3 to %scan3A_5 step %scan3A_6  : i32 {
      %mul3A_9 = arith.constant 1000 : i32
      %mul3A_10 = arith.muli %scan3A_8, %mul3A_9 : i32
      %add3A_11 = arith.addi %mul3A_2, %mul3A_10 : i32
      "tpu.region"() ({
        %run_scoped3A = tpu.sem_alloc : memref<!tpu.dma_semaphore, #tpu.memory_space<semaphore_mem>>
        %dma_start3A = tpu.memref_slice %arg3[%add3A_11] : memref<320000xi32, #tpu.memory_space<hbm>> -> memref<1000xi32, #tpu.memory_space<hbm>>
        %dma_start3A_14 = tpu.memref_slice %arg3[%add3A_11] : memref<320000xi32, #tpu.memory_space<hbm>> -> memref<1000xi32, #tpu.memory_space<hbm>>
        tpu.enqueue_dma source(%dma_start3A_14 : memref<1000xi32, #tpu.memory_space<hbm>>) target(%arg7 : memref<1000xi32, #tpu.memory_space<vmem>>) target_semaphore(%run_scoped3A : memref<!tpu.dma_semaphore, #tpu.memory_space<semaphore_mem>>)
        %dma_wait3A = tpu.memref_slice %arg3[%add3A_11] : memref<320000xi32, #tpu.memory_space<hbm>> -> memref<1000xi32, #tpu.memory_space<hbm>>
        %dma_wait3A_15 = tpu.memref_slice %arg3[%add3A_11] : memref<320000xi32, #tpu.memory_space<hbm>> -> memref<1000xi32, #tpu.memory_space<hbm>>
        tpu.wait_dma2 semaphore(%run_scoped3A : memref<!tpu.dma_semaphore, #tpu.memory_space<semaphore_mem>>) src(%dma_wait3A_15 : memref<1000xi32, #tpu.memory_space<hbm>>) dst(%arg7 : memref<1000xi32, #tpu.memory_space<vmem>>)
        tpu.yield
      }) : () -> ()
      "tpu.region"() ({
        %run_scoped3A = tpu.sem_alloc : memref<!tpu.dma_semaphore, #tpu.memory_space<semaphore_mem>>
        %dma_start3A = tpu.memref_slice %arg4[%add3A_11] : memref<320000xi32, #tpu.memory_space<hbm>> -> memref<1000xi32, #tpu.memory_space<hbm>>
        %dma_start3A_14 = tpu.memref_slice %arg4[%add3A_11] : memref<320000xi32, #tpu.memory_space<hbm>> -> memref<1000xi32, #tpu.memory_space<hbm>>
        tpu.enqueue_dma source(%dma_start3A_14 : memref<1000xi32, #tpu.memory_space<hbm>>) target(%arg8 : memref<1000xi32, #tpu.memory_space<vmem>>) target_semaphore(%run_scoped3A : memref<!tpu.dma_semaphore, #tpu.memory_space<semaphore_mem>>)
        %dma_wait3A = tpu.memref_slice %arg4[%add3A_11] : memref<320000xi32, #tpu.memory_space<hbm>> -> memref<1000xi32, #tpu.memory_space<hbm>>
        %dma_wait3A_15 = tpu.memref_slice %arg4[%add3A_11] : memref<320000xi32, #tpu.memory_space<hbm>> -> memref<1000xi32, #tpu.memory_space<hbm>>
        tpu.wait_dma2 semaphore(%run_scoped3A : memref<!tpu.dma_semaphore, #tpu.memory_space<semaphore_mem>>) src(%dma_wait3A_15 : memref<1000xi32, #tpu.memory_space<hbm>>) dst(%arg8 : memref<1000xi32, #tpu.memory_space<vmem>>)
        tpu.yield
      }) : () -> ()
      %parallel_loop3A = arith.constant 0 : i32
      %parallel_loop3A_12 = arith.constant 62 : i32
      %parallel_loop3A_13 = arith.constant 1 : i32
      scf.for %parallel_loop3A_14 = %parallel_loop3A to %parallel_loop3A_12 step %parallel_loop3A_13  : i32 {
        %parallel_loop3A_15 = arith.constant 16 : i32
        %parallel_loop3A_16 = arith.muli %parallel_loop3A_14, %parallel_loop3A_15 : i32
        %parallel_loop3A_17 = arith.index_cast %parallel_loop3A_16 : i32 to index
        %parallel_loop3A_18 = tpu.vector_load %arg7[%parallel_loop3A_17] {strides = array<i32>} : memref<1000xi32, #tpu.memory_space<vmem>>, vector<16xi32>,
        %parallel_loop3A_19 = arith.constant 16 : i32
        %parallel_loop3A_20 = arith.muli %parallel_loop3A_14, %parallel_loop3A_19 : i32
        %parallel_loop3A_21 = arith.index_cast %parallel_loop3A_20 : i32 to index
        %parallel_loop3A_22 = tpu.vector_load %arg8[%parallel_loop3A_21] {strides = array<i32>} : memref<1000xi32, #tpu.memory_space<vmem>>, vector<16xi32>,
        %parallel_loop3A_23 = arith.constant 0 : i32
        %parallel_loop3A_24 = vector.broadcast %parallel_loop3A_23 : i32 to vector<16xi32>
        %parallel_loop3A_25 = tpu.vector_load_idx %arg6[%parallel_loop3A_22, %parallel_loop3A_24] : memref<10000x4xf32, #tpu.memory_space<vmem>>[vector<16xi32>, vector<16xi32>], vector<16xf32>,
        %parallel_loop3A_26 = tpu.vector_load_idx %arg6[%parallel_loop3A_18, %parallel_loop3A_24] : memref<10000x4xf32, #tpu.memory_space<vmem>>[vector<16xi32>, vector<16xi32>], vector<16xf32>,
        %parallel_loop3A_27 = arith.subf %parallel_loop3A_25, %parallel_loop3A_26 : vector<16xf32>
        %parallel_loop3A_28 = arith.mulf %parallel_loop3A_27, %parallel_loop3A_27 : vector<16xf32>
        %parallel_loop3A_29 = arith.constant 1 : i32
        %parallel_loop3A_30 = vector.broadcast %parallel_loop3A_29 : i32 to vector<16xi32>
        %parallel_loop3A_31 = tpu.vector_load_idx %arg6[%parallel_loop3A_22, %parallel_loop3A_30] : memref<10000x4xf32, #tpu.memory_space<vmem>>[vector<16xi32>, vector<16xi32>], vector<16xf32>,
        %parallel_loop3A_32 = tpu.vector_load_idx %arg6[%parallel_loop3A_18, %parallel_loop3A_30] : memref<10000x4xf32, #tpu.memory_space<vmem>>[vector<16xi32>, vector<16xi32>], vector<16xf32>,
        %parallel_loop3A_33 = arith.subf %parallel_loop3A_31, %parallel_loop3A_32 : vector<16xf32>
        %parallel_loop3A_34 = arith.mulf %parallel_loop3A_33, %parallel_loop3A_33 : vector<16xf32>
        %parallel_loop3A_35 = arith.addf %parallel_loop3A_28, %parallel_loop3A_34 : vector<16xf32>
        %parallel_loop3A_36 = arith.constant 2 : i32
        %parallel_loop3A_37 = vector.broadcast %parallel_loop3A_36 : i32 to vector<16xi32>
        %parallel_loop3A_38 = tpu.vector_load_idx %arg6[%parallel_loop3A_22, %parallel_loop3A_37] : memref<10000x4xf32, #tpu.memory_space<vmem>>[vector<16xi32>, vector<16xi32>], vector<16xf32>,
        %parallel_loop3A_39 = tpu.vector_load_idx %arg6[%parallel_loop3A_18, %parallel_loop3A_37] : memref<10000x4xf32, #tpu.memory_space<vmem>>[vector<16xi32>, vector<16xi32>], vector<16xf32>,
        %parallel_loop3A_40 = arith.subf %parallel_loop3A_38, %parallel_loop3A_39 : vector<16xf32>
        %parallel_loop3A_41 = arith.mulf %parallel_loop3A_40, %parallel_loop3A_40 : vector<16xf32>
        %parallel_loop3A_42 = arith.addf %parallel_loop3A_35, %parallel_loop3A_41 : vector<16xf32>
        %parallel_loop3A_43 = arith.constant 16 : i32
        %parallel_loop3A_44 = arith.muli %parallel_loop3A_14, %parallel_loop3A_43 : i32
        %parallel_loop3A_45 = arith.index_cast %parallel_loop3A_44 : i32 to index
        %parallel_loop3A_46 = tpu.vector_load %arg9[%parallel_loop3A_45] {strides = array<i32>} : memref<1000xf32, #tpu.memory_space<vmem>>, vector<16xf32>,
        tpu.vector_store %arg9[%parallel_loop3A_45], %parallel_loop3A_42 {strides = array<i32>} : memref<1000xf32, #tpu.memory_space<vmem>>, vector<16xf32>,
      } {sc.loop_unroll_factor = 2 : i64, sc.parallel_access}
      "tpu.region"() ({
        %run_scoped3A = tpu.sem_alloc : memref<!tpu.dma_semaphore, #tpu.memory_space<semaphore_mem>>
        %dma_start3A = tpu.memref_slice %arg5[%add3A_11] : memref<320000xf32, #tpu.memory_space<hbm>> -> memref<1000xf32, #tpu.memory_space<hbm>>
        %dma_start3A_14 = tpu.memref_slice %arg5[%add3A_11] : memref<320000xf32, #tpu.memory_space<hbm>> -> memref<1000xf32, #tpu.memory_space<hbm>>
        tpu.enqueue_dma source(%arg9 : memref<1000xf32, #tpu.memory_space<vmem>>) target(%dma_start3A_14 : memref<1000xf32, #tpu.memory_space<hbm>>) target_semaphore(%run_scoped3A : memref<!tpu.dma_semaphore, #tpu.memory_space<semaphore_mem>>)
        %dma_wait3A = tpu.memref_slice %arg5[%add3A_11] : memref<320000xf32, #tpu.memory_space<hbm>> -> memref<1000xf32, #tpu.memory_space<hbm>>
        %dma_wait3A_15 = tpu.memref_slice %arg5[%add3A_11] : memref<320000xf32, #tpu.memory_space<hbm>> -> memref<1000xf32, #tpu.memory_space<hbm>>
        tpu.wait_dma2 semaphore(%run_scoped3A : memref<!tpu.dma_semaphore, #tpu.memory_space<semaphore_mem>>) src(%arg9 : memref<1000xf32, #tpu.memory_space<vmem>>) dst(%dma_wait3A_15 : memref<1000xf32, #tpu.memory_space<hbm>>)
        tpu.yield
      }) : () -> ()
    }
    %scan3A_7 = arith.constant 10 : i32
    return
  }
}

module attributes {stable_mosaic.version = 14 : i64} {
  func.func @_prep_body(%arg0: memref<10000x10xf32, #tpu.memory_space<vmem>>, %arg1: memref<10x32xf32, #tpu.memory_space<vmem>>, %arg2: memref<10000x32xf32, #tpu.memory_space<vmem>>) attributes {dimension_semantics = [], scalar_prefetch = 0 : i64, scratch_operands = 0 : i64, tpu.core_type = #tpu.core_type<tc>} {
    %get3A = arith.constant 0 : index
    %get3A_0 = arith.constant 0 : index
    %get3A_1 = vector.load %arg0[%get3A, %get3A_0] : memref<10000x10xf32, #tpu.memory_space<vmem>>, vector<10000x10xf32>
    %get3A_2 = arith.constant 0 : index
    %get3A_3 = arith.constant 0 : index
    %get3A_4 = vector.load %arg1[%get3A_2, %get3A_3] : memref<10x32xf32, #tpu.memory_space<vmem>>, vector<10x32xf32>
    %dot_general3A = arith.constant dense<0.000000e+00> : vector<10000x32xf32>
    %dot_general3A_5 = tpu.matmul %get3A_1, %get3A_4, %dot_general3A {dimension_numbers = #tpu.dot_dimension_numbers<[1], [0], [0], [1], [0, 0, 1, 1], [], []>, transpose_lhs_hint = false} : vector<10000x10xf32>, vector<10x32xf32>, vector<10000x32xf32> -> vector<10000x32xf32>
    %swap3A = arith.constant 0 : index
    %swap3A_6 = arith.constant 0 : index
    %swap3A_7 = vector.load %arg2[%swap3A, %swap3A_6] : memref<10000x32xf32, #tpu.memory_space<vmem>>, vector<10000x32xf32>
    tpu.vector_store %arg2[%swap3A, %swap3A_6], %dot_general3A_5 {strides = array<i32>} : memref<10000x32xf32, #tpu.memory_space<vmem>>, vector<10000x32xf32>,
    return
  }
}

module attributes {stable_mosaic.version = 14 : i64} {
  func.func @_mlp_body(%arg0: i32, %arg1: memref<1x6400xf32, #tpu.memory_space<vmem>>, %arg2: memref<64x8xf32, #tpu.memory_space<vmem>>, %arg3: memref<64x64xf32, #tpu.memory_space<vmem>>, %arg4: memref<64x8xf32, #tpu.memory_space<vmem>>, %arg5: memref<64x64xf32, #tpu.memory_space<vmem>>, %arg6: memref<128x64xf32, #tpu.memory_space<vmem>>, %arg7: memref<800x8x128xf32, #tpu.memory_space<vmem>>) attributes {dimension_semantics = [#tpu.dimension_semantics<arbitrary>], iteration_bounds = array<i64: 50>, scalar_prefetch = 0 : i64, scratch_operands = 0 : i64, tpu.core_type = #tpu.core_type<tc>, window_params = [{transform_indices = @transform_0, window_bounds = array<i64: 1, 6400>}, {pipeline_mode = #tpu.pipeline_mode<synchronous>, transform_indices = @transform_1, window_bounds = array<i64: 64, 8>}, {pipeline_mode = #tpu.pipeline_mode<synchronous>, transform_indices = @transform_2, window_bounds = array<i64: 64, 64>}, {pipeline_mode = #tpu.pipeline_mode<synchronous>, transform_indices = @transform_3, window_bounds = array<i64: 64, 8>}, {pipeline_mode = #tpu.pipeline_mode<synchronous>, transform_indices = @transform_4, window_bounds = array<i64: 64, 64>}, {pipeline_mode = #tpu.pipeline_mode<synchronous>, transform_indices = @transform_5, window_bounds = array<i64: 128, 64>}, {transform_indices = @transform_6, window_bounds = array<i64: 800, 8, 128>}]} {
    %get3A = arith.constant 0 : index
    %get3A_0 = arith.constant 0 : index
    %get3A_1 = vector.load %arg1[%get3A, %get3A_0] : memref<1x6400xf32, #tpu.memory_space<vmem>>, vector<1x6400xf32>
    %add3A = arith.constant 9.99999996E-13 : f32
    %add3A_2 = vector.broadcast %add3A : f32 to vector<1x6400xf32>
    %add3A_3 = arith.addf %get3A_1, %add3A_2 : vector<1x6400xf32>
    %sqrt3A = math.sqrt %add3A_3 : vector<1x6400xf32>
    %mul3A = arith.constant 2.000000e-01 : f32
    %mul3A_4 = vector.broadcast %mul3A : f32 to vector<1x6400xf32>
    %mul3A_5 = arith.mulf %sqrt3A, %mul3A_4 : vector<1x6400xf32>
    %mul3A_6 = arith.mulf %mul3A_5, %mul3A_5 : vector<1x6400xf32>
    %mul3A_7 = arith.mulf %mul3A_6, %mul3A_6 : vector<1x6400xf32>
    %mul3A_8 = arith.mulf %mul3A_7, %mul3A_5 : vector<1x6400xf32>
    %mul3A_9 = arith.constant 2.100000e+01 : f32
    %mul3A_10 = vector.broadcast %mul3A_9 : f32 to vector<1x6400xf32>
    %mul3A_11 = arith.mulf %mul3A_10, %mul3A_8 : vector<1x6400xf32>
    %sub3A = arith.constant 1.000000e+00 : f32
    %sub3A_12 = vector.broadcast %sub3A : f32 to vector<1x6400xf32>
    %sub3A_13 = arith.subf %sub3A_12, %mul3A_11 : vector<1x6400xf32>
    %mul3A_14 = arith.constant 3.500000e+01 : f32
    %mul3A_15 = vector.broadcast %mul3A_14 : f32 to vector<1x6400xf32>
    %mul3A_16 = arith.mulf %mul3A_15, %mul3A_8 : vector<1x6400xf32>
    %mul3A_17 = arith.mulf %mul3A_16, %mul3A_5 : vector<1x6400xf32>
    %add3A_18 = arith.addf %sub3A_13, %mul3A_17 : vector<1x6400xf32>
    %mul3A_19 = arith.constant 1.500000e+01 : f32
    %mul3A_20 = vector.broadcast %mul3A_19 : f32 to vector<1x6400xf32>
    %mul3A_21 = arith.mulf %mul3A_20, %mul3A_8 : vector<1x6400xf32>
    %mul3A_22 = arith.mulf %mul3A_21, %mul3A_6 : vector<1x6400xf32>
    %sub3A_23 = arith.subf %add3A_18, %mul3A_22 : vector<1x6400xf32>
    %lt3A = arith.constant 1.000000e+00 : f32
    %lt3A_24 = vector.broadcast %lt3A : f32 to vector<1x6400xf32>
    %lt3A_25 = arith.cmpf olt, %mul3A_5, %lt3A_24 : vector<1x6400xf32>
    %jit3A = arith.constant 0.000000e+00 : f32
    %broadcast_in_dim3A = vector.broadcast %jit3A : f32 to vector<1x6400xf32>
    %select_n3A = arith.select %lt3A_25, %sub3A_23, %broadcast_in_dim3A : vector<1x6400xi1>, vector<1x6400xf32>
    %sqrt3A_26 = arith.constant 4.000000e-01 : f32
    %sqrt3A_27 = math.sqrt %sqrt3A_26 : f32
    %div3A = vector.broadcast %sqrt3A_27 : f32 to vector<1x6400xf32>
    %div3A_28 = arith.divf %div3A, %sqrt3A : vector<1x6400xf32>
    %mul3A_29 = arith.mulf %select_n3A, %div3A_28 : vector<1x6400xf32>
    %iota3A = tpu.iota {dimensions = array<i32: 0>} : vector<8x1xi32>
    %convert_element_type3A = arith.sitofp %iota3A : vector<8x1xi32> to vector<8x1xf32>
    %add3A_30 = arith.constant 1.000000e+00 : f32
    %add3A_31 = vector.broadcast %add3A_30 : f32 to vector<8x1xf32>
    %add3A_32 = arith.addf %add3A_31, %convert_element_type3A : vector<8x1xf32>
    %mul3A_33 = arith.constant 0.628318548 : f32
    %mul3A_34 = vector.broadcast %mul3A_33 : f32 to vector<1x6400xf32>
    %mul3A_35 = arith.mulf %mul3A_34, %sqrt3A : vector<1x6400xf32>
    %mul3A_36 = vector.broadcast %add3A_32 : vector<8x1xf32> to vector<8x6400xf32>
    %mul3A_37 = vector.broadcast %mul3A_35 : vector<1x6400xf32> to vector<8x6400xf32>
    %mul3A_38 = arith.mulf %mul3A_36, %mul3A_37 : vector<8x6400xf32>
    %sin3A = math.sin %mul3A_38 : vector<8x6400xf32>
    %mul3A_39 = vector.broadcast %mul3A_29 : vector<1x6400xf32> to vector<8x6400xf32>
    %mul3A_40 = arith.mulf %sin3A, %mul3A_39 : vector<8x6400xf32>
    %get3A_41 = arith.constant 0 : index
    %get3A_42 = arith.constant 0 : index
    %get3A_43 = vector.load %arg2[%get3A_41, %get3A_42] : memref<64x8xf32, #tpu.memory_space<vmem>>, vector<64x8xf32>
    %dot_general3A = arith.constant dense<0.000000e+00> : vector<64x6400xf32>
    %dot_general3A_44 = tpu.matmul %get3A_43, %mul3A_40, %dot_general3A {dimension_numbers = #tpu.dot_dimension_numbers<[1], [0], [0], [1], [0, 0, 1, 1], [], []>, transpose_lhs_hint = false} : vector<64x8xf32>, vector<8x6400xf32>, vector<64x6400xf32> -> vector<64x6400xf32>
    %neg3A = arith.constant 0.000000e+00 : f32
    %neg3A_45 = vector.broadcast %neg3A : f32 to vector<64x6400xf32>
    %neg3A_46 = arith.subf %neg3A_45, %dot_general3A_44 : vector<64x6400xf32>
    %exp3A = math.exp %neg3A_46 : vector<64x6400xf32>
    %add3A_47 = arith.constant 1.000000e+00 : f32
    %add3A_48 = vector.broadcast %add3A_47 : f32 to vector<64x6400xf32>
    %add3A_49 = arith.addf %add3A_48, %exp3A : vector<64x6400xf32>
    %div3A_50 = arith.divf %dot_general3A_44, %add3A_49 : vector<64x6400xf32>
    %get3A_51 = arith.constant 0 : index
    %get3A_52 = arith.constant 0 : index
    %get3A_53 = vector.load %arg3[%get3A_51, %get3A_52] : memref<64x64xf32, #tpu.memory_space<vmem>>, vector<64x64xf32>
    %dot_general3A_54 = arith.constant dense<0.000000e+00> : vector<64x6400xf32>
    %dot_general3A_55 = tpu.matmul %get3A_53, %div3A_50, %dot_general3A_54 {dimension_numbers = #tpu.dot_dimension_numbers<[1], [0], [0], [1], [0, 0, 1, 1], [], []>, transpose_lhs_hint = false} : vector<64x64xf32>, vector<64x6400xf32>, vector<64x6400xf32> -> vector<64x6400xf32>
    %neg3A_56 = arith.constant 0.000000e+00 : f32
    %neg3A_57 = vector.broadcast %neg3A_56 : f32 to vector<64x6400xf32>
    %neg3A_58 = arith.subf %neg3A_57, %dot_general3A_55 : vector<64x6400xf32>
    %exp3A_59 = math.exp %neg3A_58 : vector<64x6400xf32>
    %add3A_60 = arith.constant 1.000000e+00 : f32
    %add3A_61 = vector.broadcast %add3A_60 : f32 to vector<64x6400xf32>
    %add3A_62 = arith.addf %add3A_61, %exp3A_59 : vector<64x6400xf32>
    %div3A_63 = arith.divf %dot_general3A_55, %add3A_62 : vector<64x6400xf32>
    %get3A_64 = arith.constant 0 : index
    %get3A_65 = arith.constant 0 : index
    %get3A_66 = vector.load %arg4[%get3A_64, %get3A_65] : memref<64x8xf32, #tpu.memory_space<vmem>>, vector<64x8xf32>
    %dot_general3A_67 = arith.constant dense<0.000000e+00> : vector<64x6400xf32>
    %dot_general3A_68 = tpu.matmul %get3A_66, %mul3A_40, %dot_general3A_67 {dimension_numbers = #tpu.dot_dimension_numbers<[1], [0], [0], [1], [0, 0, 1, 1], [], []>, transpose_lhs_hint = false} : vector<64x8xf32>, vector<8x6400xf32>, vector<64x6400xf32> -> vector<64x6400xf32>
    %neg3A_69 = arith.constant 0.000000e+00 : f32
    %neg3A_70 = vector.broadcast %neg3A_69 : f32 to vector<64x6400xf32>
    %neg3A_71 = arith.subf %neg3A_70, %dot_general3A_68 : vector<64x6400xf32>
    %exp3A_72 = math.exp %neg3A_71 : vector<64x6400xf32>
    %add3A_73 = arith.constant 1.000000e+00 : f32
    %add3A_74 = vector.broadcast %add3A_73 : f32 to vector<64x6400xf32>
    %add3A_75 = arith.addf %add3A_74, %exp3A_72 : vector<64x6400xf32>
    %div3A_76 = arith.divf %dot_general3A_68, %add3A_75 : vector<64x6400xf32>
    %get3A_77 = arith.constant 0 : index
    %get3A_78 = arith.constant 0 : index
    %get3A_79 = vector.load %arg5[%get3A_77, %get3A_78] : memref<64x64xf32, #tpu.memory_space<vmem>>, vector<64x64xf32>
    %dot_general3A_80 = arith.constant dense<0.000000e+00> : vector<64x6400xf32>
    %dot_general3A_81 = tpu.matmul %get3A_79, %div3A_76, %dot_general3A_80 {dimension_numbers = #tpu.dot_dimension_numbers<[1], [0], [0], [1], [0, 0, 1, 1], [], []>, transpose_lhs_hint = false} : vector<64x64xf32>, vector<64x6400xf32>, vector<64x6400xf32> -> vector<64x6400xf32>
    %neg3A_82 = arith.constant 0.000000e+00 : f32
    %neg3A_83 = vector.broadcast %neg3A_82 : f32 to vector<64x6400xf32>
    %neg3A_84 = arith.subf %neg3A_83, %dot_general3A_81 : vector<64x6400xf32>
    %exp3A_85 = math.exp %neg3A_84 : vector<64x6400xf32>
    %add3A_86 = arith.constant 1.000000e+00 : f32
    %add3A_87 = vector.broadcast %add3A_86 : f32 to vector<64x6400xf32>
    %add3A_88 = arith.addf %add3A_87, %exp3A_85 : vector<64x6400xf32>
    %div3A_89 = arith.divf %dot_general3A_81, %add3A_88 : vector<64x6400xf32>
    %concatenate3A = tpu.concatenate %div3A_63, %div3A_89 in 0 : vector<64x6400xf32>, vector<64x6400xf32> -> vector<128x6400xf32>
    %get3A_90 = arith.constant 0 : index
    %get3A_91 = arith.constant 0 : index
    %get3A_92 = vector.load %arg6[%get3A_90, %get3A_91] : memref<128x64xf32, #tpu.memory_space<vmem>>, vector<128x64xf32>
    %dot_general3A_93 = arith.constant dense<0.000000e+00> : vector<6400x64xf32>
    %dot_general3A_94 = tpu.matmul %concatenate3A, %get3A_92, %dot_general3A_93 {dimension_numbers = #tpu.dot_dimension_numbers<[0], [0], [1], [1], [0, 1, 1, 1], [], []>, transpose_lhs_hint = true} : vector<128x6400xf32>, vector<128x64xf32>, vector<6400x64xf32> -> vector<6400x64xf32>
    %reshape3A = vector.shape_cast %dot_general3A_94 : vector<6400x64xf32> to vector<800x8x64xf32>
    %swap3A = arith.constant 0 : index
    %swap3A_95 = arith.constant 0 : index
    %swap3A_96 = arith.constant 0 : index
    %swap3A_97 = vector.load %arg7[%swap3A, %swap3A_95, %swap3A_96] : memref<800x8x128xf32, #tpu.memory_space<vmem>>, vector<800x8x64xf32>
    tpu.vector_store %arg7[%swap3A, %swap3A_95, %swap3A_96], %reshape3A {strides = array<i32>} : memref<800x8x128xf32, #tpu.memory_space<vmem>>, vector<800x8x64xf32>,
    return
  }
  func.func @transform_0(%arg0: i32) -> (i32, i32) {
    %c0_i32 = arith.constant 0 : i32
    %c0_i32_0 = arith.constant 0 : i32
    return %c0_i32, %arg0 : i32, i32
  }
  func.func @transform_1(%arg0: i32) -> (i32, i32) {
    %c0_i32 = arith.constant 0 : i32
    %c0_i32_0 = arith.constant 0 : i32
    %c0_i32_1 = arith.constant 0 : i32
    return %c0_i32, %c0_i32_0 : i32, i32
  }
  func.func @transform_2(%arg0: i32) -> (i32, i32) {
    %c0_i32 = arith.constant 0 : i32
    %c0_i32_0 = arith.constant 0 : i32
    %c0_i32_1 = arith.constant 0 : i32
    return %c0_i32, %c0_i32_0 : i32, i32
  }
  func.func @transform_3(%arg0: i32) -> (i32, i32) {
    %c0_i32 = arith.constant 0 : i32
    %c0_i32_0 = arith.constant 0 : i32
    %c0_i32_1 = arith.constant 0 : i32
    return %c0_i32, %c0_i32_0 : i32, i32
  }
  func.func @transform_4(%arg0: i32) -> (i32, i32) {
    %c0_i32 = arith.constant 0 : i32
    %c0_i32_0 = arith.constant 0 : i32
    %c0_i32_1 = arith.constant 0 : i32
    return %c0_i32, %c0_i32_0 : i32, i32
  }
  func.func @transform_5(%arg0: i32) -> (i32, i32) {
    %c0_i32 = arith.constant 0 : i32
    %c0_i32_0 = arith.constant 0 : i32
    %c0_i32_1 = arith.constant 0 : i32
    return %c0_i32, %c0_i32_0 : i32, i32
  }
  func.func @transform_6(%arg0: i32) -> (i32, i32, i32) {
    %c0_i32 = arith.constant 0 : i32
    %c0_i32_0 = arith.constant 0 : i32
    %c0_i32_1 = arith.constant 0 : i32
    return %arg0, %c0_i32, %c0_i32_0 : i32, i32, i32
  }
}

module attributes {stable_mosaic.version = 14 : i64} {
  func.func @_update_body(%arg0: memref<2x10240x32xf32, #tpu.memory_space<vmem>>, %arg1: memref<10000x10xf32, #tpu.memory_space<vmem>>, %arg2: memref<10x32xf32, #tpu.memory_space<vmem>>, %arg3: memref<10000x32xf32, #tpu.memory_space<vmem>>, %arg4: memref<10000x32xf32, #tpu.memory_space<vmem>>) attributes {dimension_semantics = [], scalar_prefetch = 0 : i64, scratch_operands = 0 : i64, tpu.core_type = #tpu.core_type<tc>} {
    %get3A = arith.constant 0 : index
    %get3A_0 = arith.constant 0 : index
    %get3A_1 = arith.constant 0 : index
    %get3A_2 = vector.load %arg0[%get3A, %get3A_0, %get3A_1] : memref<2x10240x32xf32, #tpu.memory_space<vmem>>, vector<2x10240x32xf32>
    %slice3A = vector.extract_strided_slice %get3A_2 {offsets = [0, 0, 0], sizes = [1, 10000, 32], strides = [1, 1, 1]} : vector<2x10240x32xf32> to vector<1x10000x32xf32>
    %squeeze3A = vector.shape_cast %slice3A : vector<1x10000x32xf32> to vector<10000x32xf32>
    %slice3A_3 = vector.extract_strided_slice %get3A_2 {offsets = [1, 0, 0], sizes = [1, 10000, 32], strides = [1, 1, 1]} : vector<2x10240x32xf32> to vector<1x10000x32xf32>
    %squeeze3A_4 = vector.shape_cast %slice3A_3 : vector<1x10000x32xf32> to vector<10000x32xf32>
    %add3A = arith.addf %squeeze3A, %squeeze3A_4 : vector<10000x32xf32>
    %get3A_5 = arith.constant 0 : index
    %get3A_6 = arith.constant 0 : index
    %get3A_7 = vector.load %arg1[%get3A_5, %get3A_6] : memref<10000x10xf32, #tpu.memory_space<vmem>>, vector<10000x10xf32>
    %get3A_8 = arith.constant 0 : index
    %get3A_9 = arith.constant 0 : index
    %get3A_10 = vector.load %arg2[%get3A_8, %get3A_9] : memref<10x32xf32, #tpu.memory_space<vmem>>, vector<10x32xf32>
    %dot_general3A = arith.constant dense<0.000000e+00> : vector<10000x32xf32>
    %dot_general3A_11 = tpu.matmul %get3A_7, %get3A_10, %dot_general3A {dimension_numbers = #tpu.dot_dimension_numbers<[1], [0], [0], [1], [0, 0, 1, 1], [], []>, transpose_lhs_hint = false} : vector<10000x10xf32>, vector<10x32xf32>, vector<10000x32xf32> -> vector<10000x32xf32>
    %mul3A = arith.constant 3.125000e-02 : f32
    %mul3A_12 = vector.broadcast %mul3A : f32 to vector<10000x32xf32>
    %mul3A_13 = arith.mulf %add3A, %mul3A_12 : vector<10000x32xf32>
    %mul3A_14 = arith.mulf %mul3A_13, %dot_general3A_11 : vector<10000x32xf32>
    %get3A_15 = arith.constant 0 : index
    %get3A_16 = arith.constant 0 : index
    %get3A_17 = vector.load %arg3[%get3A_15, %get3A_16] : memref<10000x32xf32, #tpu.memory_space<vmem>>, vector<10000x32xf32>
    %add3A_18 = arith.addf %mul3A_14, %get3A_17 : vector<10000x32xf32>
    %swap3A = arith.constant 0 : index
    %swap3A_19 = arith.constant 0 : index
    %swap3A_20 = vector.load %arg4[%swap3A, %swap3A_19] : memref<10000x32xf32, #tpu.memory_space<vmem>>, vector<10000x32xf32>
    tpu.vector_store %arg4[%swap3A, %swap3A_19], %add3A_18 {strides = array<i32>} : memref<10000x32xf32, #tpu.memory_space<vmem>>, vector<10000x32xf32>,
    return
  }
}

module attributes {stable_mosaic.version = 14 : i64} {
  func.func @_final_body(%arg0: memref<2x10240x32xf32, #tpu.memory_space<vmem>>, %arg1: memref<10000x32xf32, #tpu.memory_space<vmem>>, %arg2: memref<10000x10xf32, #tpu.memory_space<vmem>>, %arg3: memref<10x32xf32, #tpu.memory_space<vmem>>, %arg4: memref<32x1xf32, #tpu.memory_space<vmem>>, %arg5: memref<32x1xf32, #tpu.memory_space<vmem>>, %arg6: memref<10x1xf32, #tpu.memory_space<vmem>>, %arg7: memref<1x1xf32, #tpu.memory_space<vmem>>) attributes {dimension_semantics = [], scalar_prefetch = 0 : i64, scratch_operands = 0 : i64, tpu.core_type = #tpu.core_type<tc>} {
    %get3A = arith.constant 0 : index
    %get3A_0 = arith.constant 0 : index
    %get3A_1 = arith.constant 0 : index
    %get3A_2 = vector.load %arg0[%get3A, %get3A_0, %get3A_1] : memref<2x10240x32xf32, #tpu.memory_space<vmem>>, vector<2x10240x32xf32>
    %slice3A = vector.extract_strided_slice %get3A_2 {offsets = [0, 0, 0], sizes = [1, 10000, 32], strides = [1, 1, 1]} : vector<2x10240x32xf32> to vector<1x10000x32xf32>
    %squeeze3A = vector.shape_cast %slice3A : vector<1x10000x32xf32> to vector<10000x32xf32>
    %slice3A_3 = vector.extract_strided_slice %get3A_2 {offsets = [1, 0, 0], sizes = [1, 10000, 32], strides = [1, 1, 1]} : vector<2x10240x32xf32> to vector<1x10000x32xf32>
    %squeeze3A_4 = vector.shape_cast %slice3A_3 : vector<1x10000x32xf32> to vector<10000x32xf32>
    %add3A = arith.addf %squeeze3A, %squeeze3A_4 : vector<10000x32xf32>
    %get3A_5 = arith.constant 0 : index
    %get3A_6 = arith.constant 0 : index
    %get3A_7 = vector.load %arg2[%get3A_5, %get3A_6] : memref<10000x10xf32, #tpu.memory_space<vmem>>, vector<10000x10xf32>
    %get3A_8 = arith.constant 0 : index
    %get3A_9 = arith.constant 0 : index
    %get3A_10 = vector.load %arg1[%get3A_8, %get3A_9] : memref<10000x32xf32, #tpu.memory_space<vmem>>, vector<10000x32xf32>
    %get3A_11 = arith.constant 0 : index
    %get3A_12 = arith.constant 0 : index
    %get3A_13 = vector.load %arg3[%get3A_11, %get3A_12] : memref<10x32xf32, #tpu.memory_space<vmem>>, vector<10x32xf32>
    %dot_general3A = arith.constant dense<0.000000e+00> : vector<10000x32xf32>
    %dot_general3A_14 = tpu.matmul %get3A_7, %get3A_13, %dot_general3A {dimension_numbers = #tpu.dot_dimension_numbers<[1], [0], [0], [1], [0, 0, 1, 1], [], []>, transpose_lhs_hint = false} : vector<10000x10xf32>, vector<10x32xf32>, vector<10000x32xf32> -> vector<10000x32xf32>
    %mul3A = arith.constant 3.125000e-02 : f32
    %mul3A_15 = vector.broadcast %mul3A : f32 to vector<10000x32xf32>
    %mul3A_16 = arith.mulf %add3A, %mul3A_15 : vector<10000x32xf32>
    %mul3A_17 = arith.mulf %mul3A_16, %dot_general3A_14 : vector<10000x32xf32>
    %add3A_18 = arith.addf %mul3A_17, %get3A_10 : vector<10000x32xf32>
    %get3A_19 = arith.constant 0 : index
    %get3A_20 = arith.constant 0 : index
    %get3A_21 = vector.load %arg6[%get3A_19, %get3A_20] : memref<10x1xf32, #tpu.memory_space<vmem>>, vector<10x1xf32>
    %dot_general3A_22 = arith.constant dense<0.000000e+00> : vector<10000x1xf32>
    %dot_general3A_23 = tpu.matmul %get3A_7, %get3A_21, %dot_general3A_22 {dimension_numbers = #tpu.dot_dimension_numbers<[1], [0], [0], [1], [0, 0, 1, 1], [], []>, transpose_lhs_hint = false} : vector<10000x10xf32>, vector<10x1xf32>, vector<10000x1xf32> -> vector<10000x1xf32>
    %get3A_24 = arith.constant 0 : index
    %get3A_25 = arith.constant 0 : index
    %get3A_26 = vector.load %arg4[%get3A_24, %get3A_25] : memref<32x1xf32, #tpu.memory_space<vmem>>, vector<32x1xf32>
    %dot_general3A_27 = arith.constant dense<0.000000e+00> : vector<10000x1xf32>
    %dot_general3A_28 = tpu.matmul %get3A_10, %get3A_26, %dot_general3A_27 {dimension_numbers = #tpu.dot_dimension_numbers<[1], [0], [0], [1], [0, 0, 1, 1], [], []>, transpose_lhs_hint = false} : vector<10000x32xf32>, vector<32x1xf32>, vector<10000x1xf32> -> vector<10000x1xf32>
    %neg3A = arith.constant 0.000000e+00 : f32
    %neg3A_29 = vector.broadcast %neg3A : f32 to vector<10000x32xf32>
    %neg3A_30 = arith.subf %neg3A_29, %add3A_18 : vector<10000x32xf32>
    %exp3A = math.exp %neg3A_30 : vector<10000x32xf32>
    %add3A_31 = arith.constant 1.000000e+00 : f32
    %add3A_32 = vector.broadcast %add3A_31 : f32 to vector<10000x32xf32>
    %add3A_33 = arith.addf %add3A_32, %exp3A : vector<10000x32xf32>
    %div3A = arith.divf %add3A_18, %add3A_33 : vector<10000x32xf32>
    %get3A_34 = arith.constant 0 : index
    %get3A_35 = arith.constant 0 : index
    %get3A_36 = vector.load %arg5[%get3A_34, %get3A_35] : memref<32x1xf32, #tpu.memory_space<vmem>>, vector<32x1xf32>
    %dot_general3A_37 = arith.constant dense<0.000000e+00> : vector<10000x1xf32>
    %dot_general3A_38 = tpu.matmul %div3A, %get3A_36, %dot_general3A_37 {dimension_numbers = #tpu.dot_dimension_numbers<[1], [0], [0], [1], [0, 0, 1, 1], [], []>, transpose_lhs_hint = false} : vector<10000x32xf32>, vector<32x1xf32>, vector<10000x1xf32> -> vector<10000x1xf32>
    %add3A_39 = arith.addf %dot_general3A_23, %dot_general3A_28 : vector<10000x1xf32>
    %add3A_40 = arith.addf %add3A_39, %dot_general3A_38 : vector<10000x1xf32>
    %reduce_sum3A = vector.shape_cast %add3A_40 : vector<10000x1xf32> to vector<1x10000x1xf32>
    %reduce_sum3A_41 = arith.constant dense<0.000000e+00> : vector<1xf32>
    %reduce_sum3A_42 = vector.multi_reduction <add>, %reduce_sum3A, %reduce_sum3A_41 [1, 2] : vector<1x10000x1xf32> to vector<1xf32>
    %reduce_sum3A_43 = vector.shape_cast %reduce_sum3A_42 : vector<1xf32> to vector<1x1x1xf32>
    %reduce_sum3A_44 = vector.extract %reduce_sum3A_43[0, 0, 0] : f32 from vector<1x1x1xf32>
    %reshape3A = vector.broadcast %reduce_sum3A_44 : f32 to vector<1x1xf32>
    %swap3A = arith.constant 0 : index
    %swap3A_45 = arith.constant 0 : index
    %swap3A_46 = vector.load %arg7[%swap3A, %swap3A_45] : memref<1x1xf32, #tpu.memory_space<vmem>>, vector<1x1xf32>
    tpu.vector_store %arg7[%swap3A, %swap3A_45], %reshape3A {strides = array<i32>} : memref<1x1xf32, #tpu.memory_space<vmem>>, vector<1x1xf32>,
    return
  }
}

</mosaic_0001>

<sc_bundles>
// kernel: kernel.12.cloned.1.call-start
scs
__scs_entry_jumppad:
0x0: {  	(pc) =	sbr.rel $0x88, $3  }
0x1: {  	(tag) =	ssettag $0x0;
	lr =	simm.s32 $0x1  }
0x2: {  	[smem:$0x3F92] =	sst lr;
	_ =	strace $0xD0000000  }
0x3: {  	_ = 	snop  }
0x4: {  	_ = 	snop  }
0x5: {  	_ = 	snop  }
0x6: {  	_ = 	snop  }
0x7: {  	_ = 	snop  }
__scs_overlays_trampoline_lowered:
0x8: {  	[smem:$0x3FA1] =	sst s0  }
0x9: {  	[smem:$0x3FA2] =	sst s1  }
0xa: {  	[smem:$0x3FA3] =	sst s2  }
0xb: {  	[smem:$0x3FA4] =	sst s3  }
0xc: {  	[smem:$0x3FA5] =	sst s4  }
0xd: {  	[smem:$0x3FA6] =	sst s5  }
0xe: {  	[smem:$0x3FA7] =	sst s6  }
0xf: {  	[smem:$0x3FA8] =	sst s7  }
0x10: {  	[smem:$0x3FA9] =	sst s8  }
0x11: {  	[smem:$0x3FAA] =	sst s9;
	s0 =	simm.s32 @!p0 $0x0  }
0x12: {  	s1 =	sld [smem:$0x3F90];
	s0 =	simm.s32 @p0 $0x1  }
0x13: {  	[smem:$0x3FAB] =	sst s0;
	s0 =	simm.s32 @!p1 $0x0  }
0x14: {  	s2 =	sld [smem:$0x3F8F];
	s0 =	simm.s32 @p1 $0x1  }
0x15: {  	[smem:$0x3FAC] =	sst s0;
	s0 =	simm.s32 @!p2 $0x0  }
0x16: {  	s3 =	sld [smem:$0x3FDB];
	s0 =	simm.s32 @p2 $0x1  }
0x17: {  	s4 =	simm.s32 $0x1BF5;
	[smem:$0x3FAE] =	sst s0  }
0x18: {  	s0 =	sld [smem:$0x3F91];
	_ =	swait.ge [sflag:s4], $0x0  }
0x19: {  	s7 =	sld [smem:$0x3F92]  }
0x1a: {  	s8 =	sadd.s32 $0xFFFFE003, lr  }
0x1b: {  	s9 =	sadd.s32 $0xFFFFFEF7, lr;
	s5 =	simm.s32 $0xFFFFFFFF;
	p2 =	slt.u32 s8, $0xFFFFF086  }
0x1c: {  	p1 =	slt.u32 s9, $0xF7A;
	s5 =	simm.s32 @!p2 $0x0  }
0x1d: {  	s5 =	simm.s32 @p1 $0x1;
	p0 =	seq.s32 s7, s2  }
0x1e: {  	s7 =	smul.u32 @!p0 $0xF7A, s2;
	p2 =	seq.s32 @!p0 s5, $0x0  }
0x1f: {  	s9 =	smul.u32 $0xF7A, s1;
	s8 =	simm.s32 @!p0 $0x1BF5;
	p2 =	por !p2, p0  }
0x20: {  	[sflag:s8] =	ssyncset.s32 @!p0 $0xFFFFF086;
	s6 =	sadd.s32 @!p0 s3, s7;
	s7 =	simm.s32 @!p0 $0x108  }
0x21: {  	s3 =	sadd.s32 s3, s9;
	s6 =	sadd.s32 @!p0 $0x88, s6;
	s7 =	simm.s32 @p2 $0x1082  }
0x22: {  	[simem:s7], [sflag:s8] =	dma.local @!p0 [hbm:s6], $0xF7A  }
0x23: {  	s9 =	sor.u32 $0xD0000000, s2;
	s6 =	simm.s32 $0x108;
	_ =	swait.ge @!p0 [sflag:s8], $0x0  }
0x24: {  	s3 =	sadd.s32 $0x88, s3;
	s6 =	simm.s32 @!p1 $0x1082;
	[sflag:s4] =	ssyncset.s32 $0xFFFFF086  }
0x25: {  	[simem:s6], [sflag:s4] =	dma.local [hbm:s3], $0xF7A  }
0x26: {  	[smem:$0x3F92] =	sst s1;
	(tag) =	ssettag s2;
	_ =	strace s9  }
0x27: {  	s1 =	sld [smem:$0x3FA2]  }
0x28: {  	s2 =	sld [smem:$0x3FA3]  }
0x29: {  	s4 =	sld [smem:$0x3FA5]  }
0x2a: {  	p0 =	seq.s32 s5, $0x0;
	s5 =	sld [smem:$0x3FA6]  }
0x2b: {  	s6 =	sld [smem:$0x3FA7]  }
0x2c: {  	s7 =	sld [smem:$0x3FA8]  }
0x2d: {  	s3 =	simm.s32 $0x108;
	s8 =	sld [smem:$0x3FA9]  }
0x2e: {  	s3 =	simm.s32 @!p0 $0x1082;
	s9 =	sld [smem:$0x3FAA]  }
0x2f: {  	lr =	sadd.s32 s0, s3;
	s0 =	sld [smem:$0x3FA1]  }
0x30: {  	s3 =	sld [smem:$0x3FA4]  }
0x31: {  	[smem:$0x3FAD] =	sst s10  }
0x32: {  	s10 =	sld [smem:$0x3FAB];
	_ =	sdelay $0x3  }
0x33: {  	p0 =	seq.s32 s10, $0x1;
	s10 =	sld [smem:$0x3FAD];
	_ =	sdelay $0x3  }
0x34: {  	[smem:$0x3FAD] =	sst s10  }
0x35: {  	s10 =	sld [smem:$0x3FAC];
	_ =	sdelay $0x3  }
0x36: {  	p1 =	seq.s32 s10, $0x1;
	s10 =	sld [smem:$0x3FAD];
	_ =	sdelay $0x3  }
0x37: {  	[smem:$0x3FAD] =	sst s10  }
0x38: {  	s10 =	sld [smem:$0x3FAE]  }
0x39: {  	_ = 	snop;
	(pc) =	sbr.ind lr, $3  }
0x3a: {  	_ = 	snop  }
0x3b: {  	_ = 	snop  }
0x3c: {  	p2 =	seq.s32 s10, $0x1;
	s10 =	sld [smem:$0x3FAD]  }
0x3d: {  	_ =	shalt  }
0x3e: {  	_ =	shalt  }
0x3f: {  	_ =	shalt  }
0x40: {  	_ =	shalt  }
0x41: {  	_ =	shalt  }
0x42: {  	_ =	shalt  }
0x43: {  	_ =	shalt  }
0x44: {  	_ =	shalt  }
0x45: {  	_ =	shalt  }
0x46: {  	_ =	shalt  }
0x47: {  	_ =	shalt  }
0x48: {  	_ =	shalt  }
0x49: {  	_ =	shalt  }
0x4a: {  	_ =	shalt  }
0x4b: {  	_ =	shalt  }
0x4c: {  	_ =	shalt  }
0x4d: {  	_ =	shalt  }
0x4e: {  	_ =	shalt  }
0x4f: {  	_ =	shalt  }
0x50: {  	_ =	shalt  }
0x51: {  	_ =	shalt  }
0x52: {  	_ =	shalt  }
0x53: {  	_ =	shalt  }
0x54: {  	_ =	shalt  }
0x55: {  	_ =	shalt  }
0x56: {  	_ =	shalt  }
0x57: {  	_ =	shalt  }
0x58: {  	_ =	shalt  }
0x59: {  	_ =	shalt  }
0x5a: {  	_ =	shalt  }
0x5b: {  	_ =	shalt  }
0x5c: {  	_ =	shalt  }
0x5d: {  	_ =	shalt  }
0x5e: {  	_ =	shalt  }
0x5f: {  	_ =	shalt  }
0x60: {  	_ =	shalt  }
0x61: {  	_ =	shalt  }
0x62: {  	_ =	shalt  }
0x63: {  	_ =	shalt  }
0x64: {  	_ =	shalt  }
0x65: {  	_ =	shalt  }
0x66: {  	_ =	shalt  }
0x67: {  	_ =	shalt  }
0x68: {  	_ =	shalt  }
0x69: {  	_ =	shalt  }
0x6a: {  	_ =	shalt  }
0x6b: {  	_ =	shalt  }
0x6c: {  	_ =	shalt  }
0x6d: {  	_ =	shalt  }
0x6e: {  	_ =	shalt  }
0x6f: {  	_ =	shalt  }
0x70: {  	_ =	shalt  }
0x71: {  	_ =	shalt  }
0x72: {  	_ =	shalt  }
0x73: {  	_ =	shalt  }
0x74: {  	_ =	shalt  }
0x75: {  	_ =	shalt  }
0x76: {  	_ =	shalt  }
0x77: {  	_ =	shalt  }
0x78: {  	_ =	shalt  }
0x79: {  	_ =	shalt  }
0x7a: {  	_ =	shalt  }
0x7b: {  	_ =	shalt  }
0x7c: {  	_ =	shalt  }
0x7d: {  	_ =	shalt  }
0x7e: {  	_ =	shalt  }
0x7f: {  	_ =	shalt  }
0x80: {  	_ =	shalt  }
0x81: {  	_ =	shalt  }
0x82: {  	_ =	shalt  }
0x83: {  	_ =	shalt  }
0x84: {  	_ =	shalt  }
0x85: {  	_ =	shalt  }
0x86: {  	_ =	shalt  }
0x87: {  	_ =	shalt  }
.Lfunc_end0:
.L_simem_size_0:
called_computation.1_lowered:
.L_overlay_start_0:
0x88: {  	s2 =	sld [smem:$0x3FD9]  }
0x89: {  	s3 =	sld [smem:$0x3FFE];
	_ =	sdelay $0x1  }
0x8a: {  	s1 =	srdreg.scid  }
0x8b: {  	s0 =	sand.u32 $0x1, s1  }
0x8c: {  	s16 =	sshll.u32 s0, $0xA;
	s2 =	sadd.s32 s3, s2  }
0x8d: {  	s2 =	sadd.s32 s2, s16  }
0x8e: {  	[smem:$0x3FB9] =	sst s2  }
0x8f: {  	_ = 	snop  }
0x90: {  	(tm) =	ssettm $0x1  }
0x91: {  	s17 =	sld [smem:$0x3FFB];
	_ =	sdelay $0x3  }
0x92: {  	_ =	strace s17  }
0x93: {  	s2 =	sld [smem:$0x3FFC];
	_ =	sdelay $0x3  }
0x94: {  	_ =	strace s2  }
0x95: {  	s2 =	sld [smem:$0x3FFD];
	_ =	sdelay $0x3  }
0x96: {  	_ =	strace s2  }
0x97: {  	_ =	strace $0x8FFFFFFF  }
0x98: {  	s18 =	sld [smem:$0x3FDB];
	_ =	sdelay $0x1  }
0x99: {  	s19 =	simm.s32 $_scs_section_size  }
0x9a: {  	s4 =	simm.s32 $_size__tile_overlayer_lowered;
	s5 =	simm.s32 $_tile_overlayer_lowered  }
0x9b: {  	s22 =	simm.s32 $0x1BFF;
	s21 =	sshll.u32 s5, $0x1;
	s2 =	sadd.s32 s19, s18  }
0x9c: {  	s6 =	simm.s32 $0x0;
	s20 =	sshll.u32 s4, $0x1;
	s4 =	sadd.s32 s21, s2  }
0x9d: {  	[timem:s6], [sflag:s22] =	dma.local [hbm:s4], s20  }
0x9e: {  	_ =	swait.ge [sflag:s22], s20  }
0x9f: {  	s3 =	ssub.s32 $0x0, s20;
	[sflag:s22] =	ssyncset.done $0x0  }
0xa0: {  	[sflag:s22] =	ssyncadd.s32 s3;
	_ =	sdelay $0x1  }
0xa1: {  	s23 =	simm.s32 $0x1B8B  }
0xa2: {  	_ =	swait.ge [sflag:s23], $0x1  }
0xa3: {  	[sflag:s23] =	ssyncset.done $0x0  }
0xa4: {  	s25 =	simm.s32 $0x1B8E;
	s24 =	sld [smem:$0x3FFE];
	[sflag:s23] =	ssyncadd.s32 $0xFFFFFFFF  }
0xa5: {  	s26 =	simm.s32 $execute0_lowered;
	[smem:$0x3FD2] =	sst s25  }
0xa6: {  	s4 =	sshll.u32 s26, $0x1;
	_ =	strace $0x80000049;
	[dreg:$0x1] =	wrdreg $0xFFFFFFFF  }
0xa7: {  	s28 =	simm.s32 $_size_execute0_lowered;
	s2 =	sadd.s32 s2, s4;
	[dreg:$0x0] =	wrdreg $0x0  }
0xa8: {  	s4 =	sshll.u32 s28, $0x1;
	[dreg:$0x2] =	wrdreg s2  }
0xa9: {  	[dreg:$0x3] =	wrdreg s4  }
0xaa: {  	[dreg:$0x4] =	wrdreg $0xC0  }
0xab: {  	_ =	task [dreg:s6], $0x5FFFF  }
0xac: {  	[dreg:$0x1] =	wrdreg $0xFFFFFFFF  }
0xad: {  	[dreg:$0x0] =	wrdreg $0x60  }
0xae: {  	[dreg:$0x2] =	wrdreg s24  }
0xaf: {  	[dreg:$0x3] =	wrdreg $0xB7200  }
0xb0: {  	[dreg:$0x4] =	wrdreg $0x9  }
0xb1: {  	_ =	task.clear_ibuf [dreg:s6], $0x5FFFF;
	_ =	strace $0x90000049  }
0xb2: {  	s29 =	simm.s32 $0x9;
	_ =	strace $0x8000004B  }
0xb3: {  	_ =	swait.ge [sflag:s29], $0x1  }
0xb4: {  	[sflag:s29] =	ssyncadd.s32 $0xFFFFFFFF  }
0xb5: {  	_ =	strace $0x9000004B  }
0xb6: {  	_ =	sfence  }
0xb7: {  	s30 =	sld [smem:$0x0];
	_ =	sdelay $0x2  }
0xb8: {  	s31 =	sshll.u32 s1, $0xD;
	s1 =	sshrl.u32 s1, $0x2  }
0xb9: {  	s3 =	sand.u32 $0x4000, s31;
	s1 =	sadd.s32 s1, s30  }
0xba: {  	s0 =	sor.u32 s3, s0;
	s1 =	sshll.u32 s1, $0x11  }
0xbb: {  	s0 =	sor.u32 s1, s0  }
0xbc: {  	s0 =	sadd.s32 $0x8F2B, s0  }
0xbd: {  	[sflag:s0] =	ssyncadd.remote.s32 $0x1  }
0xbe: {  	_ =	sfence.sel $0xFFFF  }
0xbf: {  	[dreg:$0x0] =	wrdreg $0xFFFFFFFF;
	(pc) =	sbr.abs _section_cstart, $3  }
0xc0: {  	[dreg:$0x1] =	wrdreg $0xFFFFFFFF  }
0xc1: {  	_ =	task.clear_ibuf [dreg:s6], $0x2FFFF;
	_ =	strace $0x9FFFFFFF  }
0xc2: {  	(tm) =	ssettm $0x7FFFFFFF  }
0xc3: {  	_ =	shalt  }
tec
execute0_lowered:
.L_overlay_start_1:
0x0: {  	(tag) =	ssettag $0x1  }
0x1: {  	s0 =	rddreg [dreg:$0x0]  }
0x2: {  	s2 =	rddreg [dreg:$0x1]  }
0x3: {  	s3 =	simm.s32 $0x0;
	s1 =	srdreg.scid;
	s6 =	stileid.u32  }
0x4: {  	s28 =	simm.s32 $0x258;
	s29 =	simm.s32 $0x1;
	s30 =	simm.s32 $0x3  }
0x5: {  	s31 =	simm.s32 $0x6;
	s19 =	simm.s32 $0x4E20;
	[smem:$0x7FF] =	sst s3  }
0x6: {  	s1 =	sand.u32 $0x1, s1;
	s8 =	smul.u32 $0x5000, s6;
	s4 =	sadd.s32 $0x71000, s0  }
0x7: {  	s5 =	sadd.s32 $0x7AE00, s0;
	s9 =	sshll.u32 s6, $0x1;
	s6 =	sadd.s32 $0xC800, s0  }
0x8: {  	s7 =	smul.u32 $0x50000, s1;
	s9 =	sor.u32 s1, s9;
	s1 =	ssub.s32 $0x2, s1  }
0x9: {  	_ =	strace $0x8000004A;
	s11 =	smul.u32 $0x2710, s9;
	s20 =	sshrl.u32 s1, $0x1  }
0xa: {  	s9 =	smul.u32 $0x27100, s9;
	s13 =	sadd.s32 s8, s2;
	s7 =	sadd.s32 s8, s7  }
0xb: {  	s1 =	ssub.s32 s1, s20;
	s20 =	simm.s32 $0x7;
	[dreg:$0x3] =	wrdreg s13  }
0xc: {  	s10 =	sshrl.u32 s7, $0x3;
	s7 =	sadd.s32 $0x2A00, s0;
	s12 =	sshrl.u32 s11, $0x3  }
0xd: {  	s23 =	sadd.s32 s5, s9;
	s15 =	sadd.s32 $0x190, s11;
	s16 =	sadd.s32 $0x258, s11  }
0xe: {  	s26 =	smax.u32 s1, $0x1;
	s0 =	sadd.s32 s10, s0;
	[dreg:$0x6] =	wrdreg s23  }
0xf: {  	s21 =	sadd.s32 s6, s12;
	s10 =	sadd.s32 $0xC8, s11;
	[dreg:$0xa] =	wrdreg s26  }
0x10: {  	s22 =	sadd.s32 s7, s12;
	s23 =	simm.s32 $0x20;
	[dreg:$0x4] =	wrdreg s21  }
.Ltmp0:
0x11: {  	s26 =	simm.s32 $0x190;
	[dreg:$0x5] =	wrdreg s22;
	(pc) =	sbr.rel .LBB2_1-.Ltmp0, $4  }
0x12: {  	s24 =	sshrl.u32 s10, $0x3;
	s0 =	sadd.s32 $0x55CE00, s0;
	s21 =	simm.s32 $0xC8  }
0x13: {  	s22 =	simm.s32 $0x320;
	s25 =	sadd.s32 s6, s24;
	[dreg:$0x9] =	wrdreg s0  }
0x14: {  	s8 =	sadd.s32 s7, s24;
	s24 =	simm.s32 $0x80;
	[dreg:$0x7] =	wrdreg s25  }
0x15: {  	v0 =	vimm.f32 $0.0e+00;
	s0 =	simm.s32 $0x1C20;
	[dreg:$0x8] =	wrdreg s8;
	s8 =	simm.s32 $0x0  }
.LBB2_10:
0x16: {  	s1 =	stileid.u32;
	[bflag:$0x0] =	sbarrier.arrive $0xFFFF  }
0x17: {  	s1 =	sshll.u32 s1, $0x6;
	s13 =	rddreg [dreg:$0x3]  }
0x18: {  	s9 =	rddreg [dreg:$0x9];
	s1 =	sor.u32 $0x1C07, s1;
	s8 =	sshrl.u32 s13, $0x3  }
0x19: {  	[hbm:s9], [sflag:s1] =	dma.local [spmem:s8], $0xA00  }
0x1a: {  	_ =	swait.ge [sflag:s20], $0xA00  }
0x1b: {  	s18 =	rddreg [dreg:$0xb]  }
0x1c: {  	s25 =	rddreg [dreg:$0xa];
	s8 =	sadd.s32 $0x1, s18  }
0x1d: {  	p0 =	sne.s32 s8, s25  }
.Ltmp1:
0x1e: {  	_ = 	snop;
	(pc) =	sbr.rel @!p0 .LBB2_11-.Ltmp1, $3  }
0x1f: {  	_ =	sdelay $0x1  }
0x20: {  	[sflag:s20] =	ssyncset.done $0x0  }
0x21: {  	[sflag:s20] =	ssyncadd.s32 $0xFFFFF600  }
.LBB2_1:
0x22: {  	[dreg:$0xb] =	wrdreg s8;
	s1 =	simm.s32 $0x6760  }
0x23: {  	[tilespmem:s1+$0xFFFFFFC0] =	vst v0  }
0x24: {  	[tilespmem:s1+$0x30] =	vst v0  }
0x25: {  	[tilespmem:s1+$0x20] =	vst v0  }
0x26: {  	[tilespmem:s1+$0x10] =	vst v0  }
0x27: {  	[tilespmem:s1+$0x0] =	vst v0  }
0x28: {  	[tilespmem:s1+$0xFFFFFFF0] =	vst v0  }
0x29: {  	s8 =	simm.s32 $0x0;
	[tilespmem:s1+$0xFFFFFFE0] =	vst v0  }
.LBB2_2:
0x2a: {  	s8 =	sadd.s32 $0x4, s8;
	[tilespmem:s1+$0xFFFFFFD0] =	vst v0;
	s1 =	sadd.s32 $0x80, s1  }
0x2b: {  	[tilespmem:s1+$0xFFFFFFC0] =	vst v0;
	p0 =	slt.u32 s8, $0x27C  }
0x2c: {  	[tilespmem:s1+$0x30] =	vst v0  }
.Ltmp2:
0x2d: {  	[tilespmem:s1+$0x20] =	vst v0;
	(pc) =	sbr.rel @p0 .LBB2_2-.Ltmp2, $4  }
0x2e: {  	[tilespmem:s1+$0x10] =	vst v0  }
0x2f: {  	[tilespmem:s1+$0x0] =	vst v0  }
0x30: {  	[tilespmem:s1+$0xFFFFFFF0] =	vst v0  }
0x31: {  	[tilespmem:s1+$0xFFFFFFE0] =	vst v0  }
0x32: {  	[tilespmem:s1+$0xFFFFFFD0] =	vst v0;
	s12 =	simm.s32 $0x6720  }
0x33: {  	[spmem:s13] =	stream.linear.scatter [tilespmem:s12], [sflag:$0x7], $0x5000, $0x38;
	[tilespmem:$0x10720] =	vst v63  }
0x34: {  	_ =	swait.ge [sflag:s20], $0x5000  }
0x35: {  	[sflag:s20] =	ssyncset.done $0x0  }
0x36: {  	[sflag:s20] =	ssyncadd.s32 $0xFFFFB000  }
0x37: {  	[bflag:$0x0] =	sbarrier.arrive $0xFFFF  }
0x38: {  	s1 =	simm.s32 $0x0;
	s8 =	rddreg [dreg:$0x4]  }
0x39: {  	[tilespmem:s1], [sflag:$0x7] =	stream.linear.gather [hbm4b:s8+s1], $0xC8, $0x38;
	[tilespmem:$0x10720] =	vst v63  }
0x3a: {  	_ =	swait.ge [sflag:s20], $0xC8  }
0x3b: {  	[sflag:s20] =	ssyncset.done $0x0  }
0x3c: {  	s14 =	rddreg [dreg:$0x5];
	[sflag:s20] =	ssyncadd.s32 $0xFFFFFF38  }
0x3d: {  	[tilespmem:s21], [sflag:$0x7] =	stream.linear.gather [hbm4b:s14+s1], $0xC8, $0x38;
	[tilespmem:$0x10720] =	vst v63  }
0x3e: {  	_ =	swait.ge [sflag:s20], $0xC8  }
0x3f: {  	[sflag:s20] =	ssyncset.done $0x0  }
0x40: {  	[sflag:s20] =	ssyncadd.s32 $0xFFFFFF38  }
0x41: {  	[tilespmem:s22], [sflag:$0x1] =	stream.indirect.gather [hbm4b:s4+s21], $0x20, s1, s21, $0xb8;
	[tilespmem:$0x10720] =	vst v63  }
0x42: {  	s9 =	simm.s32 $0x3520;
	s17 =	rddreg [dreg:$0x6]  }
0x43: {  	[tilespmem:s9], [sflag:$0x3] =	stream.strided.gather [hbm4b:s17+s23], $0x1900, s24, s23, $0x38;
	[tilespmem:$0x10720] =	vst v63  }
0x44: {  	s18 =	rddreg [dreg:$0x7]  }
0x45: {  	[tilespmem:s26], [sflag:$0x6] =	stream.linear.gather [hbm4b:s18+s1], $0xC8, $0x38;
	[tilespmem:$0x10720] =	vst v63  }
0x46: {  	s25 =	rddreg [dreg:$0x8]  }
0x47: {  	[tilespmem:s28], [sflag:$0x6] =	stream.linear.gather [hbm4b:s25+s1], $0xC8, $0x38;
	[tilespmem:$0x10720] =	vst v63  }
.LBB2_4:
0x48: {  	_ =	swait.ge [sflag:s29], $0x1900  }
0x49: {  	[sflag:s29] =	ssyncset.done $0x0  }
0x4a: {  	[sflag:s29] =	ssyncadd.s32 $0xFFFFE700  }
0x4b: {  	_ =	swait.ge [sflag:s30], $0x1900  }
0x4c: {  	[sflag:s30] =	ssyncset.done $0x0  }
0x4d: {  	[sflag:s30] =	ssyncadd.s32 $0xFFFFE700  }
0x4e: {  	_ =	swait.ge [sflag:s31], $0xC8  }
0x4f: {  	s9 =	smul.u32 $0x190, s1;
	[sflag:s31] =	ssyncset.done $0x0  }
0x50: {  	[sflag:s31] =	ssyncadd.s32 $0xFFFFFF38  }
0x51: {  	s8 =	sadd.s32 s9, s10;
	_ =	swait.ge [sflag:s31], $0xC8  }
0x52: {  	s8 =	sshll.u32 s8, $0x4;
	[sflag:s31] =	ssyncset.done $0x0  }
0x53: {  	s8 =	sand.u32 $0x1FFFFF80, s8;
	[sflag:s31] =	ssyncadd.s32 $0xFFFFFF38  }
0x54: {  	[tilespmem:s0], [sflag:$0x2] =	stream.indirect.gather [hbm4b:s4+s21], $0x20, s26, s21, $0xb8;
	[tilespmem:$0x10720] =	vst v63  }
0x55: {  	s11 =	simm.s32 $0x420;
	s8 =	sadd.s32 s5, s8  }
0x56: {  	[tilespmem:s19], [sflag:$0x4] =	stream.strided.gather [hbm4b:s8+s23], $0x1900, s24, s23, $0x38;
	[tilespmem:$0x10720] =	vst v63  }
0x57: {  	s18 =	simm.s32 $0x3620;
	v1 =	vld [tilespmem:s11+$0x0]  }
0x58: {  	v2 =	vld [tilespmem:s18+$0x0];
	_ =	sdelay $0x4  }
0x59: {  	v1 =	vmul.f32 v2, v1;
	_ =	sdelay $0x1  }
0x5a: {  	[tilespmem:s11+$0x0] =	vst v1;
	v1 =	vld [tilespmem:s11+$0x10]  }
0x5b: {  	v2 =	vld [tilespmem:s18+$0x10];
	_ =	sdelay $0x4  }
0x5c: {  	v1 =	vmul.f32 v2, v1;
	_ =	sdelay $0x1  }
0x5d: {  	[tilespmem:s11+$0x10] =	vst v1;
	v1 =	vld [tilespmem:s11+$0x20]  }
0x5e: {  	v2 =	vld [tilespmem:s18+$0x20];
	_ =	sdelay $0x3  }
0x5f: {  	v3 =	vld [tilespmem:s11+$0xFFFFFF00]  }
0x60: {  	v1 =	vmul.f32 v2, v1;
	v2 =	vld [tilespmem:s18+$0xFFFFFF00];
	_ =	sdelay $0x2  }
0x61: {  	[tilespmem:s11+$0x20] =	vst v1;
	v1 =	vld [tilespmem:s11+$0x30]  }
0x62: {  	v4 =	vld [tilespmem:s18+$0x30]  }
0x63: {  	v2 =	vmul.f32 v2, v3;
	_ =	sdelay $0x1  }
0x64: {  	v5 =	vld [tilespmem:s11+$0xFFFFFF10];
	[tilespmem:s11+$0xFFFFFF00] =	vst v2  }
0x65: {  	v2 =	vld [tilespmem:s18+$0xFFFFFF10]  }
0x66: {  	v1 =	vmul.f32 v4, v1  }
0x67: {  	v6 =	vld [tilespmem:s11+$0xFFFFFF30]  }
0x68: {  	[tilespmem:s11+$0x30] =	vst v1;
	v1 =	vld [tilespmem:s11+$0x40]  }
0x69: {  	v4 =	vld [tilespmem:s18+$0x40]  }
0x6a: {  	v7 =	vld [tilespmem:s11+$0xFFFFFF40];
	v2 =	vmul.f32 v2, v5  }
0x6b: {  	v8 =	vld [tilespmem:s11+$0xFFFFFF50]  }
0x6c: {  	v3 =	vld [tilespmem:s11+$0xFFFFFF20];
	[tilespmem:s11+$0xFFFFFF10] =	vst v2  }
0x6d: {  	v2 =	vld [tilespmem:s18+$0xFFFFFF20]  }
0x6e: {  	v9 =	vld [tilespmem:s11+$0xFFFFFF60];
	v1 =	vmul.f32 v4, v1  }
0x6f: {  	v11 =	vld [tilespmem:s11+$0xFFFFFF80]  }
0x70: {  	[tilespmem:s11+$0x40] =	vst v1;
	v1 =	vld [tilespmem:s11+$0x50]  }
0x71: {  	v4 =	vld [tilespmem:s18+$0x50]  }
0x72: {  	v13 =	vld [tilespmem:s11+$0xFFFFFFB0];
	v2 =	vmul.f32 v2, v3  }
0x73: {  	s12 =	simm.s32 $0x620;
	v14 =	vld [tilespmem:s11+$0x80]  }
0x74: {  	v15 =	vld [tilespmem:s12+$0xFFFFFF00];
	[tilespmem:s11+$0xFFFFFF20] =	vst v2  }
0x75: {  	v2 =	vld [tilespmem:s18+$0xFFFFFF30]  }
0x76: {  	v17 =	vld [tilespmem:s12+$0xFFFFFF10];
	v1 =	vmul.f32 v4, v1  }
0x77: {  	v18 =	vld [tilespmem:s12+$0xFFFFFF40]  }
0x78: {  	[tilespmem:s11+$0x50] =	vst v1;
	v1 =	vld [tilespmem:s11+$0x60]  }
0x79: {  	v4 =	vld [tilespmem:s18+$0x60]  }
0x7a: {  	v20 =	vld [tilespmem:s12+$0xFFFFFF70];
	v2 =	vmul.f32 v2, v6  }
0x7b: {  	s14 =	simm.s32 $0x820;
	v21 =	vld [tilespmem:s12+$0xFFFFFF80]  }
0x7c: {  	v24 =	vld [tilespmem:s14+$0xFFFFFF10];
	[tilespmem:s11+$0xFFFFFF30] =	vst v2  }
0x7d: {  	v2 =	vld [tilespmem:s18+$0xFFFFFF40]  }
0x7e: {  	v25 =	vld [tilespmem:s14+$0xFFFFFF30];
	v1 =	vmul.f32 v4, v1  }
0x7f: {  	v50 =	vld [tilespmem:s12+$0xA0]  }
0x80: {  	[tilespmem:s11+$0x60] =	vst v1;
	v1 =	vld [tilespmem:s11+$0x70]  }
0x81: {  	v10 =	vld [tilespmem:s18+$0x70]  }
0x82: {  	v51 =	vld [tilespmem:s14+$0xFFFFFF60];
	v2 =	vmul.f32 v2, v7  }
0x83: {  	s13 =	simm.s32 $0x3820;
	v7 =	vld [tilespmem:s12+$0x0]  }
0x84: {  	[tilespmem:s11+$0xFFFFFF40] =	vst v2;
	v2 =	vld [tilespmem:s13+$0x0]  }
0x85: {  	v12 =	vld [tilespmem:s18+$0xFFFFFF50]  }
0x86: {  	v52 =	vld [tilespmem:s12+$0xB0];
	v1 =	vmul.f32 v10, v1  }
0x87: {  	v55 =	vld [tilespmem:s12+$0xC0]  }
0x88: {  	v57 =	vld [tilespmem:s14+$0x50];
	[tilespmem:s11+$0x70] =	vst v1  }
0x89: {  	v1 =	vld [tilespmem:s18+$0x80];
	v2 =	vmul.f32 v2, v7  }
0x8a: {  	v7 =	vld [tilespmem:s13+$0xFFFFFF00];
	v8 =	vmul.f32 v12, v8  }
0x8b: {  	[tilespmem:s12+$0x0] =	vst v2;
	v2 =	vld [tilespmem:s12+$0x10]  }
0x8c: {  	[tilespmem:s11+$0xFFFFFF50] =	vst v8;
	v8 =	vld [tilespmem:s13+$0x10]  }
0x8d: {  	v16 =	vld [tilespmem:s18+$0xFFFFFF60]  }
0x8e: {  	v61 =	vld [tilespmem:s12+$0xF0];
	v1 =	vmul.f32 v1, v14  }
0x8f: {  	v5 =	vld [tilespmem:s11+$0xFFFFFFC0];
	v7 =	vmul.f32 v7, v15  }
0x90: {  	v14 =	vld [tilespmem:s11+$0x90];
	[tilespmem:s11+$0x80] =	vst v1  }
0x91: {  	[tilespmem:s12+$0xFFFFFF00] =	vst v7;
	v1 =	vmul.f32 v8, v2;
	v2 =	vld [tilespmem:s18+$0x90]  }
0x92: {  	v8 =	vld [tilespmem:s13+$0xFFFFFF10];
	v7 =	vmul.f32 v16, v9  }
0x93: {  	[tilespmem:s12+$0x10] =	vst v1;
	v1 =	vld [tilespmem:s12+$0x20]  }
0x94: {  	[tilespmem:s11+$0xFFFFFF60] =	vst v7;
	v7 =	vld [tilespmem:s13+$0x20]  }
0x95: {  	v3 =	vld [tilespmem:s11+$0xFFFFFF70]  }
0x96: {  	v15 =	vld [tilespmem:s12+$0xFFFFFF20];
	v2 =	vmul.f32 v2, v14  }
0x97: {  	v9 =	vld [tilespmem:s18+$0xFFFFFF70];
	v8 =	vmul.f32 v8, v17  }
0x98: {  	v14 =	vld [tilespmem:s11+$0xA0];
	[tilespmem:s11+$0x90] =	vst v2  }
0x99: {  	[tilespmem:s12+$0xFFFFFF10] =	vst v8;
	v1 =	vmul.f32 v7, v1;
	v2 =	vld [tilespmem:s18+$0xA0]  }
0x9a: {  	v7 =	vld [tilespmem:s13+$0xFFFFFF20]  }
0x9b: {  	v8 =	vld [tilespmem:s12+$0x30];
	[tilespmem:s12+$0x20] =	vst v1  }
0x9c: {  	v19 =	vld [tilespmem:s13+$0x30]  }
0x9d: {  	v6 =	vld [tilespmem:s11+$0xFFFFFF90];
	v3 =	vmul.f32 v9, v3  }
0x9e: {  	v16 =	vld [tilespmem:s12+$0xFFFFFF30];
	v2 =	vmul.f32 v2, v14  }
0x9f: {  	[tilespmem:s11+$0xFFFFFF70] =	vst v3;
	v3 =	vld [tilespmem:s11+$0xB0];
	v7 =	vmul.f32 v7, v15  }
0xa0: {  	v14 =	vld [tilespmem:s18+$0xFFFFFF80];
	[tilespmem:s11+$0xA0] =	vst v2  }
0xa1: {  	[tilespmem:s12+$0xFFFFFF20] =	vst v7;
	v2 =	vmul.f32 v19, v8;
	v15 =	vld [tilespmem:s18+$0xB0]  }
0xa2: {  	v7 =	vld [tilespmem:s13+$0xFFFFFF30]  }
0xa3: {  	[tilespmem:s12+$0x30] =	vst v2;
	v2 =	vld [tilespmem:s12+$0x40]  }
0xa4: {  	v19 =	vld [tilespmem:s13+$0x40]  }
0xa5: {  	v4 =	vld [tilespmem:s11+$0xFFFFFFA0];
	v11 =	vmul.f32 v14, v11  }
0xa6: {  	v10 =	vld [tilespmem:s11+$0xFFFFFFD0];
	v3 =	vmul.f32 v15, v3  }
0xa7: {  	[tilespmem:s11+$0xFFFFFF80] =	vst v11;
	v11 =	vld [tilespmem:s11+$0xC0];
	v7 =	vmul.f32 v7, v16  }
0xa8: {  	v14 =	vld [tilespmem:s18+$0xFFFFFF90];
	[tilespmem:s11+$0xB0] =	vst v3  }
0xa9: {  	[tilespmem:s12+$0xFFFFFF30] =	vst v7;
	v2 =	vmul.f32 v19, v2;
	v3 =	vld [tilespmem:s18+$0xC0]  }
0xaa: {  	v16 =	vld [tilespmem:s13+$0xFFFFFF40]  }
0xab: {  	[tilespmem:s12+$0x40] =	vst v2;
	v2 =	vld [tilespmem:s12+$0x50]  }
0xac: {  	v19 =	vld [tilespmem:s13+$0x50]  }
0xad: {  	v12 =	vld [tilespmem:s11+$0xFFFFFFE0];
	v6 =	vmul.f32 v14, v6  }
0xae: {  	v17 =	vld [tilespmem:s12+$0xFFFFFF50]  }
0xaf: {  	[tilespmem:s11+$0xFFFFFF90] =	vst v6;
	v6 =	vld [tilespmem:s11+$0xD0];
	v3 =	vmul.f32 v3, v11  }
0xb0: {  	v11 =	vmul.f32 v16, v18;
	v16 =	vld [tilespmem:s18+$0xFFFFFFA0]  }
0xb1: {  	v18 =	vld [tilespmem:s12+$0x60];
	[tilespmem:s11+$0xC0] =	vst v3;
	v2 =	vmul.f32 v19, v2  }
0xb2: {  	[tilespmem:s12+$0xFFFFFF40] =	vst v11;
	v3 =	vld [tilespmem:s18+$0xD0]  }
0xb3: {  	v11 =	vld [tilespmem:s13+$0xFFFFFF50];
	[tilespmem:s12+$0x50] =	vst v2  }
0xb4: {  	v19 =	vld [tilespmem:s13+$0x60]  }
0xb5: {  	v9 =	vld [tilespmem:s12+$0xFFFFFF60];
	v4 =	vmul.f32 v16, v4  }
0xb6: {  	v1 =	vld [tilespmem:s11+$0xFFFFFFF0]  }
0xb7: {  	v8 =	vld [tilespmem:s12+$0xFFFFFF90];
	[tilespmem:s11+$0xFFFFFFA0] =	vst v4;
	v3 =	vmul.f32 v3, v6  }
0xb8: {  	v6 =	vmul.f32 v11, v17;
	v11 =	vld [tilespmem:s18+$0xFFFFFFB0]  }
0xb9: {  	v4 =	vld [tilespmem:s11+$0xE0];
	[tilespmem:s11+$0xD0] =	vst v3;
	v3 =	vmul.f32 v19, v18  }
0xba: {  	v17 =	vld [tilespmem:s12+$0x70]  }
0xbb: {  	v16 =	vld [tilespmem:s18+$0xE0];
	[tilespmem:s12+$0x60] =	vst v3  }
0xbc: {  	[tilespmem:s12+$0xFFFFFF50] =	vst v6;
	v18 =	vld [tilespmem:s13+$0x70]  }
0xbd: {  	v6 =	vld [tilespmem:s13+$0xFFFFFF60];
	v11 =	vmul.f32 v11, v13  }
0xbe: {  	s17 =	simm.s32 $0x3A20;
	v13 =	vld [tilespmem:s14+$0x0]  }
0xbf: {  	[tilespmem:s11+$0xFFFFFFB0] =	vst v11;
	v11 =	vld [tilespmem:s17+$0x0]  }
0xc0: {  	v15 =	vld [tilespmem:s12+$0xFFFFFFB0]  }
0xc1: {  	v7 =	vld [tilespmem:s12+$0xFFFFFFA0];
	v17 =	vmul.f32 v18, v17  }
0xc2: {  	v4 =	vmul.f32 v16, v4;
	v6 =	vmul.f32 v6, v9;
	v9 =	vld [tilespmem:s14+$0xFFFFFF00]  }
0xc3: {  	v18 =	vld [tilespmem:s12+$0x80];
	[tilespmem:s12+$0x70] =	vst v17  }
0xc4: {  	[tilespmem:s11+$0xE0] =	vst v4;
	v4 =	vmul.f32 v11, v13;
	v17 =	vld [tilespmem:s13+$0x80]  }
0xc5: {  	v11 =	vld [tilespmem:s17+$0xFFFFFF00]  }
0xc6: {  	v13 =	vld [tilespmem:s14+$0x10];
	[tilespmem:s14+$0x0] =	vst v4  }
0xc7: {  	[tilespmem:s12+$0xFFFFFF60] =	vst v6;
	v6 =	vld [tilespmem:s17+$0x10]  }
0xc8: {  	v14 =	vld [tilespmem:s12+$0xFFFFFFC0]  }
0xc9: {  	v2 =	vld [tilespmem:s12+$0xFFFFFFD0];
	v17 =	vmul.f32 v17, v18  }
0xca: {  	v3 =	vld [tilespmem:s12+$0xFFFFFFE0];
	v9 =	vmul.f32 v11, v9  }
0xcb: {  	v18 =	vld [tilespmem:s12+$0x90];
	[tilespmem:s12+$0x80] =	vst v17  }
0xcc: {  	[tilespmem:s14+$0xFFFFFF00] =	vst v9;
	v6 =	vmul.f32 v6, v13;
	v13 =	vld [tilespmem:s13+$0x90]  }
0xcd: {  	v9 =	vld [tilespmem:s17+$0xFFFFFF10]  }
0xce: {  	v23 =	vld [tilespmem:s13+$0xFFFFFF70]  }
0xcf: {  	[tilespmem:s14+$0x10] =	vst v6;
	v6 =	vld [tilespmem:s14+$0x20]  }
0xd0: {  	v17 =	vld [tilespmem:s17+$0x20]  }
0xd1: {  	v19 =	vld [tilespmem:s18+$0xFFFFFFC0];
	v13 =	vmul.f32 v13, v18  }
0xd2: {  	v16 =	vld [tilespmem:s11+$0xF0];
	v9 =	vmul.f32 v9, v24  }
0xd3: {  	v20 =	vmul.f32 v23, v20;
	v11 =	vld [tilespmem:s14+$0xFFFFFF20];
	[tilespmem:s12+$0x90] =	vst v13  }
0xd4: {  	[tilespmem:s14+$0xFFFFFF10] =	vst v9;
	v9 =	vld [tilespmem:s13+$0xA0]  }
0xd5: {  	[tilespmem:s12+$0xFFFFFF70] =	vst v20;
	v6 =	vmul.f32 v17, v6;
	v17 =	vld [tilespmem:s17+$0xFFFFFF20]  }
0xd6: {  	v5 =	vmul.f32 v19, v5;
	v19 =	vld [tilespmem:s13+$0xFFFFFF80]  }
0xd7: {  	[tilespmem:s14+$0x20] =	vst v6;
	v6 =	vld [tilespmem:s14+$0x30]  }
0xd8: {  	[tilespmem:s11+$0xFFFFFFC0] =	vst v5;
	v5 =	vld [tilespmem:s17+$0x30]  }
0xd9: {  	v22 =	vld [tilespmem:s18+$0xF0];
	v9 =	vmul.f32 v9, v50  }
0xda: {  	v4 =	vld [tilespmem:s12+$0xFFFFFFF0];
	v17 =	vmul.f32 v17, v11  }
0xdb: {  	v20 =	vld [tilespmem:s18+$0xFFFFFFD0];
	[tilespmem:s12+$0xA0] =	vst v9  }
0xdc: {  	[tilespmem:s14+$0xFFFFFF20] =	vst v17;
	v9 =	vmul.f32 v19, v21;
	v19 =	vld [tilespmem:s13+$0xB0]  }
0xdd: {  	v5 =	vmul.f32 v5, v6;
	v6 =	vld [tilespmem:s17+$0xFFFFFF30]  }
0xde: {  	v18 =	vld [tilespmem:s14+$0xFFFFFF40]  }
0xdf: {  	v13 =	vld [tilespmem:s14+$0xFFFFFF50];
	[tilespmem:s12+$0xFFFFFF80] =	vst v9  }
0xe0: {  	v17 =	vld [tilespmem:s13+$0xFFFFFF90]  }
0xe1: {  	[tilespmem:s14+$0x30] =	vst v5;
	v5 =	vld [tilespmem:s14+$0x40];
	v19 =	vmul.f32 v19, v52  }
0xe2: {  	v53 =	vld [tilespmem:s17+$0x40];
	v54 =	vmul.f32 v6, v25  }
0xe3: {  	v11 =	vld [tilespmem:s14+$0xFFFFFF70];
	[tilespmem:s12+$0xB0] =	vst v19  }
0xe4: {  	[tilespmem:s14+$0xFFFFFF30] =	vst v54;
	v19 =	vld [tilespmem:s13+$0xC0]  }
0xe5: {  	v8 =	vmul.f32 v17, v8;
	v17 =	vld [tilespmem:s17+$0xFFFFFF40]  }
0xe6: {  	v9 =	vld [tilespmem:s14+$0xFFFFFF80]  }
0xe7: {  	v6 =	vld [tilespmem:s14+$0xFFFFFF90];
	v21 =	vmul.f32 v53, v5;
	[tilespmem:s12+$0xFFFFFF90] =	vst v8  }
0xe8: {  	v56 =	vld [tilespmem:s13+$0xFFFFFFA0]  }
0xe9: {  	v5 =	vld [tilespmem:s14+$0xFFFFFFA0];
	[tilespmem:s14+$0x40] =	vst v21;
	v8 =	vmul.f32 v19, v55  }
0xea: {  	v17 =	vmul.f32 v17, v18;
	v19 =	vld [tilespmem:s17+$0x50]  }
0xeb: {  	v18 =	vld [tilespmem:s12+$0xD0];
	[tilespmem:s12+$0xC0] =	vst v8  }
0xec: {  	[tilespmem:s14+$0xFFFFFF40] =	vst v17;
	v17 =	vld [tilespmem:s13+$0xD0]  }
0xed: {  	v8 =	vld [tilespmem:s14+$0xFFFFFFB0];
	v24 =	vmul.f32 v56, v7  }
0xee: {  	v58 =	vld [tilespmem:s17+$0xFFFFFF50]  }
0xef: {  	v7 =	vld [tilespmem:s14+$0xFFFFFFC0];
	[tilespmem:s12+$0xFFFFFFA0] =	vst v24;
	v19 =	vmul.f32 v19, v57  }
0xf0: {  	v59 =	vld [tilespmem:s13+$0xFFFFFFB0]  }
0xf1: {  	[tilespmem:s14+$0x50] =	vst v19;
	v19 =	vld [tilespmem:s12+$0xE0];
	v17 =	vmul.f32 v17, v18  }
0xf2: {  	v10 =	vmul.f32 v20, v10;
	v18 =	vld [tilespmem:s14+$0x60]  }
0xf3: {  	v24 =	vmul.f32 v58, v13;
	v20 =	vld [tilespmem:s17+$0x60];
	[tilespmem:s12+$0xD0] =	vst v17  }
0xf4: {  	[tilespmem:s11+$0xFFFFFFD0] =	vst v10;
	v17 =	vld [tilespmem:s13+$0xE0]  }
0xf5: {  	[tilespmem:s14+$0xFFFFFF50] =	vst v24;
	v10 =	vmul.f32 v59, v15;
	v15 =	vld [tilespmem:s18+$0xFFFFFFE0]  }
0xf6: {  	v60 =	vld [tilespmem:s17+$0xFFFFFF60]  }
0xf7: {  	v13 =	vld [tilespmem:s14+$0xFFFFFFD0];
	[tilespmem:s12+$0xFFFFFFB0] =	vst v10  }
0xf8: {  	v18 =	vmul.f32 v20, v18;
	v20 =	vld [tilespmem:s13+$0xFFFFFFC0]  }
0xf9: {  	v10 =	vld [tilespmem:s14+$0xFFFFFFE0];
	v17 =	vmul.f32 v17, v19  }
0xfa: {  	[tilespmem:s14+$0x60] =	vst v18;
	v12 =	vmul.f32 v15, v12;
	v19 =	vld [tilespmem:s14+$0x70]  }
0xfb: {  	v15 =	vmul.f32 v60, v51;
	v62 =	vld [tilespmem:s17+$0x70];
	[tilespmem:s12+$0xE0] =	vst v17  }
0xfc: {  	[tilespmem:s11+$0xFFFFFFE0] =	vst v12;
	v63 =	vld [tilespmem:s13+$0xF0]  }
0xfd: {  	[tilespmem:s14+$0xFFFFFF60] =	vst v15;
	v15 =	vmul.f32 v20, v14;
	v14 =	vld [tilespmem:s18+$0xFFFFFFF0]  }
0xfe: {  	v18 =	vld [tilespmem:s17+$0xFFFFFF70]  }
0xff: {  	v16 =	vmul.f32 v22, v16;
	v12 =	vld [tilespmem:s14+$0xFFFFFFF0];
	[tilespmem:s12+$0xFFFFFFC0] =	vst v15  }
0x100: {  	v15 =	vld [tilespmem:s13+$0xFFFFFFD0];
	v19 =	vmul.f32 v62, v19  }
0x101: {  	s25 =	simm.s32 $0xA20;
	s8 =	simm.s32 $0x4;
	[tilespmem:s11+$0xF0] =	vst v16;
	v17 =	vld [tilespmem:s14+$0x80];
	s18 =	simm.s32 $0x3A20;
	v16 =	vmul.f32 v63, v61  }
.LBB2_5:
0x102: {  	v20 =	vld [tilespmem:s25+$0x0];
	[tilespmem:s14+$0x70] =	vst v19;
	s17 =	sadd.s32 $0x200, s17;
	v14 =	vmul.f32 v14, v1;
	v1 =	vmov v4  }
0x103: {  	v19 =	vld [tilespmem:s17+$0x0];
	v11 =	vmul.f32 v18, v11;
	[tilespmem:s12+$0xF0] =	vst v16  }
0x104: {  	s8 =	sadd.s32 $0x2, s8;
	v16 =	vld [tilespmem:s18+$0x80];
	[tilespmem:s11+$0xFFFFFFF0] =	vst v14;
	v4 =	vmov v12;
	s11 =	smov.u32 s12;
	s12 =	smov.u32 s14  }
0x105: {  	p0 =	slt.u32 s8, $0x16;
	s14 =	smov.u32 s25;
	v12 =	vld [tilespmem:s17+$0xFFFFFF00];
	[tilespmem:s12+$0xFFFFFF70] =	vst v11;
	v11 =	vmul.f32 v15, v2;
	v2 =	vmov v13  }
0x106: {  	v13 =	vld [tilespmem:s25+$0xFFFFFF00]  }
0x107: {  	v14 =	vld [tilespmem:s25+$0xFFFFFF10];
	[tilespmem:s11+$0xFFFFFFD0] =	vst v11  }
0x108: {  	v15 =	vld [tilespmem:s25+$0xFFFFFF20];
	v11 =	vmul.f32 v19, v20  }
0x109: {  	v16 =	vmul.f32 v16, v17;
	v17 =	vld [tilespmem:s12+$0x90]  }
0x10a: {  	[tilespmem:s25+$0x0] =	vst v11;
	v11 =	vld [tilespmem:s25+$0x10]  }
0x10b: {  	v12 =	vmul.f32 v12, v13;
	v13 =	vld [tilespmem:s17+$0x10];
	[tilespmem:s12+$0x80] =	vst v16  }
0x10c: {  	v16 =	vld [tilespmem:s18+$0x90]  }
0x10d: {  	[tilespmem:s25+$0xFFFFFF00] =	vst v12;
	v12 =	vld [tilespmem:s25+$0xFFFFFF30]  }
0x10e: {  	v18 =	vld [tilespmem:s17+$0xFFFFFF10]  }
0x10f: {  	v19 =	vld [tilespmem:s25+$0xFFFFFF40]  }
0x110: {  	v20 =	vld [tilespmem:s25+$0xFFFFFF50];
	v11 =	vmul.f32 v13, v11  }
0x111: {  	v13 =	vmul.f32 v16, v17;
	v16 =	vld [tilespmem:s12+$0xA0]  }
0x112: {  	[tilespmem:s25+$0x10] =	vst v11;
	v17 =	vld [tilespmem:s25+$0x20]  }
0x113: {  	v11 =	vmul.f32 v18, v14;
	v14 =	vld [tilespmem:s17+$0x20];
	[tilespmem:s12+$0x90] =	vst v13  }
0x114: {  	v13 =	vld [tilespmem:s18+$0xA0]  }
0x115: {  	[tilespmem:s25+$0xFFFFFF10] =	vst v11;
	v18 =	vld [tilespmem:s25+$0xFFFFFF60]  }
0x116: {  	v21 =	vld [tilespmem:s17+$0xFFFFFF20]  }
0x117: {  	v11 =	vld [tilespmem:s25+$0xFFFFFF70]  }
0x118: {  	v14 =	vmul.f32 v14, v17;
	v17 =	vld [tilespmem:s18+$0xFFFFFF80]  }
0x119: {  	v13 =	vmul.f32 v13, v16;
	v16 =	vld [tilespmem:s12+$0xB0]  }
0x11a: {  	[tilespmem:s25+$0x20] =	vst v14;
	v14 =	vld [tilespmem:s25+$0x30]  }
0x11b: {  	v15 =	vmul.f32 v21, v15;
	v21 =	vld [tilespmem:s17+$0x30];
	[tilespmem:s12+$0xA0] =	vst v13  }
0x11c: {  	v13 =	vld [tilespmem:s18+$0xB0]  }
0x11d: {  	[tilespmem:s25+$0xFFFFFF20] =	vst v15;
	v15 =	vmul.f32 v17, v9;
	v9 =	vld [tilespmem:s25+$0xFFFFFF80]  }
0x11e: {  	v17 =	vld [tilespmem:s17+$0xFFFFFF30]  }
0x11f: {  	v22 =	vld [tilespmem:s25+$0xFFFFFF90];
	[tilespmem:s12+$0xFFFFFF80] =	vst v15  }
0x120: {  	v14 =	vmul.f32 v21, v14;
	v15 =	vld [tilespmem:s18+$0xFFFFFF90]  }
0x121: {  	v13 =	vmul.f32 v13, v16;
	v16 =	vld [tilespmem:s12+$0xC0]  }
0x122: {  	[tilespmem:s25+$0x30] =	vst v14;
	v14 =	vld [tilespmem:s25+$0x40]  }
0x123: {  	v12 =	vmul.f32 v17, v12;
	v17 =	vld [tilespmem:s17+$0x40];
	[tilespmem:s12+$0xB0] =	vst v13  }
0x124: {  	v13 =	vld [tilespmem:s18+$0xC0]  }
0x125: {  	[tilespmem:s25+$0xFFFFFF30] =	vst v12;
	v12 =	vld [tilespmem:s25+$0xFFFFFFA0];
	v15 =	vmul.f32 v15, v6;
	v6 =	vmov v22  }
0x126: {  	v21 =	vld [tilespmem:s17+$0xFFFFFF40]  }
0x127: {  	v22 =	vld [tilespmem:s25+$0xFFFFFFB0];
	[tilespmem:s12+$0xFFFFFF90] =	vst v15  }
0x128: {  	v14 =	vmul.f32 v17, v14;
	v15 =	vld [tilespmem:s18+$0xFFFFFFA0]  }
0x129: {  	v13 =	vmul.f32 v13, v16;
	v16 =	vld [tilespmem:s12+$0xD0]  }
0x12a: {  	[tilespmem:s25+$0x40] =	vst v14;
	v14 =	vld [tilespmem:s25+$0x50]  }
0x12b: {  	v17 =	vmul.f32 v21, v19;
	v19 =	vld [tilespmem:s17+$0x50];
	[tilespmem:s12+$0xC0] =	vst v13  }
0x12c: {  	v21 =	vld [tilespmem:s18+$0xD0]  }
0x12d: {  	[tilespmem:s25+$0xFFFFFF40] =	vst v17;
	v17 =	vld [tilespmem:s25+$0xFFFFFFC0];
	v15 =	vmul.f32 v15, v5;
	v5 =	vmov v12  }
0x12e: {  	v12 =	vld [tilespmem:s17+$0xFFFFFF50]  }
0x12f: {  	v13 =	vld [tilespmem:s25+$0xFFFFFFD0];
	[tilespmem:s12+$0xFFFFFFA0] =	vst v15  }
0x130: {  	v14 =	vmul.f32 v19, v14;
	v15 =	vld [tilespmem:s18+$0xFFFFFFB0]  }
0x131: {  	v16 =	vmul.f32 v21, v16;
	v19 =	vld [tilespmem:s12+$0xE0]  }
0x132: {  	[tilespmem:s25+$0x50] =	vst v14;
	v14 =	vld [tilespmem:s25+$0x60]  }
0x133: {  	v12 =	vmul.f32 v12, v20;
	v20 =	vld [tilespmem:s17+$0x60];
	[tilespmem:s12+$0xD0] =	vst v16  }
0x134: {  	v16 =	vld [tilespmem:s18+$0xE0]  }
0x135: {  	[tilespmem:s25+$0xFFFFFF50] =	vst v12;
	v12 =	vmul.f32 v15, v8;
	v15 =	vld [tilespmem:s13+$0xFFFFFFE0];
	v8 =	vmov v22  }
0x136: {  	v21 =	vld [tilespmem:s17+$0xFFFFFF60]  }
0x137: {  	v22 =	vld [tilespmem:s25+$0xFFFFFFE0];
	[tilespmem:s12+$0xFFFFFFB0] =	vst v12  }
0x138: {  	v12 =	vmul.f32 v20, v14;
	v14 =	vld [tilespmem:s18+$0xFFFFFFC0]  }
0x139: {  	v16 =	vmul.f32 v16, v19;
	v20 =	vld [tilespmem:s12+$0xF0]  }
0x13a: {  	[tilespmem:s25+$0x60] =	vst v12;
	v19 =	vld [tilespmem:s25+$0x70];
	v12 =	vmul.f32 v15, v3;
	v3 =	vmov v10  }
0x13b: {  	v15 =	vmul.f32 v21, v18;
	v21 =	vld [tilespmem:s17+$0x70];
	[tilespmem:s12+$0xE0] =	vst v16  }
0x13c: {  	v16 =	vld [tilespmem:s18+$0xF0];
	[tilespmem:s11+$0xFFFFFFE0] =	vst v12;
	v10 =	vmov v22  }
.Ltmp3:
0x13d: {  	[tilespmem:s25+$0xFFFFFF60] =	vst v15;
	v15 =	vmul.f32 v14, v7;
	v14 =	vld [tilespmem:s13+$0xFFFFFFF0];
	v7 =	vmov v17;
	s13 =	smov.u32 s18;
	s18 =	smov.u32 s17;
	(pc) =	sbr.rel @p0 .LBB2_5-.Ltmp3, $4  }
0x13e: {  	v18 =	vld [tilespmem:s17+$0xFFFFFF70]  }
0x13f: {  	v12 =	vld [tilespmem:s25+$0xFFFFFFF0];
	[tilespmem:s12+$0xFFFFFFC0] =	vst v15  }
0x140: {  	v19 =	vmul.f32 v21, v19;
	v15 =	vld [tilespmem:s13+$0xFFFFFFD0]  }
0x141: {  	s25 =	sadd.s32 $0x200, s25;
	v17 =	vld [tilespmem:s14+$0x80];
	v16 =	vmul.f32 v16, v20  }
0x142: {  	_ = 	snop  }
0x143: {  	[tilespmem:s14+$0x70] =	vst v19;
	v11 =	vmul.f32 v18, v11  }
0x144: {  	v18 =	vld [tilespmem:s18+$0x80]  }
0x145: {  	[tilespmem:s14+$0xFFFFFF70] =	vst v11  }
0x146: {  	v11 =	vld [tilespmem:s18+$0xFFFFFF80];
	_ =	sdelay $0x2  }
0x147: {  	v17 =	vmul.f32 v18, v17;
	_ =	sdelay $0x1  }
0x148: {  	v18 =	vld [tilespmem:s14+$0x90];
	[tilespmem:s14+$0x80] =	vst v17;
	v9 =	vmul.f32 v11, v9  }
0x149: {  	v11 =	vld [tilespmem:s18+$0x90]  }
0x14a: {  	[tilespmem:s14+$0xFFFFFF80] =	vst v9  }
0x14b: {  	v9 =	vld [tilespmem:s18+$0xFFFFFF90];
	_ =	sdelay $0x2  }
0x14c: {  	v11 =	vmul.f32 v11, v18;
	_ =	sdelay $0x1  }
0x14d: {  	v17 =	vld [tilespmem:s14+$0xA0];
	[tilespmem:s14+$0x90] =	vst v11;
	v6 =	vmul.f32 v9, v6  }
0x14e: {  	v9 =	vld [tilespmem:s18+$0xA0]  }
0x14f: {  	[tilespmem:s14+$0xFFFFFF90] =	vst v6  }
0x150: {  	v6 =	vld [tilespmem:s18+$0xFFFFFFA0];
	_ =	sdelay $0x2  }
0x151: {  	v9 =	vmul.f32 v9, v17;
	_ =	sdelay $0x1  }
0x152: {  	v11 =	vld [tilespmem:s14+$0xB0];
	[tilespmem:s14+$0xA0] =	vst v9;
	v5 =	vmul.f32 v6, v5  }
0x153: {  	v6 =	vld [tilespmem:s18+$0xB0]  }
0x154: {  	[tilespmem:s14+$0xFFFFFFA0] =	vst v5  }
0x155: {  	v5 =	vld [tilespmem:s18+$0xFFFFFFB0];
	_ =	sdelay $0x2  }
0x156: {  	v6 =	vmul.f32 v6, v11;
	_ =	sdelay $0x1  }
0x157: {  	v9 =	vld [tilespmem:s14+$0xC0];
	[tilespmem:s14+$0xB0] =	vst v6;
	v5 =	vmul.f32 v5, v8  }
0x158: {  	v6 =	vld [tilespmem:s18+$0xC0]  }
0x159: {  	[tilespmem:s14+$0xFFFFFFB0] =	vst v5  }
0x15a: {  	v5 =	vld [tilespmem:s18+$0xFFFFFFC0];
	_ =	sdelay $0x2  }
0x15b: {  	v6 =	vmul.f32 v6, v9;
	_ =	sdelay $0x1  }
0x15c: {  	v8 =	vld [tilespmem:s14+$0xD0];
	[tilespmem:s14+$0xC0] =	vst v6;
	v5 =	vmul.f32 v5, v7  }
0x15d: {  	v6 =	vld [tilespmem:s18+$0xD0]  }
0x15e: {  	[tilespmem:s14+$0xFFFFFFC0] =	vst v5  }
0x15f: {  	v5 =	vld [tilespmem:s18+$0xFFFFFFD0];
	_ =	sdelay $0x1  }
0x160: {  	v2 =	vmul.f32 v15, v2  }
0x161: {  	v6 =	vmul.f32 v6, v8  }
0x162: {  	[tilespmem:s12+$0xFFFFFFD0] =	vst v2;
	v7 =	vld [tilespmem:s14+$0xE0]  }
0x163: {  	[tilespmem:s14+$0xD0] =	vst v6;
	v6 =	vld [tilespmem:s13+$0xFFFFFFE0];
	v5 =	vmul.f32 v5, v13  }
0x164: {  	v2 =	vld [tilespmem:s18+$0xE0]  }
0x165: {  	[tilespmem:s14+$0xFFFFFFD0] =	vst v5  }
0x166: {  	v5 =	vld [tilespmem:s18+$0xFFFFFFE0];
	_ =	sdelay $0x1  }
0x167: {  	v3 =	vmul.f32 v6, v3  }
0x168: {  	v2 =	vmul.f32 v2, v7  }
0x169: {  	[tilespmem:s12+$0xFFFFFFE0] =	vst v3  }
0x16a: {  	v7 =	vld [tilespmem:s14+$0xF0];
	[tilespmem:s14+$0xE0] =	vst v2;
	v2 =	vmul.f32 v5, v10  }
0x16b: {  	v3 =	vld [tilespmem:s13+$0xFFFFFFF0]  }
0x16c: {  	v5 =	vld [tilespmem:s18+$0xF0];
	[tilespmem:s14+$0xFFFFFFE0] =	vst v2  }
0x16d: {  	v2 =	vld [tilespmem:s18+$0xFFFFFFF0]  }
0x16e: {  	v1 =	vmul.f32 v14, v1;
	_ =	sdelay $0x1  }
0x16f: {  	[tilespmem:s11+$0xFFFFFFF0] =	vst v1;
	v1 =	vmul.f32 v3, v4  }
0x170: {  	[tilespmem:s12+$0xF0] =	vst v16;
	v5 =	vmul.f32 v5, v7  }
0x171: {  	[tilespmem:s12+$0xFFFFFFF0] =	vst v1;
	v2 =	vmul.f32 v2, v12  }
0x172: {  	[tilespmem:s14+$0xF0] =	vst v5  }
0x173: {  	[tilespmem:s14+$0xFFFFFFF0] =	vst v2  }
0x174: {  	v1 =	vld [tilespmem:$0x1B20]  }
0x175: {  	v2 =	vld [tilespmem:$0x4D20]  }
0x176: {  	v3 =	vld [tilespmem:$0x1B30]  }
0x177: {  	v4 =	vld [tilespmem:$0x4D30]  }
0x178: {  	v5 =	vld [tilespmem:$0x1B40]  }
0x179: {  	v6 =	vld [tilespmem:$0x4D40]  }
0x17a: {  	v7 =	vld [tilespmem:$0x1B50]  }
0x17b: {  	v8 =	vld [tilespmem:$0x4D50]  }
0x17c: {  	v9 =	vld [tilespmem:$0x1B60]  }
0x17d: {  	v10 =	vld [tilespmem:$0x4D60]  }
0x17e: {  	v11 =	vld [tilespmem:$0x1B70]  }
0x17f: {  	v12 =	vld [tilespmem:$0x4D70]  }
0x180: {  	v13 =	vld [tilespmem:$0x1B80]  }
0x181: {  	v14 =	vld [tilespmem:$0x4D80]  }
0x182: {  	v15 =	vld [tilespmem:$0x1B90]  }
0x183: {  	v16 =	vld [tilespmem:$0x4D90]  }
0x184: {  	v17 =	vld [tilespmem:$0x1BA0]  }
0x185: {  	v18 =	vld [tilespmem:$0x4DA0]  }
0x186: {  	v19 =	vld [tilespmem:$0x1BB0]  }
0x187: {  	v20 =	vld [tilespmem:$0x4DB0]  }
0x188: {  	v21 =	vld [tilespmem:$0x1BC0]  }
0x189: {  	v1 =	vmul.f32 v2, v1;
	v2 =	vld [tilespmem:$0x4DC0]  }
0x18a: {  	v3 =	vmul.f32 v4, v3;
	v4 =	vld [tilespmem:$0x1BD0]  }
0x18b: {  	[tilespmem:$0x1B20] =	vst v1;
	v1 =	vmul.f32 v6, v5;
	v5 =	vld [tilespmem:$0x4DD0]  }
0x18c: {  	[tilespmem:$0x1B30] =	vst v3;
	v3 =	vmul.f32 v8, v7;
	v6 =	vld [tilespmem:$0x1BE0]  }
0x18d: {  	v7 =	vld [tilespmem:$0x4DE0];
	[tilespmem:$0x1B40] =	vst v1;
	v1 =	vmul.f32 v10, v9  }
0x18e: {  	v8 =	vld [tilespmem:$0x1BF0];
	[tilespmem:$0x1B50] =	vst v3;
	v3 =	vmul.f32 v12, v11  }
0x18f: {  	v9 =	vld [tilespmem:$0x4DF0];
	[tilespmem:$0x1B60] =	vst v1;
	v1 =	vmul.f32 v14, v13  }
0x190: {  	v10 =	vld [tilespmem:$0x1C00];
	[tilespmem:$0x1B70] =	vst v3;
	v3 =	vmul.f32 v16, v15  }
0x191: {  	v11 =	vld [tilespmem:$0x4E00];
	[tilespmem:$0x1B80] =	vst v1;
	v1 =	vmul.f32 v18, v17  }
0x192: {  	v12 =	vld [tilespmem:$0x1C10];
	[tilespmem:$0x1B90] =	vst v3;
	v3 =	vmul.f32 v20, v19  }
0x193: {  	[tilespmem:$0x1BA0] =	vst v1;
	v1 =	vmul.f32 v2, v21;
	v2 =	vld [tilespmem:$0x4E10]  }
0x194: {  	[tilespmem:$0x1BB0] =	vst v3;
	v3 =	vmul.f32 v5, v4  }
0x195: {  	[tilespmem:$0x1BC0] =	vst v1;
	v1 =	vmul.f32 v7, v6  }
0x196: {  	[tilespmem:$0x1BD0] =	vst v3;
	v3 =	vmul.f32 v9, v8  }
0x197: {  	[tilespmem:$0x1BE0] =	vst v1;
	v1 =	vmul.f32 v11, v10  }
0x198: {  	[tilespmem:$0x1BF0] =	vst v3;
	v2 =	vmul.f32 v2, v12  }
0x199: {  	[tilespmem:$0x1C00] =	vst v1  }
0x19a: {  	[tilespmem:$0x1C10] =	vst v2  }
0x19b: {  	[spmem:s2] =	stream.indirect.scatter.add.f32 [tilespmem:s22], [sflag:$0x7], $0x20, s21, s21, $0xb8;
	[tilespmem:$0x10720] =	vst v63  }
0x19c: {  	_ =	swait.ge [sflag:s20], $0x1900  }
0x19d: {  	p0 =	seq.s32 s1, $0x18;
	[sflag:s20] =	ssyncset.done $0x0  }
0x19e: {  	s8 =	simm.s32 @p0 $0x2;
	[sflag:s20] =	ssyncadd.s32 $0xFFFFE700  }
0x19f: {  	_ =	swait.ge @p0 [sflag:s8], $0x1900  }
0x1a0: {  	[sflag:s8] =	ssyncset.done @p0 $0x0  }
0x1a1: {  	[sflag:s8] =	ssyncadd.s32 @p0 $0xFFFFE700;
	s8 =	simm.s32 @p0 $0x4  }
0x1a2: {  	s11 =	sadd.s32 @!p0 s9, s15;
	_ =	swait.ge @p0 [sflag:s8], $0x1900  }
0x1a3: {  	s12 =	sshrl.u32 @!p0 s11, $0x3;
	[sflag:s8] =	ssyncset.done @p0 $0x0  }
0x1a4: {  	s13 =	simm.s32 @!p0 $0x0;
	[sflag:s8] =	ssyncadd.s32 @p0 $0xFFFFE700;
	s8 =	sadd.s32 @!p0 s6, s12  }
0x1a5: {  	[tilespmem:s13], [sflag:$0x5] =	stream.linear.gather @!p0 [hbm4b:s8+s13], $0xC8, $0x38;
	[tilespmem:$0x10720] =	vst v63  }
0x1a6: {  	s8 =	sadd.s32 @!p0 s7, s12;
	s12 =	simm.s32 @!p0 $0xC8  }
0x1a7: {  	[tilespmem:s12], [sflag:$0x5] =	stream.linear.gather @!p0 [hbm4b:s8+s13], $0xC8, $0x38;
	[tilespmem:$0x10720] =	vst v63  }
0x1a8: {  	s8 =	simm.s32 @!p0 $0x2  }
0x1a9: {  	_ =	swait.ge @!p0 [sflag:s8], $0x1900  }
0x1aa: {  	[sflag:s8] =	ssyncset.done @!p0 $0x0  }
0x1ab: {  	[sflag:s8] =	ssyncadd.s32 @!p0 $0xFFFFE700;
	s8 =	simm.s32 @!p0 $0x4  }
0x1ac: {  	_ =	swait.ge @!p0 [sflag:s8], $0x1900  }
0x1ad: {  	[sflag:s8] =	ssyncset.done @!p0 $0x0  }
0x1ae: {  	[sflag:s8] =	ssyncadd.s32 @!p0 $0xFFFFE700;
	s8 =	simm.s32 @!p0 $0x5  }
0x1af: {  	_ =	swait.ge @!p0 [sflag:s8], $0xC8  }
0x1b0: {  	[sflag:s8] =	ssyncset.done @!p0 $0x0  }
0x1b1: {  	[sflag:s8] =	ssyncadd.s32 @!p0 $0xFFFFFF38  }
0x1b2: {  	_ =	swait.ge @!p0 [sflag:s8], $0xC8  }
0x1b3: {  	[sflag:s8] =	ssyncset.done @!p0 $0x0  }
0x1b4: {  	[sflag:s8] =	ssyncadd.s32 @!p0 $0xFFFFFF38;
	s8 =	simm.s32 @!p0 $0x320  }
0x1b5: {  	[tilespmem:s8], [sflag:$0x1] =	stream.indirect.gather @!p0 [hbm4b:s4+s12], $0x20, s13, s12, $0xb8;
	[tilespmem:$0x10720] =	vst v63  }
0x1b6: {  	s8 =	sshll.u32 @!p0 s11, $0x4  }
0x1b7: {  	s11 =	simm.s32 @!p0 $0x20;
	s8 =	sand.u32 @!p0 $0x1FFFFF00, s8  }
0x1b8: {  	s12 =	simm.s32 @!p0 $0x80;
	s13 =	simm.s32 @!p0 $0x3520;
	s8 =	sadd.s32 @!p0 s5, s8  }
0x1b9: {  	[tilespmem:s13], [sflag:$0x3] =	stream.strided.gather @!p0 [hbm4b:s8+s11], $0x1900, s12, s11, $0x38;
	[tilespmem:$0x10720] =	vst v63  }
0x1ba: {  	s11 =	simm.s32 $0x1D20  }
0x1bb: {  	s25 =	simm.s32 $0x4F20;
	v1 =	vld [tilespmem:s11+$0x0]  }
0x1bc: {  	v2 =	vld [tilespmem:s25+$0x0];
	_ =	sdelay $0x4  }
0x1bd: {  	v1 =	vmul.f32 v2, v1;
	_ =	sdelay $0x1  }
0x1be: {  	[tilespmem:s11+$0x0] =	vst v1;
	v1 =	vld [tilespmem:s11+$0x10]  }
0x1bf: {  	v2 =	vld [tilespmem:s25+$0x10];
	_ =	sdelay $0x4  }
0x1c0: {  	v1 =	vmul.f32 v2, v1;
	_ =	sdelay $0x1  }
0x1c1: {  	[tilespmem:s11+$0x10] =	vst v1;
	v1 =	vld [tilespmem:s11+$0x20]  }
0x1c2: {  	v2 =	vld [tilespmem:s25+$0x20];
	_ =	sdelay $0x3  }
0x1c3: {  	v3 =	vld [tilespmem:s11+$0xFFFFFF00]  }
0x1c4: {  	v1 =	vmul.f32 v2, v1;
	v2 =	vld [tilespmem:s25+$0xFFFFFF00];
	_ =	sdelay $0x2  }
0x1c5: {  	[tilespmem:s11+$0x20] =	vst v1;
	v1 =	vld [tilespmem:s11+$0x30]  }
0x1c6: {  	v4 =	vld [tilespmem:s25+$0x30]  }
0x1c7: {  	v2 =	vmul.f32 v2, v3;
	_ =	sdelay $0x1  }
0x1c8: {  	v5 =	vld [tilespmem:s11+$0xFFFFFF10];
	[tilespmem:s11+$0xFFFFFF00] =	vst v2  }
0x1c9: {  	v2 =	vld [tilespmem:s25+$0xFFFFFF10]  }
0x1ca: {  	v1 =	vmul.f32 v4, v1  }
0x1cb: {  	v6 =	vld [tilespmem:s11+$0xFFFFFF30]  }
0x1cc: {  	[tilespmem:s11+$0x30] =	vst v1;
	v1 =	vld [tilespmem:s11+$0x40]  }
0x1cd: {  	v4 =	vld [tilespmem:s25+$0x40]  }
0x1ce: {  	v7 =	vld [tilespmem:s11+$0xFFFFFF40];
	v2 =	vmul.f32 v2, v5  }
0x1cf: {  	v8 =	vld [tilespmem:s11+$0xFFFFFF50]  }
0x1d0: {  	v3 =	vld [tilespmem:s11+$0xFFFFFF20];
	[tilespmem:s11+$0xFFFFFF10] =	vst v2  }
0x1d1: {  	v2 =	vld [tilespmem:s25+$0xFFFFFF20]  }
0x1d2: {  	v9 =	vld [tilespmem:s11+$0xFFFFFF60];
	v1 =	vmul.f32 v4, v1  }
0x1d3: {  	v11 =	vld [tilespmem:s11+$0xFFFFFF80]  }
0x1d4: {  	[tilespmem:s11+$0x40] =	vst v1;
	v1 =	vld [tilespmem:s11+$0x50]  }
0x1d5: {  	v4 =	vld [tilespmem:s25+$0x50]  }
0x1d6: {  	v13 =	vld [tilespmem:s11+$0xFFFFFFB0];
	v2 =	vmul.f32 v2, v3  }
0x1d7: {  	s12 =	simm.s32 $0x1F20;
	v14 =	vld [tilespmem:s11+$0x80]  }
0x1d8: {  	v15 =	vld [tilespmem:s12+$0xFFFFFF00];
	[tilespmem:s11+$0xFFFFFF20] =	vst v2  }
0x1d9: {  	v2 =	vld [tilespmem:s25+$0xFFFFFF30]  }
0x1da: {  	v17 =	vld [tilespmem:s12+$0xFFFFFF10];
	v1 =	vmul.f32 v4, v1  }
0x1db: {  	v18 =	vld [tilespmem:s12+$0xFFFFFF40]  }
0x1dc: {  	[tilespmem:s11+$0x50] =	vst v1;
	v1 =	vld [tilespmem:s11+$0x60]  }
0x1dd: {  	v4 =	vld [tilespmem:s25+$0x60]  }
0x1de: {  	v20 =	vld [tilespmem:s12+$0xFFFFFF70];
	v2 =	vmul.f32 v2, v6  }
0x1df: {  	s14 =	simm.s32 $0x2120;
	v49 =	vld [tilespmem:s12+$0xFFFFFF80]  }
0x1e0: {  	v24 =	vld [tilespmem:s14+$0xFFFFFF10];
	[tilespmem:s11+$0xFFFFFF30] =	vst v2  }
0x1e1: {  	v2 =	vld [tilespmem:s25+$0xFFFFFF40]  }
0x1e2: {  	v25 =	vld [tilespmem:s14+$0xFFFFFF30];
	v1 =	vmul.f32 v4, v1  }
0x1e3: {  	v50 =	vld [tilespmem:s12+$0xA0]  }
0x1e4: {  	[tilespmem:s11+$0x60] =	vst v1;
	v1 =	vld [tilespmem:s11+$0x70]  }
0x1e5: {  	v10 =	vld [tilespmem:s25+$0x70]  }
0x1e6: {  	v51 =	vld [tilespmem:s14+$0xFFFFFF60];
	v2 =	vmul.f32 v2, v7  }
0x1e7: {  	s13 =	simm.s32 $0x5120;
	v7 =	vld [tilespmem:s12+$0x0]  }
0x1e8: {  	[tilespmem:s11+$0xFFFFFF40] =	vst v2;
	v2 =	vld [tilespmem:s13+$0x0]  }
0x1e9: {  	v12 =	vld [tilespmem:s25+$0xFFFFFF50]  }
0x1ea: {  	v52 =	vld [tilespmem:s12+$0xB0];
	v1 =	vmul.f32 v10, v1  }
0x1eb: {  	v55 =	vld [tilespmem:s12+$0xC0]  }
0x1ec: {  	v57 =	vld [tilespmem:s14+$0x50];
	[tilespmem:s11+$0x70] =	vst v1  }
0x1ed: {  	v1 =	vld [tilespmem:s25+$0x80];
	v2 =	vmul.f32 v2, v7  }
0x1ee: {  	v7 =	vld [tilespmem:s13+$0xFFFFFF00];
	v8 =	vmul.f32 v12, v8  }
0x1ef: {  	[tilespmem:s12+$0x0] =	vst v2;
	v2 =	vld [tilespmem:s12+$0x10]  }
0x1f0: {  	[tilespmem:s11+$0xFFFFFF50] =	vst v8;
	v8 =	vld [tilespmem:s13+$0x10]  }
0x1f1: {  	v16 =	vld [tilespmem:s25+$0xFFFFFF60]  }
0x1f2: {  	v61 =	vld [tilespmem:s12+$0xF0];
	v1 =	vmul.f32 v1, v14  }
0x1f3: {  	v5 =	vld [tilespmem:s11+$0xFFFFFFC0];
	v7 =	vmul.f32 v7, v15  }
0x1f4: {  	v14 =	vld [tilespmem:s11+$0x90];
	[tilespmem:s11+$0x80] =	vst v1  }
0x1f5: {  	[tilespmem:s12+$0xFFFFFF00] =	vst v7;
	v1 =	vmul.f32 v8, v2;
	v2 =	vld [tilespmem:s25+$0x90]  }
0x1f6: {  	v8 =	vld [tilespmem:s13+$0xFFFFFF10];
	v7 =	vmul.f32 v16, v9  }
0x1f7: {  	[tilespmem:s12+$0x10] =	vst v1;
	v1 =	vld [tilespmem:s12+$0x20]  }
0x1f8: {  	[tilespmem:s11+$0xFFFFFF60] =	vst v7;
	v7 =	vld [tilespmem:s13+$0x20]  }
0x1f9: {  	v3 =	vld [tilespmem:s11+$0xFFFFFF70]  }
0x1fa: {  	v15 =	vld [tilespmem:s12+$0xFFFFFF20];
	v2 =	vmul.f32 v2, v14  }
0x1fb: {  	v9 =	vld [tilespmem:s25+$0xFFFFFF70];
	v8 =	vmul.f32 v8, v17  }
0x1fc: {  	v14 =	vld [tilespmem:s11+$0xA0];
	[tilespmem:s11+$0x90] =	vst v2  }
0x1fd: {  	[tilespmem:s12+$0xFFFFFF10] =	vst v8;
	v1 =	vmul.f32 v7, v1;
	v2 =	vld [tilespmem:s25+$0xA0]  }
0x1fe: {  	v7 =	vld [tilespmem:s13+$0xFFFFFF20]  }
0x1ff: {  	v8 =	vld [tilespmem:s12+$0x30];
	[tilespmem:s12+$0x20] =	vst v1  }
0x200: {  	v19 =	vld [tilespmem:s13+$0x30]  }
0x201: {  	v6 =	vld [tilespmem:s11+$0xFFFFFF90];
	v3 =	vmul.f32 v9, v3  }
0x202: {  	v16 =	vld [tilespmem:s12+$0xFFFFFF30];
	v2 =	vmul.f32 v2, v14  }
0x203: {  	[tilespmem:s11+$0xFFFFFF70] =	vst v3;
	v3 =	vld [tilespmem:s11+$0xB0];
	v7 =	vmul.f32 v7, v15  }
0x204: {  	v14 =	vld [tilespmem:s25+$0xFFFFFF80];
	[tilespmem:s11+$0xA0] =	vst v2  }
0x205: {  	[tilespmem:s12+$0xFFFFFF20] =	vst v7;
	v2 =	vmul.f32 v19, v8;
	v15 =	vld [tilespmem:s25+$0xB0]  }
0x206: {  	v7 =	vld [tilespmem:s13+$0xFFFFFF30]  }
0x207: {  	[tilespmem:s12+$0x30] =	vst v2;
	v2 =	vld [tilespmem:s12+$0x40]  }
0x208: {  	v19 =	vld [tilespmem:s13+$0x40]  }
0x209: {  	v4 =	vld [tilespmem:s11+$0xFFFFFFA0];
	v11 =	vmul.f32 v14, v11  }
0x20a: {  	v10 =	vld [tilespmem:s11+$0xFFFFFFD0];
	v3 =	vmul.f32 v15, v3  }
0x20b: {  	[tilespmem:s11+$0xFFFFFF80] =	vst v11;
	v11 =	vld [tilespmem:s11+$0xC0];
	v7 =	vmul.f32 v7, v16  }
0x20c: {  	v14 =	vld [tilespmem:s25+$0xFFFFFF90];
	[tilespmem:s11+$0xB0] =	vst v3  }
0x20d: {  	[tilespmem:s12+$0xFFFFFF30] =	vst v7;
	v2 =	vmul.f32 v19, v2;
	v3 =	vld [tilespmem:s25+$0xC0]  }
0x20e: {  	v16 =	vld [tilespmem:s13+$0xFFFFFF40]  }
0x20f: {  	[tilespmem:s12+$0x40] =	vst v2;
	v2 =	vld [tilespmem:s12+$0x50]  }
0x210: {  	v19 =	vld [tilespmem:s13+$0x50]  }
0x211: {  	v12 =	vld [tilespmem:s11+$0xFFFFFFE0];
	v6 =	vmul.f32 v14, v6  }
0x212: {  	v17 =	vld [tilespmem:s12+$0xFFFFFF50]  }
0x213: {  	[tilespmem:s11+$0xFFFFFF90] =	vst v6;
	v6 =	vld [tilespmem:s11+$0xD0];
	v3 =	vmul.f32 v3, v11  }
0x214: {  	v11 =	vmul.f32 v16, v18;
	v16 =	vld [tilespmem:s25+$0xFFFFFFA0]  }
0x215: {  	v18 =	vld [tilespmem:s12+$0x60];
	[tilespmem:s11+$0xC0] =	vst v3;
	v2 =	vmul.f32 v19, v2  }
0x216: {  	[tilespmem:s12+$0xFFFFFF40] =	vst v11;
	v3 =	vld [tilespmem:s25+$0xD0]  }
0x217: {  	v11 =	vld [tilespmem:s13+$0xFFFFFF50];
	[tilespmem:s12+$0x50] =	vst v2  }
0x218: {  	v19 =	vld [tilespmem:s13+$0x60]  }
0x219: {  	v9 =	vld [tilespmem:s12+$0xFFFFFF60];
	v4 =	vmul.f32 v16, v4  }
0x21a: {  	v1 =	vld [tilespmem:s11+$0xFFFFFFF0]  }
0x21b: {  	v8 =	vld [tilespmem:s12+$0xFFFFFF90];
	[tilespmem:s11+$0xFFFFFFA0] =	vst v4;
	v3 =	vmul.f32 v3, v6  }
0x21c: {  	v6 =	vmul.f32 v11, v17;
	v11 =	vld [tilespmem:s25+$0xFFFFFFB0]  }
0x21d: {  	v4 =	vld [tilespmem:s11+$0xE0];
	[tilespmem:s11+$0xD0] =	vst v3;
	v3 =	vmul.f32 v19, v18  }
0x21e: {  	v17 =	vld [tilespmem:s12+$0x70]  }
0x21f: {  	v16 =	vld [tilespmem:s25+$0xE0];
	[tilespmem:s12+$0x60] =	vst v3  }
0x220: {  	[tilespmem:s12+$0xFFFFFF50] =	vst v6;
	v18 =	vld [tilespmem:s13+$0x70]  }
0x221: {  	v6 =	vld [tilespmem:s13+$0xFFFFFF60];
	v11 =	vmul.f32 v11, v13  }
0x222: {  	s17 =	simm.s32 $0x5320;
	v13 =	vld [tilespmem:s14+$0x0]  }
0x223: {  	[tilespmem:s11+$0xFFFFFFB0] =	vst v11;
	v11 =	vld [tilespmem:s17+$0x0]  }
0x224: {  	v15 =	vld [tilespmem:s12+$0xFFFFFFB0]  }
0x225: {  	v7 =	vld [tilespmem:s12+$0xFFFFFFA0];
	v17 =	vmul.f32 v18, v17  }
0x226: {  	v4 =	vmul.f32 v16, v4;
	v6 =	vmul.f32 v6, v9;
	v9 =	vld [tilespmem:s14+$0xFFFFFF00]  }
0x227: {  	v18 =	vld [tilespmem:s12+$0x80];
	[tilespmem:s12+$0x70] =	vst v17  }
0x228: {  	[tilespmem:s11+$0xE0] =	vst v4;
	v4 =	vmul.f32 v11, v13;
	v17 =	vld [tilespmem:s13+$0x80]  }
0x229: {  	v11 =	vld [tilespmem:s17+$0xFFFFFF00]  }
0x22a: {  	v13 =	vld [tilespmem:s14+$0x10];
	[tilespmem:s14+$0x0] =	vst v4  }
0x22b: {  	[tilespmem:s12+$0xFFFFFF60] =	vst v6;
	v6 =	vld [tilespmem:s17+$0x10]  }
0x22c: {  	v14 =	vld [tilespmem:s12+$0xFFFFFFC0]  }
0x22d: {  	v2 =	vld [tilespmem:s12+$0xFFFFFFD0];
	v17 =	vmul.f32 v17, v18  }
0x22e: {  	v3 =	vld [tilespmem:s12+$0xFFFFFFE0];
	v9 =	vmul.f32 v11, v9  }
0x22f: {  	v18 =	vld [tilespmem:s12+$0x90];
	[tilespmem:s12+$0x80] =	vst v17  }
0x230: {  	[tilespmem:s14+$0xFFFFFF00] =	vst v9;
	v6 =	vmul.f32 v6, v13;
	v13 =	vld [tilespmem:s13+$0x90]  }
0x231: {  	v9 =	vld [tilespmem:s17+$0xFFFFFF10]  }
0x232: {  	v23 =	vld [tilespmem:s13+$0xFFFFFF70]  }
0x233: {  	[tilespmem:s14+$0x10] =	vst v6;
	v6 =	vld [tilespmem:s14+$0x20]  }
0x234: {  	v17 =	vld [tilespmem:s17+$0x20]  }
0x235: {  	v19 =	vld [tilespmem:s25+$0xFFFFFFC0];
	v13 =	vmul.f32 v13, v18  }
0x236: {  	v16 =	vld [tilespmem:s11+$0xF0];
	v9 =	vmul.f32 v9, v24  }
0x237: {  	v20 =	vmul.f32 v23, v20;
	v11 =	vld [tilespmem:s14+$0xFFFFFF20];
	[tilespmem:s12+$0x90] =	vst v13  }
0x238: {  	[tilespmem:s14+$0xFFFFFF10] =	vst v9;
	v9 =	vld [tilespmem:s13+$0xA0]  }
0x239: {  	[tilespmem:s12+$0xFFFFFF70] =	vst v20;
	v6 =	vmul.f32 v17, v6;
	v17 =	vld [tilespmem:s17+$0xFFFFFF20]  }
0x23a: {  	v5 =	vmul.f32 v19, v5;
	v19 =	vld [tilespmem:s13+$0xFFFFFF80]  }
0x23b: {  	[tilespmem:s14+$0x20] =	vst v6;
	v6 =	vld [tilespmem:s14+$0x30]  }
0x23c: {  	[tilespmem:s11+$0xFFFFFFC0] =	vst v5;
	v5 =	vld [tilespmem:s17+$0x30]  }
0x23d: {  	v22 =	vld [tilespmem:s25+$0xF0];
	v9 =	vmul.f32 v9, v50  }
0x23e: {  	v4 =	vld [tilespmem:s12+$0xFFFFFFF0];
	v17 =	vmul.f32 v17, v11  }
0x23f: {  	v20 =	vld [tilespmem:s25+$0xFFFFFFD0];
	[tilespmem:s12+$0xA0] =	vst v9  }
0x240: {  	[tilespmem:s14+$0xFFFFFF20] =	vst v17;
	v9 =	vmul.f32 v19, v49;
	v19 =	vld [tilespmem:s13+$0xB0]  }
0x241: {  	v5 =	vmul.f32 v5, v6;
	v6 =	vld [tilespmem:s17+$0xFFFFFF30]  }
0x242: {  	v18 =	vld [tilespmem:s14+$0xFFFFFF40]  }
0x243: {  	v13 =	vld [tilespmem:s14+$0xFFFFFF50];
	[tilespmem:s12+$0xFFFFFF80] =	vst v9  }
0x244: {  	v17 =	vld [tilespmem:s13+$0xFFFFFF90]  }
0x245: {  	[tilespmem:s14+$0x30] =	vst v5;
	v5 =	vld [tilespmem:s14+$0x40];
	v19 =	vmul.f32 v19, v52  }
0x246: {  	v53 =	vld [tilespmem:s17+$0x40];
	v54 =	vmul.f32 v6, v25  }
0x247: {  	v11 =	vld [tilespmem:s14+$0xFFFFFF70];
	[tilespmem:s12+$0xB0] =	vst v19  }
0x248: {  	[tilespmem:s14+$0xFFFFFF30] =	vst v54;
	v19 =	vld [tilespmem:s13+$0xC0]  }
0x249: {  	v8 =	vmul.f32 v17, v8;
	v17 =	vld [tilespmem:s17+$0xFFFFFF40]  }
0x24a: {  	v9 =	vld [tilespmem:s14+$0xFFFFFF80]  }
0x24b: {  	v6 =	vld [tilespmem:s14+$0xFFFFFF90];
	v21 =	vmul.f32 v53, v5;
	[tilespmem:s12+$0xFFFFFF90] =	vst v8  }
0x24c: {  	v56 =	vld [tilespmem:s13+$0xFFFFFFA0]  }
0x24d: {  	v5 =	vld [tilespmem:s14+$0xFFFFFFA0];
	[tilespmem:s14+$0x40] =	vst v21;
	v8 =	vmul.f32 v19, v55  }
0x24e: {  	v17 =	vmul.f32 v17, v18;
	v19 =	vld [tilespmem:s17+$0x50]  }
0x24f: {  	v18 =	vld [tilespmem:s12+$0xD0];
	[tilespmem:s12+$0xC0] =	vst v8  }
0x250: {  	[tilespmem:s14+$0xFFFFFF40] =	vst v17;
	v17 =	vld [tilespmem:s13+$0xD0]  }
0x251: {  	v8 =	vld [tilespmem:s14+$0xFFFFFFB0];
	v24 =	vmul.f32 v56, v7  }
0x252: {  	v58 =	vld [tilespmem:s17+$0xFFFFFF50]  }
0x253: {  	v7 =	vld [tilespmem:s14+$0xFFFFFFC0];
	[tilespmem:s12+$0xFFFFFFA0] =	vst v24;
	v19 =	vmul.f32 v19, v57  }
0x254: {  	v59 =	vld [tilespmem:s13+$0xFFFFFFB0]  }
0x255: {  	[tilespmem:s14+$0x50] =	vst v19;
	v19 =	vld [tilespmem:s12+$0xE0];
	v17 =	vmul.f32 v17, v18  }
0x256: {  	v10 =	vmul.f32 v20, v10;
	v18 =	vld [tilespmem:s14+$0x60]  }
0x257: {  	v24 =	vmul.f32 v58, v13;
	v20 =	vld [tilespmem:s17+$0x60];
	[tilespmem:s12+$0xD0] =	vst v17  }
0x258: {  	[tilespmem:s11+$0xFFFFFFD0] =	vst v10;
	v17 =	vld [tilespmem:s13+$0xE0]  }
0x259: {  	[tilespmem:s14+$0xFFFFFF50] =	vst v24;
	v10 =	vmul.f32 v59, v15;
	v15 =	vld [tilespmem:s25+$0xFFFFFFE0]  }
0x25a: {  	v60 =	vld [tilespmem:s17+$0xFFFFFF60]  }
0x25b: {  	v13 =	vld [tilespmem:s14+$0xFFFFFFD0];
	[tilespmem:s12+$0xFFFFFFB0] =	vst v10  }
0x25c: {  	v18 =	vmul.f32 v20, v18;
	v20 =	vld [tilespmem:s13+$0xFFFFFFC0]  }
0x25d: {  	v10 =	vld [tilespmem:s14+$0xFFFFFFE0];
	v17 =	vmul.f32 v17, v19  }
0x25e: {  	[tilespmem:s14+$0x60] =	vst v18;
	v12 =	vmul.f32 v15, v12;
	v19 =	vld [tilespmem:s14+$0x70]  }
0x25f: {  	v15 =	vmul.f32 v60, v51;
	v62 =	vld [tilespmem:s17+$0x70];
	[tilespmem:s12+$0xE0] =	vst v17  }
0x260: {  	[tilespmem:s11+$0xFFFFFFE0] =	vst v12;
	v63 =	vld [tilespmem:s13+$0xF0]  }
0x261: {  	[tilespmem:s14+$0xFFFFFF60] =	vst v15;
	v15 =	vmul.f32 v20, v14;
	v14 =	vld [tilespmem:s25+$0xFFFFFFF0]  }
0x262: {  	v18 =	vld [tilespmem:s17+$0xFFFFFF70]  }
0x263: {  	v16 =	vmul.f32 v22, v16;
	v12 =	vld [tilespmem:s14+$0xFFFFFFF0];
	[tilespmem:s12+$0xFFFFFFC0] =	vst v15  }
0x264: {  	v15 =	vld [tilespmem:s13+$0xFFFFFFD0];
	v19 =	vmul.f32 v62, v19  }
0x265: {  	s18 =	simm.s32 $0x5320;
	s8 =	simm.s32 $0x4;
	[tilespmem:s11+$0xF0] =	vst v16;
	v17 =	vld [tilespmem:s14+$0x80];
	s25 =	simm.s32 $0x2320;
	v16 =	vmul.f32 v63, v61  }
.LBB2_7:
0x266: {  	v20 =	vld [tilespmem:s25+$0x0];
	[tilespmem:s14+$0x70] =	vst v19;
	s17 =	sadd.s32 $0x200, s17;
	v14 =	vmul.f32 v14, v1;
	v1 =	vmov v4  }
0x267: {  	v19 =	vld [tilespmem:s17+$0x0];
	v11 =	vmul.f32 v18, v11;
	[tilespmem:s12+$0xF0] =	vst v16  }
0x268: {  	s8 =	sadd.s32 $0x2, s8;
	v16 =	vld [tilespmem:s18+$0x80];
	[tilespmem:s11+$0xFFFFFFF0] =	vst v14;
	v4 =	vmov v12;
	s11 =	smov.u32 s12;
	s12 =	smov.u32 s14  }
0x269: {  	p1 =	slt.u32 s8, $0x16;
	s14 =	smov.u32 s25;
	v12 =	vld [tilespmem:s17+$0xFFFFFF00];
	[tilespmem:s12+$0xFFFFFF70] =	vst v11;
	v11 =	vmul.f32 v15, v2;
	v2 =	vmov v13  }
0x26a: {  	v13 =	vld [tilespmem:s25+$0xFFFFFF00]  }
0x26b: {  	v14 =	vld [tilespmem:s25+$0xFFFFFF10];
	[tilespmem:s11+$0xFFFFFFD0] =	vst v11  }
0x26c: {  	v15 =	vld [tilespmem:s25+$0xFFFFFF20];
	v11 =	vmul.f32 v19, v20  }
0x26d: {  	v16 =	vmul.f32 v16, v17;
	v17 =	vld [tilespmem:s12+$0x90]  }
0x26e: {  	[tilespmem:s25+$0x0] =	vst v11;
	v11 =	vld [tilespmem:s25+$0x10]  }
0x26f: {  	v12 =	vmul.f32 v12, v13;
	v13 =	vld [tilespmem:s17+$0x10];
	[tilespmem:s12+$0x80] =	vst v16  }
0x270: {  	v16 =	vld [tilespmem:s18+$0x90]  }
0x271: {  	[tilespmem:s25+$0xFFFFFF00] =	vst v12;
	v12 =	vld [tilespmem:s25+$0xFFFFFF30]  }
0x272: {  	v18 =	vld [tilespmem:s17+$0xFFFFFF10]  }
0x273: {  	v19 =	vld [tilespmem:s25+$0xFFFFFF40]  }
0x274: {  	v20 =	vld [tilespmem:s25+$0xFFFFFF50];
	v11 =	vmul.f32 v13, v11  }
0x275: {  	v13 =	vmul.f32 v16, v17;
	v16 =	vld [tilespmem:s12+$0xA0]  }
0x276: {  	[tilespmem:s25+$0x10] =	vst v11;
	v17 =	vld [tilespmem:s25+$0x20]  }
0x277: {  	v11 =	vmul.f32 v18, v14;
	v14 =	vld [tilespmem:s17+$0x20];
	[tilespmem:s12+$0x90] =	vst v13  }
0x278: {  	v13 =	vld [tilespmem:s18+$0xA0]  }
0x279: {  	[tilespmem:s25+$0xFFFFFF10] =	vst v11;
	v18 =	vld [tilespmem:s25+$0xFFFFFF60]  }
0x27a: {  	v21 =	vld [tilespmem:s17+$0xFFFFFF20]  }
0x27b: {  	v11 =	vld [tilespmem:s25+$0xFFFFFF70]  }
0x27c: {  	v14 =	vmul.f32 v14, v17;
	v17 =	vld [tilespmem:s18+$0xFFFFFF80]  }
0x27d: {  	v13 =	vmul.f32 v13, v16;
	v16 =	vld [tilespmem:s12+$0xB0]  }
0x27e: {  	[tilespmem:s25+$0x20] =	vst v14;
	v14 =	vld [tilespmem:s25+$0x30]  }
0x27f: {  	v15 =	vmul.f32 v21, v15;
	v21 =	vld [tilespmem:s17+$0x30];
	[tilespmem:s12+$0xA0] =	vst v13  }
0x280: {  	v13 =	vld [tilespmem:s18+$0xB0]  }
0x281: {  	[tilespmem:s25+$0xFFFFFF20] =	vst v15;
	v15 =	vmul.f32 v17, v9;
	v9 =	vld [tilespmem:s25+$0xFFFFFF80]  }
0x282: {  	v17 =	vld [tilespmem:s17+$0xFFFFFF30]  }
0x283: {  	v22 =	vld [tilespmem:s25+$0xFFFFFF90];
	[tilespmem:s12+$0xFFFFFF80] =	vst v15  }
0x284: {  	v14 =	vmul.f32 v21, v14;
	v15 =	vld [tilespmem:s18+$0xFFFFFF90]  }
0x285: {  	v13 =	vmul.f32 v13, v16;
	v16 =	vld [tilespmem:s12+$0xC0]  }
0x286: {  	[tilespmem:s25+$0x30] =	vst v14;
	v14 =	vld [tilespmem:s25+$0x40]  }
0x287: {  	v12 =	vmul.f32 v17, v12;
	v17 =	vld [tilespmem:s17+$0x40];
	[tilespmem:s12+$0xB0] =	vst v13  }
0x288: {  	v13 =	vld [tilespmem:s18+$0xC0]  }
0x289: {  	[tilespmem:s25+$0xFFFFFF30] =	vst v12;
	v12 =	vld [tilespmem:s25+$0xFFFFFFA0];
	v15 =	vmul.f32 v15, v6;
	v6 =	vmov v22  }
0x28a: {  	v21 =	vld [tilespmem:s17+$0xFFFFFF40]  }
0x28b: {  	v22 =	vld [tilespmem:s25+$0xFFFFFFB0];
	[tilespmem:s12+$0xFFFFFF90] =	vst v15  }
0x28c: {  	v14 =	vmul.f32 v17, v14;
	v15 =	vld [tilespmem:s18+$0xFFFFFFA0]  }
0x28d: {  	v13 =	vmul.f32 v13, v16;
	v16 =	vld [tilespmem:s12+$0xD0]  }
0x28e: {  	[tilespmem:s25+$0x40] =	vst v14;
	v14 =	vld [tilespmem:s25+$0x50]  }
0x28f: {  	v17 =	vmul.f32 v21, v19;
	v19 =	vld [tilespmem:s17+$0x50];
	[tilespmem:s12+$0xC0] =	vst v13  }
0x290: {  	v21 =	vld [tilespmem:s18+$0xD0]  }
0x291: {  	[tilespmem:s25+$0xFFFFFF40] =	vst v17;
	v17 =	vld [tilespmem:s25+$0xFFFFFFC0];
	v15 =	vmul.f32 v15, v5;
	v5 =	vmov v12  }
0x292: {  	v12 =	vld [tilespmem:s17+$0xFFFFFF50]  }
0x293: {  	v13 =	vld [tilespmem:s25+$0xFFFFFFD0];
	[tilespmem:s12+$0xFFFFFFA0] =	vst v15  }
0x294: {  	v14 =	vmul.f32 v19, v14;
	v15 =	vld [tilespmem:s18+$0xFFFFFFB0]  }
0x295: {  	v16 =	vmul.f32 v21, v16;
	v19 =	vld [tilespmem:s12+$0xE0]  }
0x296: {  	[tilespmem:s25+$0x50] =	vst v14;
	v14 =	vld [tilespmem:s25+$0x60]  }
0x297: {  	v12 =	vmul.f32 v12, v20;
	v20 =	vld [tilespmem:s17+$0x60];
	[tilespmem:s12+$0xD0] =	vst v16  }
0x298: {  	v16 =	vld [tilespmem:s18+$0xE0]  }
0x299: {  	[tilespmem:s25+$0xFFFFFF50] =	vst v12;
	v12 =	vmul.f32 v15, v8;
	v15 =	vld [tilespmem:s13+$0xFFFFFFE0];
	v8 =	vmov v22  }
0x29a: {  	v21 =	vld [tilespmem:s17+$0xFFFFFF60]  }
0x29b: {  	v22 =	vld [tilespmem:s25+$0xFFFFFFE0];
	[tilespmem:s12+$0xFFFFFFB0] =	vst v12  }
0x29c: {  	v12 =	vmul.f32 v20, v14;
	v14 =	vld [tilespmem:s18+$0xFFFFFFC0]  }
0x29d: {  	v16 =	vmul.f32 v16, v19;
	v20 =	vld [tilespmem:s12+$0xF0]  }
0x29e: {  	[tilespmem:s25+$0x60] =	vst v12;
	v19 =	vld [tilespmem:s25+$0x70];
	v12 =	vmul.f32 v15, v3;
	v3 =	vmov v10  }
0x29f: {  	v15 =	vmul.f32 v21, v18;
	v21 =	vld [tilespmem:s17+$0x70];
	[tilespmem:s12+$0xE0] =	vst v16  }
0x2a0: {  	v16 =	vld [tilespmem:s18+$0xF0];
	[tilespmem:s11+$0xFFFFFFE0] =	vst v12;
	v10 =	vmov v22  }
.Ltmp4:
0x2a1: {  	[tilespmem:s25+$0xFFFFFF60] =	vst v15;
	v15 =	vmul.f32 v14, v7;
	v14 =	vld [tilespmem:s13+$0xFFFFFFF0];
	v7 =	vmov v17;
	s13 =	smov.u32 s18;
	s18 =	smov.u32 s17;
	(pc) =	sbr.rel @p1 .LBB2_7-.Ltmp4, $4  }
0x2a2: {  	v18 =	vld [tilespmem:s17+$0xFFFFFF70]  }
0x2a3: {  	v12 =	vld [tilespmem:s25+$0xFFFFFFF0];
	[tilespmem:s12+$0xFFFFFFC0] =	vst v15  }
0x2a4: {  	v19 =	vmul.f32 v21, v19;
	v15 =	vld [tilespmem:s13+$0xFFFFFFD0]  }
0x2a5: {  	s25 =	sadd.s32 $0x200, s25;
	v17 =	vld [tilespmem:s14+$0x80];
	v16 =	vmul.f32 v16, v20  }
0x2a6: {  	_ = 	snop  }
0x2a7: {  	[tilespmem:s14+$0x70] =	vst v19;
	v11 =	vmul.f32 v18, v11  }
0x2a8: {  	v29 =	vld [tilespmem:s18+$0x80]  }
0x2a9: {  	[tilespmem:s14+$0xFFFFFF70] =	vst v11  }
0x2aa: {  	v11 =	vld [tilespmem:s18+$0xFFFFFF80];
	_ =	sdelay $0x2  }
0x2ab: {  	v17 =	vmul.f32 v29, v17;
	_ =	sdelay $0x1  }
0x2ac: {  	v30 =	vld [tilespmem:s14+$0x90];
	[tilespmem:s14+$0x80] =	vst v17;
	v9 =	vmul.f32 v11, v9  }
0x2ad: {  	v31 =	vld [tilespmem:s18+$0x90]  }
0x2ae: {  	[tilespmem:s14+$0xFFFFFF80] =	vst v9  }
0x2af: {  	v9 =	vld [tilespmem:s18+$0xFFFFFF90];
	_ =	sdelay $0x2  }
0x2b0: {  	v11 =	vmul.f32 v31, v30;
	_ =	sdelay $0x1  }
0x2b1: {  	v32 =	vld [tilespmem:s14+$0xA0];
	[tilespmem:s14+$0x90] =	vst v11;
	v6 =	vmul.f32 v9, v6  }
0x2b2: {  	v33 =	vld [tilespmem:s18+$0xA0]  }
0x2b3: {  	[tilespmem:s14+$0xFFFFFF90] =	vst v6  }
0x2b4: {  	v6 =	vld [tilespmem:s18+$0xFFFFFFA0];
	_ =	sdelay $0x2  }
0x2b5: {  	v9 =	vmul.f32 v33, v32;
	_ =	sdelay $0x1  }
0x2b6: {  	v34 =	vld [tilespmem:s14+$0xB0];
	[tilespmem:s14+$0xA0] =	vst v9;
	v5 =	vmul.f32 v6, v5  }
0x2b7: {  	v35 =	vld [tilespmem:s18+$0xB0]  }
0x2b8: {  	[tilespmem:s14+$0xFFFFFFA0] =	vst v5  }
0x2b9: {  	v5 =	vld [tilespmem:s18+$0xFFFFFFB0];
	_ =	sdelay $0x2  }
0x2ba: {  	v6 =	vmul.f32 v35, v34;
	_ =	sdelay $0x1  }
0x2bb: {  	v36 =	vld [tilespmem:s14+$0xC0];
	[tilespmem:s14+$0xB0] =	vst v6;
	v5 =	vmul.f32 v5, v8  }
0x2bc: {  	v6 =	vld [tilespmem:s18+$0xC0]  }
0x2bd: {  	[tilespmem:s14+$0xFFFFFFB0] =	vst v5  }
0x2be: {  	v5 =	vld [tilespmem:s18+$0xFFFFFFC0];
	_ =	sdelay $0x2  }
0x2bf: {  	v6 =	vmul.f32 v6, v36;
	_ =	sdelay $0x1  }
0x2c0: {  	v37 =	vld [tilespmem:s14+$0xD0];
	[tilespmem:s14+$0xC0] =	vst v6;
	v5 =	vmul.f32 v5, v7  }
0x2c1: {  	v6 =	vld [tilespmem:s18+$0xD0]  }
0x2c2: {  	[tilespmem:s14+$0xFFFFFFC0] =	vst v5  }
0x2c3: {  	v5 =	vld [tilespmem:s18+$0xFFFFFFD0];
	_ =	sdelay $0x1  }
0x2c4: {  	v2 =	vmul.f32 v15, v2  }
0x2c5: {  	v6 =	vmul.f32 v6, v37  }
0x2c6: {  	v38 =	vld [tilespmem:s14+$0xE0];
	[tilespmem:s12+$0xFFFFFFD0] =	vst v2  }
0x2c7: {  	v39 =	vld [tilespmem:s13+$0xFFFFFFE0];
	[tilespmem:s14+$0xD0] =	vst v6;
	v5 =	vmul.f32 v5, v13  }
0x2c8: {  	v2 =	vld [tilespmem:s18+$0xE0]  }
0x2c9: {  	[tilespmem:s14+$0xFFFFFFD0] =	vst v5  }
0x2ca: {  	v5 =	vld [tilespmem:s18+$0xFFFFFFE0];
	_ =	sdelay $0x1  }
0x2cb: {  	v3 =	vmul.f32 v39, v3  }
0x2cc: {  	v2 =	vmul.f32 v2, v38  }
0x2cd: {  	[tilespmem:s12+$0xFFFFFFE0] =	vst v3  }
0x2ce: {  	v40 =	vld [tilespmem:s14+$0xF0];
	[tilespmem:s14+$0xE0] =	vst v2;
	v2 =	vmul.f32 v5, v10  }
0x2cf: {  	v3 =	vld [tilespmem:s13+$0xFFFFFFF0]  }
0x2d0: {  	v41 =	vld [tilespmem:s18+$0xF0];
	[tilespmem:s14+$0xFFFFFFE0] =	vst v2  }
0x2d1: {  	v2 =	vld [tilespmem:s18+$0xFFFFFFF0]  }
0x2d2: {  	v1 =	vmul.f32 v14, v1;
	_ =	sdelay $0x1  }
0x2d3: {  	[tilespmem:s11+$0xFFFFFFF0] =	vst v1;
	v1 =	vmul.f32 v3, v4  }
0x2d4: {  	[tilespmem:s12+$0xF0] =	vst v16;
	v5 =	vmul.f32 v41, v40  }
0x2d5: {  	[tilespmem:s12+$0xFFFFFFF0] =	vst v1;
	v2 =	vmul.f32 v2, v12  }
0x2d6: {  	[tilespmem:s14+$0xF0] =	vst v5  }
0x2d7: {  	[tilespmem:s14+$0xFFFFFFF0] =	vst v2  }
0x2d8: {  	v1 =	vld [tilespmem:$0x3420]  }
0x2d9: {  	v2 =	vld [tilespmem:$0x6620]  }
0x2da: {  	v3 =	vld [tilespmem:$0x3430]  }
0x2db: {  	v42 =	vld [tilespmem:$0x6630]  }
0x2dc: {  	v5 =	vld [tilespmem:$0x3440]  }
0x2dd: {  	v43 =	vld [tilespmem:$0x6640]  }
0x2de: {  	v44 =	vld [tilespmem:$0x3450]  }
0x2df: {  	v45 =	vld [tilespmem:$0x6650]  }
0x2e0: {  	v46 =	vld [tilespmem:$0x3460]  }
0x2e1: {  	v47 =	vld [tilespmem:$0x6660]  }
0x2e2: {  	v48 =	vld [tilespmem:$0x3470]  }
0x2e3: {  	v49 =	vld [tilespmem:$0x6670]  }
0x2e4: {  	v50 =	vld [tilespmem:$0x3480]  }
0x2e5: {  	v51 =	vld [tilespmem:$0x6680]  }
0x2e6: {  	v52 =	vld [tilespmem:$0x3490]  }
0x2e7: {  	v16 =	vld [tilespmem:$0x6690]  }
0x2e8: {  	v53 =	vld [tilespmem:$0x34A0]  }
0x2e9: {  	v54 =	vld [tilespmem:$0x66A0]  }
0x2ea: {  	v19 =	vld [tilespmem:$0x34B0]  }
0x2eb: {  	v20 =	vld [tilespmem:$0x66B0]  }
0x2ec: {  	v21 =	vld [tilespmem:$0x34C0]  }
0x2ed: {  	v55 =	vld [tilespmem:$0x34D0];
	v1 =	vmul.f32 v2, v1  }
0x2ee: {  	v56 =	vld [tilespmem:$0x66D0];
	v3 =	vmul.f32 v42, v3  }
0x2ef: {  	v57 =	vld [tilespmem:$0x34E0];
	[tilespmem:$0x3420] =	vst v1;
	v1 =	vmul.f32 v43, v5  }
0x2f0: {  	v58 =	vld [tilespmem:$0x66E0];
	[tilespmem:$0x3430] =	vst v3;
	v3 =	vmul.f32 v45, v44  }
0x2f1: {  	v59 =	vld [tilespmem:$0x34F0];
	[tilespmem:$0x3440] =	vst v1;
	v1 =	vmul.f32 v47, v46  }
0x2f2: {  	v2 =	vld [tilespmem:$0x66C0];
	[tilespmem:$0x3450] =	vst v3;
	v3 =	vmul.f32 v49, v48  }
0x2f3: {  	v60 =	vld [tilespmem:$0x66F0];
	[tilespmem:$0x3460] =	vst v1;
	v1 =	vmul.f32 v51, v50  }
0x2f4: {  	v61 =	vld [tilespmem:$0x3500];
	[tilespmem:$0x3470] =	vst v3;
	v3 =	vmul.f32 v16, v52  }
0x2f5: {  	v62 =	vld [tilespmem:$0x6700];
	[tilespmem:$0x3480] =	vst v1;
	v1 =	vmul.f32 v54, v53  }
0x2f6: {  	v63 =	vld [tilespmem:$0x3510];
	[tilespmem:$0x3490] =	vst v3;
	v3 =	vmul.f32 v20, v19  }
0x2f7: {  	[tilespmem:$0x34A0] =	vst v1;
	v1 =	vmul.f32 v2, v21;
	v2 =	vld [tilespmem:$0x6710]  }
0x2f8: {  	[tilespmem:$0x34B0] =	vst v3;
	v3 =	vmul.f32 v56, v55  }
0x2f9: {  	[tilespmem:$0x34C0] =	vst v1;
	v1 =	vmul.f32 v58, v57  }
0x2fa: {  	[tilespmem:$0x34D0] =	vst v3;
	v3 =	vmul.f32 v60, v59  }
0x2fb: {  	[tilespmem:$0x34E0] =	vst v1;
	v1 =	vmul.f32 v62, v61  }
0x2fc: {  	[tilespmem:$0x34F0] =	vst v3;
	v2 =	vmul.f32 v2, v63  }
0x2fd: {  	[tilespmem:$0x3500] =	vst v1  }
.Ltmp5:
0x2fe: {  	[tilespmem:$0x3510] =	vst v2;
	(pc) =	sbr.rel @p0 .LBB2_10-.Ltmp5, $4  }
0x2ff: {  	[spmem:s2] =	stream.indirect.scatter.add.f32 [tilespmem:s0], [sflag:$0x7], $0x20, s28, s21, $0xb8;
	[tilespmem:$0x10720] =	vst v63  }
0x300: {  	_ =	swait.ge [sflag:s20], $0x1900  }
0x301: {  	[sflag:s20] =	ssyncset.done $0x0  }
0x302: {  	[sflag:s20] =	ssyncadd.s32 $0xFFFFE700  }
0x303: {  	s8 =	sadd.s32 s9, s16  }
.Ltmp6:
0x304: {  	s8 =	sshrl.u32 s8, $0x3;
	(pc) =	sbr.rel .LBB2_4-.Ltmp6, $4  }
0x305: {  	s25 =	sadd.s32 s6, s8  }
0x306: {  	[tilespmem:s26], [sflag:$0x6] =	stream.linear.gather [hbm4b:s25+s3], $0xC8, $0x38;
	[tilespmem:$0x10720] =	vst v63  }
0x307: {  	s1 =	sadd.s32 $0x1, s1;
	s8 =	sadd.s32 s7, s8  }
0x308: {  	[tilespmem:s28], [sflag:$0x6] =	stream.linear.gather [hbm4b:s8+s3], $0xC8, $0x38;
	[tilespmem:$0x10720] =	vst v63  }
.LBB2_11:
0x309: {  	_ =	sfence.sel $0x180000  }
0x30a: {  	[bflag:$0x0] =	sbarrier.arrive $0xFFFF  }
0x30b: {  	_ =	strace $0x9000004A  }
0x30c: {  	s0 =	stileid.u32;
	[bflag:$0x2] =	sbarrier.arrive $0xFFFF  }
0x30d: {  	p0 =	sne.s32 s0, $0x0;
	s0 =	rddreg [dreg:$0x2]  }
0x30e: {  	s0 =	sadd.s32 @!p0 $0x100000, s0  }
0x30f: {  	[sflag:s0] =	ssyncadd.tile.s32 @!p0 $0x1;
	_ =	shalt  }
.Lfunc_end2:
_tile_overlayer_lowered:
.L_overlay_start_2:
0x310: {  	(tag) =	ssettag $0x2  }
0x311: {  	s0 =	rddreg [dreg:$0x0];
	s2 =	stileid.u32  }
0x312: {  	s1 =	rddreg [dreg:$0x1];
	p0 =	sne.s32 s2, $0x0  }
0x313: {  	s3 =	rddreg [dreg:$0x2];
	[bflag:$0x3] =	sbarrier.arrive $0xFFFF;
	s2 =	simm.s32 @!p0 $0x1C07  }
0x314: {  	[timem:s3], [sflag:s2] =	dma.local @!p0 [hbm:s0], s1  }
0x315: {  	s0 =	simm.s32 @!p0 $0x7  }
0x316: {  	_ =	swait.ge @!p0 [sflag:s0], s1  }
0x317: {  	s1 =	ssub.s32 @!p0 $0x0, s1;
	[sflag:s0] =	ssyncset.done @!p0 $0x0  }
0x318: {  	[sflag:s0] =	ssyncadd.s32 @!p0 s1  }
0x319: {  	[bflag:$0x3] =	sbarrier.arrive $0xFFFF  }
0x31a: {  	_ =	shalt  }

// kernel: kernel.15.cloned.1.call-start
scs
__scs_entry_jumppad:
0x0: {  	(pc) =	sbr.rel $0x88, $3  }
0x1: {  	(tag) =	ssettag $0x0;
	lr =	simm.s32 $0x1  }
0x2: {  	[smem:$0x3F92] =	sst lr;
	_ =	strace $0xD0000000  }
0x3: {  	_ = 	snop  }
0x4: {  	_ = 	snop  }
0x5: {  	_ = 	snop  }
0x6: {  	_ = 	snop  }
0x7: {  	_ = 	snop  }
__scs_overlays_trampoline_lowered:
0x8: {  	[smem:$0x3FA1] =	sst s0  }
0x9: {  	[smem:$0x3FA2] =	sst s1  }
0xa: {  	[smem:$0x3FA3] =	sst s2  }
0xb: {  	[smem:$0x3FA4] =	sst s3  }
0xc: {  	[smem:$0x3FA5] =	sst s4  }
0xd: {  	[smem:$0x3FA6] =	sst s5  }
0xe: {  	[smem:$0x3FA7] =	sst s6  }
0xf: {  	[smem:$0x3FA8] =	sst s7  }
0x10: {  	[smem:$0x3FA9] =	sst s8  }
0x11: {  	[smem:$0x3FAA] =	sst s9;
	s0 =	simm.s32 @!p0 $0x0  }
0x12: {  	s1 =	sld [smem:$0x3F90];
	s0 =	simm.s32 @p0 $0x1  }
0x13: {  	[smem:$0x3FAB] =	sst s0;
	s0 =	simm.s32 @!p1 $0x0  }
0x14: {  	s2 =	sld [smem:$0x3F8F];
	s0 =	simm.s32 @p1 $0x1  }
0x15: {  	[smem:$0x3FAC] =	sst s0;
	s0 =	simm.s32 @!p2 $0x0  }
0x16: {  	s3 =	sld [smem:$0x3FDB];
	s0 =	simm.s32 @p2 $0x1  }
0x17: {  	s4 =	simm.s32 $0x1BF5;
	[smem:$0x3FAE] =	sst s0  }
0x18: {  	s0 =	sld [smem:$0x3F91];
	_ =	swait.ge [sflag:s4], $0x0  }
0x19: {  	s7 =	sld [smem:$0x3F92]  }
0x1a: {  	s8 =	sadd.s32 $0xFFFFE003, lr  }
0x1b: {  	s9 =	sadd.s32 $0xFFFFFEF7, lr;
	s5 =	simm.s32 $0xFFFFFFFF;
	p2 =	slt.u32 s8, $0xFFFFF086  }
0x1c: {  	p1 =	slt.u32 s9, $0xF7A;
	s5 =	simm.s32 @!p2 $0x0  }
0x1d: {  	s5 =	simm.s32 @p1 $0x1;
	p0 =	seq.s32 s7, s2  }
0x1e: {  	s7 =	smul.u32 @!p0 $0xF7A, s2;
	p2 =	seq.s32 @!p0 s5, $0x0  }
0x1f: {  	s9 =	smul.u32 $0xF7A, s1;
	s8 =	simm.s32 @!p0 $0x1BF5;
	p2 =	por !p2, p0  }
0x20: {  	[sflag:s8] =	ssyncset.s32 @!p0 $0xFFFFF086;
	s6 =	sadd.s32 @!p0 s3, s7;
	s7 =	simm.s32 @!p0 $0x108  }
0x21: {  	s3 =	sadd.s32 s3, s9;
	s6 =	sadd.s32 @!p0 $0x88, s6;
	s7 =	simm.s32 @p2 $0x1082  }
0x22: {  	[simem:s7], [sflag:s8] =	dma.local @!p0 [hbm:s6], $0xF7A  }
0x23: {  	s9 =	sor.u32 $0xD0000000, s2;
	s6 =	simm.s32 $0x108;
	_ =	swait.ge @!p0 [sflag:s8], $0x0  }
0x24: {  	s3 =	sadd.s32 $0x88, s3;
	s6 =	simm.s32 @!p1 $0x1082;
	[sflag:s4] =	ssyncset.s32 $0xFFFFF086  }
0x25: {  	[simem:s6], [sflag:s4] =	dma.local [hbm:s3], $0xF7A  }
0x26: {  	[smem:$0x3F92] =	sst s1;
	(tag) =	ssettag s2;
	_ =	strace s9  }
0x27: {  	s1 =	sld [smem:$0x3FA2]  }
0x28: {  	s2 =	sld [smem:$0x3FA3]  }
0x29: {  	s4 =	sld [smem:$0x3FA5]  }
0x2a: {  	p0 =	seq.s32 s5, $0x0;
	s5 =	sld [smem:$0x3FA6]  }
0x2b: {  	s6 =	sld [smem:$0x3FA7]  }
0x2c: {  	s7 =	sld [smem:$0x3FA8]  }
0x2d: {  	s3 =	simm.s32 $0x108;
	s8 =	sld [smem:$0x3FA9]  }
0x2e: {  	s3 =	simm.s32 @!p0 $0x1082;
	s9 =	sld [smem:$0x3FAA]  }
0x2f: {  	lr =	sadd.s32 s0, s3;
	s0 =	sld [smem:$0x3FA1]  }
0x30: {  	s3 =	sld [smem:$0x3FA4]  }
0x31: {  	[smem:$0x3FAD] =	sst s10  }
0x32: {  	s10 =	sld [smem:$0x3FAB];
	_ =	sdelay $0x3  }
0x33: {  	p0 =	seq.s32 s10, $0x1;
	s10 =	sld [smem:$0x3FAD];
	_ =	sdelay $0x3  }
0x34: {  	[smem:$0x3FAD] =	sst s10  }
0x35: {  	s10 =	sld [smem:$0x3FAC];
	_ =	sdelay $0x3  }
0x36: {  	p1 =	seq.s32 s10, $0x1;
	s10 =	sld [smem:$0x3FAD];
	_ =	sdelay $0x3  }
0x37: {  	[smem:$0x3FAD] =	sst s10  }
0x38: {  	s10 =	sld [smem:$0x3FAE]  }
0x39: {  	_ = 	snop;
	(pc) =	sbr.ind lr, $3  }
0x3a: {  	_ = 	snop  }
0x3b: {  	_ = 	snop  }
0x3c: {  	p2 =	seq.s32 s10, $0x1;
	s10 =	sld [smem:$0x3FAD]  }
0x3d: {  	_ =	shalt  }
0x3e: {  	_ =	shalt  }
0x3f: {  	_ =	shalt  }
0x40: {  	_ =	shalt  }
0x41: {  	_ =	shalt  }
0x42: {  	_ =	shalt  }
0x43: {  	_ =	shalt  }
0x44: {  	_ =	shalt  }
0x45: {  	_ =	shalt  }
0x46: {  	_ =	shalt  }
0x47: {  	_ =	shalt  }
0x48: {  	_ =	shalt  }
0x49: {  	_ =	shalt  }
0x4a: {  	_ =	shalt  }
0x4b: {  	_ =	shalt  }
0x4c: {  	_ =	shalt  }
0x4d: {  	_ =	shalt  }
0x4e: {  	_ =	shalt  }
0x4f: {  	_ =	shalt  }
0x50: {  	_ =	shalt  }
0x51: {  	_ =	shalt  }
0x52: {  	_ =	shalt  }
0x53: {  	_ =	shalt  }
0x54: {  	_ =	shalt  }
0x55: {  	_ =	shalt  }
0x56: {  	_ =	shalt  }
0x57: {  	_ =	shalt  }
0x58: {  	_ =	shalt  }
0x59: {  	_ =	shalt  }
0x5a: {  	_ =	shalt  }
0x5b: {  	_ =	shalt  }
0x5c: {  	_ =	shalt  }
0x5d: {  	_ =	shalt  }
0x5e: {  	_ =	shalt  }
0x5f: {  	_ =	shalt  }
0x60: {  	_ =	shalt  }
0x61: {  	_ =	shalt  }
0x62: {  	_ =	shalt  }
0x63: {  	_ =	shalt  }
0x64: {  	_ =	shalt  }
0x65: {  	_ =	shalt  }
0x66: {  	_ =	shalt  }
0x67: {  	_ =	shalt  }
0x68: {  	_ =	shalt  }
0x69: {  	_ =	shalt  }
0x6a: {  	_ =	shalt  }
0x6b: {  	_ =	shalt  }
0x6c: {  	_ =	shalt  }
0x6d: {  	_ =	shalt  }
0x6e: {  	_ =	shalt  }
0x6f: {  	_ =	shalt  }
0x70: {  	_ =	shalt  }
0x71: {  	_ =	shalt  }
0x72: {  	_ =	shalt  }
0x73: {  	_ =	shalt  }
0x74: {  	_ =	shalt  }
0x75: {  	_ =	shalt  }
0x76: {  	_ =	shalt  }
0x77: {  	_ =	shalt  }
0x78: {  	_ =	shalt  }
0x79: {  	_ =	shalt  }
0x7a: {  	_ =	shalt  }
0x7b: {  	_ =	shalt  }
0x7c: {  	_ =	shalt  }
0x7d: {  	_ =	shalt  }
0x7e: {  	_ =	shalt  }
0x7f: {  	_ =	shalt  }
0x80: {  	_ =	shalt  }
0x81: {  	_ =	shalt  }
0x82: {  	_ =	shalt  }
0x83: {  	_ =	shalt  }
0x84: {  	_ =	shalt  }
0x85: {  	_ =	shalt  }
0x86: {  	_ =	shalt  }
0x87: {  	_ =	shalt  }
.Lfunc_end0:
.L_simem_size_0:
called_computation.2_lowered:
.L_overlay_start_0:
0x88: {  	s2 =	sld [smem:$0x3FD9]  }
0x89: {  	s3 =	sld [smem:$0x3FFE];
	_ =	sdelay $0x1  }
0x8a: {  	s1 =	srdreg.scid  }
0x8b: {  	s0 =	sand.u32 $0x1, s1  }
0x8c: {  	s16 =	sshll.u32 s0, $0xA;
	s2 =	sadd.s32 s3, s2  }
0x8d: {  	s2 =	sadd.s32 s2, s16  }
0x8e: {  	[smem:$0x3FB9] =	sst s2  }
0x8f: {  	_ = 	snop  }
0x90: {  	(tm) =	ssettm $0x1  }
0x91: {  	s17 =	sld [smem:$0x3FFB];
	_ =	sdelay $0x3  }
0x92: {  	_ =	strace s17  }
0x93: {  	s2 =	sld [smem:$0x3FFC];
	_ =	sdelay $0x3  }
0x94: {  	_ =	strace s2  }
0x95: {  	s2 =	sld [smem:$0x3FFD];
	_ =	sdelay $0x3  }
0x96: {  	_ =	strace s2  }
0x97: {  	_ =	strace $0x8FFFFFFF  }
0x98: {  	s18 =	sld [smem:$0x3FDB];
	_ =	sdelay $0x1  }
0x99: {  	s19 =	simm.s32 $_scs_section_size  }
0x9a: {  	s4 =	simm.s32 $_size__tile_overlayer_lowered;
	s5 =	simm.s32 $_tile_overlayer_lowered  }
0x9b: {  	s22 =	simm.s32 $0x1BFF;
	s21 =	sshll.u32 s5, $0x1;
	s2 =	sadd.s32 s19, s18  }
0x9c: {  	s6 =	simm.s32 $0x0;
	s20 =	sshll.u32 s4, $0x1;
	s4 =	sadd.s32 s21, s2  }
0x9d: {  	[timem:s6], [sflag:s22] =	dma.local [hbm:s4], s20  }
0x9e: {  	_ =	swait.ge [sflag:s22], s20  }
0x9f: {  	s3 =	ssub.s32 $0x0, s20;
	[sflag:s22] =	ssyncset.done $0x0  }
0xa0: {  	[sflag:s22] =	ssyncadd.s32 s3;
	_ =	sdelay $0x1  }
0xa1: {  	s23 =	simm.s32 $0x1B8B  }
0xa2: {  	_ =	swait.ge [sflag:s23], $0x1  }
0xa3: {  	[sflag:s23] =	ssyncset.done $0x0  }
0xa4: {  	s25 =	simm.s32 $0x1B8E;
	s24 =	sld [smem:$0x3FFE];
	[sflag:s23] =	ssyncadd.s32 $0xFFFFFFFF  }
0xa5: {  	s26 =	simm.s32 $execute0_lowered;
	[smem:$0x3FD2] =	sst s25  }
0xa6: {  	s4 =	sshll.u32 s26, $0x1;
	_ =	strace $0x8000004C;
	[dreg:$0x1] =	wrdreg $0xFFFFFFFF  }
0xa7: {  	s28 =	simm.s32 $_size_execute0_lowered;
	s2 =	sadd.s32 s2, s4;
	[dreg:$0x0] =	wrdreg $0x0  }
0xa8: {  	s4 =	sshll.u32 s28, $0x1;
	[dreg:$0x2] =	wrdreg s2  }
0xa9: {  	[dreg:$0x3] =	wrdreg s4  }
0xaa: {  	[dreg:$0x4] =	wrdreg $0xC0  }
0xab: {  	_ =	task [dreg:s6], $0x5FFFF  }
0xac: {  	[dreg:$0x1] =	wrdreg $0xFFFFFFFF  }
0xad: {  	[dreg:$0x0] =	wrdreg $0x60  }
0xae: {  	[dreg:$0x2] =	wrdreg s24  }
0xaf: {  	[dreg:$0x3] =	wrdreg $0xB7200  }
0xb0: {  	[dreg:$0x4] =	wrdreg $0x9  }
0xb1: {  	_ =	task.clear_ibuf [dreg:s6], $0x5FFFF;
	_ =	strace $0x9000004C  }
0xb2: {  	s29 =	simm.s32 $0x9;
	_ =	strace $0x8000004E  }
0xb3: {  	_ =	swait.ge [sflag:s29], $0x1  }
0xb4: {  	[sflag:s29] =	ssyncadd.s32 $0xFFFFFFFF  }
0xb5: {  	_ =	strace $0x9000004E  }
0xb6: {  	_ =	sfence  }
0xb7: {  	s30 =	sld [smem:$0x0];
	_ =	sdelay $0x2  }
0xb8: {  	s31 =	sshll.u32 s1, $0xD;
	s1 =	sshrl.u32 s1, $0x2  }
0xb9: {  	s3 =	sand.u32 $0x4000, s31;
	s1 =	sadd.s32 s1, s30  }
0xba: {  	s0 =	sor.u32 s3, s0;
	s1 =	sshll.u32 s1, $0x11  }
0xbb: {  	s0 =	sor.u32 s1, s0  }
0xbc: {  	s0 =	sadd.s32 $0x8F2B, s0  }
0xbd: {  	[sflag:s0] =	ssyncadd.remote.s32 $0x1  }
0xbe: {  	_ =	sfence.sel $0xFFFF  }
0xbf: {  	[dreg:$0x0] =	wrdreg $0xFFFFFFFF;
	(pc) =	sbr.abs _section_cstart, $3  }
0xc0: {  	[dreg:$0x1] =	wrdreg $0xFFFFFFFF  }
0xc1: {  	_ =	task.clear_ibuf [dreg:s6], $0x2FFFF;
	_ =	strace $0x9FFFFFFF  }
0xc2: {  	(tm) =	ssettm $0x7FFFFFFF  }
0xc3: {  	_ =	shalt  }
tec
execute0_lowered:
.L_overlay_start_1:
0x0: {  	(tag) =	ssettag $0x1  }
0x1: {  	s0 =	rddreg [dreg:$0x0]  }
0x2: {  	s2 =	rddreg [dreg:$0x1]  }
0x3: {  	s3 =	simm.s32 $0x0;
	s1 =	srdreg.scid;
	s8 =	stileid.u32  }
0x4: {  	s28 =	simm.s32 $0x258;
	s29 =	simm.s32 $0x1;
	s30 =	simm.s32 $0x3  }
0x5: {  	s31 =	simm.s32 $0x6;
	[smem:$0x7FF] =	sst s3;
	s1 =	sand.u32 $0x1, s1  }
0x6: {  	s7 =	smul.u32 $0x5000, s8;
	s4 =	sadd.s32 $0x16600, s0;
	s8 =	sshll.u32 s8, $0x1  }
0x7: {  	s6 =	smul.u32 $0x50000, s1;
	s9 =	ssub.s32 $0x2, s1;
	s1 =	sor.u32 s1, s8  }
0x8: {  	s5 =	sadd.s32 $0xC800, s0;
	_ =	strace $0x8000004D;
	s11 =	smul.u32 $0x2710, s1  }
0x9: {  	s10 =	sshrl.u32 s9, $0x1;
	s13 =	sadd.s32 s7, s2;
	s1 =	smul.u32 $0x27100, s1  }
0xa: {  	s6 =	sadd.s32 s7, s6;
	s12 =	ssub.s32 s9, s10;
	s9 =	sadd.s32 $0x7AE04, s0  }
0xb: {  	s7 =	simm.s32 $0x0;
	[dreg:$0x3] =	wrdreg s13;
	s18 =	sshrl.u32 s6, $0x3  }
0xc: {  	s6 =	sadd.s32 $0x2A00, s0;
	s19 =	sshrl.u32 s11, $0x3;
	s10 =	sadd.s32 $0xC8, s11  }
0xd: {  	s22 =	sadd.s32 s1, s9;
	s15 =	sadd.s32 $0x190, s11;
	s16 =	sadd.s32 $0x258, s11  }
0xe: {  	s26 =	smax.u32 s12, $0x1;
	s8 =	sadd.s32 s18, s0;
	s20 =	sadd.s32 s5, s19  }
0xf: {  	s21 =	sadd.s32 s6, s19;
	[dreg:$0x6] =	wrdreg s22;
	s23 =	sshrl.u32 s10, $0x3  }
0x10: {  	[dreg:$0xa] =	wrdreg s26;
	s22 =	simm.s32 $0x320;
	s26 =	simm.s32 $0x190  }
.Ltmp0:
0x11: {  	s19 =	simm.s32 $0x4E20;
	[dreg:$0x4] =	wrdreg s20;
	(pc) =	sbr.rel .LBB2_1-.Ltmp0, $4  }
0x12: {  	[dreg:$0x5] =	wrdreg s21;
	s24 =	sadd.s32 s5, s23;
	s0 =	sadd.s32 s6, s23  }
0x13: {  	s25 =	sadd.s32 $0x20400, s8;
	s20 =	simm.s32 $0x7;
	[dreg:$0x7] =	wrdreg s24  }
0x14: {  	s21 =	simm.s32 $0xC8;
	s23 =	simm.s32 $0x20;
	[dreg:$0x8] =	wrdreg s0  }
0x15: {  	v0 =	vimm.f32 $0.0e+00;
	[dreg:$0x9] =	wrdreg s25;
	s24 =	simm.s32 $0x80;
	s0 =	simm.s32 $0x1C20  }
.LBB2_10:
0x16: {  	s1 =	stileid.u32;
	[bflag:$0x0] =	sbarrier.arrive $0xFFFF  }
0x17: {  	s1 =	sshll.u32 s1, $0x6;
	s13 =	rddreg [dreg:$0x3]  }
0x18: {  	s8 =	rddreg [dreg:$0x9];
	s1 =	sor.u32 $0x1C07, s1;
	s7 =	sshrl.u32 s13, $0x3  }
0x19: {  	[hbm:s8], [sflag:s1] =	dma.local [spmem:s7], $0xA00  }
0x1a: {  	_ =	swait.ge [sflag:s20], $0xA00  }
0x1b: {  	s18 =	rddreg [dreg:$0xb]  }
0x1c: {  	s25 =	rddreg [dreg:$0xa];
	s7 =	sadd.s32 $0x1, s18  }
0x1d: {  	p0 =	sne.s32 s7, s25  }
.Ltmp1:
0x1e: {  	_ = 	snop;
	(pc) =	sbr.rel @!p0 .LBB2_11-.Ltmp1, $3  }
0x1f: {  	_ =	sdelay $0x1  }
0x20: {  	[sflag:s20] =	ssyncset.done $0x0  }
0x21: {  	[sflag:s20] =	ssyncadd.s32 $0xFFFFF600  }
.LBB2_1:
0x22: {  	[dreg:$0xb] =	wrdreg s7;
	s1 =	simm.s32 $0x6760  }
0x23: {  	[tilespmem:s1+$0xFFFFFFC0] =	vst v0  }
0x24: {  	[tilespmem:s1+$0x30] =	vst v0  }
0x25: {  	[tilespmem:s1+$0x20] =	vst v0  }
0x26: {  	[tilespmem:s1+$0x10] =	vst v0  }
0x27: {  	[tilespmem:s1+$0x0] =	vst v0  }
0x28: {  	[tilespmem:s1+$0xFFFFFFF0] =	vst v0  }
0x29: {  	s7 =	simm.s32 $0x0;
	[tilespmem:s1+$0xFFFFFFE0] =	vst v0  }
.LBB2_2:
0x2a: {  	s7 =	sadd.s32 $0x4, s7;
	[tilespmem:s1+$0xFFFFFFD0] =	vst v0;
	s1 =	sadd.s32 $0x80, s1  }
0x2b: {  	[tilespmem:s1+$0xFFFFFFC0] =	vst v0;
	p0 =	slt.u32 s7, $0x27C  }
0x2c: {  	[tilespmem:s1+$0x30] =	vst v0  }
.Ltmp2:
0x2d: {  	[tilespmem:s1+$0x20] =	vst v0;
	(pc) =	sbr.rel @p0 .LBB2_2-.Ltmp2, $4  }
0x2e: {  	[tilespmem:s1+$0x10] =	vst v0  }
0x2f: {  	[tilespmem:s1+$0x0] =	vst v0  }
0x30: {  	[tilespmem:s1+$0xFFFFFFF0] =	vst v0  }
0x31: {  	[tilespmem:s1+$0xFFFFFFE0] =	vst v0  }
0x32: {  	[tilespmem:s1+$0xFFFFFFD0] =	vst v0;
	s12 =	simm.s32 $0x6720  }
0x33: {  	[spmem:s13] =	stream.linear.scatter [tilespmem:s12], [sflag:$0x7], $0x5000, $0x38;
	[tilespmem:$0x10720] =	vst v63  }
0x34: {  	_ =	swait.ge [sflag:s20], $0x5000  }
0x35: {  	[sflag:s20] =	ssyncset.done $0x0  }
0x36: {  	[sflag:s20] =	ssyncadd.s32 $0xFFFFB000  }
0x37: {  	[bflag:$0x0] =	sbarrier.arrive $0xFFFF  }
0x38: {  	s1 =	simm.s32 $0x0;
	s7 =	rddreg [dreg:$0x4]  }
0x39: {  	[tilespmem:s1], [sflag:$0x7] =	stream.linear.gather [hbm4b:s7+s1], $0xC8, $0x38;
	[tilespmem:$0x10720] =	vst v63  }
0x3a: {  	_ =	swait.ge [sflag:s20], $0xC8  }
0x3b: {  	[sflag:s20] =	ssyncset.done $0x0  }
0x3c: {  	s14 =	rddreg [dreg:$0x5];
	[sflag:s20] =	ssyncadd.s32 $0xFFFFFF38  }
0x3d: {  	[tilespmem:s21], [sflag:$0x7] =	stream.linear.gather [hbm4b:s14+s1], $0xC8, $0x38;
	[tilespmem:$0x10720] =	vst v63  }
0x3e: {  	_ =	swait.ge [sflag:s20], $0xC8  }
0x3f: {  	[sflag:s20] =	ssyncset.done $0x0  }
0x40: {  	[sflag:s20] =	ssyncadd.s32 $0xFFFFFF38  }
0x41: {  	[tilespmem:s22], [sflag:$0x1] =	stream.indirect.gather [hbm4b:s4+s21], $0x20, s1, s21, $0xb8;
	[tilespmem:$0x10720] =	vst v63  }
0x42: {  	s8 =	simm.s32 $0x3520;
	s17 =	rddreg [dreg:$0x6]  }
0x43: {  	[tilespmem:s8], [sflag:$0x3] =	stream.strided.gather [hbm4b:s17+s23], $0x1900, s24, s23, $0x38;
	[tilespmem:$0x10720] =	vst v63  }
0x44: {  	s18 =	rddreg [dreg:$0x7]  }
0x45: {  	[tilespmem:s26], [sflag:$0x6] =	stream.linear.gather [hbm4b:s18+s1], $0xC8, $0x38;
	[tilespmem:$0x10720] =	vst v63  }
0x46: {  	s25 =	rddreg [dreg:$0x8]  }
0x47: {  	[tilespmem:s28], [sflag:$0x6] =	stream.linear.gather [hbm4b:s25+s1], $0xC8, $0x38;
	[tilespmem:$0x10720] =	vst v63  }
.LBB2_4:
0x48: {  	_ =	swait.ge [sflag:s29], $0x1900  }
0x49: {  	[sflag:s29] =	ssyncset.done $0x0  }
0x4a: {  	[sflag:s29] =	ssyncadd.s32 $0xFFFFE700  }
0x4b: {  	_ =	swait.ge [sflag:s30], $0x1900  }
0x4c: {  	[sflag:s30] =	ssyncset.done $0x0  }
0x4d: {  	[sflag:s30] =	ssyncadd.s32 $0xFFFFE700  }
0x4e: {  	_ =	swait.ge [sflag:s31], $0xC8  }
0x4f: {  	s8 =	smul.u32 $0x190, s1;
	[sflag:s31] =	ssyncset.done $0x0  }
0x50: {  	[sflag:s31] =	ssyncadd.s32 $0xFFFFFF38  }
0x51: {  	s7 =	sadd.s32 s8, s10;
	_ =	swait.ge [sflag:s31], $0xC8  }
0x52: {  	s7 =	sshll.u32 s7, $0x4;
	[sflag:s31] =	ssyncset.done $0x0  }
0x53: {  	s7 =	sand.u32 $0x1FFFFF80, s7;
	[sflag:s31] =	ssyncadd.s32 $0xFFFFFF38  }
0x54: {  	[tilespmem:s0], [sflag:$0x2] =	stream.indirect.gather [hbm4b:s4+s21], $0x20, s26, s21, $0xb8;
	[tilespmem:$0x10720] =	vst v63  }
0x55: {  	s11 =	simm.s32 $0x420;
	s7 =	sadd.s32 s7, s9  }
0x56: {  	[tilespmem:s19], [sflag:$0x4] =	stream.strided.gather [hbm4b:s7+s23], $0x1900, s24, s23, $0x38;
	[tilespmem:$0x10720] =	vst v63  }
0x57: {  	s18 =	simm.s32 $0x3620;
	v1 =	vld [tilespmem:s11+$0x0]  }
0x58: {  	v2 =	vld [tilespmem:s18+$0x0];
	_ =	sdelay $0x4  }
0x59: {  	v1 =	vmul.f32 v2, v1;
	_ =	sdelay $0x1  }
0x5a: {  	[tilespmem:s11+$0x0] =	vst v1;
	v1 =	vld [tilespmem:s11+$0x10]  }
0x5b: {  	v2 =	vld [tilespmem:s18+$0x10];
	_ =	sdelay $0x4  }
0x5c: {  	v1 =	vmul.f32 v2, v1;
	_ =	sdelay $0x1  }
0x5d: {  	[tilespmem:s11+$0x10] =	vst v1;
	v1 =	vld [tilespmem:s11+$0x20]  }
0x5e: {  	v2 =	vld [tilespmem:s18+$0x20];
	_ =	sdelay $0x3  }
0x5f: {  	v3 =	vld [tilespmem:s11+$0xFFFFFF00]  }
0x60: {  	v1 =	vmul.f32 v2, v1;
	v2 =	vld [tilespmem:s18+$0xFFFFFF00];
	_ =	sdelay $0x2  }
0x61: {  	[tilespmem:s11+$0x20] =	vst v1;
	v1 =	vld [tilespmem:s11+$0x30]  }
0x62: {  	v4 =	vld [tilespmem:s18+$0x30]  }
0x63: {  	v2 =	vmul.f32 v2, v3;
	_ =	sdelay $0x1  }
0x64: {  	v5 =	vld [tilespmem:s11+$0xFFFFFF10];
	[tilespmem:s11+$0xFFFFFF00] =	vst v2  }
0x65: {  	v2 =	vld [tilespmem:s18+$0xFFFFFF10]  }
0x66: {  	v1 =	vmul.f32 v4, v1  }
0x67: {  	v6 =	vld [tilespmem:s11+$0xFFFFFF30]  }
0x68: {  	[tilespmem:s11+$0x30] =	vst v1;
	v1 =	vld [tilespmem:s11+$0x40]  }
0x69: {  	v4 =	vld [tilespmem:s18+$0x40]  }
0x6a: {  	v7 =	vld [tilespmem:s11+$0xFFFFFF40];
	v2 =	vmul.f32 v2, v5  }
0x6b: {  	v8 =	vld [tilespmem:s11+$0xFFFFFF50]  }
0x6c: {  	v3 =	vld [tilespmem:s11+$0xFFFFFF20];
	[tilespmem:s11+$0xFFFFFF10] =	vst v2  }
0x6d: {  	v2 =	vld [tilespmem:s18+$0xFFFFFF20]  }
0x6e: {  	v9 =	vld [tilespmem:s11+$0xFFFFFF60];
	v1 =	vmul.f32 v4, v1  }
0x6f: {  	v11 =	vld [tilespmem:s11+$0xFFFFFF80]  }
0x70: {  	[tilespmem:s11+$0x40] =	vst v1;
	v1 =	vld [tilespmem:s11+$0x50]  }
0x71: {  	v4 =	vld [tilespmem:s18+$0x50]  }
0x72: {  	v13 =	vld [tilespmem:s11+$0xFFFFFFB0];
	v2 =	vmul.f32 v2, v3  }
0x73: {  	s12 =	simm.s32 $0x620;
	v14 =	vld [tilespmem:s11+$0x80]  }
0x74: {  	v15 =	vld [tilespmem:s12+$0xFFFFFF00];
	[tilespmem:s11+$0xFFFFFF20] =	vst v2  }
0x75: {  	v2 =	vld [tilespmem:s18+$0xFFFFFF30]  }
0x76: {  	v17 =	vld [tilespmem:s12+$0xFFFFFF10];
	v1 =	vmul.f32 v4, v1  }
0x77: {  	v18 =	vld [tilespmem:s12+$0xFFFFFF40]  }
0x78: {  	[tilespmem:s11+$0x50] =	vst v1;
	v1 =	vld [tilespmem:s11+$0x60]  }
0x79: {  	v4 =	vld [tilespmem:s18+$0x60]  }
0x7a: {  	v20 =	vld [tilespmem:s12+$0xFFFFFF70];
	v2 =	vmul.f32 v2, v6  }
0x7b: {  	s14 =	simm.s32 $0x820;
	v21 =	vld [tilespmem:s12+$0xFFFFFF80]  }
0x7c: {  	v24 =	vld [tilespmem:s14+$0xFFFFFF10];
	[tilespmem:s11+$0xFFFFFF30] =	vst v2  }
0x7d: {  	v2 =	vld [tilespmem:s18+$0xFFFFFF40]  }
0x7e: {  	v25 =	vld [tilespmem:s14+$0xFFFFFF30];
	v1 =	vmul.f32 v4, v1  }
0x7f: {  	v50 =	vld [tilespmem:s12+$0xA0]  }
0x80: {  	[tilespmem:s11+$0x60] =	vst v1;
	v1 =	vld [tilespmem:s11+$0x70]  }
0x81: {  	v10 =	vld [tilespmem:s18+$0x70]  }
0x82: {  	v51 =	vld [tilespmem:s14+$0xFFFFFF60];
	v2 =	vmul.f32 v2, v7  }
0x83: {  	s13 =	simm.s32 $0x3820;
	v7 =	vld [tilespmem:s12+$0x0]  }
0x84: {  	[tilespmem:s11+$0xFFFFFF40] =	vst v2;
	v2 =	vld [tilespmem:s13+$0x0]  }
0x85: {  	v12 =	vld [tilespmem:s18+$0xFFFFFF50]  }
0x86: {  	v52 =	vld [tilespmem:s12+$0xB0];
	v1 =	vmul.f32 v10, v1  }
0x87: {  	v55 =	vld [tilespmem:s12+$0xC0]  }
0x88: {  	v57 =	vld [tilespmem:s14+$0x50];
	[tilespmem:s11+$0x70] =	vst v1  }
0x89: {  	v1 =	vld [tilespmem:s18+$0x80];
	v2 =	vmul.f32 v2, v7  }
0x8a: {  	v7 =	vld [tilespmem:s13+$0xFFFFFF00];
	v8 =	vmul.f32 v12, v8  }
0x8b: {  	[tilespmem:s12+$0x0] =	vst v2;
	v2 =	vld [tilespmem:s12+$0x10]  }
0x8c: {  	[tilespmem:s11+$0xFFFFFF50] =	vst v8;
	v8 =	vld [tilespmem:s13+$0x10]  }
0x8d: {  	v16 =	vld [tilespmem:s18+$0xFFFFFF60]  }
0x8e: {  	v61 =	vld [tilespmem:s12+$0xF0];
	v1 =	vmul.f32 v1, v14  }
0x8f: {  	v5 =	vld [tilespmem:s11+$0xFFFFFFC0];
	v7 =	vmul.f32 v7, v15  }
0x90: {  	v14 =	vld [tilespmem:s11+$0x90];
	[tilespmem:s11+$0x80] =	vst v1  }
0x91: {  	[tilespmem:s12+$0xFFFFFF00] =	vst v7;
	v1 =	vmul.f32 v8, v2;
	v2 =	vld [tilespmem:s18+$0x90]  }
0x92: {  	v8 =	vld [tilespmem:s13+$0xFFFFFF10];
	v7 =	vmul.f32 v16, v9  }
0x93: {  	[tilespmem:s12+$0x10] =	vst v1;
	v1 =	vld [tilespmem:s12+$0x20]  }
0x94: {  	[tilespmem:s11+$0xFFFFFF60] =	vst v7;
	v7 =	vld [tilespmem:s13+$0x20]  }
0x95: {  	v3 =	vld [tilespmem:s11+$0xFFFFFF70]  }
0x96: {  	v15 =	vld [tilespmem:s12+$0xFFFFFF20];
	v2 =	vmul.f32 v2, v14  }
0x97: {  	v9 =	vld [tilespmem:s18+$0xFFFFFF70];
	v8 =	vmul.f32 v8, v17  }
0x98: {  	v14 =	vld [tilespmem:s11+$0xA0];
	[tilespmem:s11+$0x90] =	vst v2  }
0x99: {  	[tilespmem:s12+$0xFFFFFF10] =	vst v8;
	v1 =	vmul.f32 v7, v1;
	v2 =	vld [tilespmem:s18+$0xA0]  }
0x9a: {  	v7 =	vld [tilespmem:s13+$0xFFFFFF20]  }
0x9b: {  	v8 =	vld [tilespmem:s12+$0x30];
	[tilespmem:s12+$0x20] =	vst v1  }
0x9c: {  	v19 =	vld [tilespmem:s13+$0x30]  }
0x9d: {  	v6 =	vld [tilespmem:s11+$0xFFFFFF90];
	v3 =	vmul.f32 v9, v3  }
0x9e: {  	v16 =	vld [tilespmem:s12+$0xFFFFFF30];
	v2 =	vmul.f32 v2, v14  }
0x9f: {  	[tilespmem:s11+$0xFFFFFF70] =	vst v3;
	v3 =	vld [tilespmem:s11+$0xB0];
	v7 =	vmul.f32 v7, v15  }
0xa0: {  	v14 =	vld [tilespmem:s18+$0xFFFFFF80];
	[tilespmem:s11+$0xA0] =	vst v2  }
0xa1: {  	[tilespmem:s12+$0xFFFFFF20] =	vst v7;
	v2 =	vmul.f32 v19, v8;
	v15 =	vld [tilespmem:s18+$0xB0]  }
0xa2: {  	v7 =	vld [tilespmem:s13+$0xFFFFFF30]  }
0xa3: {  	[tilespmem:s12+$0x30] =	vst v2;
	v2 =	vld [tilespmem:s12+$0x40]  }
0xa4: {  	v19 =	vld [tilespmem:s13+$0x40]  }
0xa5: {  	v4 =	vld [tilespmem:s11+$0xFFFFFFA0];
	v11 =	vmul.f32 v14, v11  }
0xa6: {  	v10 =	vld [tilespmem:s11+$0xFFFFFFD0];
	v3 =	vmul.f32 v15, v3  }
0xa7: {  	[tilespmem:s11+$0xFFFFFF80] =	vst v11;
	v11 =	vld [tilespmem:s11+$0xC0];
	v7 =	vmul.f32 v7, v16  }
0xa8: {  	v14 =	vld [tilespmem:s18+$0xFFFFFF90];
	[tilespmem:s11+$0xB0] =	vst v3  }
0xa9: {  	[tilespmem:s12+$0xFFFFFF30] =	vst v7;
	v2 =	vmul.f32 v19, v2;
	v3 =	vld [tilespmem:s18+$0xC0]  }
0xaa: {  	v16 =	vld [tilespmem:s13+$0xFFFFFF40]  }
0xab: {  	[tilespmem:s12+$0x40] =	vst v2;
	v2 =	vld [tilespmem:s12+$0x50]  }
0xac: {  	v19 =	vld [tilespmem:s13+$0x50]  }
0xad: {  	v12 =	vld [tilespmem:s11+$0xFFFFFFE0];
	v6 =	vmul.f32 v14, v6  }
0xae: {  	v17 =	vld [tilespmem:s12+$0xFFFFFF50]  }
0xaf: {  	[tilespmem:s11+$0xFFFFFF90] =	vst v6;
	v6 =	vld [tilespmem:s11+$0xD0];
	v3 =	vmul.f32 v3, v11  }
0xb0: {  	v11 =	vmul.f32 v16, v18;
	v16 =	vld [tilespmem:s18+$0xFFFFFFA0]  }
0xb1: {  	v18 =	vld [tilespmem:s12+$0x60];
	[tilespmem:s11+$0xC0] =	vst v3;
	v2 =	vmul.f32 v19, v2  }
0xb2: {  	[tilespmem:s12+$0xFFFFFF40] =	vst v11;
	v3 =	vld [tilespmem:s18+$0xD0]  }
0xb3: {  	v11 =	vld [tilespmem:s13+$0xFFFFFF50];
	[tilespmem:s12+$0x50] =	vst v2  }
0xb4: {  	v19 =	vld [tilespmem:s13+$0x60]  }
0xb5: {  	v9 =	vld [tilespmem:s12+$0xFFFFFF60];
	v4 =	vmul.f32 v16, v4  }
0xb6: {  	v1 =	vld [tilespmem:s11+$0xFFFFFFF0]  }
0xb7: {  	v8 =	vld [tilespmem:s12+$0xFFFFFF90];
	[tilespmem:s11+$0xFFFFFFA0] =	vst v4;
	v3 =	vmul.f32 v3, v6  }
0xb8: {  	v6 =	vmul.f32 v11, v17;
	v11 =	vld [tilespmem:s18+$0xFFFFFFB0]  }
0xb9: {  	v4 =	vld [tilespmem:s11+$0xE0];
	[tilespmem:s11+$0xD0] =	vst v3;
	v3 =	vmul.f32 v19, v18  }
0xba: {  	v17 =	vld [tilespmem:s12+$0x70]  }
0xbb: {  	v16 =	vld [tilespmem:s18+$0xE0];
	[tilespmem:s12+$0x60] =	vst v3  }
0xbc: {  	[tilespmem:s12+$0xFFFFFF50] =	vst v6;
	v18 =	vld [tilespmem:s13+$0x70]  }
0xbd: {  	v6 =	vld [tilespmem:s13+$0xFFFFFF60];
	v11 =	vmul.f32 v11, v13  }
0xbe: {  	s17 =	simm.s32 $0x3A20;
	v13 =	vld [tilespmem:s14+$0x0]  }
0xbf: {  	[tilespmem:s11+$0xFFFFFFB0] =	vst v11;
	v11 =	vld [tilespmem:s17+$0x0]  }
0xc0: {  	v15 =	vld [tilespmem:s12+$0xFFFFFFB0]  }
0xc1: {  	v7 =	vld [tilespmem:s12+$0xFFFFFFA0];
	v17 =	vmul.f32 v18, v17  }
0xc2: {  	v4 =	vmul.f32 v16, v4;
	v6 =	vmul.f32 v6, v9;
	v9 =	vld [tilespmem:s14+$0xFFFFFF00]  }
0xc3: {  	v18 =	vld [tilespmem:s12+$0x80];
	[tilespmem:s12+$0x70] =	vst v17  }
0xc4: {  	[tilespmem:s11+$0xE0] =	vst v4;
	v4 =	vmul.f32 v11, v13;
	v17 =	vld [tilespmem:s13+$0x80]  }
0xc5: {  	v11 =	vld [tilespmem:s17+$0xFFFFFF00]  }
0xc6: {  	v13 =	vld [tilespmem:s14+$0x10];
	[tilespmem:s14+$0x0] =	vst v4  }
0xc7: {  	[tilespmem:s12+$0xFFFFFF60] =	vst v6;
	v6 =	vld [tilespmem:s17+$0x10]  }
0xc8: {  	v14 =	vld [tilespmem:s12+$0xFFFFFFC0]  }
0xc9: {  	v2 =	vld [tilespmem:s12+$0xFFFFFFD0];
	v17 =	vmul.f32 v17, v18  }
0xca: {  	v3 =	vld [tilespmem:s12+$0xFFFFFFE0];
	v9 =	vmul.f32 v11, v9  }
0xcb: {  	v18 =	vld [tilespmem:s12+$0x90];
	[tilespmem:s12+$0x80] =	vst v17  }
0xcc: {  	[tilespmem:s14+$0xFFFFFF00] =	vst v9;
	v6 =	vmul.f32 v6, v13;
	v13 =	vld [tilespmem:s13+$0x90]  }
0xcd: {  	v9 =	vld [tilespmem:s17+$0xFFFFFF10]  }
0xce: {  	v23 =	vld [tilespmem:s13+$0xFFFFFF70]  }
0xcf: {  	[tilespmem:s14+$0x10] =	vst v6;
	v6 =	vld [tilespmem:s14+$0x20]  }
0xd0: {  	v17 =	vld [tilespmem:s17+$0x20]  }
0xd1: {  	v19 =	vld [tilespmem:s18+$0xFFFFFFC0];
	v13 =	vmul.f32 v13, v18  }
0xd2: {  	v16 =	vld [tilespmem:s11+$0xF0];
	v9 =	vmul.f32 v9, v24  }
0xd3: {  	v20 =	vmul.f32 v23, v20;
	v11 =	vld [tilespmem:s14+$0xFFFFFF20];
	[tilespmem:s12+$0x90] =	vst v13  }
0xd4: {  	[tilespmem:s14+$0xFFFFFF10] =	vst v9;
	v9 =	vld [tilespmem:s13+$0xA0]  }
0xd5: {  	[tilespmem:s12+$0xFFFFFF70] =	vst v20;
	v6 =	vmul.f32 v17, v6;
	v17 =	vld [tilespmem:s17+$0xFFFFFF20]  }
0xd6: {  	v5 =	vmul.f32 v19, v5;
	v19 =	vld [tilespmem:s13+$0xFFFFFF80]  }
0xd7: {  	[tilespmem:s14+$0x20] =	vst v6;
	v6 =	vld [tilespmem:s14+$0x30]  }
0xd8: {  	[tilespmem:s11+$0xFFFFFFC0] =	vst v5;
	v5 =	vld [tilespmem:s17+$0x30]  }
0xd9: {  	v22 =	vld [tilespmem:s18+$0xF0];
	v9 =	vmul.f32 v9, v50  }
0xda: {  	v4 =	vld [tilespmem:s12+$0xFFFFFFF0];
	v17 =	vmul.f32 v17, v11  }
0xdb: {  	v20 =	vld [tilespmem:s18+$0xFFFFFFD0];
	[tilespmem:s12+$0xA0] =	vst v9  }
0xdc: {  	[tilespmem:s14+$0xFFFFFF20] =	vst v17;
	v9 =	vmul.f32 v19, v21;
	v19 =	vld [tilespmem:s13+$0xB0]  }
0xdd: {  	v5 =	vmul.f32 v5, v6;
	v6 =	vld [tilespmem:s17+$0xFFFFFF30]  }
0xde: {  	v18 =	vld [tilespmem:s14+$0xFFFFFF40]  }
0xdf: {  	v13 =	vld [tilespmem:s14+$0xFFFFFF50];
	[tilespmem:s12+$0xFFFFFF80] =	vst v9  }
0xe0: {  	v17 =	vld [tilespmem:s13+$0xFFFFFF90]  }
0xe1: {  	[tilespmem:s14+$0x30] =	vst v5;
	v5 =	vld [tilespmem:s14+$0x40];
	v19 =	vmul.f32 v19, v52  }
0xe2: {  	v53 =	vld [tilespmem:s17+$0x40];
	v54 =	vmul.f32 v6, v25  }
0xe3: {  	v11 =	vld [tilespmem:s14+$0xFFFFFF70];
	[tilespmem:s12+$0xB0] =	vst v19  }
0xe4: {  	[tilespmem:s14+$0xFFFFFF30] =	vst v54;
	v19 =	vld [tilespmem:s13+$0xC0]  }
0xe5: {  	v8 =	vmul.f32 v17, v8;
	v17 =	vld [tilespmem:s17+$0xFFFFFF40]  }
0xe6: {  	v9 =	vld [tilespmem:s14+$0xFFFFFF80]  }
0xe7: {  	v6 =	vld [tilespmem:s14+$0xFFFFFF90];
	v21 =	vmul.f32 v53, v5;
	[tilespmem:s12+$0xFFFFFF90] =	vst v8  }
0xe8: {  	v56 =	vld [tilespmem:s13+$0xFFFFFFA0]  }
0xe9: {  	v5 =	vld [tilespmem:s14+$0xFFFFFFA0];
	[tilespmem:s14+$0x40] =	vst v21;
	v8 =	vmul.f32 v19, v55  }
0xea: {  	v17 =	vmul.f32 v17, v18;
	v19 =	vld [tilespmem:s17+$0x50]  }
0xeb: {  	v18 =	vld [tilespmem:s12+$0xD0];
	[tilespmem:s12+$0xC0] =	vst v8  }
0xec: {  	[tilespmem:s14+$0xFFFFFF40] =	vst v17;
	v17 =	vld [tilespmem:s13+$0xD0]  }
0xed: {  	v8 =	vld [tilespmem:s14+$0xFFFFFFB0];
	v24 =	vmul.f32 v56, v7  }
0xee: {  	v58 =	vld [tilespmem:s17+$0xFFFFFF50]  }
0xef: {  	v7 =	vld [tilespmem:s14+$0xFFFFFFC0];
	[tilespmem:s12+$0xFFFFFFA0] =	vst v24;
	v19 =	vmul.f32 v19, v57  }
0xf0: {  	v59 =	vld [tilespmem:s13+$0xFFFFFFB0]  }
0xf1: {  	[tilespmem:s14+$0x50] =	vst v19;
	v19 =	vld [tilespmem:s12+$0xE0];
	v17 =	vmul.f32 v17, v18  }
0xf2: {  	v10 =	vmul.f32 v20, v10;
	v18 =	vld [tilespmem:s14+$0x60]  }
0xf3: {  	v24 =	vmul.f32 v58, v13;
	v20 =	vld [tilespmem:s17+$0x60];
	[tilespmem:s12+$0xD0] =	vst v17  }
0xf4: {  	[tilespmem:s11+$0xFFFFFFD0] =	vst v10;
	v17 =	vld [tilespmem:s13+$0xE0]  }
0xf5: {  	[tilespmem:s14+$0xFFFFFF50] =	vst v24;
	v10 =	vmul.f32 v59, v15;
	v15 =	vld [tilespmem:s18+$0xFFFFFFE0]  }
0xf6: {  	v60 =	vld [tilespmem:s17+$0xFFFFFF60]  }
0xf7: {  	v13 =	vld [tilespmem:s14+$0xFFFFFFD0];
	[tilespmem:s12+$0xFFFFFFB0] =	vst v10  }
0xf8: {  	v18 =	vmul.f32 v20, v18;
	v20 =	vld [tilespmem:s13+$0xFFFFFFC0]  }
0xf9: {  	v10 =	vld [tilespmem:s14+$0xFFFFFFE0];
	v17 =	vmul.f32 v17, v19  }
0xfa: {  	[tilespmem:s14+$0x60] =	vst v18;
	v12 =	vmul.f32 v15, v12;
	v19 =	vld [tilespmem:s14+$0x70]  }
0xfb: {  	v15 =	vmul.f32 v60, v51;
	v62 =	vld [tilespmem:s17+$0x70];
	[tilespmem:s12+$0xE0] =	vst v17  }
0xfc: {  	[tilespmem:s11+$0xFFFFFFE0] =	vst v12;
	v63 =	vld [tilespmem:s13+$0xF0]  }
0xfd: {  	[tilespmem:s14+$0xFFFFFF60] =	vst v15;
	v15 =	vmul.f32 v20, v14;
	v14 =	vld [tilespmem:s18+$0xFFFFFFF0]  }
0xfe: {  	v18 =	vld [tilespmem:s17+$0xFFFFFF70]  }
0xff: {  	v16 =	vmul.f32 v22, v16;
	v12 =	vld [tilespmem:s14+$0xFFFFFFF0];
	[tilespmem:s12+$0xFFFFFFC0] =	vst v15  }
0x100: {  	v15 =	vld [tilespmem:s13+$0xFFFFFFD0];
	v19 =	vmul.f32 v62, v19  }
0x101: {  	s25 =	simm.s32 $0xA20;
	s7 =	simm.s32 $0x4;
	[tilespmem:s11+$0xF0] =	vst v16;
	v17 =	vld [tilespmem:s14+$0x80];
	s18 =	simm.s32 $0x3A20;
	v16 =	vmul.f32 v63, v61  }
.LBB2_5:
0x102: {  	v20 =	vld [tilespmem:s25+$0x0];
	[tilespmem:s14+$0x70] =	vst v19;
	s17 =	sadd.s32 $0x200, s17;
	v14 =	vmul.f32 v14, v1;
	v1 =	vmov v4  }
0x103: {  	v19 =	vld [tilespmem:s17+$0x0];
	v11 =	vmul.f32 v18, v11;
	[tilespmem:s12+$0xF0] =	vst v16  }
0x104: {  	s7 =	sadd.s32 $0x2, s7;
	v16 =	vld [tilespmem:s18+$0x80];
	[tilespmem:s11+$0xFFFFFFF0] =	vst v14;
	v4 =	vmov v12;
	s11 =	smov.u32 s12;
	s12 =	smov.u32 s14  }
0x105: {  	p0 =	slt.u32 s7, $0x16;
	s14 =	smov.u32 s25;
	v12 =	vld [tilespmem:s17+$0xFFFFFF00];
	[tilespmem:s12+$0xFFFFFF70] =	vst v11;
	v11 =	vmul.f32 v15, v2;
	v2 =	vmov v13  }
0x106: {  	v13 =	vld [tilespmem:s25+$0xFFFFFF00]  }
0x107: {  	v14 =	vld [tilespmem:s25+$0xFFFFFF10];
	[tilespmem:s11+$0xFFFFFFD0] =	vst v11  }
0x108: {  	v15 =	vld [tilespmem:s25+$0xFFFFFF20];
	v11 =	vmul.f32 v19, v20  }
0x109: {  	v16 =	vmul.f32 v16, v17;
	v17 =	vld [tilespmem:s12+$0x90]  }
0x10a: {  	[tilespmem:s25+$0x0] =	vst v11;
	v11 =	vld [tilespmem:s25+$0x10]  }
0x10b: {  	v12 =	vmul.f32 v12, v13;
	v13 =	vld [tilespmem:s17+$0x10];
	[tilespmem:s12+$0x80] =	vst v16  }
0x10c: {  	v16 =	vld [tilespmem:s18+$0x90]  }
0x10d: {  	[tilespmem:s25+$0xFFFFFF00] =	vst v12;
	v12 =	vld [tilespmem:s25+$0xFFFFFF30]  }
0x10e: {  	v18 =	vld [tilespmem:s17+$0xFFFFFF10]  }
0x10f: {  	v19 =	vld [tilespmem:s25+$0xFFFFFF40]  }
0x110: {  	v20 =	vld [tilespmem:s25+$0xFFFFFF50];
	v11 =	vmul.f32 v13, v11  }
0x111: {  	v13 =	vmul.f32 v16, v17;
	v16 =	vld [tilespmem:s12+$0xA0]  }
0x112: {  	[tilespmem:s25+$0x10] =	vst v11;
	v17 =	vld [tilespmem:s25+$0x20]  }
0x113: {  	v11 =	vmul.f32 v18, v14;
	v14 =	vld [tilespmem:s17+$0x20];
	[tilespmem:s12+$0x90] =	vst v13  }
0x114: {  	v13 =	vld [tilespmem:s18+$0xA0]  }
0x115: {  	[tilespmem:s25+$0xFFFFFF10] =	vst v11;
	v18 =	vld [tilespmem:s25+$0xFFFFFF60]  }
0x116: {  	v21 =	vld [tilespmem:s17+$0xFFFFFF20]  }
0x117: {  	v11 =	vld [tilespmem:s25+$0xFFFFFF70]  }
0x118: {  	v14 =	vmul.f32 v14, v17;
	v17 =	vld [tilespmem:s18+$0xFFFFFF80]  }
0x119: {  	v13 =	vmul.f32 v13, v16;
	v16 =	vld [tilespmem:s12+$0xB0]  }
0x11a: {  	[tilespmem:s25+$0x20] =	vst v14;
	v14 =	vld [tilespmem:s25+$0x30]  }
0x11b: {  	v15 =	vmul.f32 v21, v15;
	v21 =	vld [tilespmem:s17+$0x30];
	[tilespmem:s12+$0xA0] =	vst v13  }
0x11c: {  	v13 =	vld [tilespmem:s18+$0xB0]  }
0x11d: {  	[tilespmem:s25+$0xFFFFFF20] =	vst v15;
	v15 =	vmul.f32 v17, v9;
	v9 =	vld [tilespmem:s25+$0xFFFFFF80]  }
0x11e: {  	v17 =	vld [tilespmem:s17+$0xFFFFFF30]  }
0x11f: {  	v22 =	vld [tilespmem:s25+$0xFFFFFF90];
	[tilespmem:s12+$0xFFFFFF80] =	vst v15  }
0x120: {  	v14 =	vmul.f32 v21, v14;
	v15 =	vld [tilespmem:s18+$0xFFFFFF90]  }
0x121: {  	v13 =	vmul.f32 v13, v16;
	v16 =	vld [tilespmem:s12+$0xC0]  }
0x122: {  	[tilespmem:s25+$0x30] =	vst v14;
	v14 =	vld [tilespmem:s25+$0x40]  }
0x123: {  	v12 =	vmul.f32 v17, v12;
	v17 =	vld [tilespmem:s17+$0x40];
	[tilespmem:s12+$0xB0] =	vst v13  }
0x124: {  	v13 =	vld [tilespmem:s18+$0xC0]  }
0x125: {  	[tilespmem:s25+$0xFFFFFF30] =	vst v12;
	v12 =	vld [tilespmem:s25+$0xFFFFFFA0];
	v15 =	vmul.f32 v15, v6;
	v6 =	vmov v22  }
0x126: {  	v21 =	vld [tilespmem:s17+$0xFFFFFF40]  }
0x127: {  	v22 =	vld [tilespmem:s25+$0xFFFFFFB0];
	[tilespmem:s12+$0xFFFFFF90] =	vst v15  }
0x128: {  	v14 =	vmul.f32 v17, v14;
	v15 =	vld [tilespmem:s18+$0xFFFFFFA0]  }
0x129: {  	v13 =	vmul.f32 v13, v16;
	v16 =	vld [tilespmem:s12+$0xD0]  }
0x12a: {  	[tilespmem:s25+$0x40] =	vst v14;
	v14 =	vld [tilespmem:s25+$0x50]  }
0x12b: {  	v17 =	vmul.f32 v21, v19;
	v19 =	vld [tilespmem:s17+$0x50];
	[tilespmem:s12+$0xC0] =	vst v13  }
0x12c: {  	v21 =	vld [tilespmem:s18+$0xD0]  }
0x12d: {  	[tilespmem:s25+$0xFFFFFF40] =	vst v17;
	v17 =	vld [tilespmem:s25+$0xFFFFFFC0];
	v15 =	vmul.f32 v15, v5;
	v5 =	vmov v12  }
0x12e: {  	v12 =	vld [tilespmem:s17+$0xFFFFFF50]  }
0x12f: {  	v13 =	vld [tilespmem:s25+$0xFFFFFFD0];
	[tilespmem:s12+$0xFFFFFFA0] =	vst v15  }
0x130: {  	v14 =	vmul.f32 v19, v14;
	v15 =	vld [tilespmem:s18+$0xFFFFFFB0]  }
0x131: {  	v16 =	vmul.f32 v21, v16;
	v19 =	vld [tilespmem:s12+$0xE0]  }
0x132: {  	[tilespmem:s25+$0x50] =	vst v14;
	v14 =	vld [tilespmem:s25+$0x60]  }
0x133: {  	v12 =	vmul.f32 v12, v20;
	v20 =	vld [tilespmem:s17+$0x60];
	[tilespmem:s12+$0xD0] =	vst v16  }
0x134: {  	v16 =	vld [tilespmem:s18+$0xE0]  }
0x135: {  	[tilespmem:s25+$0xFFFFFF50] =	vst v12;
	v12 =	vmul.f32 v15, v8;
	v15 =	vld [tilespmem:s13+$0xFFFFFFE0];
	v8 =	vmov v22  }
0x136: {  	v21 =	vld [tilespmem:s17+$0xFFFFFF60]  }
0x137: {  	v22 =	vld [tilespmem:s25+$0xFFFFFFE0];
	[tilespmem:s12+$0xFFFFFFB0] =	vst v12  }
0x138: {  	v12 =	vmul.f32 v20, v14;
	v14 =	vld [tilespmem:s18+$0xFFFFFFC0]  }
0x139: {  	v16 =	vmul.f32 v16, v19;
	v20 =	vld [tilespmem:s12+$0xF0]  }
0x13a: {  	[tilespmem:s25+$0x60] =	vst v12;
	v19 =	vld [tilespmem:s25+$0x70];
	v12 =	vmul.f32 v15, v3;
	v3 =	vmov v10  }
0x13b: {  	v15 =	vmul.f32 v21, v18;
	v21 =	vld [tilespmem:s17+$0x70];
	[tilespmem:s12+$0xE0] =	vst v16  }
0x13c: {  	v16 =	vld [tilespmem:s18+$0xF0];
	[tilespmem:s11+$0xFFFFFFE0] =	vst v12;
	v10 =	vmov v22  }
.Ltmp3:
0x13d: {  	[tilespmem:s25+$0xFFFFFF60] =	vst v15;
	v15 =	vmul.f32 v14, v7;
	v14 =	vld [tilespmem:s13+$0xFFFFFFF0];
	v7 =	vmov v17;
	s13 =	smov.u32 s18;
	s18 =	smov.u32 s17;
	(pc) =	sbr.rel @p0 .LBB2_5-.Ltmp3, $4  }
0x13e: {  	v18 =	vld [tilespmem:s17+$0xFFFFFF70]  }
0x13f: {  	v12 =	vld [tilespmem:s25+$0xFFFFFFF0];
	[tilespmem:s12+$0xFFFFFFC0] =	vst v15  }
0x140: {  	v19 =	vmul.f32 v21, v19;
	v15 =	vld [tilespmem:s13+$0xFFFFFFD0]  }
0x141: {  	s25 =	sadd.s32 $0x200, s25;
	v17 =	vld [tilespmem:s14+$0x80];
	v16 =	vmul.f32 v16, v20  }
0x142: {  	_ = 	snop  }
0x143: {  	[tilespmem:s14+$0x70] =	vst v19;
	v11 =	vmul.f32 v18, v11  }
0x144: {  	v18 =	vld [tilespmem:s18+$0x80]  }
0x145: {  	[tilespmem:s14+$0xFFFFFF70] =	vst v11  }
0x146: {  	v11 =	vld [tilespmem:s18+$0xFFFFFF80];
	_ =	sdelay $0x2  }
0x147: {  	v17 =	vmul.f32 v18, v17;
	_ =	sdelay $0x1  }
0x148: {  	v18 =	vld [tilespmem:s14+$0x90];
	[tilespmem:s14+$0x80] =	vst v17;
	v9 =	vmul.f32 v11, v9  }
0x149: {  	v11 =	vld [tilespmem:s18+$0x90]  }
0x14a: {  	[tilespmem:s14+$0xFFFFFF80] =	vst v9  }
0x14b: {  	v9 =	vld [tilespmem:s18+$0xFFFFFF90];
	_ =	sdelay $0x2  }
0x14c: {  	v11 =	vmul.f32 v11, v18;
	_ =	sdelay $0x1  }
0x14d: {  	v17 =	vld [tilespmem:s14+$0xA0];
	[tilespmem:s14+$0x90] =	vst v11;
	v6 =	vmul.f32 v9, v6  }
0x14e: {  	v9 =	vld [tilespmem:s18+$0xA0]  }
0x14f: {  	[tilespmem:s14+$0xFFFFFF90] =	vst v6  }
0x150: {  	v6 =	vld [tilespmem:s18+$0xFFFFFFA0];
	_ =	sdelay $0x2  }
0x151: {  	v9 =	vmul.f32 v9, v17;
	_ =	sdelay $0x1  }
0x152: {  	v11 =	vld [tilespmem:s14+$0xB0];
	[tilespmem:s14+$0xA0] =	vst v9;
	v5 =	vmul.f32 v6, v5  }
0x153: {  	v6 =	vld [tilespmem:s18+$0xB0]  }
0x154: {  	[tilespmem:s14+$0xFFFFFFA0] =	vst v5  }
0x155: {  	v5 =	vld [tilespmem:s18+$0xFFFFFFB0];
	_ =	sdelay $0x2  }
0x156: {  	v6 =	vmul.f32 v6, v11;
	_ =	sdelay $0x1  }
0x157: {  	v9 =	vld [tilespmem:s14+$0xC0];
	[tilespmem:s14+$0xB0] =	vst v6;
	v5 =	vmul.f32 v5, v8  }
0x158: {  	v6 =	vld [tilespmem:s18+$0xC0]  }
0x159: {  	[tilespmem:s14+$0xFFFFFFB0] =	vst v5  }
0x15a: {  	v5 =	vld [tilespmem:s18+$0xFFFFFFC0];
	_ =	sdelay $0x2  }
0x15b: {  	v6 =	vmul.f32 v6, v9;
	_ =	sdelay $0x1  }
0x15c: {  	v8 =	vld [tilespmem:s14+$0xD0];
	[tilespmem:s14+$0xC0] =	vst v6;
	v5 =	vmul.f32 v5, v7  }
0x15d: {  	v6 =	vld [tilespmem:s18+$0xD0]  }
0x15e: {  	[tilespmem:s14+$0xFFFFFFC0] =	vst v5  }
0x15f: {  	v5 =	vld [tilespmem:s18+$0xFFFFFFD0];
	_ =	sdelay $0x1  }
0x160: {  	v2 =	vmul.f32 v15, v2  }
0x161: {  	v6 =	vmul.f32 v6, v8  }
0x162: {  	[tilespmem:s12+$0xFFFFFFD0] =	vst v2;
	v7 =	vld [tilespmem:s14+$0xE0]  }
0x163: {  	[tilespmem:s14+$0xD0] =	vst v6;
	v6 =	vld [tilespmem:s13+$0xFFFFFFE0];
	v5 =	vmul.f32 v5, v13  }
0x164: {  	v2 =	vld [tilespmem:s18+$0xE0]  }
0x165: {  	[tilespmem:s14+$0xFFFFFFD0] =	vst v5  }
0x166: {  	v5 =	vld [tilespmem:s18+$0xFFFFFFE0];
	_ =	sdelay $0x1  }
0x167: {  	v3 =	vmul.f32 v6, v3  }
0x168: {  	v2 =	vmul.f32 v2, v7  }
0x169: {  	[tilespmem:s12+$0xFFFFFFE0] =	vst v3  }
0x16a: {  	v7 =	vld [tilespmem:s14+$0xF0];
	[tilespmem:s14+$0xE0] =	vst v2;
	v2 =	vmul.f32 v5, v10  }
0x16b: {  	v3 =	vld [tilespmem:s13+$0xFFFFFFF0]  }
0x16c: {  	v5 =	vld [tilespmem:s18+$0xF0];
	[tilespmem:s14+$0xFFFFFFE0] =	vst v2  }
0x16d: {  	v2 =	vld [tilespmem:s18+$0xFFFFFFF0]  }
0x16e: {  	v1 =	vmul.f32 v14, v1;
	_ =	sdelay $0x1  }
0x16f: {  	[tilespmem:s11+$0xFFFFFFF0] =	vst v1;
	v1 =	vmul.f32 v3, v4  }
0x170: {  	[tilespmem:s12+$0xF0] =	vst v16;
	v5 =	vmul.f32 v5, v7  }
0x171: {  	[tilespmem:s12+$0xFFFFFFF0] =	vst v1;
	v2 =	vmul.f32 v2, v12  }
0x172: {  	[tilespmem:s14+$0xF0] =	vst v5  }
0x173: {  	[tilespmem:s14+$0xFFFFFFF0] =	vst v2  }
0x174: {  	v1 =	vld [tilespmem:$0x1B20]  }
0x175: {  	v2 =	vld [tilespmem:$0x4D20]  }
0x176: {  	v3 =	vld [tilespmem:$0x1B30]  }
0x177: {  	v4 =	vld [tilespmem:$0x4D30]  }
0x178: {  	v5 =	vld [tilespmem:$0x1B40]  }
0x179: {  	v6 =	vld [tilespmem:$0x4D40]  }
0x17a: {  	v7 =	vld [tilespmem:$0x1B50]  }
0x17b: {  	v8 =	vld [tilespmem:$0x4D50]  }
0x17c: {  	v9 =	vld [tilespmem:$0x1B60]  }
0x17d: {  	v10 =	vld [tilespmem:$0x4D60]  }
0x17e: {  	v11 =	vld [tilespmem:$0x1B70]  }
0x17f: {  	v12 =	vld [tilespmem:$0x4D70]  }
0x180: {  	v13 =	vld [tilespmem:$0x1B80]  }
0x181: {  	v14 =	vld [tilespmem:$0x4D80]  }
0x182: {  	v15 =	vld [tilespmem:$0x1B90]  }
0x183: {  	v16 =	vld [tilespmem:$0x4D90]  }
0x184: {  	v17 =	vld [tilespmem:$0x1BA0]  }
0x185: {  	v18 =	vld [tilespmem:$0x4DA0]  }
0x186: {  	v19 =	vld [tilespmem:$0x1BB0]  }
0x187: {  	v20 =	vld [tilespmem:$0x4DB0]  }
0x188: {  	v21 =	vld [tilespmem:$0x1BC0]  }
0x189: {  	v1 =	vmul.f32 v2, v1;
	v2 =	vld [tilespmem:$0x4DC0]  }
0x18a: {  	v3 =	vmul.f32 v4, v3;
	v4 =	vld [tilespmem:$0x1BD0]  }
0x18b: {  	[tilespmem:$0x1B20] =	vst v1;
	v1 =	vmul.f32 v6, v5;
	v5 =	vld [tilespmem:$0x4DD0]  }
0x18c: {  	[tilespmem:$0x1B30] =	vst v3;
	v3 =	vmul.f32 v8, v7;
	v6 =	vld [tilespmem:$0x1BE0]  }
0x18d: {  	v7 =	vld [tilespmem:$0x4DE0];
	[tilespmem:$0x1B40] =	vst v1;
	v1 =	vmul.f32 v10, v9  }
0x18e: {  	v8 =	vld [tilespmem:$0x1BF0];
	[tilespmem:$0x1B50] =	vst v3;
	v3 =	vmul.f32 v12, v11  }
0x18f: {  	v9 =	vld [tilespmem:$0x4DF0];
	[tilespmem:$0x1B60] =	vst v1;
	v1 =	vmul.f32 v14, v13  }
0x190: {  	v10 =	vld [tilespmem:$0x1C00];
	[tilespmem:$0x1B70] =	vst v3;
	v3 =	vmul.f32 v16, v15  }
0x191: {  	v11 =	vld [tilespmem:$0x4E00];
	[tilespmem:$0x1B80] =	vst v1;
	v1 =	vmul.f32 v18, v17  }
0x192: {  	v12 =	vld [tilespmem:$0x1C10];
	[tilespmem:$0x1B90] =	vst v3;
	v3 =	vmul.f32 v20, v19  }
0x193: {  	[tilespmem:$0x1BA0] =	vst v1;
	v1 =	vmul.f32 v2, v21;
	v2 =	vld [tilespmem:$0x4E10]  }
0x194: {  	[tilespmem:$0x1BB0] =	vst v3;
	v3 =	vmul.f32 v5, v4  }
0x195: {  	[tilespmem:$0x1BC0] =	vst v1;
	v1 =	vmul.f32 v7, v6  }
0x196: {  	[tilespmem:$0x1BD0] =	vst v3;
	v3 =	vmul.f32 v9, v8  }
0x197: {  	[tilespmem:$0x1BE0] =	vst v1;
	v1 =	vmul.f32 v11, v10  }
0x198: {  	[tilespmem:$0x1BF0] =	vst v3;
	v2 =	vmul.f32 v2, v12  }
0x199: {  	[tilespmem:$0x1C00] =	vst v1  }
0x19a: {  	[tilespmem:$0x1C10] =	vst v2  }
0x19b: {  	[spmem:s2] =	stream.indirect.scatter.add.f32 [tilespmem:s22], [sflag:$0x7], $0x20, s21, s21, $0xb8;
	[tilespmem:$0x10720] =	vst v63  }
0x19c: {  	_ =	swait.ge [sflag:s20], $0x1900  }
0x19d: {  	p0 =	seq.s32 s1, $0x18;
	[sflag:s20] =	ssyncset.done $0x0  }
0x19e: {  	s7 =	simm.s32 @p0 $0x2;
	[sflag:s20] =	ssyncadd.s32 $0xFFFFE700  }
0x19f: {  	_ =	swait.ge @p0 [sflag:s7], $0x1900  }
0x1a0: {  	[sflag:s7] =	ssyncset.done @p0 $0x0  }
0x1a1: {  	[sflag:s7] =	ssyncadd.s32 @p0 $0xFFFFE700;
	s7 =	simm.s32 @p0 $0x4  }
0x1a2: {  	s11 =	sadd.s32 @!p0 s8, s15;
	_ =	swait.ge @p0 [sflag:s7], $0x1900  }
0x1a3: {  	s12 =	sshrl.u32 @!p0 s11, $0x3;
	[sflag:s7] =	ssyncset.done @p0 $0x0  }
0x1a4: {  	s13 =	simm.s32 @!p0 $0x0;
	[sflag:s7] =	ssyncadd.s32 @p0 $0xFFFFE700;
	s7 =	sadd.s32 @!p0 s5, s12  }
0x1a5: {  	[tilespmem:s13], [sflag:$0x5] =	stream.linear.gather @!p0 [hbm4b:s7+s13], $0xC8, $0x38;
	[tilespmem:$0x10720] =	vst v63  }
0x1a6: {  	s7 =	sadd.s32 @!p0 s6, s12;
	s12 =	simm.s32 @!p0 $0xC8  }
0x1a7: {  	[tilespmem:s12], [sflag:$0x5] =	stream.linear.gather @!p0 [hbm4b:s7+s13], $0xC8, $0x38;
	[tilespmem:$0x10720] =	vst v63  }
0x1a8: {  	s7 =	simm.s32 @!p0 $0x2  }
0x1a9: {  	_ =	swait.ge @!p0 [sflag:s7], $0x1900  }
0x1aa: {  	[sflag:s7] =	ssyncset.done @!p0 $0x0  }
0x1ab: {  	[sflag:s7] =	ssyncadd.s32 @!p0 $0xFFFFE700;
	s7 =	simm.s32 @!p0 $0x4  }
0x1ac: {  	_ =	swait.ge @!p0 [sflag:s7], $0x1900  }
0x1ad: {  	[sflag:s7] =	ssyncset.done @!p0 $0x0  }
0x1ae: {  	[sflag:s7] =	ssyncadd.s32 @!p0 $0xFFFFE700;
	s7 =	simm.s32 @!p0 $0x5  }
0x1af: {  	_ =	swait.ge @!p0 [sflag:s7], $0xC8  }
0x1b0: {  	[sflag:s7] =	ssyncset.done @!p0 $0x0  }
0x1b1: {  	[sflag:s7] =	ssyncadd.s32 @!p0 $0xFFFFFF38  }
0x1b2: {  	_ =	swait.ge @!p0 [sflag:s7], $0xC8  }
0x1b3: {  	[sflag:s7] =	ssyncset.done @!p0 $0x0  }
0x1b4: {  	[sflag:s7] =	ssyncadd.s32 @!p0 $0xFFFFFF38;
	s7 =	simm.s32 @!p0 $0x320  }
0x1b5: {  	[tilespmem:s7], [sflag:$0x1] =	stream.indirect.gather @!p0 [hbm4b:s4+s12], $0x20, s13, s12, $0xb8;
	[tilespmem:$0x10720] =	vst v63  }
0x1b6: {  	s7 =	sshll.u32 @!p0 s11, $0x4  }
0x1b7: {  	s11 =	simm.s32 @!p0 $0x20;
	s7 =	sand.u32 @!p0 $0x1FFFFF00, s7  }
0x1b8: {  	s12 =	simm.s32 @!p0 $0x80;
	s13 =	simm.s32 @!p0 $0x3520;
	s7 =	sadd.s32 @!p0 s7, s9  }
0x1b9: {  	[tilespmem:s13], [sflag:$0x3] =	stream.strided.gather @!p0 [hbm4b:s7+s11], $0x1900, s12, s11, $0x38;
	[tilespmem:$0x10720] =	vst v63  }
0x1ba: {  	s11 =	simm.s32 $0x1D20  }
0x1bb: {  	s25 =	simm.s32 $0x4F20;
	v1 =	vld [tilespmem:s11+$0x0]  }
0x1bc: {  	v2 =	vld [tilespmem:s25+$0x0];
	_ =	sdelay $0x4  }
0x1bd: {  	v1 =	vmul.f32 v2, v1;
	_ =	sdelay $0x1  }
0x1be: {  	[tilespmem:s11+$0x0] =	vst v1;
	v1 =	vld [tilespmem:s11+$0x10]  }
0x1bf: {  	v2 =	vld [tilespmem:s25+$0x10];
	_ =	sdelay $0x4  }
0x1c0: {  	v1 =	vmul.f32 v2, v1;
	_ =	sdelay $0x1  }
0x1c1: {  	[tilespmem:s11+$0x10] =	vst v1;
	v1 =	vld [tilespmem:s11+$0x20]  }
0x1c2: {  	v2 =	vld [tilespmem:s25+$0x20];
	_ =	sdelay $0x3  }
0x1c3: {  	v3 =	vld [tilespmem:s11+$0xFFFFFF00]  }
0x1c4: {  	v1 =	vmul.f32 v2, v1;
	v2 =	vld [tilespmem:s25+$0xFFFFFF00];
	_ =	sdelay $0x2  }
0x1c5: {  	[tilespmem:s11+$0x20] =	vst v1;
	v1 =	vld [tilespmem:s11+$0x30]  }
0x1c6: {  	v4 =	vld [tilespmem:s25+$0x30]  }
0x1c7: {  	v2 =	vmul.f32 v2, v3;
	_ =	sdelay $0x1  }
0x1c8: {  	v5 =	vld [tilespmem:s11+$0xFFFFFF10];
	[tilespmem:s11+$0xFFFFFF00] =	vst v2  }
0x1c9: {  	v2 =	vld [tilespmem:s25+$0xFFFFFF10]  }
0x1ca: {  	v1 =	vmul.f32 v4, v1  }
0x1cb: {  	v6 =	vld [tilespmem:s11+$0xFFFFFF30]  }
0x1cc: {  	[tilespmem:s11+$0x30] =	vst v1;
	v1 =	vld [tilespmem:s11+$0x40]  }
0x1cd: {  	v4 =	vld [tilespmem:s25+$0x40]  }
0x1ce: {  	v7 =	vld [tilespmem:s11+$0xFFFFFF40];
	v2 =	vmul.f32 v2, v5  }
0x1cf: {  	v8 =	vld [tilespmem:s11+$0xFFFFFF50]  }
0x1d0: {  	v3 =	vld [tilespmem:s11+$0xFFFFFF20];
	[tilespmem:s11+$0xFFFFFF10] =	vst v2  }
0x1d1: {  	v2 =	vld [tilespmem:s25+$0xFFFFFF20]  }
0x1d2: {  	v9 =	vld [tilespmem:s11+$0xFFFFFF60];
	v1 =	vmul.f32 v4, v1  }
0x1d3: {  	v11 =	vld [tilespmem:s11+$0xFFFFFF80]  }
0x1d4: {  	[tilespmem:s11+$0x40] =	vst v1;
	v1 =	vld [tilespmem:s11+$0x50]  }
0x1d5: {  	v4 =	vld [tilespmem:s25+$0x50]  }
0x1d6: {  	v13 =	vld [tilespmem:s11+$0xFFFFFFB0];
	v2 =	vmul.f32 v2, v3  }
0x1d7: {  	s12 =	simm.s32 $0x1F20;
	v14 =	vld [tilespmem:s11+$0x80]  }
0x1d8: {  	v15 =	vld [tilespmem:s12+$0xFFFFFF00];
	[tilespmem:s11+$0xFFFFFF20] =	vst v2  }
0x1d9: {  	v2 =	vld [tilespmem:s25+$0xFFFFFF30]  }
0x1da: {  	v17 =	vld [tilespmem:s12+$0xFFFFFF10];
	v1 =	vmul.f32 v4, v1  }
0x1db: {  	v18 =	vld [tilespmem:s12+$0xFFFFFF40]  }
0x1dc: {  	[tilespmem:s11+$0x50] =	vst v1;
	v1 =	vld [tilespmem:s11+$0x60]  }
0x1dd: {  	v4 =	vld [tilespmem:s25+$0x60]  }
0x1de: {  	v20 =	vld [tilespmem:s12+$0xFFFFFF70];
	v2 =	vmul.f32 v2, v6  }
0x1df: {  	s14 =	simm.s32 $0x2120;
	v49 =	vld [tilespmem:s12+$0xFFFFFF80]  }
0x1e0: {  	v24 =	vld [tilespmem:s14+$0xFFFFFF10];
	[tilespmem:s11+$0xFFFFFF30] =	vst v2  }
0x1e1: {  	v2 =	vld [tilespmem:s25+$0xFFFFFF40]  }
0x1e2: {  	v25 =	vld [tilespmem:s14+$0xFFFFFF30];
	v1 =	vmul.f32 v4, v1  }
0x1e3: {  	v50 =	vld [tilespmem:s12+$0xA0]  }
0x1e4: {  	[tilespmem:s11+$0x60] =	vst v1;
	v1 =	vld [tilespmem:s11+$0x70]  }
0x1e5: {  	v10 =	vld [tilespmem:s25+$0x70]  }
0x1e6: {  	v51 =	vld [tilespmem:s14+$0xFFFFFF60];
	v2 =	vmul.f32 v2, v7  }
0x1e7: {  	s13 =	simm.s32 $0x5120;
	v7 =	vld [tilespmem:s12+$0x0]  }
0x1e8: {  	[tilespmem:s11+$0xFFFFFF40] =	vst v2;
	v2 =	vld [tilespmem:s13+$0x0]  }
0x1e9: {  	v12 =	vld [tilespmem:s25+$0xFFFFFF50]  }
0x1ea: {  	v52 =	vld [tilespmem:s12+$0xB0];
	v1 =	vmul.f32 v10, v1  }
0x1eb: {  	v55 =	vld [tilespmem:s12+$0xC0]  }
0x1ec: {  	v57 =	vld [tilespmem:s14+$0x50];
	[tilespmem:s11+$0x70] =	vst v1  }
0x1ed: {  	v1 =	vld [tilespmem:s25+$0x80];
	v2 =	vmul.f32 v2, v7  }
0x1ee: {  	v7 =	vld [tilespmem:s13+$0xFFFFFF00];
	v8 =	vmul.f32 v12, v8  }
0x1ef: {  	[tilespmem:s12+$0x0] =	vst v2;
	v2 =	vld [tilespmem:s12+$0x10]  }
0x1f0: {  	[tilespmem:s11+$0xFFFFFF50] =	vst v8;
	v8 =	vld [tilespmem:s13+$0x10]  }
0x1f1: {  	v16 =	vld [tilespmem:s25+$0xFFFFFF60]  }
0x1f2: {  	v61 =	vld [tilespmem:s12+$0xF0];
	v1 =	vmul.f32 v1, v14  }
0x1f3: {  	v5 =	vld [tilespmem:s11+$0xFFFFFFC0];
	v7 =	vmul.f32 v7, v15  }
0x1f4: {  	v14 =	vld [tilespmem:s11+$0x90];
	[tilespmem:s11+$0x80] =	vst v1  }
0x1f5: {  	[tilespmem:s12+$0xFFFFFF00] =	vst v7;
	v1 =	vmul.f32 v8, v2;
	v2 =	vld [tilespmem:s25+$0x90]  }
0x1f6: {  	v8 =	vld [tilespmem:s13+$0xFFFFFF10];
	v7 =	vmul.f32 v16, v9  }
0x1f7: {  	[tilespmem:s12+$0x10] =	vst v1;
	v1 =	vld [tilespmem:s12+$0x20]  }
0x1f8: {  	[tilespmem:s11+$0xFFFFFF60] =	vst v7;
	v7 =	vld [tilespmem:s13+$0x20]  }
0x1f9: {  	v3 =	vld [tilespmem:s11+$0xFFFFFF70]  }
0x1fa: {  	v15 =	vld [tilespmem:s12+$0xFFFFFF20];
	v2 =	vmul.f32 v2, v14  }
0x1fb: {  	v9 =	vld [tilespmem:s25+$0xFFFFFF70];
	v8 =	vmul.f32 v8, v17  }
0x1fc: {  	v14 =	vld [tilespmem:s11+$0xA0];
	[tilespmem:s11+$0x90] =	vst v2  }
0x1fd: {  	[tilespmem:s12+$0xFFFFFF10] =	vst v8;
	v1 =	vmul.f32 v7, v1;
	v2 =	vld [tilespmem:s25+$0xA0]  }
0x1fe: {  	v7 =	vld [tilespmem:s13+$0xFFFFFF20]  }
0x1ff: {  	v8 =	vld [tilespmem:s12+$0x30];
	[tilespmem:s12+$0x20] =	vst v1  }
0x200: {  	v19 =	vld [tilespmem:s13+$0x30]  }
0x201: {  	v6 =	vld [tilespmem:s11+$0xFFFFFF90];
	v3 =	vmul.f32 v9, v3  }
0x202: {  	v16 =	vld [tilespmem:s12+$0xFFFFFF30];
	v2 =	vmul.f32 v2, v14  }
0x203: {  	[tilespmem:s11+$0xFFFFFF70] =	vst v3;
	v3 =	vld [tilespmem:s11+$0xB0];
	v7 =	vmul.f32 v7, v15  }
0x204: {  	v14 =	vld [tilespmem:s25+$0xFFFFFF80];
	[tilespmem:s11+$0xA0] =	vst v2  }
0x205: {  	[tilespmem:s12+$0xFFFFFF20] =	vst v7;
	v2 =	vmul.f32 v19, v8;
	v15 =	vld [tilespmem:s25+$0xB0]  }
0x206: {  	v7 =	vld [tilespmem:s13+$0xFFFFFF30]  }
0x207: {  	[tilespmem:s12+$0x30] =	vst v2;
	v2 =	vld [tilespmem:s12+$0x40]  }
0x208: {  	v19 =	vld [tilespmem:s13+$0x40]  }
0x209: {  	v4 =	vld [tilespmem:s11+$0xFFFFFFA0];
	v11 =	vmul.f32 v14, v11  }
0x20a: {  	v10 =	vld [tilespmem:s11+$0xFFFFFFD0];
	v3 =	vmul.f32 v15, v3  }
0x20b: {  	[tilespmem:s11+$0xFFFFFF80] =	vst v11;
	v11 =	vld [tilespmem:s11+$0xC0];
	v7 =	vmul.f32 v7, v16  }
0x20c: {  	v14 =	vld [tilespmem:s25+$0xFFFFFF90];
	[tilespmem:s11+$0xB0] =	vst v3  }
0x20d: {  	[tilespmem:s12+$0xFFFFFF30] =	vst v7;
	v2 =	vmul.f32 v19, v2;
	v3 =	vld [tilespmem:s25+$0xC0]  }
0x20e: {  	v16 =	vld [tilespmem:s13+$0xFFFFFF40]  }
0x20f: {  	[tilespmem:s12+$0x40] =	vst v2;
	v2 =	vld [tilespmem:s12+$0x50]  }
0x210: {  	v19 =	vld [tilespmem:s13+$0x50]  }
0x211: {  	v12 =	vld [tilespmem:s11+$0xFFFFFFE0];
	v6 =	vmul.f32 v14, v6  }
0x212: {  	v17 =	vld [tilespmem:s12+$0xFFFFFF50]  }
0x213: {  	[tilespmem:s11+$0xFFFFFF90] =	vst v6;
	v6 =	vld [tilespmem:s11+$0xD0];
	v3 =	vmul.f32 v3, v11  }
0x214: {  	v11 =	vmul.f32 v16, v18;
	v16 =	vld [tilespmem:s25+$0xFFFFFFA0]  }
0x215: {  	v18 =	vld [tilespmem:s12+$0x60];
	[tilespmem:s11+$0xC0] =	vst v3;
	v2 =	vmul.f32 v19, v2  }
0x216: {  	[tilespmem:s12+$0xFFFFFF40] =	vst v11;
	v3 =	vld [tilespmem:s25+$0xD0]  }
0x217: {  	v11 =	vld [tilespmem:s13+$0xFFFFFF50];
	[tilespmem:s12+$0x50] =	vst v2  }
0x218: {  	v19 =	vld [tilespmem:s13+$0x60]  }
0x219: {  	v9 =	vld [tilespmem:s12+$0xFFFFFF60];
	v4 =	vmul.f32 v16, v4  }
0x21a: {  	v1 =	vld [tilespmem:s11+$0xFFFFFFF0]  }
0x21b: {  	v8 =	vld [tilespmem:s12+$0xFFFFFF90];
	[tilespmem:s11+$0xFFFFFFA0] =	vst v4;
	v3 =	vmul.f32 v3, v6  }
0x21c: {  	v6 =	vmul.f32 v11, v17;
	v11 =	vld [tilespmem:s25+$0xFFFFFFB0]  }
0x21d: {  	v4 =	vld [tilespmem:s11+$0xE0];
	[tilespmem:s11+$0xD0] =	vst v3;
	v3 =	vmul.f32 v19, v18  }
0x21e: {  	v17 =	vld [tilespmem:s12+$0x70]  }
0x21f: {  	v16 =	vld [tilespmem:s25+$0xE0];
	[tilespmem:s12+$0x60] =	vst v3  }
0x220: {  	[tilespmem:s12+$0xFFFFFF50] =	vst v6;
	v18 =	vld [tilespmem:s13+$0x70]  }
0x221: {  	v6 =	vld [tilespmem:s13+$0xFFFFFF60];
	v11 =	vmul.f32 v11, v13  }
0x222: {  	s17 =	simm.s32 $0x5320;
	v13 =	vld [tilespmem:s14+$0x0]  }
0x223: {  	[tilespmem:s11+$0xFFFFFFB0] =	vst v11;
	v11 =	vld [tilespmem:s17+$0x0]  }
0x224: {  	v15 =	vld [tilespmem:s12+$0xFFFFFFB0]  }
0x225: {  	v7 =	vld [tilespmem:s12+$0xFFFFFFA0];
	v17 =	vmul.f32 v18, v17  }
0x226: {  	v4 =	vmul.f32 v16, v4;
	v6 =	vmul.f32 v6, v9;
	v9 =	vld [tilespmem:s14+$0xFFFFFF00]  }
0x227: {  	v18 =	vld [tilespmem:s12+$0x80];
	[tilespmem:s12+$0x70] =	vst v17  }
0x228: {  	[tilespmem:s11+$0xE0] =	vst v4;
	v4 =	vmul.f32 v11, v13;
	v17 =	vld [tilespmem:s13+$0x80]  }
0x229: {  	v11 =	vld [tilespmem:s17+$0xFFFFFF00]  }
0x22a: {  	v13 =	vld [tilespmem:s14+$0x10];
	[tilespmem:s14+$0x0] =	vst v4  }
0x22b: {  	[tilespmem:s12+$0xFFFFFF60] =	vst v6;
	v6 =	vld [tilespmem:s17+$0x10]  }
0x22c: {  	v14 =	vld [tilespmem:s12+$0xFFFFFFC0]  }
0x22d: {  	v2 =	vld [tilespmem:s12+$0xFFFFFFD0];
	v17 =	vmul.f32 v17, v18  }
0x22e: {  	v3 =	vld [tilespmem:s12+$0xFFFFFFE0];
	v9 =	vmul.f32 v11, v9  }
0x22f: {  	v18 =	vld [tilespmem:s12+$0x90];
	[tilespmem:s12+$0x80] =	vst v17  }
0x230: {  	[tilespmem:s14+$0xFFFFFF00] =	vst v9;
	v6 =	vmul.f32 v6, v13;
	v13 =	vld [tilespmem:s13+$0x90]  }
0x231: {  	v9 =	vld [tilespmem:s17+$0xFFFFFF10]  }
0x232: {  	v23 =	vld [tilespmem:s13+$0xFFFFFF70]  }
0x233: {  	[tilespmem:s14+$0x10] =	vst v6;
	v6 =	vld [tilespmem:s14+$0x20]  }
0x234: {  	v17 =	vld [tilespmem:s17+$0x20]  }
0x235: {  	v19 =	vld [tilespmem:s25+$0xFFFFFFC0];
	v13 =	vmul.f32 v13, v18  }
0x236: {  	v16 =	vld [tilespmem:s11+$0xF0];
	v9 =	vmul.f32 v9, v24  }
0x237: {  	v20 =	vmul.f32 v23, v20;
	v11 =	vld [tilespmem:s14+$0xFFFFFF20];
	[tilespmem:s12+$0x90] =	vst v13  }
0x238: {  	[tilespmem:s14+$0xFFFFFF10] =	vst v9;
	v9 =	vld [tilespmem:s13+$0xA0]  }
0x239: {  	[tilespmem:s12+$0xFFFFFF70] =	vst v20;
	v6 =	vmul.f32 v17, v6;
	v17 =	vld [tilespmem:s17+$0xFFFFFF20]  }
0x23a: {  	v5 =	vmul.f32 v19, v5;
	v19 =	vld [tilespmem:s13+$0xFFFFFF80]  }
0x23b: {  	[tilespmem:s14+$0x20] =	vst v6;
	v6 =	vld [tilespmem:s14+$0x30]  }
0x23c: {  	[tilespmem:s11+$0xFFFFFFC0] =	vst v5;
	v5 =	vld [tilespmem:s17+$0x30]  }
0x23d: {  	v22 =	vld [tilespmem:s25+$0xF0];
	v9 =	vmul.f32 v9, v50  }
0x23e: {  	v4 =	vld [tilespmem:s12+$0xFFFFFFF0];
	v17 =	vmul.f32 v17, v11  }
0x23f: {  	v20 =	vld [tilespmem:s25+$0xFFFFFFD0];
	[tilespmem:s12+$0xA0] =	vst v9  }
0x240: {  	[tilespmem:s14+$0xFFFFFF20] =	vst v17;
	v9 =	vmul.f32 v19, v49;
	v19 =	vld [tilespmem:s13+$0xB0]  }
0x241: {  	v5 =	vmul.f32 v5, v6;
	v6 =	vld [tilespmem:s17+$0xFFFFFF30]  }
0x242: {  	v18 =	vld [tilespmem:s14+$0xFFFFFF40]  }
0x243: {  	v13 =	vld [tilespmem:s14+$0xFFFFFF50];
	[tilespmem:s12+$0xFFFFFF80] =	vst v9  }
0x244: {  	v17 =	vld [tilespmem:s13+$0xFFFFFF90]  }
0x245: {  	[tilespmem:s14+$0x30] =	vst v5;
	v5 =	vld [tilespmem:s14+$0x40];
	v19 =	vmul.f32 v19, v52  }
0x246: {  	v53 =	vld [tilespmem:s17+$0x40];
	v54 =	vmul.f32 v6, v25  }
0x247: {  	v11 =	vld [tilespmem:s14+$0xFFFFFF70];
	[tilespmem:s12+$0xB0] =	vst v19  }
0x248: {  	[tilespmem:s14+$0xFFFFFF30] =	vst v54;
	v19 =	vld [tilespmem:s13+$0xC0]  }
0x249: {  	v8 =	vmul.f32 v17, v8;
	v17 =	vld [tilespmem:s17+$0xFFFFFF40]  }
0x24a: {  	v9 =	vld [tilespmem:s14+$0xFFFFFF80]  }
0x24b: {  	v6 =	vld [tilespmem:s14+$0xFFFFFF90];
	v21 =	vmul.f32 v53, v5;
	[tilespmem:s12+$0xFFFFFF90] =	vst v8  }
0x24c: {  	v56 =	vld [tilespmem:s13+$0xFFFFFFA0]  }
0x24d: {  	v5 =	vld [tilespmem:s14+$0xFFFFFFA0];
	[tilespmem:s14+$0x40] =	vst v21;
	v8 =	vmul.f32 v19, v55  }
0x24e: {  	v17 =	vmul.f32 v17, v18;
	v19 =	vld [tilespmem:s17+$0x50]  }
0x24f: {  	v18 =	vld [tilespmem:s12+$0xD0];
	[tilespmem:s12+$0xC0] =	vst v8  }
0x250: {  	[tilespmem:s14+$0xFFFFFF40] =	vst v17;
	v17 =	vld [tilespmem:s13+$0xD0]  }
0x251: {  	v8 =	vld [tilespmem:s14+$0xFFFFFFB0];
	v24 =	vmul.f32 v56, v7  }
0x252: {  	v58 =	vld [tilespmem:s17+$0xFFFFFF50]  }
0x253: {  	v7 =	vld [tilespmem:s14+$0xFFFFFFC0];
	[tilespmem:s12+$0xFFFFFFA0] =	vst v24;
	v19 =	vmul.f32 v19, v57  }
0x254: {  	v59 =	vld [tilespmem:s13+$0xFFFFFFB0]  }
0x255: {  	[tilespmem:s14+$0x50] =	vst v19;
	v19 =	vld [tilespmem:s12+$0xE0];
	v17 =	vmul.f32 v17, v18  }
0x256: {  	v10 =	vmul.f32 v20, v10;
	v18 =	vld [tilespmem:s14+$0x60]  }
0x257: {  	v24 =	vmul.f32 v58, v13;
	v20 =	vld [tilespmem:s17+$0x60];
	[tilespmem:s12+$0xD0] =	vst v17  }
0x258: {  	[tilespmem:s11+$0xFFFFFFD0] =	vst v10;
	v17 =	vld [tilespmem:s13+$0xE0]  }
0x259: {  	[tilespmem:s14+$0xFFFFFF50] =	vst v24;
	v10 =	vmul.f32 v59, v15;
	v15 =	vld [tilespmem:s25+$0xFFFFFFE0]  }
0x25a: {  	v60 =	vld [tilespmem:s17+$0xFFFFFF60]  }
0x25b: {  	v13 =	vld [tilespmem:s14+$0xFFFFFFD0];
	[tilespmem:s12+$0xFFFFFFB0] =	vst v10  }
0x25c: {  	v18 =	vmul.f32 v20, v18;
	v20 =	vld [tilespmem:s13+$0xFFFFFFC0]  }
0x25d: {  	v10 =	vld [tilespmem:s14+$0xFFFFFFE0];
	v17 =	vmul.f32 v17, v19  }
0x25e: {  	[tilespmem:s14+$0x60] =	vst v18;
	v12 =	vmul.f32 v15, v12;
	v19 =	vld [tilespmem:s14+$0x70]  }
0x25f: {  	v15 =	vmul.f32 v60, v51;
	v62 =	vld [tilespmem:s17+$0x70];
	[tilespmem:s12+$0xE0] =	vst v17  }
0x260: {  	[tilespmem:s11+$0xFFFFFFE0] =	vst v12;
	v63 =	vld [tilespmem:s13+$0xF0]  }
0x261: {  	[tilespmem:s14+$0xFFFFFF60] =	vst v15;
	v15 =	vmul.f32 v20, v14;
	v14 =	vld [tilespmem:s25+$0xFFFFFFF0]  }
0x262: {  	v18 =	vld [tilespmem:s17+$0xFFFFFF70]  }
0x263: {  	v16 =	vmul.f32 v22, v16;
	v12 =	vld [tilespmem:s14+$0xFFFFFFF0];
	[tilespmem:s12+$0xFFFFFFC0] =	vst v15  }
0x264: {  	v15 =	vld [tilespmem:s13+$0xFFFFFFD0];
	v19 =	vmul.f32 v62, v19  }
0x265: {  	s18 =	simm.s32 $0x5320;
	s7 =	simm.s32 $0x4;
	[tilespmem:s11+$0xF0] =	vst v16;
	v17 =	vld [tilespmem:s14+$0x80];
	s25 =	simm.s32 $0x2320;
	v16 =	vmul.f32 v63, v61  }
.LBB2_7:
0x266: {  	v20 =	vld [tilespmem:s25+$0x0];
	[tilespmem:s14+$0x70] =	vst v19;
	s17 =	sadd.s32 $0x200, s17;
	v14 =	vmul.f32 v14, v1;
	v1 =	vmov v4  }
0x267: {  	v19 =	vld [tilespmem:s17+$0x0];
	v11 =	vmul.f32 v18, v11;
	[tilespmem:s12+$0xF0] =	vst v16  }
0x268: {  	s7 =	sadd.s32 $0x2, s7;
	v16 =	vld [tilespmem:s18+$0x80];
	[tilespmem:s11+$0xFFFFFFF0] =	vst v14;
	v4 =	vmov v12;
	s11 =	smov.u32 s12;
	s12 =	smov.u32 s14  }
0x269: {  	p1 =	slt.u32 s7, $0x16;
	s14 =	smov.u32 s25;
	v12 =	vld [tilespmem:s17+$0xFFFFFF00];
	[tilespmem:s12+$0xFFFFFF70] =	vst v11;
	v11 =	vmul.f32 v15, v2;
	v2 =	vmov v13  }
0x26a: {  	v13 =	vld [tilespmem:s25+$0xFFFFFF00]  }
0x26b: {  	v14 =	vld [tilespmem:s25+$0xFFFFFF10];
	[tilespmem:s11+$0xFFFFFFD0] =	vst v11  }
0x26c: {  	v15 =	vld [tilespmem:s25+$0xFFFFFF20];
	v11 =	vmul.f32 v19, v20  }
0x26d: {  	v16 =	vmul.f32 v16, v17;
	v17 =	vld [tilespmem:s12+$0x90]  }
0x26e: {  	[tilespmem:s25+$0x0] =	vst v11;
	v11 =	vld [tilespmem:s25+$0x10]  }
0x26f: {  	v12 =	vmul.f32 v12, v13;
	v13 =	vld [tilespmem:s17+$0x10];
	[tilespmem:s12+$0x80] =	vst v16  }
0x270: {  	v16 =	vld [tilespmem:s18+$0x90]  }
0x271: {  	[tilespmem:s25+$0xFFFFFF00] =	vst v12;
	v12 =	vld [tilespmem:s25+$0xFFFFFF30]  }
0x272: {  	v18 =	vld [tilespmem:s17+$0xFFFFFF10]  }
0x273: {  	v19 =	vld [tilespmem:s25+$0xFFFFFF40]  }
0x274: {  	v20 =	vld [tilespmem:s25+$0xFFFFFF50];
	v11 =	vmul.f32 v13, v11  }
0x275: {  	v13 =	vmul.f32 v16, v17;
	v16 =	vld [tilespmem:s12+$0xA0]  }
0x276: {  	[tilespmem:s25+$0x10] =	vst v11;
	v17 =	vld [tilespmem:s25+$0x20]  }
0x277: {  	v11 =	vmul.f32 v18, v14;
	v14 =	vld [tilespmem:s17+$0x20];
	[tilespmem:s12+$0x90] =	vst v13  }
0x278: {  	v13 =	vld [tilespmem:s18+$0xA0]  }
0x279: {  	[tilespmem:s25+$0xFFFFFF10] =	vst v11;
	v18 =	vld [tilespmem:s25+$0xFFFFFF60]  }
0x27a: {  	v21 =	vld [tilespmem:s17+$0xFFFFFF20]  }
0x27b: {  	v11 =	vld [tilespmem:s25+$0xFFFFFF70]  }
0x27c: {  	v14 =	vmul.f32 v14, v17;
	v17 =	vld [tilespmem:s18+$0xFFFFFF80]  }
0x27d: {  	v13 =	vmul.f32 v13, v16;
	v16 =	vld [tilespmem:s12+$0xB0]  }
0x27e: {  	[tilespmem:s25+$0x20] =	vst v14;
	v14 =	vld [tilespmem:s25+$0x30]  }
0x27f: {  	v15 =	vmul.f32 v21, v15;
	v21 =	vld [tilespmem:s17+$0x30];
	[tilespmem:s12+$0xA0] =	vst v13  }
0x280: {  	v13 =	vld [tilespmem:s18+$0xB0]  }
0x281: {  	[tilespmem:s25+$0xFFFFFF20] =	vst v15;
	v15 =	vmul.f32 v17, v9;
	v9 =	vld [tilespmem:s25+$0xFFFFFF80]  }
0x282: {  	v17 =	vld [tilespmem:s17+$0xFFFFFF30]  }
0x283: {  	v22 =	vld [tilespmem:s25+$0xFFFFFF90];
	[tilespmem:s12+$0xFFFFFF80] =	vst v15  }
0x284: {  	v14 =	vmul.f32 v21, v14;
	v15 =	vld [tilespmem:s18+$0xFFFFFF90]  }
0x285: {  	v13 =	vmul.f32 v13, v16;
	v16 =	vld [tilespmem:s12+$0xC0]  }
0x286: {  	[tilespmem:s25+$0x30] =	vst v14;
	v14 =	vld [tilespmem:s25+$0x40]  }
0x287: {  	v12 =	vmul.f32 v17, v12;
	v17 =	vld [tilespmem:s17+$0x40];
	[tilespmem:s12+$0xB0] =	vst v13  }
0x288: {  	v13 =	vld [tilespmem:s18+$0xC0]  }
0x289: {  	[tilespmem:s25+$0xFFFFFF30] =	vst v12;
	v12 =	vld [tilespmem:s25+$0xFFFFFFA0];
	v15 =	vmul.f32 v15, v6;
	v6 =	vmov v22  }
0x28a: {  	v21 =	vld [tilespmem:s17+$0xFFFFFF40]  }
0x28b: {  	v22 =	vld [tilespmem:s25+$0xFFFFFFB0];
	[tilespmem:s12+$0xFFFFFF90] =	vst v15  }
0x28c: {  	v14 =	vmul.f32 v17, v14;
	v15 =	vld [tilespmem:s18+$0xFFFFFFA0]  }
0x28d: {  	v13 =	vmul.f32 v13, v16;
	v16 =	vld [tilespmem:s12+$0xD0]  }
0x28e: {  	[tilespmem:s25+$0x40] =	vst v14;
	v14 =	vld [tilespmem:s25+$0x50]  }
0x28f: {  	v17 =	vmul.f32 v21, v19;
	v19 =	vld [tilespmem:s17+$0x50];
	[tilespmem:s12+$0xC0] =	vst v13  }
0x290: {  	v21 =	vld [tilespmem:s18+$0xD0]  }
0x291: {  	[tilespmem:s25+$0xFFFFFF40] =	vst v17;
	v17 =	vld [tilespmem:s25+$0xFFFFFFC0];
	v15 =	vmul.f32 v15, v5;
	v5 =	vmov v12  }
0x292: {  	v12 =	vld [tilespmem:s17+$0xFFFFFF50]  }
0x293: {  	v13 =	vld [tilespmem:s25+$0xFFFFFFD0];
	[tilespmem:s12+$0xFFFFFFA0] =	vst v15  }
0x294: {  	v14 =	vmul.f32 v19, v14;
	v15 =	vld [tilespmem:s18+$0xFFFFFFB0]  }
0x295: {  	v16 =	vmul.f32 v21, v16;
	v19 =	vld [tilespmem:s12+$0xE0]  }
0x296: {  	[tilespmem:s25+$0x50] =	vst v14;
	v14 =	vld [tilespmem:s25+$0x60]  }
0x297: {  	v12 =	vmul.f32 v12, v20;
	v20 =	vld [tilespmem:s17+$0x60];
	[tilespmem:s12+$0xD0] =	vst v16  }
0x298: {  	v16 =	vld [tilespmem:s18+$0xE0]  }
0x299: {  	[tilespmem:s25+$0xFFFFFF50] =	vst v12;
	v12 =	vmul.f32 v15, v8;
	v15 =	vld [tilespmem:s13+$0xFFFFFFE0];
	v8 =	vmov v22  }
0x29a: {  	v21 =	vld [tilespmem:s17+$0xFFFFFF60]  }
0x29b: {  	v22 =	vld [tilespmem:s25+$0xFFFFFFE0];
	[tilespmem:s12+$0xFFFFFFB0] =	vst v12  }
0x29c: {  	v12 =	vmul.f32 v20, v14;
	v14 =	vld [tilespmem:s18+$0xFFFFFFC0]  }
0x29d: {  	v16 =	vmul.f32 v16, v19;
	v20 =	vld [tilespmem:s12+$0xF0]  }
0x29e: {  	[tilespmem:s25+$0x60] =	vst v12;
	v19 =	vld [tilespmem:s25+$0x70];
	v12 =	vmul.f32 v15, v3;
	v3 =	vmov v10  }
0x29f: {  	v15 =	vmul.f32 v21, v18;
	v21 =	vld [tilespmem:s17+$0x70];
	[tilespmem:s12+$0xE0] =	vst v16  }
0x2a0: {  	v16 =	vld [tilespmem:s18+$0xF0];
	[tilespmem:s11+$0xFFFFFFE0] =	vst v12;
	v10 =	vmov v22  }
.Ltmp4:
0x2a1: {  	[tilespmem:s25+$0xFFFFFF60] =	vst v15;
	v15 =	vmul.f32 v14, v7;
	v14 =	vld [tilespmem:s13+$0xFFFFFFF0];
	v7 =	vmov v17;
	s13 =	smov.u32 s18;
	s18 =	smov.u32 s17;
	(pc) =	sbr.rel @p1 .LBB2_7-.Ltmp4, $4  }
0x2a2: {  	v18 =	vld [tilespmem:s17+$0xFFFFFF70]  }
0x2a3: {  	v12 =	vld [tilespmem:s25+$0xFFFFFFF0];
	[tilespmem:s12+$0xFFFFFFC0] =	vst v15  }
0x2a4: {  	v19 =	vmul.f32 v21, v19;
	v15 =	vld [tilespmem:s13+$0xFFFFFFD0]  }
0x2a5: {  	s25 =	sadd.s32 $0x200, s25;
	v17 =	vld [tilespmem:s14+$0x80];
	v16 =	vmul.f32 v16, v20  }
0x2a6: {  	_ = 	snop  }
0x2a7: {  	[tilespmem:s14+$0x70] =	vst v19;
	v11 =	vmul.f32 v18, v11  }
0x2a8: {  	v29 =	vld [tilespmem:s18+$0x80]  }
0x2a9: {  	[tilespmem:s14+$0xFFFFFF70] =	vst v11  }
0x2aa: {  	v11 =	vld [tilespmem:s18+$0xFFFFFF80];
	_ =	sdelay $0x2  }
0x2ab: {  	v17 =	vmul.f32 v29, v17;
	_ =	sdelay $0x1  }
0x2ac: {  	v30 =	vld [tilespmem:s14+$0x90];
	[tilespmem:s14+$0x80] =	vst v17;
	v9 =	vmul.f32 v11, v9  }
0x2ad: {  	v31 =	vld [tilespmem:s18+$0x90]  }
0x2ae: {  	[tilespmem:s14+$0xFFFFFF80] =	vst v9  }
0x2af: {  	v9 =	vld [tilespmem:s18+$0xFFFFFF90];
	_ =	sdelay $0x2  }
0x2b0: {  	v11 =	vmul.f32 v31, v30;
	_ =	sdelay $0x1  }
0x2b1: {  	v32 =	vld [tilespmem:s14+$0xA0];
	[tilespmem:s14+$0x90] =	vst v11;
	v6 =	vmul.f32 v9, v6  }
0x2b2: {  	v33 =	vld [tilespmem:s18+$0xA0]  }
0x2b3: {  	[tilespmem:s14+$0xFFFFFF90] =	vst v6  }
0x2b4: {  	v6 =	vld [tilespmem:s18+$0xFFFFFFA0];
	_ =	sdelay $0x2  }
0x2b5: {  	v9 =	vmul.f32 v33, v32;
	_ =	sdelay $0x1  }
0x2b6: {  	v34 =	vld [tilespmem:s14+$0xB0];
	[tilespmem:s14+$0xA0] =	vst v9;
	v5 =	vmul.f32 v6, v5  }
0x2b7: {  	v35 =	vld [tilespmem:s18+$0xB0]  }
0x2b8: {  	[tilespmem:s14+$0xFFFFFFA0] =	vst v5  }
0x2b9: {  	v5 =	vld [tilespmem:s18+$0xFFFFFFB0];
	_ =	sdelay $0x2  }
0x2ba: {  	v6 =	vmul.f32 v35, v34;
	_ =	sdelay $0x1  }
0x2bb: {  	v36 =	vld [tilespmem:s14+$0xC0];
	[tilespmem:s14+$0xB0] =	vst v6;
	v5 =	vmul.f32 v5, v8  }
0x2bc: {  	v6 =	vld [tilespmem:s18+$0xC0]  }
0x2bd: {  	[tilespmem:s14+$0xFFFFFFB0] =	vst v5  }
0x2be: {  	v5 =	vld [tilespmem:s18+$0xFFFFFFC0];
	_ =	sdelay $0x2  }
0x2bf: {  	v6 =	vmul.f32 v6, v36;
	_ =	sdelay $0x1  }
0x2c0: {  	v37 =	vld [tilespmem:s14+$0xD0];
	[tilespmem:s14+$0xC0] =	vst v6;
	v5 =	vmul.f32 v5, v7  }
0x2c1: {  	v6 =	vld [tilespmem:s18+$0xD0]  }
0x2c2: {  	[tilespmem:s14+$0xFFFFFFC0] =	vst v5  }
0x2c3: {  	v5 =	vld [tilespmem:s18+$0xFFFFFFD0];
	_ =	sdelay $0x1  }
0x2c4: {  	v2 =	vmul.f32 v15, v2  }
0x2c5: {  	v6 =	vmul.f32 v6, v37  }
0x2c6: {  	v38 =	vld [tilespmem:s14+$0xE0];
	[tilespmem:s12+$0xFFFFFFD0] =	vst v2  }
0x2c7: {  	v39 =	vld [tilespmem:s13+$0xFFFFFFE0];
	[tilespmem:s14+$0xD0] =	vst v6;
	v5 =	vmul.f32 v5, v13  }
0x2c8: {  	v2 =	vld [tilespmem:s18+$0xE0]  }
0x2c9: {  	[tilespmem:s14+$0xFFFFFFD0] =	vst v5  }
0x2ca: {  	v5 =	vld [tilespmem:s18+$0xFFFFFFE0];
	_ =	sdelay $0x1  }
0x2cb: {  	v3 =	vmul.f32 v39, v3  }
0x2cc: {  	v2 =	vmul.f32 v2, v38  }
0x2cd: {  	[tilespmem:s12+$0xFFFFFFE0] =	vst v3  }
0x2ce: {  	v40 =	vld [tilespmem:s14+$0xF0];
	[tilespmem:s14+$0xE0] =	vst v2;
	v2 =	vmul.f32 v5, v10  }
0x2cf: {  	v3 =	vld [tilespmem:s13+$0xFFFFFFF0]  }
0x2d0: {  	v41 =	vld [tilespmem:s18+$0xF0];
	[tilespmem:s14+$0xFFFFFFE0] =	vst v2  }
0x2d1: {  	v2 =	vld [tilespmem:s18+$0xFFFFFFF0]  }
0x2d2: {  	v1 =	vmul.f32 v14, v1;
	_ =	sdelay $0x1  }
0x2d3: {  	[tilespmem:s11+$0xFFFFFFF0] =	vst v1;
	v1 =	vmul.f32 v3, v4  }
0x2d4: {  	[tilespmem:s12+$0xF0] =	vst v16;
	v5 =	vmul.f32 v41, v40  }
0x2d5: {  	[tilespmem:s12+$0xFFFFFFF0] =	vst v1;
	v2 =	vmul.f32 v2, v12  }
0x2d6: {  	[tilespmem:s14+$0xF0] =	vst v5  }
0x2d7: {  	[tilespmem:s14+$0xFFFFFFF0] =	vst v2  }
0x2d8: {  	v1 =	vld [tilespmem:$0x3420]  }
0x2d9: {  	v2 =	vld [tilespmem:$0x6620]  }
0x2da: {  	v3 =	vld [tilespmem:$0x3430]  }
0x2db: {  	v42 =	vld [tilespmem:$0x6630]  }
0x2dc: {  	v5 =	vld [tilespmem:$0x3440]  }
0x2dd: {  	v43 =	vld [tilespmem:$0x6640]  }
0x2de: {  	v44 =	vld [tilespmem:$0x3450]  }
0x2df: {  	v45 =	vld [tilespmem:$0x6650]  }
0x2e0: {  	v46 =	vld [tilespmem:$0x3460]  }
0x2e1: {  	v47 =	vld [tilespmem:$0x6660]  }
0x2e2: {  	v48 =	vld [tilespmem:$0x3470]  }
0x2e3: {  	v49 =	vld [tilespmem:$0x6670]  }
0x2e4: {  	v50 =	vld [tilespmem:$0x3480]  }
0x2e5: {  	v51 =	vld [tilespmem:$0x6680]  }
0x2e6: {  	v52 =	vld [tilespmem:$0x3490]  }
0x2e7: {  	v16 =	vld [tilespmem:$0x6690]  }
0x2e8: {  	v53 =	vld [tilespmem:$0x34A0]  }
0x2e9: {  	v54 =	vld [tilespmem:$0x66A0]  }
0x2ea: {  	v19 =	vld [tilespmem:$0x34B0]  }
0x2eb: {  	v20 =	vld [tilespmem:$0x66B0]  }
0x2ec: {  	v21 =	vld [tilespmem:$0x34C0]  }
0x2ed: {  	v55 =	vld [tilespmem:$0x34D0];
	v1 =	vmul.f32 v2, v1  }
0x2ee: {  	v56 =	vld [tilespmem:$0x66D0];
	v3 =	vmul.f32 v42, v3  }
0x2ef: {  	v57 =	vld [tilespmem:$0x34E0];
	[tilespmem:$0x3420] =	vst v1;
	v1 =	vmul.f32 v43, v5  }
0x2f0: {  	v58 =	vld [tilespmem:$0x66E0];
	[tilespmem:$0x3430] =	vst v3;
	v3 =	vmul.f32 v45, v44  }
0x2f1: {  	v59 =	vld [tilespmem:$0x34F0];
	[tilespmem:$0x3440] =	vst v1;
	v1 =	vmul.f32 v47, v46  }
0x2f2: {  	v2 =	vld [tilespmem:$0x66C0];
	[tilespmem:$0x3450] =	vst v3;
	v3 =	vmul.f32 v49, v48  }
0x2f3: {  	v60 =	vld [tilespmem:$0x66F0];
	[tilespmem:$0x3460] =	vst v1;
	v1 =	vmul.f32 v51, v50  }
0x2f4: {  	v61 =	vld [tilespmem:$0x3500];
	[tilespmem:$0x3470] =	vst v3;
	v3 =	vmul.f32 v16, v52  }
0x2f5: {  	v62 =	vld [tilespmem:$0x6700];
	[tilespmem:$0x3480] =	vst v1;
	v1 =	vmul.f32 v54, v53  }
0x2f6: {  	v63 =	vld [tilespmem:$0x3510];
	[tilespmem:$0x3490] =	vst v3;
	v3 =	vmul.f32 v20, v19  }
0x2f7: {  	[tilespmem:$0x34A0] =	vst v1;
	v1 =	vmul.f32 v2, v21;
	v2 =	vld [tilespmem:$0x6710]  }
0x2f8: {  	[tilespmem:$0x34B0] =	vst v3;
	v3 =	vmul.f32 v56, v55  }
0x2f9: {  	[tilespmem:$0x34C0] =	vst v1;
	v1 =	vmul.f32 v58, v57  }
0x2fa: {  	[tilespmem:$0x34D0] =	vst v3;
	v3 =	vmul.f32 v60, v59  }
0x2fb: {  	[tilespmem:$0x34E0] =	vst v1;
	v1 =	vmul.f32 v62, v61  }
0x2fc: {  	[tilespmem:$0x34F0] =	vst v3;
	v2 =	vmul.f32 v2, v63  }
0x2fd: {  	[tilespmem:$0x3500] =	vst v1  }
.Ltmp5:
0x2fe: {  	[tilespmem:$0x3510] =	vst v2;
	(pc) =	sbr.rel @p0 .LBB2_10-.Ltmp5, $4  }
0x2ff: {  	[spmem:s2] =	stream.indirect.scatter.add.f32 [tilespmem:s0], [sflag:$0x7], $0x20, s28, s21, $0xb8;
	[tilespmem:$0x10720] =	vst v63  }
0x300: {  	_ =	swait.ge [sflag:s20], $0x1900  }
0x301: {  	[sflag:s20] =	ssyncset.done $0x0  }
0x302: {  	[sflag:s20] =	ssyncadd.s32 $0xFFFFE700  }
0x303: {  	s7 =	sadd.s32 s8, s16  }
.Ltmp6:
0x304: {  	s7 =	sshrl.u32 s7, $0x3;
	(pc) =	sbr.rel .LBB2_4-.Ltmp6, $4  }
0x305: {  	s25 =	sadd.s32 s5, s7  }
0x306: {  	[tilespmem:s26], [sflag:$0x6] =	stream.linear.gather [hbm4b:s25+s3], $0xC8, $0x38;
	[tilespmem:$0x10720] =	vst v63  }
0x307: {  	s1 =	sadd.s32 $0x1, s1;
	s7 =	sadd.s32 s6, s7  }
0x308: {  	[tilespmem:s28], [sflag:$0x6] =	stream.linear.gather [hbm4b:s7+s3], $0xC8, $0x38;
	[tilespmem:$0x10720] =	vst v63  }
.LBB2_11:
0x309: {  	_ =	sfence.sel $0x180000  }
0x30a: {  	[bflag:$0x0] =	sbarrier.arrive $0xFFFF  }
0x30b: {  	_ =	strace $0x9000004D  }
0x30c: {  	s0 =	stileid.u32;
	[bflag:$0x2] =	sbarrier.arrive $0xFFFF  }
0x30d: {  	p0 =	sne.s32 s0, $0x0;
	s0 =	rddreg [dreg:$0x2]  }
0x30e: {  	s0 =	sadd.s32 @!p0 $0x100000, s0  }
0x30f: {  	[sflag:s0] =	ssyncadd.tile.s32 @!p0 $0x1;
	_ =	shalt  }
.Lfunc_end2:
_tile_overlayer_lowered:
.L_overlay_start_2:
0x310: {  	(tag) =	ssettag $0x2  }
0x311: {  	s0 =	rddreg [dreg:$0x0];
	s2 =	stileid.u32  }
0x312: {  	s1 =	rddreg [dreg:$0x1];
	p0 =	sne.s32 s2, $0x0  }
0x313: {  	s3 =	rddreg [dreg:$0x2];
	[bflag:$0x3] =	sbarrier.arrive $0xFFFF;
	s2 =	simm.s32 @!p0 $0x1C07  }
0x314: {  	[timem:s3], [sflag:s2] =	dma.local @!p0 [hbm:s0], s1  }
0x315: {  	s0 =	simm.s32 @!p0 $0x7  }
0x316: {  	_ =	swait.ge @!p0 [sflag:s0], s1  }
0x317: {  	s1 =	ssub.s32 @!p0 $0x0, s1;
	[sflag:s0] =	ssyncset.done @!p0 $0x0  }
0x318: {  	[sflag:s0] =	ssyncadd.s32 @!p0 s1  }
0x319: {  	[bflag:$0x3] =	sbarrier.arrive $0xFFFF  }
0x31a: {  	_ =	shalt  }

// kernel: kernel.9.cloned.1.call-start
scs
__scs_entry_jumppad:
0x0: {  	(pc) =	sbr.rel $0x88, $3  }
0x1: {  	(tag) =	ssettag $0x0;
	lr =	simm.s32 $0x1  }
0x2: {  	[smem:$0x3F92] =	sst lr;
	_ =	strace $0xD0000000  }
0x3: {  	_ = 	snop  }
0x4: {  	_ = 	snop  }
0x5: {  	_ = 	snop  }
0x6: {  	_ = 	snop  }
0x7: {  	_ = 	snop  }
__scs_overlays_trampoline_lowered:
0x8: {  	[smem:$0x3FA1] =	sst s0  }
0x9: {  	[smem:$0x3FA2] =	sst s1  }
0xa: {  	[smem:$0x3FA3] =	sst s2  }
0xb: {  	[smem:$0x3FA4] =	sst s3  }
0xc: {  	[smem:$0x3FA5] =	sst s4  }
0xd: {  	[smem:$0x3FA6] =	sst s5  }
0xe: {  	[smem:$0x3FA7] =	sst s6  }
0xf: {  	[smem:$0x3FA8] =	sst s7  }
0x10: {  	[smem:$0x3FA9] =	sst s8  }
0x11: {  	[smem:$0x3FAA] =	sst s9;
	s0 =	simm.s32 @!p0 $0x0  }
0x12: {  	s1 =	sld [smem:$0x3F90];
	s0 =	simm.s32 @p0 $0x1  }
0x13: {  	[smem:$0x3FAB] =	sst s0;
	s0 =	simm.s32 @!p1 $0x0  }
0x14: {  	s2 =	sld [smem:$0x3F8F];
	s0 =	simm.s32 @p1 $0x1  }
0x15: {  	[smem:$0x3FAC] =	sst s0;
	s0 =	simm.s32 @!p2 $0x0  }
0x16: {  	s3 =	sld [smem:$0x3FDB];
	s0 =	simm.s32 @p2 $0x1  }
0x17: {  	s4 =	simm.s32 $0x1BF5;
	[smem:$0x3FAE] =	sst s0  }
0x18: {  	s0 =	sld [smem:$0x3F91];
	_ =	swait.ge [sflag:s4], $0x0  }
0x19: {  	s7 =	sld [smem:$0x3F92]  }
0x1a: {  	s8 =	sadd.s32 $0xFFFFE003, lr  }
0x1b: {  	s9 =	sadd.s32 $0xFFFFFEF7, lr;
	s5 =	simm.s32 $0xFFFFFFFF;
	p2 =	slt.u32 s8, $0xFFFFF086  }
0x1c: {  	p1 =	slt.u32 s9, $0xF7A;
	s5 =	simm.s32 @!p2 $0x0  }
0x1d: {  	s5 =	simm.s32 @p1 $0x1;
	p0 =	seq.s32 s7, s2  }
0x1e: {  	s7 =	smul.u32 @!p0 $0xF7A, s2;
	p2 =	seq.s32 @!p0 s5, $0x0  }
0x1f: {  	s9 =	smul.u32 $0xF7A, s1;
	s8 =	simm.s32 @!p0 $0x1BF5;
	p2 =	por !p2, p0  }
0x20: {  	[sflag:s8] =	ssyncset.s32 @!p0 $0xFFFFF086;
	s6 =	sadd.s32 @!p0 s3, s7;
	s7 =	simm.s32 @!p0 $0x108  }
0x21: {  	s3 =	sadd.s32 s3, s9;
	s6 =	sadd.s32 @!p0 $0x88, s6;
	s7 =	simm.s32 @p2 $0x1082  }
0x22: {  	[simem:s7], [sflag:s8] =	dma.local @!p0 [hbm:s6], $0xF7A  }
0x23: {  	s9 =	sor.u32 $0xD0000000, s2;
	s6 =	simm.s32 $0x108;
	_ =	swait.ge @!p0 [sflag:s8], $0x0  }
0x24: {  	s3 =	sadd.s32 $0x88, s3;
	s6 =	simm.s32 @!p1 $0x1082;
	[sflag:s4] =	ssyncset.s32 $0xFFFFF086  }
0x25: {  	[simem:s6], [sflag:s4] =	dma.local [hbm:s3], $0xF7A  }
0x26: {  	[smem:$0x3F92] =	sst s1;
	(tag) =	ssettag s2;
	_ =	strace s9  }
0x27: {  	s1 =	sld [smem:$0x3FA2]  }
0x28: {  	s2 =	sld [smem:$0x3FA3]  }
0x29: {  	s4 =	sld [smem:$0x3FA5]  }
0x2a: {  	p0 =	seq.s32 s5, $0x0;
	s5 =	sld [smem:$0x3FA6]  }
0x2b: {  	s6 =	sld [smem:$0x3FA7]  }
0x2c: {  	s7 =	sld [smem:$0x3FA8]  }
0x2d: {  	s3 =	simm.s32 $0x108;
	s8 =	sld [smem:$0x3FA9]  }
0x2e: {  	s3 =	simm.s32 @!p0 $0x1082;
	s9 =	sld [smem:$0x3FAA]  }
0x2f: {  	lr =	sadd.s32 s0, s3;
	s0 =	sld [smem:$0x3FA1]  }
0x30: {  	s3 =	sld [smem:$0x3FA4]  }
0x31: {  	[smem:$0x3FAD] =	sst s10  }
0x32: {  	s10 =	sld [smem:$0x3FAB];
	_ =	sdelay $0x3  }
0x33: {  	p0 =	seq.s32 s10, $0x1;
	s10 =	sld [smem:$0x3FAD];
	_ =	sdelay $0x3  }
0x34: {  	[smem:$0x3FAD] =	sst s10  }
0x35: {  	s10 =	sld [smem:$0x3FAC];
	_ =	sdelay $0x3  }
0x36: {  	p1 =	seq.s32 s10, $0x1;
	s10 =	sld [smem:$0x3FAD];
	_ =	sdelay $0x3  }
0x37: {  	[smem:$0x3FAD] =	sst s10  }
0x38: {  	s10 =	sld [smem:$0x3FAE]  }
0x39: {  	_ = 	snop;
	(pc) =	sbr.ind lr, $3  }
0x3a: {  	_ = 	snop  }
0x3b: {  	_ = 	snop  }
0x3c: {  	p2 =	seq.s32 s10, $0x1;
	s10 =	sld [smem:$0x3FAD]  }
0x3d: {  	_ =	shalt  }
0x3e: {  	_ =	shalt  }
0x3f: {  	_ =	shalt  }
0x40: {  	_ =	shalt  }
0x41: {  	_ =	shalt  }
0x42: {  	_ =	shalt  }
0x43: {  	_ =	shalt  }
0x44: {  	_ =	shalt  }
0x45: {  	_ =	shalt  }
0x46: {  	_ =	shalt  }
0x47: {  	_ =	shalt  }
0x48: {  	_ =	shalt  }
0x49: {  	_ =	shalt  }
0x4a: {  	_ =	shalt  }
0x4b: {  	_ =	shalt  }
0x4c: {  	_ =	shalt  }
0x4d: {  	_ =	shalt  }
0x4e: {  	_ =	shalt  }
0x4f: {  	_ =	shalt  }
0x50: {  	_ =	shalt  }
0x51: {  	_ =	shalt  }
0x52: {  	_ =	shalt  }
0x53: {  	_ =	shalt  }
0x54: {  	_ =	shalt  }
0x55: {  	_ =	shalt  }
0x56: {  	_ =	shalt  }
0x57: {  	_ =	shalt  }
0x58: {  	_ =	shalt  }
0x59: {  	_ =	shalt  }
0x5a: {  	_ =	shalt  }
0x5b: {  	_ =	shalt  }
0x5c: {  	_ =	shalt  }
0x5d: {  	_ =	shalt  }
0x5e: {  	_ =	shalt  }
0x5f: {  	_ =	shalt  }
0x60: {  	_ =	shalt  }
0x61: {  	_ =	shalt  }
0x62: {  	_ =	shalt  }
0x63: {  	_ =	shalt  }
0x64: {  	_ =	shalt  }
0x65: {  	_ =	shalt  }
0x66: {  	_ =	shalt  }
0x67: {  	_ =	shalt  }
0x68: {  	_ =	shalt  }
0x69: {  	_ =	shalt  }
0x6a: {  	_ =	shalt  }
0x6b: {  	_ =	shalt  }
0x6c: {  	_ =	shalt  }
0x6d: {  	_ =	shalt  }
0x6e: {  	_ =	shalt  }
0x6f: {  	_ =	shalt  }
0x70: {  	_ =	shalt  }
0x71: {  	_ =	shalt  }
0x72: {  	_ =	shalt  }
0x73: {  	_ =	shalt  }
0x74: {  	_ =	shalt  }
0x75: {  	_ =	shalt  }
0x76: {  	_ =	shalt  }
0x77: {  	_ =	shalt  }
0x78: {  	_ =	shalt  }
0x79: {  	_ =	shalt  }
0x7a: {  	_ =	shalt  }
0x7b: {  	_ =	shalt  }
0x7c: {  	_ =	shalt  }
0x7d: {  	_ =	shalt  }
0x7e: {  	_ =	shalt  }
0x7f: {  	_ =	shalt  }
0x80: {  	_ =	shalt  }
0x81: {  	_ =	shalt  }
0x82: {  	_ =	shalt  }
0x83: {  	_ =	shalt  }
0x84: {  	_ =	shalt  }
0x85: {  	_ =	shalt  }
0x86: {  	_ =	shalt  }
0x87: {  	_ =	shalt  }
.Lfunc_end0:
.L_simem_size_0:
called_computation_lowered:
.L_overlay_start_0:
0x88: {  	s2 =	sld [smem:$0x3FD9]  }
0x89: {  	s3 =	sld [smem:$0x3FFE];
	_ =	sdelay $0x1  }
0x8a: {  	s1 =	srdreg.scid  }
0x8b: {  	s0 =	sand.u32 $0x1, s1  }
0x8c: {  	s16 =	sshll.u32 s0, $0xA;
	s2 =	sadd.s32 s3, s2  }
0x8d: {  	s2 =	sadd.s32 s2, s16  }
0x8e: {  	[smem:$0x3FB9] =	sst s2  }
0x8f: {  	_ = 	snop  }
0x90: {  	(tm) =	ssettm $0x1  }
0x91: {  	s17 =	sld [smem:$0x3FFB];
	_ =	sdelay $0x3  }
0x92: {  	_ =	strace s17  }
0x93: {  	s2 =	sld [smem:$0x3FFC];
	_ =	sdelay $0x3  }
0x94: {  	_ =	strace s2  }
0x95: {  	s2 =	sld [smem:$0x3FFD];
	_ =	sdelay $0x3  }
0x96: {  	_ =	strace s2  }
0x97: {  	_ =	strace $0x8FFFFFFF  }
0x98: {  	s18 =	sld [smem:$0x3FDB];
	_ =	sdelay $0x1  }
0x99: {  	s19 =	simm.s32 $_scs_section_size  }
0x9a: {  	s4 =	simm.s32 $_size__tile_overlayer_lowered;
	s5 =	simm.s32 $_tile_overlayer_lowered  }
0x9b: {  	s22 =	simm.s32 $0x1BFF;
	s21 =	sshll.u32 s5, $0x1;
	s2 =	sadd.s32 s19, s18  }
0x9c: {  	s6 =	simm.s32 $0x0;
	s20 =	sshll.u32 s4, $0x1;
	s4 =	sadd.s32 s21, s2  }
0x9d: {  	[timem:s6], [sflag:s22] =	dma.local [hbm:s4], s20  }
0x9e: {  	_ =	swait.ge [sflag:s22], s20  }
0x9f: {  	s3 =	ssub.s32 $0x0, s20;
	[sflag:s22] =	ssyncset.done $0x0  }
0xa0: {  	[sflag:s22] =	ssyncadd.s32 s3;
	_ =	sdelay $0x1  }
0xa1: {  	s23 =	simm.s32 $0x1B8B  }
0xa2: {  	_ =	swait.ge [sflag:s23], $0x1  }
0xa3: {  	[sflag:s23] =	ssyncset.done $0x0  }
0xa4: {  	s25 =	simm.s32 $0x1B8E;
	s24 =	sld [smem:$0x3FFE];
	[sflag:s23] =	ssyncadd.s32 $0xFFFFFFFF  }
0xa5: {  	s26 =	simm.s32 $execute0_lowered;
	[smem:$0x3FD2] =	sst s25  }
0xa6: {  	s4 =	sshll.u32 s26, $0x1;
	_ =	strace $0x80000046;
	[dreg:$0x1] =	wrdreg $0xFFFFFFFF  }
0xa7: {  	s28 =	simm.s32 $_size_execute0_lowered;
	s2 =	sadd.s32 s2, s4;
	[dreg:$0x0] =	wrdreg $0x0  }
0xa8: {  	s4 =	sshll.u32 s28, $0x1;
	[dreg:$0x2] =	wrdreg s2  }
0xa9: {  	[dreg:$0x3] =	wrdreg s4  }
0xaa: {  	[dreg:$0x4] =	wrdreg $0xC0  }
0xab: {  	_ =	task [dreg:s6], $0x5FFFF  }
0xac: {  	[dreg:$0x1] =	wrdreg $0xFFFFFFFF  }
0xad: {  	[dreg:$0x0] =	wrdreg $0x60  }
0xae: {  	[dreg:$0x2] =	wrdreg s24  }
0xaf: {  	[dreg:$0x3] =	wrdreg $0x9  }
0xb0: {  	_ =	task.clear_ibuf [dreg:s6], $0x4FFFF;
	_ =	strace $0x90000046  }
0xb1: {  	s29 =	simm.s32 $0x9;
	_ =	strace $0x80000048  }
0xb2: {  	_ =	swait.ge [sflag:s29], $0x1  }
0xb3: {  	[sflag:s29] =	ssyncadd.s32 $0xFFFFFFFF  }
0xb4: {  	_ =	strace $0x90000048  }
0xb5: {  	_ =	sfence  }
0xb6: {  	s30 =	sld [smem:$0x0];
	_ =	sdelay $0x2  }
0xb7: {  	s31 =	sshll.u32 s1, $0xD;
	s1 =	sshrl.u32 s1, $0x2  }
0xb8: {  	s3 =	sand.u32 $0x4000, s31;
	s1 =	sadd.s32 s1, s30  }
0xb9: {  	s0 =	sor.u32 s3, s0;
	s1 =	sshll.u32 s1, $0x11  }
0xba: {  	s0 =	sor.u32 s1, s0  }
0xbb: {  	s0 =	sadd.s32 $0x8F2B, s0  }
0xbc: {  	[sflag:s0] =	ssyncadd.remote.s32 $0x1  }
0xbd: {  	_ =	sfence.sel $0xFFFF  }
0xbe: {  	[dreg:$0x0] =	wrdreg $0xFFFFFFFF;
	(pc) =	sbr.abs _section_cstart, $3  }
0xbf: {  	[dreg:$0x1] =	wrdreg $0xFFFFFFFF  }
0xc0: {  	_ =	task.clear_ibuf [dreg:s6], $0x2FFFF;
	_ =	strace $0x9FFFFFFF  }
0xc1: {  	(tm) =	ssettm $0x7FFFFFFF  }
tec
execute0_lowered:
.L_overlay_start_1:
0x0: {  	(tag) =	ssettag $0x1  }
0x1: {  	s6 =	rddreg [dreg:$0x0]  }
0x2: {  	s0 =	rddreg [dreg:$0x1];
	s1 =	simm.s32 $0x0  }
0x3: {  	s4 =	srdreg.scid;
	s2 =	stileid.u32;
	s11 =	simm.s32 $0x13C68  }
0x4: {  	s12 =	simm.s32 $0x14050;
	s13 =	simm.s32 $0x0;
	[smem:$0x7FF] =	sst s1  }
0x5: {  	s3 =	sadd.s32 $0x16600, s6;
	s7 =	sand.u32 $0x1, s4;
	s4 =	sadd.s32 $0xC800, s6  }
0x6: {  	s9 =	sshll.u32 s2, $0x1;
	s5 =	sadd.s32 $0x2A00, s6;
	s8 =	ssub.s32 $0x2, s7  }
0x7: {  	s6 =	sadd.s32 $0x18E00, s6;
	_ =	strace $0x80000047;
	s10 =	sshrl.u32 s8, $0x1  }
0x8: {  	s7 =	sor.u32 s7, s9;
	s9 =	simm.s32 $0x1;
	s8 =	ssub.s32 s8, s10  }
0x9: {  	s7 =	smul.u32 $0x2710, s7;
	s10 =	simm.s32 $0x13880;
	s8 =	smax.u32 s8, $0x1  }
.LBB2_1:
0xa: {  	[tilespmem:s1], [sflag:$0x1] =	stream.linear.gather [hbm4b:s3+s1], $0x13880, $0x38;
	[tilespmem:$0x14438] =	vst v63  }
0xb: {  	_ =	swait.ge [sflag:s9], $0x13880  }
0xc: {  	[sflag:s9] =	ssyncset.done $0x0  }
0xd: {  	s14 =	simm.s32 $0x0;
	[sflag:s9] =	ssyncadd.s32 $0xFFFEC780  }
.LBB2_2:
0xe: {  	s15 =	smul.u32 $0x3E8, s14;
	_ =	sdelay $0x1  }
0xf: {  	s15 =	sadd.s32 s7, s15  }
0x10: {  	s15 =	sshrl.u32 s15, $0x3  }
0x11: {  	s16 =	sadd.s32 s4, s15  }
0x12: {  	[tilespmem:s10], [sflag:$0x1] =	stream.linear.gather [hbm4b:s16+s1], $0x3E8, $0x38;
	[tilespmem:$0x14438] =	vst v63  }
0x13: {  	_ =	swait.ge [sflag:s9], $0x3E8  }
0x14: {  	[sflag:s9] =	ssyncset.done $0x0  }
0x15: {  	s26 =	sadd.s32 s5, s15;
	[sflag:s9] =	ssyncadd.s32 $0xFFFFFC18  }
0x16: {  	[tilespmem:s11], [sflag:$0x1] =	stream.linear.gather [hbm4b:s26+s1], $0x3E8, $0x38;
	[tilespmem:$0x14438] =	vst v63  }
0x17: {  	_ =	swait.ge [sflag:s9], $0x3E8  }
0x18: {  	[sflag:s9] =	ssyncset.done $0x0  }
0x19: {  	s28 =	simm.s32 $0x13C78;
	[sflag:s9] =	ssyncadd.s32 $0xFFFFFC18  }
0x1a: {  	s17 =	simm.s32 $0x13890;
	v0 =	vld [tilespmem:s28+$0x0]  }
0x1b: {  	v1 =	vld [tilespmem:s17+$0x0]  }
0x1c: {  	v2 =	vld [tilespmem:s28+$0xFFFFFFF0]  }
0x1d: {  	s29 =	simm.s32 $0x13C98;
	v4 =	vld [tilespmem:s17+$0xFFFFFFF0]  }
0x1e: {  	v6 =	vld [tilespmem:s29+$0x0]  }
0x1f: {  	s30 =	simm.s32 $0x138B0;
	v11 =	vld [tilespmem:s29+$0xFFFFFFF0];
	v0 =	vshll.u32 v0, $0x3  }
0x20: {  	v12 =	vld [tilespmem:s30+$0x0];
	v1 =	vshll.u32 v1, $0x3  }
0x21: {  	s31 =	simm.s32 $0x13CB8;
	v14 =	vld [tilespmem:s30+$0xFFFFFFF0];
	v2 =	vshll.u32 v2, $0x3  }
0x22: {  	v18 =	vld [tilespmem:s31+$0x0];
	s17 =	simm.s32 $0x138D0;
	v4 =	vshll.u32 v4, $0x3  }
0x23: {  	v60 =	vld [tilespmem:s17+$0x0];
	v6 =	vshll.u32 v6, $0x3  }
0x24: {  	v3 =	vor.u32 $0x1, v0;
	v7 =	vor.u32 $0x2, v0;
	v0 =	vld.idx.msk [tilespmem:v0+s1+$0x0], $0xffff  }
0x25: {  	v5 =	vor.u32 $0x1, v1;
	v8 =	vor.u32 $0x2, v1;
	v1 =	vld.idx.msk [tilespmem:v1+s1+$0x0], $0xffff  }
0x26: {  	v9 =	vor.u32 $0x1, v2;
	v13 =	vor.u32 $0x2, v2;
	v2 =	vld.idx.msk [tilespmem:v2+s1+$0x0], $0xffff  }
0x27: {  	v10 =	vor.u32 $0x1, v4;
	v15 =	vor.u32 $0x2, v4;
	v4 =	vld.idx.msk [tilespmem:v4+s1+$0x0], $0xffff  }
0x28: {  	v16 =	vor.u32 $0x1, v6;
	v19 =	vor.u32 $0x2, v6;
	v6 =	vld.idx.msk [tilespmem:v6+s1+$0x0], $0xffff  }
0x29: {  	v3 =	vld.idx.msk [tilespmem:v3+s1+$0x0], $0xffff  }
0x2a: {  	v5 =	vld.idx.msk [tilespmem:v5+s1+$0x0], $0xffff  }
0x2b: {  	v7 =	vld.idx.msk [tilespmem:v7+s1+$0x0], $0xffff  }
0x2c: {  	v12 =	vshll.u32 v12, $0x3;
	v8 =	vld.idx.msk [tilespmem:v8+s1+$0x0], $0xffff  }
0x2d: {  	v17 =	vor.u32 $0x1, v12;
	v9 =	vld.idx.msk [tilespmem:v9+s1+$0x0], $0xffff  }
0x2e: {  	v10 =	vld.idx.msk [tilespmem:v10+s1+$0x0], $0xffff  }
0x2f: {  	v13 =	vld.idx.msk [tilespmem:v13+s1+$0x0], $0xffff  }
0x30: {  	v20 =	vor.u32 $0x2, v12;
	v15 =	vld.idx.msk [tilespmem:v15+s1+$0x0], $0xffff  }
0x31: {  	v11 =	vshll.u32 v11, $0x3;
	v0 =	vsub.f32 v0, v1;
	v1 =	vld.idx.msk [tilespmem:v12+s1+$0x0], $0xffff  }
0x32: {  	v14 =	vshll.u32 v14, $0x3;
	v12 =	vld.idx.msk [tilespmem:v17+s1+$0x0], $0xffff;
	v2 =	vsub.f32 v2, v4;
	v3 =	vsub.f32 v3, v5  }
0x33: {  	v59 =	vor.u32 $0x1, v11;
	v5 =	vld.idx.msk [tilespmem:v16+s1+$0x0], $0xffff;
	v9 =	vsub.f32 v9, v10;
	v4 =	vsub.f32 v7, v8  }
0x34: {  	v10 =	vld.idx.msk [tilespmem:v19+s1+$0x0], $0xffff;
	v7 =	vor.u32 $0x1, v14;
	v0 =	vmul.f32 v0, v0;
	v3 =	vmul.f32 v3, v3  }
0x35: {  	v8 =	vld.idx.msk [tilespmem:v20+s1+$0x0], $0xffff;
	v13 =	vsub.f32 v13, v15;
	v2 =	vmul.f32 v2, v2;
	v9 =	vmul.f32 v9, v9  }
0x36: {  	v61 =	vor.u32 $0x2, v11;
	v15 =	vld [tilespmem:s31+$0xFFFFFFF0];
	v0 =	vadd.f32 v3, v0  }
0x37: {  	v62 =	vld [tilespmem:s17+$0xFFFFFFF0];
	v3 =	vmul.f32 v4, v4;
	v4 =	vadd.f32 v9, v2;
	v9 =	vmul.f32 v13, v13  }
0x38: {  	v21 =	vor.u32 $0x2, v14;
	v2 =	vld.idx.msk [tilespmem:v59+s1+$0x0], $0xffff;
	v1 =	vsub.f32 v6, v1;
	v5 =	vsub.f32 v5, v12  }
0x39: {  	v6 =	vadd.f32 v3, v0;
	v63 =	vadd.f32 v9, v4;
	v4 =	vld.idx.msk [tilespmem:v7+s1+$0x0], $0xffff  }
0x3a: {  	v3 =	vld.idx.msk [tilespmem:v11+s1+$0x0], $0xffff;
	v1 =	vmul.f32 v1, v1;
	v11 =	vsub.f32 v10, v8;
	v9 =	vmul.f32 v5, v5  }
0x3b: {  	s16 =	simm.s32 $0x14060;
	v12 =	vshll.u32 v60, $0x3;
	v10 =	vshll.u32 v18, $0x3;
	v0 =	vshll.u32 v15, $0x3;
	v7 =	vld.idx.msk [tilespmem:v14+s1+$0x0], $0xffff  }
0x3c: {  	v13 =	vor.u32 $0x1, v10;
	v5 =	vld.idx.msk [tilespmem:v61+s1+$0x0], $0xffff;
	[tilespmem:s16+$0x0] =	vst v6;
	v8 =	vadd.f32 v9, v1;
	v9 =	vmul.f32 v11, v11  }
0x3d: {  	s18 =	simm.s32 $0x4;
	s19 =	simm.s32 $0x13CD8;
	v14 =	vor.u32 $0x1, v12;
	[tilespmem:s16+$0xFFFFFFF0] =	vst v63;
	v6 =	vor.u32 $0x1, v0;
	v1 =	vshll.u32 v62, $0x3;
	v11 =	vld.idx.msk [tilespmem:v21+s1+$0x0], $0xffff  }
.LBB2_3:
0x3e: {  	v15 =	vld [tilespmem:s19+$0x0];
	v16 =	vor.u32 $0x1, v1;
	v17 =	vor.u32 $0x2, v10;
	v8 =	vadd.f32 v9, v8  }
0x3f: {  	v9 =	vor.u32 $0x2, v0;
	v18 =	vor.u32 $0x2, v1;
	v19 =	vor.u32 $0x2, v12;
	s16 =	sadd.s32 $0x20, s16;
	v10 =	vld.idx.msk [tilespmem:v10+s1+$0x0], $0xffff  }
0x40: {  	v2 =	vsub.f32 v2, v4;
	v12 =	vld.idx.msk [tilespmem:v12+s1+$0x0], $0xffff;
	[tilespmem:s16+$0x0] =	vst v8  }
0x41: {  	v3 =	vsub.f32 v3, v7;
	v4 =	vld.idx.msk [tilespmem:v13+s1+$0x0], $0xffff  }
0x42: {  	v2 =	vmul.f32 v2, v2;
	v7 =	vld.idx.msk [tilespmem:v14+s1+$0x0], $0xffff  }
0x43: {  	v3 =	vmul.f32 v3, v3;
	v5 =	vsub.f32 v5, v11;
	v8 =	vld.idx.msk [tilespmem:v17+s1+$0x0], $0xffff  }
0x44: {  	v11 =	vld.idx.msk [tilespmem:v19+s1+$0x0], $0xffff  }
0x45: {  	s17 =	sadd.s32 $0x20, s17;
	v2 =	vadd.f32 v2, v3;
	v3 =	vmul.f32 v5, v5;
	v13 =	vld [tilespmem:s19+$0xFFFFFFF0]  }
0x46: {  	v5 =	vld [tilespmem:s17+$0x0]  }
0x47: {  	s18 =	sadd.s32 $0x2, s18;
	v3 =	vadd.f32 v3, v2;
	v14 =	vld [tilespmem:s17+$0xFFFFFFF0]  }
0x48: {  	p0 =	slt.u32 s18, $0x3C;
	v7 =	vsub.f32 v4, v7;
	v2 =	vld.idx.msk [tilespmem:v6+s1+$0x0], $0xffff;
	v6 =	vsub.f32 v10, v12  }
.Ltmp0:
0x49: {  	v10 =	vshll.u32 v15, $0x3;
	v4 =	vld.idx.msk [tilespmem:v16+s1+$0x0], $0xffff;
	[tilespmem:s16+$0xFFFFFFF0] =	vst v3;
	(pc) =	sbr.rel @p0 .LBB2_3-.Ltmp0, $4  }
0x4a: {  	v15 =	vmul.f32 v7, v7;
	v11 =	vsub.f32 v8, v11;
	v3 =	vld.idx.msk [tilespmem:v0+s1+$0x0], $0xffff;
	v6 =	vmul.f32 v6, v6  }
0x4b: {  	v0 =	vshll.u32 v13, $0x3;
	v12 =	vshll.u32 v5, $0x3;
	v7 =	vld.idx.msk [tilespmem:v1+s1+$0x0], $0xffff  }
0x4c: {  	v13 =	vor.u32 $0x1, v10;
	v5 =	vld.idx.msk [tilespmem:v9+s1+$0x0], $0xffff;
	v8 =	vadd.f32 v15, v6;
	v9 =	vmul.f32 v11, v11  }
0x4d: {  	s19 =	sadd.s32 $0x20, s19;
	v1 =	vshll.u32 v14, $0x3;
	v6 =	vor.u32 $0x1, v0;
	v14 =	vor.u32 $0x1, v12;
	v11 =	vld.idx.msk [tilespmem:v18+s1+$0x0], $0xffff  }
0x4e: {  	_ =	sdelay $0x3  }
0x4f: {  	v51 =	vld.idx.msk [tilespmem:v10+s1+$0x0], $0xffff  }
0x50: {  	v52 =	vld.idx.msk [tilespmem:v12+s1+$0x0], $0xffff  }
0x51: {  	v15 =	vor.u32 $0x2, v10;
	v13 =	vld.idx.msk [tilespmem:v13+s1+$0x0], $0xffff  }
0x52: {  	v16 =	vor.u32 $0x2, v12;
	v14 =	vld.idx.msk [tilespmem:v14+s1+$0x0], $0xffff  }
0x53: {  	v17 =	vor.u32 $0x1, v1;
	v6 =	vld.idx.msk [tilespmem:v6+s1+$0x0], $0xffff  }
0x54: {  	v18 =	vor.u32 $0x2, v0;
	v53 =	vld.idx.msk [tilespmem:v0+s1+$0x0], $0xffff  }
0x55: {  	v19 =	vor.u32 $0x2, v1;
	v54 =	vld.idx.msk [tilespmem:v1+s1+$0x0], $0xffff  }
0x56: {  	v15 =	vld.idx.msk [tilespmem:v15+s1+$0x0], $0xffff  }
0x57: {  	v16 =	vld.idx.msk [tilespmem:v16+s1+$0x0], $0xffff  }
0x58: {  	v2 =	vsub.f32 v2, v4;
	v17 =	vld.idx.msk [tilespmem:v17+s1+$0x0], $0xffff  }
0x59: {  	v3 =	vsub.f32 v3, v7;
	v55 =	vld.idx.msk [tilespmem:v18+s1+$0x0], $0xffff  }
0x5a: {  	v2 =	vmul.f32 v2, v2;
	v56 =	vld.idx.msk [tilespmem:v19+s1+$0x0], $0xffff  }
0x5b: {  	v3 =	vmul.f32 v3, v3;
	v5 =	vsub.f32 v5, v11;
	v57 =	vsub.f32 v51, v52  }
0x5c: {  	v58 =	vsub.f32 v13, v14;
	v0 =	vsub.f32 v53, v54  }
0x5d: {  	v2 =	vadd.f32 v2, v3;
	v5 =	vmul.f32 v5, v5;
	v6 =	vsub.f32 v6, v17  }
0x5e: {  	v59 =	vmul.f32 v57, v57;
	v60 =	vmul.f32 v58, v58;
	v61 =	vsub.f32 v15, v16  }
0x5f: {  	v0 =	vmul.f32 v0, v0;
	v4 =	vsub.f32 v55, v56;
	v6 =	vmul.f32 v6, v6  }
0x60: {  	v62 =	vadd.f32 v9, v8;
	v1 =	vadd.f32 v60, v59;
	v63 =	vmul.f32 v61, v61  }
0x61: {  	s16 =	sadd.s32 $0x20, s16;
	v2 =	vadd.f32 v5, v2;
	v4 =	vmul.f32 v4, v4;
	v0 =	vadd.f32 v6, v0  }
0x62: {  	[tilespmem:s16+$0x0] =	vst v62;
	v1 =	vadd.f32 v63, v1  }
0x63: {  	s14 =	sadd.s32 $0x1, s14;
	[tilespmem:s16+$0xFFFFFFF0] =	vst v2;
	s16 =	sadd.s32 $0x20, s16;
	v0 =	vadd.f32 v4, v0  }
0x64: {  	p0 =	sne.s32 s14, $0xA;
	[tilespmem:s16+$0x0] =	vst v1  }
.Ltmp1:
0x65: {  	s15 =	sadd.s32 s6, s15;
	[tilespmem:s16+$0xFFFFFFF0] =	vst v0;
	(pc) =	sbr.rel @p0 .LBB2_2-.Ltmp1, $4  }
0x66: {  	[hbm4b:s15+s1] =	stream.linear.scatter [tilespmem:s12], [sflag:$0x1], $0x3E8, $0x38;
	[tilespmem:$0x14438] =	vst v63  }
0x67: {  	_ =	swait.ge [sflag:s9], $0x3E8  }
0x68: {  	[sflag:s9] =	ssyncset.done $0x0  }
0x69: {  	[sflag:s9] =	ssyncadd.s32 $0xFFFFFC18  }
0x6a: {  	s13 =	sadd.s32 $0x1, s13  }
0x6b: {  	p0 =	sne.s32 s13, s8  }
.Ltmp2:
0x6c: {  	_ = 	snop;
	(pc) =	sbr.rel @p0 .LBB2_1-.Ltmp2, $1  }
0x6d: {  	_ =	sdelay $0x3  }
0x6e: {  	_ =	sfence.sel $0x180000  }
0x6f: {  	[bflag:$0x0] =	sbarrier.arrive $0xFFFF  }
0x70: {  	p0 =	sne.s32 s2, $0x0;
	_ =	strace $0x90000047  }
0x71: {  	s0 =	sadd.s32 @!p0 $0x100000, s0;
	[bflag:$0x2] =	sbarrier.arrive $0xFFFF  }
0x72: {  	[sflag:s0] =	ssyncadd.tile.s32 @!p0 $0x1;
	_ =	shalt  }
.Lfunc_end2:
_tile_overlayer_lowered:
.L_overlay_start_2:
0x73: {  	(tag) =	ssettag $0x2  }
0x74: {  	s0 =	rddreg [dreg:$0x0];
	s2 =	stileid.u32  }
0x75: {  	s1 =	rddreg [dreg:$0x1];
	p0 =	sne.s32 s2, $0x0  }
0x76: {  	s3 =	rddreg [dreg:$0x2];
	[bflag:$0x3] =	sbarrier.arrive $0xFFFF;
	s2 =	simm.s32 @!p0 $0x1C01  }
0x77: {  	[timem:s3], [sflag:s2] =	dma.local @!p0 [hbm:s0], s1  }
0x78: {  	s0 =	simm.s32 @!p0 $0x1  }
0x79: {  	_ =	swait.ge @!p0 [sflag:s0], s1  }
0x7a: {  	s1 =	ssub.s32 @!p0 $0x0, s1;
	[sflag:s0] =	ssyncset.done @!p0 $0x0  }
0x7b: {  	[sflag:s0] =	ssyncadd.s32 @!p0 s1  }
0x7c: {  	[bflag:$0x3] =	sbarrier.arrive $0xFFFF  }
0x7d: {  	_ =	shalt  }

</sc_bundles>
